<compile_context>
chip_gen: v7x
topology: tpu7x:2x2x1
jax: 0.10.2.dev20260603
libtpu: 0.0.44.dev20260713+nightly
codegen_flags: <defaults>
</compile_context>

<pallas_src>
import jax
import jax.numpy as jnp
from jax import lax
from jax.experimental import pallas as pl
from jax.experimental.pallas import tpu as pltpu, tpu_sc as plsc

VOC_SIZE = 1000000
EMBED_DIM = 64
BATCH = 16384

NUM_CORES = 2
NUM_SUBCORES = 16
NUM_WORKERS = NUM_CORES * NUM_SUBCORES
B_PER_W = BATCH // NUM_WORKERS
SUPER = B_PER_W // 16
SUBS = 8


def _fire(embT_hbm, ctxT_hbm, u_bufs, v_bufs, sem, ivec_c, ivec_x, sub):
    par = sub & 1
    for k in range(2):
        cu = ivec_c[sub * 2 + k]
        cx = ivec_x[sub * 2 + k]
        bu = pl.multiple_of(lax.shift_left(lax.shift_right_logical(cu, 7), 7), 128)
        bx = pl.multiple_of(lax.shift_left(lax.shift_right_logical(cx, 7), 7), 128)
        pltpu.async_copy(embT_hbm.at[:, :, pl.ds(bu, 128)], u_bufs.at[par, k], sem)
        pltpu.async_copy(ctxT_hbm.at[:, :, pl.ds(bx, 128)], v_bufs.at[par, k], sem)


def _drain(embT_hbm, u_bufs, sem):
    for _ in range(4):
        pltpu.make_async_copy(
            embT_hbm.at[:, :, pl.ds(0, 128)], u_bufs.at[0, 0], sem).wait()


def _sc_body(center_hbm, context_hbm, embT_hbm, ctxT_hbm, out_hbm,
             cidx_v, xidx_v, u_bufs, v_bufs, out_v, sem):
    wid = lax.axis_index("s") * NUM_CORES + lax.axis_index("c")

    pltpu.sync_copy(center_hbm.at[wid], cidx_v)
    pltpu.sync_copy(context_hbm.at[wid], xidx_v)

    lane = lax.iota(jnp.int32, 16)
    s_vec = lane & 7
    g_vecs = [(lane >> 3) + 2 * cg for cg in range(4)]
    masks = [lane == i for i in range(16)]

    ivec_c0 = cidx_v[0, pl.ds(0, 16)]
    ivec_x0 = xidx_v[0, pl.ds(0, 16)]
    _fire(embT_hbm, ctxT_hbm, u_bufs, v_bufs, sem, ivec_c0, ivec_x0, 0)
    _fire(embT_hbm, ctxT_hbm, u_bufs, v_bufs, sem, ivec_c0, ivec_x0, 1)

    def super_group(s, carry):
        ivec_c = cidx_v[s, pl.ds(0, 16)]
        ivec_x = xidx_v[s, pl.ds(0, 16)]
        sn = jnp.minimum(s + 1, SUPER - 1)
        ivec_cn = cidx_v[sn, pl.ds(0, 16)]
        ivec_xn = xidx_v[sn, pl.ds(0, 16)]
        res = jnp.zeros((16,), jnp.float32)
        for sub in range(SUBS):
            par = sub & 1
            _drain(embT_hbm, u_bufs, sem)
            for k in range(2):
                lu = jnp.full((16,), ivec_c[sub * 2 + k] & 127, jnp.int32)
                lx = jnp.full((16,), ivec_x[sub * 2 + k] & 127, jnp.int32)
                pv = jnp.full((16,), par, jnp.int32)
                kv = jnp.full((16,), k, jnp.int32)
                w = jnp.zeros((16,), jnp.float32)
                for cg in range(4):
                    u16 = plsc.load_gather(u_bufs, [pv, kv, g_vecs[cg], s_vec, lu])
                    v16 = plsc.load_gather(v_bufs, [pv, kv, g_vecs[cg], s_vec, lx])
                    w = w + u16 * v16
                sc = jnp.sum(w)
                res = jnp.where(masks[sub * 2 + k],
                                jnp.full((16,), sc, jnp.float32), res)
            if sub + 2 < SUBS:
                _fire(embT_hbm, ctxT_hbm, u_bufs, v_bufs, sem,
                      ivec_c, ivec_x, sub + 2)
            else:

                @pl.when(s < SUPER - 1)
                def _():
                    _fire(embT_hbm, ctxT_hbm, u_bufs, v_bufs, sem,
                          ivec_cn, ivec_xn, sub + 2 - SUBS)

        out_v[pl.ds(s * 16, 16)] = res
        return carry

    lax.fori_loop(0, SUPER, super_group, 0)

    pltpu.sync_copy(out_v, out_hbm.at[pl.ds(wid * B_PER_W, B_PER_W)])


@jax.jit
def kernel(center, context, emb_weight, ctx_weight):
    mesh = plsc.VectorSubcoreMesh(core_axis_name="c", subcore_axis_name="s")
    run = pl.kernel(
        _sc_body,
        out_type=jax.ShapeDtypeStruct((BATCH,), jnp.float32),
        mesh=mesh,
        compiler_params=pltpu.CompilerParams(
            use_tc_tiling_on_sc=True, needs_layout_passes=False),
        scratch_types=[
            pltpu.VMEM((SUPER, 16), jnp.int32),
            pltpu.VMEM((SUPER, 16), jnp.int32),
            pltpu.VMEM((2, 2, 8, 8, 128), jnp.float32),
            pltpu.VMEM((2, 2, 8, 8, 128), jnp.float32),
            pltpu.VMEM((B_PER_W,), jnp.float32),
            pltpu.SemaphoreType.DMA,
        ],
    )
    center_c = center.astype(jnp.int32).reshape(NUM_WORKERS, SUPER, 16)
    context_c = context.astype(jnp.int32).reshape(NUM_WORKERS, SUPER, 16)
    embT3 = emb_weight.T.reshape(8, 8, VOC_SIZE)
    ctxT3 = ctx_weight.T.reshape(8, 8, VOC_SIZE)
    return run(center_c, context_c, embT3, ctxT3)

# --- scband reference (transcript-rebuilt; emitter-appended) ---
"""Pipeline reference for scband-word2-vec-66331474920125 (READ-ONLY COPY).

The authoritative reference and input builder live on the scoring server;
editing this copy changes nothing except your own understanding.
"""

import jax, jax.numpy as jnp
import numpy as np

VOC_SIZE = 1000000
EMBED_DIM = 64
BATCH = 16384


def setup_inputs(seed: int = 0) -> dict:
    key = jax.random.key(seed)
    k1, k2, k3, k4 = jax.random.split(key, 4)
    center = jax.random.randint(k1, (BATCH,), 0, VOC_SIZE, dtype=jnp.int64 if jax.config.read('jax_enable_x64') else jnp.int32)
    context = jax.random.randint(k2, (BATCH,), 0, VOC_SIZE, dtype=jnp.int64 if jax.config.read('jax_enable_x64') else jnp.int32)
    scale = 0.5 / EMBED_DIM
    emb_weight = jax.random.uniform(k3, (VOC_SIZE, EMBED_DIM), minval=-scale, maxval=scale, dtype=jnp.float32)
    ctx_weight = jax.random.uniform(k4, (VOC_SIZE, EMBED_DIM), minval=-scale, maxval=scale, dtype=jnp.float32)
    return {"center": center, "context": context, "emb_weight": emb_weight, "ctx_weight": ctx_weight}


def reference(center, context, emb_weight, ctx_weight):
    # embedding lookup for center words (target embeddings)
    u = jnp.take(emb_weight, center, axis=0)          # [B, D]
    # embedding lookup for context words (context embeddings)
    v = jnp.take(ctx_weight, context, axis=0)          # [B, D]
    # skip-gram score: dot product between center and context embeddings
    score = jnp.sum(u * v, axis=-1)                    # [B]
    return score

if __name__ == "__main__":
    import jax
    _d = setup_inputs()
    print(jax.jit(kernel)(*tuple(_d.values())))

</pallas_src>

<mosaic_0001>
#map = affine_map<(d0, d1) -> (0, 0, 0)>
#map1 = affine_map<(d0, d1) -> (0)>
module attributes {stable_mosaic.version = 14 : i64} {
  func.func @_sc_body(%arg0: i32, %arg1: i32, %arg2: memref<32x32x16xi32, #tpu.memory_space<hbm>>, %arg3: memref<32x32x16xi32, #tpu.memory_space<hbm>>, %arg4: memref<8x8x1000000xf32, #tpu.memory_space<hbm>>, %arg5: memref<8x8x1000000xf32, #tpu.memory_space<hbm>>, %arg6: memref<16384xf32, #tpu.memory_space<hbm>>, %arg7: memref<32x16xi32, #tpu.memory_space<vmem>>, %arg8: memref<32x16xi32, #tpu.memory_space<vmem>>, %arg9: memref<2x2x8x8x128xf32, #tpu.memory_space<vmem>>, %arg10: memref<2x2x8x8x128xf32, #tpu.memory_space<vmem>>, %arg11: memref<512xf32, #tpu.memory_space<vmem>>, %arg12: memref<!tpu.dma_semaphore, #tpu.memory_space<semaphore_mem>>) attributes {dimension_semantics = [#tpu.dimension_semantics<core_parallel>, #tpu.dimension_semantics<subcore_parallel>], iteration_bounds = array<i64: 2, 16>, scalar_prefetch = 0 : i64, scratch_operands = 6 : i64, tpu.core_type = #tpu.core_type<sc_vector_subcore>, window_params = [{transform_indices = #map}, {transform_indices = #map}, {transform_indices = #map}, {transform_indices = #map}, {transform_indices = #map1}]} {
    %mul3A = arith.constant 2 : i32
    %mul3A_0 = arith.muli %arg1, %mul3A : i32
    %add3A = arith.addi %mul3A_0, %arg0 : i32
    "tpu.region"() ({
      %run_scoped3A = tpu.sem_alloc : memref<!tpu.dma_semaphore, #tpu.memory_space<semaphore_mem>>
      %dma_start3A_281 = arith.constant 0 : i32
      %dma_start3A_282 = arith.constant 0 : i32
      %dma_start3A_283 = tpu.memref_slice %arg2[%add3A, %dma_start3A_281, %dma_start3A_282] : memref<32x32x16xi32, #tpu.memory_space<hbm>> -> memref<1x32x16xi32, #tpu.memory_space<hbm>>
      %dma_start3A_284 = tpu.memref_squeeze %dma_start3A_283 : memref<1x32x16xi32, #tpu.memory_space<hbm>> -> memref<32x16xi32, #tpu.memory_space<hbm>>
      %dma_start3A_285 = arith.constant 0 : i32
      %dma_start3A_286 = arith.constant 0 : i32
      %dma_start3A_287 = tpu.memref_slice %arg2[%add3A, %dma_start3A_285, %dma_start3A_286] : memref<32x32x16xi32, #tpu.memory_space<hbm>> -> memref<1x32x16xi32, #tpu.memory_space<hbm>>
      %dma_start3A_288 = tpu.memref_squeeze %dma_start3A_287 : memref<1x32x16xi32, #tpu.memory_space<hbm>> -> memref<32x16xi32, #tpu.memory_space<hbm>>
      tpu.enqueue_dma source(%dma_start3A_288 : memref<32x16xi32, #tpu.memory_space<hbm>>) target(%arg7 : memref<32x16xi32, #tpu.memory_space<vmem>>) target_semaphore(%run_scoped3A : memref<!tpu.dma_semaphore, #tpu.memory_space<semaphore_mem>>)
      %dma_wait3A = arith.constant 0 : i32
      %dma_wait3A_289 = arith.constant 0 : i32
      %dma_wait3A_290 = tpu.memref_slice %arg2[%add3A, %dma_wait3A, %dma_wait3A_289] : memref<32x32x16xi32, #tpu.memory_space<hbm>> -> memref<1x32x16xi32, #tpu.memory_space<hbm>>
      %dma_wait3A_291 = tpu.memref_squeeze %dma_wait3A_290 : memref<1x32x16xi32, #tpu.memory_space<hbm>> -> memref<32x16xi32, #tpu.memory_space<hbm>>
      %dma_wait3A_292 = arith.constant 0 : i32
      %dma_wait3A_293 = arith.constant 0 : i32
      %dma_wait3A_294 = tpu.memref_slice %arg2[%add3A, %dma_wait3A_292, %dma_wait3A_293] : memref<32x32x16xi32, #tpu.memory_space<hbm>> -> memref<1x32x16xi32, #tpu.memory_space<hbm>>
      %dma_wait3A_295 = tpu.memref_squeeze %dma_wait3A_294 : memref<1x32x16xi32, #tpu.memory_space<hbm>> -> memref<32x16xi32, #tpu.memory_space<hbm>>
      tpu.wait_dma2 semaphore(%run_scoped3A : memref<!tpu.dma_semaphore, #tpu.memory_space<semaphore_mem>>) src(%dma_wait3A_295 : memref<32x16xi32, #tpu.memory_space<hbm>>) dst(%arg7 : memref<32x16xi32, #tpu.memory_space<vmem>>)
      tpu.yield
    }) : () -> ()
    "tpu.region"() ({
      %run_scoped3A = tpu.sem_alloc : memref<!tpu.dma_semaphore, #tpu.memory_space<semaphore_mem>>
      %dma_start3A_281 = arith.constant 0 : i32
      %dma_start3A_282 = arith.constant 0 : i32
      %dma_start3A_283 = tpu.memref_slice %arg3[%add3A, %dma_start3A_281, %dma_start3A_282] : memref<32x32x16xi32, #tpu.memory_space<hbm>> -> memref<1x32x16xi32, #tpu.memory_space<hbm>>
      %dma_start3A_284 = tpu.memref_squeeze %dma_start3A_283 : memref<1x32x16xi32, #tpu.memory_space<hbm>> -> memref<32x16xi32, #tpu.memory_space<hbm>>
      %dma_start3A_285 = arith.constant 0 : i32
      %dma_start3A_286 = arith.constant 0 : i32
      %dma_start3A_287 = tpu.memref_slice %arg3[%add3A, %dma_start3A_285, %dma_start3A_286] : memref<32x32x16xi32, #tpu.memory_space<hbm>> -> memref<1x32x16xi32, #tpu.memory_space<hbm>>
      %dma_start3A_288 = tpu.memref_squeeze %dma_start3A_287 : memref<1x32x16xi32, #tpu.memory_space<hbm>> -> memref<32x16xi32, #tpu.memory_space<hbm>>
      tpu.enqueue_dma source(%dma_start3A_288 : memref<32x16xi32, #tpu.memory_space<hbm>>) target(%arg8 : memref<32x16xi32, #tpu.memory_space<vmem>>) target_semaphore(%run_scoped3A : memref<!tpu.dma_semaphore, #tpu.memory_space<semaphore_mem>>)
      %dma_wait3A = arith.constant 0 : i32
      %dma_wait3A_289 = arith.constant 0 : i32
      %dma_wait3A_290 = tpu.memref_slice %arg3[%add3A, %dma_wait3A, %dma_wait3A_289] : memref<32x32x16xi32, #tpu.memory_space<hbm>> -> memref<1x32x16xi32, #tpu.memory_space<hbm>>
      %dma_wait3A_291 = tpu.memref_squeeze %dma_wait3A_290 : memref<1x32x16xi32, #tpu.memory_space<hbm>> -> memref<32x16xi32, #tpu.memory_space<hbm>>
      %dma_wait3A_292 = arith.constant 0 : i32
      %dma_wait3A_293 = arith.constant 0 : i32
      %dma_wait3A_294 = tpu.memref_slice %arg3[%add3A, %dma_wait3A_292, %dma_wait3A_293] : memref<32x32x16xi32, #tpu.memory_space<hbm>> -> memref<1x32x16xi32, #tpu.memory_space<hbm>>
      %dma_wait3A_295 = tpu.memref_squeeze %dma_wait3A_294 : memref<1x32x16xi32, #tpu.memory_space<hbm>> -> memref<32x16xi32, #tpu.memory_space<hbm>>
      tpu.wait_dma2 semaphore(%run_scoped3A : memref<!tpu.dma_semaphore, #tpu.memory_space<semaphore_mem>>) src(%dma_wait3A_295 : memref<32x16xi32, #tpu.memory_space<hbm>>) dst(%arg8 : memref<32x16xi32, #tpu.memory_space<vmem>>)
      tpu.yield
    }) : () -> ()
    %iota3A = tpu.iota {dimensions = array<i32: 0>} : vector<16xi32>
    %and3A = arith.constant 7 : i32
    %and3A_1 = vector.broadcast %and3A : i32 to vector<16xi32>
    %and3A_2 = arith.andi %iota3A, %and3A_1 : vector<16xi32>
    %shift_right_arithmetic3A = arith.constant 3 : i32
    %shift_right_arithmetic3A_3 = vector.broadcast %shift_right_arithmetic3A : i32 to vector<16xi32>
    %shift_right_arithmetic3A_4 = arith.shrsi %iota3A, %shift_right_arithmetic3A_3 : vector<16xi32>
    %add3A_5 = arith.constant 0 : i32
    %add3A_6 = vector.broadcast %add3A_5 : i32 to vector<16xi32>
    %add3A_7 = arith.addi %shift_right_arithmetic3A_4, %add3A_6 : vector<16xi32>
    %shift_right_arithmetic3A_8 = arith.constant 3 : i32
    %shift_right_arithmetic3A_9 = vector.broadcast %shift_right_arithmetic3A_8 : i32 to vector<16xi32>
    %shift_right_arithmetic3A_10 = arith.shrsi %iota3A, %shift_right_arithmetic3A_9 : vector<16xi32>
    %add3A_11 = arith.constant 2 : i32
    %add3A_12 = vector.broadcast %add3A_11 : i32 to vector<16xi32>
    %add3A_13 = arith.addi %shift_right_arithmetic3A_10, %add3A_12 : vector<16xi32>
    %shift_right_arithmetic3A_14 = arith.constant 3 : i32
    %shift_right_arithmetic3A_15 = vector.broadcast %shift_right_arithmetic3A_14 : i32 to vector<16xi32>
    %shift_right_arithmetic3A_16 = arith.shrsi %iota3A, %shift_right_arithmetic3A_15 : vector<16xi32>
    %add3A_17 = arith.constant 4 : i32
    %add3A_18 = vector.broadcast %add3A_17 : i32 to vector<16xi32>
    %add3A_19 = arith.addi %shift_right_arithmetic3A_16, %add3A_18 : vector<16xi32>
    %shift_right_arithmetic3A_20 = arith.constant 3 : i32
    %shift_right_arithmetic3A_21 = vector.broadcast %shift_right_arithmetic3A_20 : i32 to vector<16xi32>
    %shift_right_arithmetic3A_22 = arith.shrsi %iota3A, %shift_right_arithmetic3A_21 : vector<16xi32>
    %add3A_23 = arith.constant 6 : i32
    %add3A_24 = vector.broadcast %add3A_23 : i32 to vector<16xi32>
    %add3A_25 = arith.addi %shift_right_arithmetic3A_22, %add3A_24 : vector<16xi32>
    %eq3A = arith.constant 0 : i32
    %eq3A_26 = vector.broadcast %eq3A : i32 to vector<16xi32>
    %eq3A_27 = arith.cmpi eq, %iota3A, %eq3A_26 : vector<16xi32>
    %eq3A_28 = arith.constant 1 : i32
    %eq3A_29 = vector.broadcast %eq3A_28 : i32 to vector<16xi32>
    %eq3A_30 = arith.cmpi eq, %iota3A, %eq3A_29 : vector<16xi32>
    %eq3A_31 = arith.constant 2 : i32
    %eq3A_32 = vector.broadcast %eq3A_31 : i32 to vector<16xi32>
    %eq3A_33 = arith.cmpi eq, %iota3A, %eq3A_32 : vector<16xi32>
    %eq3A_34 = arith.constant 3 : i32
    %eq3A_35 = vector.broadcast %eq3A_34 : i32 to vector<16xi32>
    %eq3A_36 = arith.cmpi eq, %iota3A, %eq3A_35 : vector<16xi32>
    %eq3A_37 = arith.constant 4 : i32
    %eq3A_38 = vector.broadcast %eq3A_37 : i32 to vector<16xi32>
    %eq3A_39 = arith.cmpi eq, %iota3A, %eq3A_38 : vector<16xi32>
    %eq3A_40 = arith.constant 5 : i32
    %eq3A_41 = vector.broadcast %eq3A_40 : i32 to vector<16xi32>
    %eq3A_42 = arith.cmpi eq, %iota3A, %eq3A_41 : vector<16xi32>
    %eq3A_43 = arith.constant 6 : i32
    %eq3A_44 = vector.broadcast %eq3A_43 : i32 to vector<16xi32>
    %eq3A_45 = arith.cmpi eq, %iota3A, %eq3A_44 : vector<16xi32>
    %eq3A_46 = arith.constant 7 : i32
    %eq3A_47 = vector.broadcast %eq3A_46 : i32 to vector<16xi32>
    %eq3A_48 = arith.cmpi eq, %iota3A, %eq3A_47 : vector<16xi32>
    %eq3A_49 = arith.constant 8 : i32
    %eq3A_50 = vector.broadcast %eq3A_49 : i32 to vector<16xi32>
    %eq3A_51 = arith.cmpi eq, %iota3A, %eq3A_50 : vector<16xi32>
    %eq3A_52 = arith.constant 9 : i32
    %eq3A_53 = vector.broadcast %eq3A_52 : i32 to vector<16xi32>
    %eq3A_54 = arith.cmpi eq, %iota3A, %eq3A_53 : vector<16xi32>
    %eq3A_55 = arith.constant 10 : i32
    %eq3A_56 = vector.broadcast %eq3A_55 : i32 to vector<16xi32>
    %eq3A_57 = arith.cmpi eq, %iota3A, %eq3A_56 : vector<16xi32>
    %eq3A_58 = arith.constant 11 : i32
    %eq3A_59 = vector.broadcast %eq3A_58 : i32 to vector<16xi32>
    %eq3A_60 = arith.cmpi eq, %iota3A, %eq3A_59 : vector<16xi32>
    %eq3A_61 = arith.constant 12 : i32
    %eq3A_62 = vector.broadcast %eq3A_61 : i32 to vector<16xi32>
    %eq3A_63 = arith.cmpi eq, %iota3A, %eq3A_62 : vector<16xi32>
    %eq3A_64 = arith.constant 13 : i32
    %eq3A_65 = vector.broadcast %eq3A_64 : i32 to vector<16xi32>
    %eq3A_66 = arith.cmpi eq, %iota3A, %eq3A_65 : vector<16xi32>
    %eq3A_67 = arith.constant 14 : i32
    %eq3A_68 = vector.broadcast %eq3A_67 : i32 to vector<16xi32>
    %eq3A_69 = arith.cmpi eq, %iota3A, %eq3A_68 : vector<16xi32>
    %eq3A_70 = arith.constant 15 : i32
    %eq3A_71 = vector.broadcast %eq3A_70 : i32 to vector<16xi32>
    %eq3A_72 = arith.cmpi eq, %iota3A, %eq3A_71 : vector<16xi32>
    %get3A = arith.constant 0 : i32
    %get3A_73 = arith.index_cast %get3A : i32 to index
    %get3A_74 = arith.constant 0 : index
    %get3A_75 = tpu.vector_load %arg7[%get3A_73, %get3A_74] {strides = array<i32>} : memref<32x16xi32, #tpu.memory_space<vmem>>, vector<16xi32>,
    %get3A_76 = arith.constant 0 : i32
    %get3A_77 = arith.index_cast %get3A_76 : i32 to index
    %get3A_78 = arith.constant 0 : index
    %get3A_79 = tpu.vector_load %arg8[%get3A_77, %get3A_78] {strides = array<i32>} : memref<32x16xi32, #tpu.memory_space<vmem>>, vector<16xi32>,
    %slice3A = vector.extract_strided_slice %get3A_75 {offsets = [0], sizes = [1], strides = [1]} : vector<16xi32> to vector<1xi32>
    %squeeze3A = vector.extract %slice3A[0] : i32 from vector<1xi32>
    %slice3A_80 = vector.extract_strided_slice %get3A_79 {offsets = [0], sizes = [1], strides = [1]} : vector<16xi32> to vector<1xi32>
    %squeeze3A_81 = vector.extract %slice3A_80[0] : i32 from vector<1xi32>
    %shift_right_logical3A = arith.constant 7 : i32
    %shift_right_logical3A_82 = arith.shrui %squeeze3A, %shift_right_logical3A : i32
    %shift_left3A = arith.constant 7 : i32
    %shift_left3A_83 = arith.shli %shift_right_logical3A_82, %shift_left3A : i32
    %multiple_of3A = tpu.assume_multiple %shift_left3A_83, 128 : i32
    %shift_right_logical3A_84 = arith.constant 7 : i32
    %shift_right_logical3A_85 = arith.shrui %squeeze3A_81, %shift_right_logical3A_84 : i32
    %shift_left3A_86 = arith.constant 7 : i32
    %shift_left3A_87 = arith.shli %shift_right_logical3A_85, %shift_left3A_86 : i32
    %multiple_of3A_88 = tpu.assume_multiple %shift_left3A_87, 128 : i32
    %dma_start3A = arith.constant 0 : i32
    %dma_start3A_89 = arith.constant 0 : i32
    %dma_start3A_90 = arith.constant 0 : i32
    %dma_start3A_91 = arith.constant 0 : i32
    %dma_start3A_92 = arith.constant 0 : i32
    %dma_start3A_93 = tpu.memref_slice %arg9[%dma_start3A, %dma_start3A_89, %dma_start3A_90, %dma_start3A_91, %dma_start3A_92] : memref<2x2x8x8x128xf32, #tpu.memory_space<vmem>> -> memref<1x1x8x8x128xf32, #tpu.memory_space<vmem>>
    %dma_start3A_94 = tpu.memref_squeeze %dma_start3A_93 : memref<1x1x8x8x128xf32, #tpu.memory_space<vmem>> -> memref<8x8x128xf32, #tpu.memory_space<vmem>>
    %dma_start3A_95 = arith.constant 0 : i32
    %dma_start3A_96 = arith.constant 0 : i32
    %dma_start3A_97 = tpu.memref_slice %arg4[%dma_start3A_95, %dma_start3A_96, %multiple_of3A] : memref<8x8x1000000xf32, #tpu.memory_space<hbm>> -> memref<8x8x128xf32, #tpu.memory_space<hbm>>
    %dma_start3A_98 = arith.constant 0 : i32
    %dma_start3A_99 = arith.constant 0 : i32
    %dma_start3A_100 = arith.constant 0 : i32
    %dma_start3A_101 = tpu.memref_slice %arg9[%dma_start3A, %dma_start3A_89, %dma_start3A_98, %dma_start3A_99, %dma_start3A_100] : memref<2x2x8x8x128xf32, #tpu.memory_space<vmem>> -> memref<1x1x8x8x128xf32, #tpu.memory_space<vmem>>
    %dma_start3A_102 = tpu.memref_squeeze %dma_start3A_101 : memref<1x1x8x8x128xf32, #tpu.memory_space<vmem>> -> memref<8x8x128xf32, #tpu.memory_space<vmem>>
    %dma_start3A_103 = arith.constant 0 : i32
    %dma_start3A_104 = arith.constant 0 : i32
    %dma_start3A_105 = tpu.memref_slice %arg4[%dma_start3A_103, %dma_start3A_104, %multiple_of3A] : memref<8x8x1000000xf32, #tpu.memory_space<hbm>> -> memref<8x8x128xf32, #tpu.memory_space<hbm>>
    tpu.enqueue_dma source(%dma_start3A_105 : memref<8x8x128xf32, #tpu.memory_space<hbm>>) target(%dma_start3A_102 : memref<8x8x128xf32, #tpu.memory_space<vmem>>) target_semaphore(%arg12 : memref<!tpu.dma_semaphore, #tpu.memory_space<semaphore_mem>>)
    %dma_start3A_106 = arith.constant 0 : i32
    %dma_start3A_107 = arith.constant 0 : i32
    %dma_start3A_108 = arith.constant 0 : i32
    %dma_start3A_109 = arith.constant 0 : i32
    %dma_start3A_110 = arith.constant 0 : i32
    %dma_start3A_111 = tpu.memref_slice %arg10[%dma_start3A_106, %dma_start3A_107, %dma_start3A_108, %dma_start3A_109, %dma_start3A_110] : memref<2x2x8x8x128xf32, #tpu.memory_space<vmem>> -> memref<1x1x8x8x128xf32, #tpu.memory_space<vmem>>
    %dma_start3A_112 = tpu.memref_squeeze %dma_start3A_111 : memref<1x1x8x8x128xf32, #tpu.memory_space<vmem>> -> memref<8x8x128xf32, #tpu.memory_space<vmem>>
    %dma_start3A_113 = arith.constant 0 : i32
    %dma_start3A_114 = arith.constant 0 : i32
    %dma_start3A_115 = tpu.memref_slice %arg5[%dma_start3A_113, %dma_start3A_114, %multiple_of3A_88] : memref<8x8x1000000xf32, #tpu.memory_space<hbm>> -> memref<8x8x128xf32, #tpu.memory_space<hbm>>
    %dma_start3A_116 = arith.constant 0 : i32
    %dma_start3A_117 = arith.constant 0 : i32
    %dma_start3A_118 = arith.constant 0 : i32
    %dma_start3A_119 = tpu.memref_slice %arg10[%dma_start3A_106, %dma_start3A_107, %dma_start3A_116, %dma_start3A_117, %dma_start3A_118] : memref<2x2x8x8x128xf32, #tpu.memory_space<vmem>> -> memref<1x1x8x8x128xf32, #tpu.memory_space<vmem>>
    %dma_start3A_120 = tpu.memref_squeeze %dma_start3A_119 : memref<1x1x8x8x128xf32, #tpu.memory_space<vmem>> -> memref<8x8x128xf32, #tpu.memory_space<vmem>>
    %dma_start3A_121 = arith.constant 0 : i32
    %dma_start3A_122 = arith.constant 0 : i32
    %dma_start3A_123 = tpu.memref_slice %arg5[%dma_start3A_121, %dma_start3A_122, %multiple_of3A_88] : memref<8x8x1000000xf32, #tpu.memory_space<hbm>> -> memref<8x8x128xf32, #tpu.memory_space<hbm>>
    tpu.enqueue_dma source(%dma_start3A_123 : memref<8x8x128xf32, #tpu.memory_space<hbm>>) target(%dma_start3A_120 : memref<8x8x128xf32, #tpu.memory_space<vmem>>) target_semaphore(%arg12 : memref<!tpu.dma_semaphore, #tpu.memory_space<semaphore_mem>>)
    %slice3A_124 = vector.extract_strided_slice %get3A_75 {offsets = [1], sizes = [1], strides = [1]} : vector<16xi32> to vector<1xi32>
    %squeeze3A_125 = vector.extract %slice3A_124[0] : i32 from vector<1xi32>
    %slice3A_126 = vector.extract_strided_slice %get3A_79 {offsets = [1], sizes = [1], strides = [1]} : vector<16xi32> to vector<1xi32>
    %squeeze3A_127 = vector.extract %slice3A_126[0] : i32 from vector<1xi32>
    %shift_right_logical3A_128 = arith.constant 7 : i32
    %shift_right_logical3A_129 = arith.shrui %squeeze3A_125, %shift_right_logical3A_128 : i32
    %shift_left3A_130 = arith.constant 7 : i32
    %shift_left3A_131 = arith.shli %shift_right_logical3A_129, %shift_left3A_130 : i32
    %multiple_of3A_132 = tpu.assume_multiple %shift_left3A_131, 128 : i32
    %shift_right_logical3A_133 = arith.constant 7 : i32
    %shift_right_logical3A_134 = arith.shrui %squeeze3A_127, %shift_right_logical3A_133 : i32
    %shift_left3A_135 = arith.constant 7 : i32
    %shift_left3A_136 = arith.shli %shift_right_logical3A_134, %shift_left3A_135 : i32
    %multiple_of3A_137 = tpu.assume_multiple %shift_left3A_136, 128 : i32
    %dma_start3A_138 = arith.constant 0 : i32
    %dma_start3A_139 = arith.constant 1 : i32
    %dma_start3A_140 = arith.constant 0 : i32
    %dma_start3A_141 = arith.constant 0 : i32
    %dma_start3A_142 = arith.constant 0 : i32
    %dma_start3A_143 = tpu.memref_slice %arg9[%dma_start3A_138, %dma_start3A_139, %dma_start3A_140, %dma_start3A_141, %dma_start3A_142] : memref<2x2x8x8x128xf32, #tpu.memory_space<vmem>> -> memref<1x1x8x8x128xf32, #tpu.memory_space<vmem>>
    %dma_start3A_144 = tpu.memref_squeeze %dma_start3A_143 : memref<1x1x8x8x128xf32, #tpu.memory_space<vmem>> -> memref<8x8x128xf32, #tpu.memory_space<vmem>>
    %dma_start3A_145 = arith.constant 0 : i32
    %dma_start3A_146 = arith.constant 0 : i32
    %dma_start3A_147 = tpu.memref_slice %arg4[%dma_start3A_145, %dma_start3A_146, %multiple_of3A_132] : memref<8x8x1000000xf32, #tpu.memory_space<hbm>> -> memref<8x8x128xf32, #tpu.memory_space<hbm>>
    %dma_start3A_148 = arith.constant 0 : i32
    %dma_start3A_149 = arith.constant 0 : i32
    %dma_start3A_150 = arith.constant 0 : i32
    %dma_start3A_151 = tpu.memref_slice %arg9[%dma_start3A_138, %dma_start3A_139, %dma_start3A_148, %dma_start3A_149, %dma_start3A_150] : memref<2x2x8x8x128xf32, #tpu.memory_space<vmem>> -> memref<1x1x8x8x128xf32, #tpu.memory_space<vmem>>
    %dma_start3A_152 = tpu.memref_squeeze %dma_start3A_151 : memref<1x1x8x8x128xf32, #tpu.memory_space<vmem>> -> memref<8x8x128xf32, #tpu.memory_space<vmem>>
    %dma_start3A_153 = arith.constant 0 : i32
    %dma_start3A_154 = arith.constant 0 : i32
    %dma_start3A_155 = tpu.memref_slice %arg4[%dma_start3A_153, %dma_start3A_154, %multiple_of3A_132] : memref<8x8x1000000xf32, #tpu.memory_space<hbm>> -> memref<8x8x128xf32, #tpu.memory_space<hbm>>
    tpu.enqueue_dma source(%dma_start3A_155 : memref<8x8x128xf32, #tpu.memory_space<hbm>>) target(%dma_start3A_152 : memref<8x8x128xf32, #tpu.memory_space<vmem>>) target_semaphore(%arg12 : memref<!tpu.dma_semaphore, #tpu.memory_space<semaphore_mem>>)
    %dma_start3A_156 = arith.constant 0 : i32
    %dma_start3A_157 = arith.constant 1 : i32
    %dma_start3A_158 = arith.constant 0 : i32
    %dma_start3A_159 = arith.constant 0 : i32
    %dma_start3A_160 = arith.constant 0 : i32
    %dma_start3A_161 = tpu.memref_slice %arg10[%dma_start3A_156, %dma_start3A_157, %dma_start3A_158, %dma_start3A_159, %dma_start3A_160] : memref<2x2x8x8x128xf32, #tpu.memory_space<vmem>> -> memref<1x1x8x8x128xf32, #tpu.memory_space<vmem>>
    %dma_start3A_162 = tpu.memref_squeeze %dma_start3A_161 : memref<1x1x8x8x128xf32, #tpu.memory_space<vmem>> -> memref<8x8x128xf32, #tpu.memory_space<vmem>>
    %dma_start3A_163 = arith.constant 0 : i32
    %dma_start3A_164 = arith.constant 0 : i32
    %dma_start3A_165 = tpu.memref_slice %arg5[%dma_start3A_163, %dma_start3A_164, %multiple_of3A_137] : memref<8x8x1000000xf32, #tpu.memory_space<hbm>> -> memref<8x8x128xf32, #tpu.memory_space<hbm>>
    %dma_start3A_166 = arith.constant 0 : i32
    %dma_start3A_167 = arith.constant 0 : i32
    %dma_start3A_168 = arith.constant 0 : i32
    %dma_start3A_169 = tpu.memref_slice %arg10[%dma_start3A_156, %dma_start3A_157, %dma_start3A_166, %dma_start3A_167, %dma_start3A_168] : memref<2x2x8x8x128xf32, #tpu.memory_space<vmem>> -> memref<1x1x8x8x128xf32, #tpu.memory_space<vmem>>
    %dma_start3A_170 = tpu.memref_squeeze %dma_start3A_169 : memref<1x1x8x8x128xf32, #tpu.memory_space<vmem>> -> memref<8x8x128xf32, #tpu.memory_space<vmem>>
    %dma_start3A_171 = arith.constant 0 : i32
    %dma_start3A_172 = arith.constant 0 : i32
    %dma_start3A_173 = tpu.memref_slice %arg5[%dma_start3A_171, %dma_start3A_172, %multiple_of3A_137] : memref<8x8x1000000xf32, #tpu.memory_space<hbm>> -> memref<8x8x128xf32, #tpu.memory_space<hbm>>
    tpu.enqueue_dma source(%dma_start3A_173 : memref<8x8x128xf32, #tpu.memory_space<hbm>>) target(%dma_start3A_170 : memref<8x8x128xf32, #tpu.memory_space<vmem>>) target_semaphore(%arg12 : memref<!tpu.dma_semaphore, #tpu.memory_space<semaphore_mem>>)
    %slice3A_174 = vector.extract_strided_slice %get3A_75 {offsets = [2], sizes = [1], strides = [1]} : vector<16xi32> to vector<1xi32>
    %squeeze3A_175 = vector.extract %slice3A_174[0] : i32 from vector<1xi32>
    %slice3A_176 = vector.extract_strided_slice %get3A_79 {offsets = [2], sizes = [1], strides = [1]} : vector<16xi32> to vector<1xi32>
    %squeeze3A_177 = vector.extract %slice3A_176[0] : i32 from vector<1xi32>
    %shift_right_logical3A_178 = arith.constant 7 : i32
    %shift_right_logical3A_179 = arith.shrui %squeeze3A_175, %shift_right_logical3A_178 : i32
    %shift_left3A_180 = arith.constant 7 : i32
    %shift_left3A_181 = arith.shli %shift_right_logical3A_179, %shift_left3A_180 : i32
    %multiple_of3A_182 = tpu.assume_multiple %shift_left3A_181, 128 : i32
    %shift_right_logical3A_183 = arith.constant 7 : i32
    %shift_right_logical3A_184 = arith.shrui %squeeze3A_177, %shift_right_logical3A_183 : i32
    %shift_left3A_185 = arith.constant 7 : i32
    %shift_left3A_186 = arith.shli %shift_right_logical3A_184, %shift_left3A_185 : i32
    %multiple_of3A_187 = tpu.assume_multiple %shift_left3A_186, 128 : i32
    %dma_start3A_188 = arith.constant 1 : i32
    %dma_start3A_189 = arith.constant 0 : i32
    %dma_start3A_190 = arith.constant 0 : i32
    %dma_start3A_191 = arith.constant 0 : i32
    %dma_start3A_192 = arith.constant 0 : i32
    %dma_start3A_193 = tpu.memref_slice %arg9[%dma_start3A_188, %dma_start3A_189, %dma_start3A_190, %dma_start3A_191, %dma_start3A_192] : memref<2x2x8x8x128xf32, #tpu.memory_space<vmem>> -> memref<1x1x8x8x128xf32, #tpu.memory_space<vmem>>
    %dma_start3A_194 = tpu.memref_squeeze %dma_start3A_193 : memref<1x1x8x8x128xf32, #tpu.memory_space<vmem>> -> memref<8x8x128xf32, #tpu.memory_space<vmem>>
    %dma_start3A_195 = arith.constant 0 : i32
    %dma_start3A_196 = arith.constant 0 : i32
    %dma_start3A_197 = tpu.memref_slice %arg4[%dma_start3A_195, %dma_start3A_196, %multiple_of3A_182] : memref<8x8x1000000xf32, #tpu.memory_space<hbm>> -> memref<8x8x128xf32, #tpu.memory_space<hbm>>
    %dma_start3A_198 = arith.constant 0 : i32
    %dma_start3A_199 = arith.constant 0 : i32
    %dma_start3A_200 = arith.constant 0 : i32
    %dma_start3A_201 = tpu.memref_slice %arg9[%dma_start3A_188, %dma_start3A_189, %dma_start3A_198, %dma_start3A_199, %dma_start3A_200] : memref<2x2x8x8x128xf32, #tpu.memory_space<vmem>> -> memref<1x1x8x8x128xf32, #tpu.memory_space<vmem>>
    %dma_start3A_202 = tpu.memref_squeeze %dma_start3A_201 : memref<1x1x8x8x128xf32, #tpu.memory_space<vmem>> -> memref<8x8x128xf32, #tpu.memory_space<vmem>>
    %dma_start3A_203 = arith.constant 0 : i32
    %dma_start3A_204 = arith.constant 0 : i32
    %dma_start3A_205 = tpu.memref_slice %arg4[%dma_start3A_203, %dma_start3A_204, %multiple_of3A_182] : memref<8x8x1000000xf32, #tpu.memory_space<hbm>> -> memref<8x8x128xf32, #tpu.memory_space<hbm>>
    tpu.enqueue_dma source(%dma_start3A_205 : memref<8x8x128xf32, #tpu.memory_space<hbm>>) target(%dma_start3A_202 : memref<8x8x128xf32, #tpu.memory_space<vmem>>) target_semaphore(%arg12 : memref<!tpu.dma_semaphore, #tpu.memory_space<semaphore_mem>>)
    %dma_start3A_206 = arith.constant 1 : i32
    %dma_start3A_207 = arith.constant 0 : i32
    %dma_start3A_208 = arith.constant 0 : i32
    %dma_start3A_209 = arith.constant 0 : i32
    %dma_start3A_210 = arith.constant 0 : i32
    %dma_start3A_211 = tpu.memref_slice %arg10[%dma_start3A_206, %dma_start3A_207, %dma_start3A_208, %dma_start3A_209, %dma_start3A_210] : memref<2x2x8x8x128xf32, #tpu.memory_space<vmem>> -> memref<1x1x8x8x128xf32, #tpu.memory_space<vmem>>
    %dma_start3A_212 = tpu.memref_squeeze %dma_start3A_211 : memref<1x1x8x8x128xf32, #tpu.memory_space<vmem>> -> memref<8x8x128xf32, #tpu.memory_space<vmem>>
    %dma_start3A_213 = arith.constant 0 : i32
    %dma_start3A_214 = arith.constant 0 : i32
    %dma_start3A_215 = tpu.memref_slice %arg5[%dma_start3A_213, %dma_start3A_214, %multiple_of3A_187] : memref<8x8x1000000xf32, #tpu.memory_space<hbm>> -> memref<8x8x128xf32, #tpu.memory_space<hbm>>
    %dma_start3A_216 = arith.constant 0 : i32
    %dma_start3A_217 = arith.constant 0 : i32
    %dma_start3A_218 = arith.constant 0 : i32
    %dma_start3A_219 = tpu.memref_slice %arg10[%dma_start3A_206, %dma_start3A_207, %dma_start3A_216, %dma_start3A_217, %dma_start3A_218] : memref<2x2x8x8x128xf32, #tpu.memory_space<vmem>> -> memref<1x1x8x8x128xf32, #tpu.memory_space<vmem>>
    %dma_start3A_220 = tpu.memref_squeeze %dma_start3A_219 : memref<1x1x8x8x128xf32, #tpu.memory_space<vmem>> -> memref<8x8x128xf32, #tpu.memory_space<vmem>>
    %dma_start3A_221 = arith.constant 0 : i32
    %dma_start3A_222 = arith.constant 0 : i32
    %dma_start3A_223 = tpu.memref_slice %arg5[%dma_start3A_221, %dma_start3A_222, %multiple_of3A_187] : memref<8x8x1000000xf32, #tpu.memory_space<hbm>> -> memref<8x8x128xf32, #tpu.memory_space<hbm>>
    tpu.enqueue_dma source(%dma_start3A_223 : memref<8x8x128xf32, #tpu.memory_space<hbm>>) target(%dma_start3A_220 : memref<8x8x128xf32, #tpu.memory_space<vmem>>) target_semaphore(%arg12 : memref<!tpu.dma_semaphore, #tpu.memory_space<semaphore_mem>>)
    %slice3A_224 = vector.extract_strided_slice %get3A_75 {offsets = [3], sizes = [1], strides = [1]} : vector<16xi32> to vector<1xi32>
    %squeeze3A_225 = vector.extract %slice3A_224[0] : i32 from vector<1xi32>
    %slice3A_226 = vector.extract_strided_slice %get3A_79 {offsets = [3], sizes = [1], strides = [1]} : vector<16xi32> to vector<1xi32>
    %squeeze3A_227 = vector.extract %slice3A_226[0] : i32 from vector<1xi32>
    %shift_right_logical3A_228 = arith.constant 7 : i32
    %shift_right_logical3A_229 = arith.shrui %squeeze3A_225, %shift_right_logical3A_228 : i32
    %shift_left3A_230 = arith.constant 7 : i32
    %shift_left3A_231 = arith.shli %shift_right_logical3A_229, %shift_left3A_230 : i32
    %multiple_of3A_232 = tpu.assume_multiple %shift_left3A_231, 128 : i32
    %shift_right_logical3A_233 = arith.constant 7 : i32
    %shift_right_logical3A_234 = arith.shrui %squeeze3A_227, %shift_right_logical3A_233 : i32
    %shift_left3A_235 = arith.constant 7 : i32
    %shift_left3A_236 = arith.shli %shift_right_logical3A_234, %shift_left3A_235 : i32
    %multiple_of3A_237 = tpu.assume_multiple %shift_left3A_236, 128 : i32
    %dma_start3A_238 = arith.constant 1 : i32
    %dma_start3A_239 = arith.constant 1 : i32
    %dma_start3A_240 = arith.constant 0 : i32
    %dma_start3A_241 = arith.constant 0 : i32
    %dma_start3A_242 = arith.constant 0 : i32
    %dma_start3A_243 = tpu.memref_slice %arg9[%dma_start3A_238, %dma_start3A_239, %dma_start3A_240, %dma_start3A_241, %dma_start3A_242] : memref<2x2x8x8x128xf32, #tpu.memory_space<vmem>> -> memref<1x1x8x8x128xf32, #tpu.memory_space<vmem>>
    %dma_start3A_244 = tpu.memref_squeeze %dma_start3A_243 : memref<1x1x8x8x128xf32, #tpu.memory_space<vmem>> -> memref<8x8x128xf32, #tpu.memory_space<vmem>>
    %dma_start3A_245 = arith.constant 0 : i32
    %dma_start3A_246 = arith.constant 0 : i32
    %dma_start3A_247 = tpu.memref_slice %arg4[%dma_start3A_245, %dma_start3A_246, %multiple_of3A_232] : memref<8x8x1000000xf32, #tpu.memory_space<hbm>> -> memref<8x8x128xf32, #tpu.memory_space<hbm>>
    %dma_start3A_248 = arith.constant 0 : i32
    %dma_start3A_249 = arith.constant 0 : i32
    %dma_start3A_250 = arith.constant 0 : i32
    %dma_start3A_251 = tpu.memref_slice %arg9[%dma_start3A_238, %dma_start3A_239, %dma_start3A_248, %dma_start3A_249, %dma_start3A_250] : memref<2x2x8x8x128xf32, #tpu.memory_space<vmem>> -> memref<1x1x8x8x128xf32, #tpu.memory_space<vmem>>
    %dma_start3A_252 = tpu.memref_squeeze %dma_start3A_251 : memref<1x1x8x8x128xf32, #tpu.memory_space<vmem>> -> memref<8x8x128xf32, #tpu.memory_space<vmem>>
    %dma_start3A_253 = arith.constant 0 : i32
    %dma_start3A_254 = arith.constant 0 : i32
    %dma_start3A_255 = tpu.memref_slice %arg4[%dma_start3A_253, %dma_start3A_254, %multiple_of3A_232] : memref<8x8x1000000xf32, #tpu.memory_space<hbm>> -> memref<8x8x128xf32, #tpu.memory_space<hbm>>
    tpu.enqueue_dma source(%dma_start3A_255 : memref<8x8x128xf32, #tpu.memory_space<hbm>>) target(%dma_start3A_252 : memref<8x8x128xf32, #tpu.memory_space<vmem>>) target_semaphore(%arg12 : memref<!tpu.dma_semaphore, #tpu.memory_space<semaphore_mem>>)
    %dma_start3A_256 = arith.constant 1 : i32
    %dma_start3A_257 = arith.constant 1 : i32
    %dma_start3A_258 = arith.constant 0 : i32
    %dma_start3A_259 = arith.constant 0 : i32
    %dma_start3A_260 = arith.constant 0 : i32
    %dma_start3A_261 = tpu.memref_slice %arg10[%dma_start3A_256, %dma_start3A_257, %dma_start3A_258, %dma_start3A_259, %dma_start3A_260] : memref<2x2x8x8x128xf32, #tpu.memory_space<vmem>> -> memref<1x1x8x8x128xf32, #tpu.memory_space<vmem>>
    %dma_start3A_262 = tpu.memref_squeeze %dma_start3A_261 : memref<1x1x8x8x128xf32, #tpu.memory_space<vmem>> -> memref<8x8x128xf32, #tpu.memory_space<vmem>>
    %dma_start3A_263 = arith.constant 0 : i32
    %dma_start3A_264 = arith.constant 0 : i32
    %dma_start3A_265 = tpu.memref_slice %arg5[%dma_start3A_263, %dma_start3A_264, %multiple_of3A_237] : memref<8x8x1000000xf32, #tpu.memory_space<hbm>> -> memref<8x8x128xf32, #tpu.memory_space<hbm>>
    %dma_start3A_266 = arith.constant 0 : i32
    %dma_start3A_267 = arith.constant 0 : i32
    %dma_start3A_268 = arith.constant 0 : i32
    %dma_start3A_269 = tpu.memref_slice %arg10[%dma_start3A_256, %dma_start3A_257, %dma_start3A_266, %dma_start3A_267, %dma_start3A_268] : memref<2x2x8x8x128xf32, #tpu.memory_space<vmem>> -> memref<1x1x8x8x128xf32, #tpu.memory_space<vmem>>
    %dma_start3A_270 = tpu.memref_squeeze %dma_start3A_269 : memref<1x1x8x8x128xf32, #tpu.memory_space<vmem>> -> memref<8x8x128xf32, #tpu.memory_space<vmem>>
    %dma_start3A_271 = arith.constant 0 : i32
    %dma_start3A_272 = arith.constant 0 : i32
    %dma_start3A_273 = tpu.memref_slice %arg5[%dma_start3A_271, %dma_start3A_272, %multiple_of3A_237] : memref<8x8x1000000xf32, #tpu.memory_space<hbm>> -> memref<8x8x128xf32, #tpu.memory_space<hbm>>
    tpu.enqueue_dma source(%dma_start3A_273 : memref<8x8x128xf32, #tpu.memory_space<hbm>>) target(%dma_start3A_270 : memref<8x8x128xf32, #tpu.memory_space<vmem>>) target_semaphore(%arg12 : memref<!tpu.dma_semaphore, #tpu.memory_space<semaphore_mem>>)
    %scan3A = arith.constant 0 : i32
    %scan3A_274 = arith.constant 0 : i32
    %scan3A_275 = arith.constant 32 : i32
    %scan3A_276 = arith.addi %scan3A_274, %scan3A_275 : i32
    %scan3A_277 = arith.constant 1 : i32
    scf.for %scan3A_281 = %scan3A_274 to %scan3A_276 step %scan3A_277  : i32 {
      %get3A_282 = arith.index_cast %scan3A_281 : i32 to index
      %get3A_283 = arith.constant 0 : index
      %get3A_284 = tpu.vector_load %arg7[%get3A_282, %get3A_283] {strides = array<i32>} : memref<32x16xi32, #tpu.memory_space<vmem>>, vector<16xi32>,
      %get3A_285 = arith.index_cast %scan3A_281 : i32 to index
      %get3A_286 = arith.constant 0 : index
      %get3A_287 = tpu.vector_load %arg8[%get3A_285, %get3A_286] {strides = array<i32>} : memref<32x16xi32, #tpu.memory_space<vmem>>, vector<16xi32>,
      %add3A_288 = arith.constant 1 : i32
      %add3A_289 = arith.addi %scan3A_281, %add3A_288 : i32
      %min3A = arith.constant 31 : i32
      %min3A_290 = arith.minsi %add3A_289, %min3A : i32
      %get3A_291 = arith.index_cast %min3A_290 : i32 to index
      %get3A_292 = arith.constant 0 : index
      %get3A_293 = tpu.vector_load %arg7[%get3A_291, %get3A_292] {strides = array<i32>} : memref<32x16xi32, #tpu.memory_space<vmem>>, vector<16xi32>,
      %get3A_294 = arith.index_cast %min3A_290 : i32 to index
      %get3A_295 = arith.constant 0 : index
      %get3A_296 = tpu.vector_load %arg8[%get3A_294, %get3A_295] {strides = array<i32>} : memref<32x16xi32, #tpu.memory_space<vmem>>, vector<16xi32>,
      %broadcast_in_dim3A = arith.constant 0.000000e+00 : f32
      %broadcast_in_dim3A_297 = vector.broadcast %broadcast_in_dim3A : f32 to vector<16xf32>
      %dma_wait3A = arith.constant 0 : i32
      %dma_wait3A_298 = arith.constant 0 : i32
      %dma_wait3A_299 = arith.constant 0 : i32
      %dma_wait3A_300 = arith.constant 0 : i32
      %dma_wait3A_301 = arith.constant 0 : i32
      %dma_wait3A_302 = tpu.memref_slice %arg9[%dma_wait3A, %dma_wait3A_298, %dma_wait3A_299, %dma_wait3A_300, %dma_wait3A_301] : memref<2x2x8x8x128xf32, #tpu.memory_space<vmem>> -> memref<1x1x8x8x128xf32, #tpu.memory_space<vmem>>
      %dma_wait3A_303 = tpu.memref_squeeze %dma_wait3A_302 : memref<1x1x8x8x128xf32, #tpu.memory_space<vmem>> -> memref<8x8x128xf32, #tpu.memory_space<vmem>>
      %dma_wait3A_304 = arith.constant 0 : i32
      %dma_wait3A_305 = arith.constant 0 : i32
      %dma_wait3A_306 = arith.constant 0 : i32
      %dma_wait3A_307 = tpu.memref_slice %arg4[%dma_wait3A_304, %dma_wait3A_305, %dma_wait3A_306] : memref<8x8x1000000xf32, #tpu.memory_space<hbm>> -> memref<8x8x128xf32, #tpu.memory_space<hbm>>
      %dma_wait3A_308 = arith.constant 0 : i32
      %dma_wait3A_309 = arith.constant 0 : i32
      %dma_wait3A_310 = arith.constant 0 : i32
      %dma_wait3A_311 = tpu.memref_slice %arg9[%dma_wait3A, %dma_wait3A_298, %dma_wait3A_308, %dma_wait3A_309, %dma_wait3A_310] : memref<2x2x8x8x128xf32, #tpu.memory_space<vmem>> -> memref<1x1x8x8x128xf32, #tpu.memory_space<vmem>>
      %dma_wait3A_312 = tpu.memref_squeeze %dma_wait3A_311 : memref<1x1x8x8x128xf32, #tpu.memory_space<vmem>> -> memref<8x8x128xf32, #tpu.memory_space<vmem>>
      %dma_wait3A_313 = arith.constant 0 : i32
      %dma_wait3A_314 = arith.constant 0 : i32
      %dma_wait3A_315 = arith.constant 0 : i32
      %dma_wait3A_316 = tpu.memref_slice %arg4[%dma_wait3A_313, %dma_wait3A_314, %dma_wait3A_315] : memref<8x8x1000000xf32, #tpu.memory_space<hbm>> -> memref<8x8x128xf32, #tpu.memory_space<hbm>>
      tpu.wait_dma2 semaphore(%arg12 : memref<!tpu.dma_semaphore, #tpu.memory_space<semaphore_mem>>) src(%dma_wait3A_316 : memref<8x8x128xf32, #tpu.memory_space<hbm>>) dst(%dma_wait3A_312 : memref<8x8x128xf32, #tpu.memory_space<vmem>>)
      %dma_wait3A_317 = arith.constant 0 : i32
      %dma_wait3A_318 = arith.constant 0 : i32
      %dma_wait3A_319 = arith.constant 0 : i32
      %dma_wait3A_320 = arith.constant 0 : i32
      %dma_wait3A_321 = arith.constant 0 : i32
      %dma_wait3A_322 = tpu.memref_slice %arg9[%dma_wait3A_317, %dma_wait3A_318, %dma_wait3A_319, %dma_wait3A_320, %dma_wait3A_321] : memref<2x2x8x8x128xf32, #tpu.memory_space<vmem>> -> memref<1x1x8x8x128xf32, #tpu.memory_space<vmem>>
      %dma_wait3A_323 = tpu.memref_squeeze %dma_wait3A_322 : memref<1x1x8x8x128xf32, #tpu.memory_space<vmem>> -> memref<8x8x128xf32, #tpu.memory_space<vmem>>
      %dma_wait3A_324 = arith.constant 0 : i32
      %dma_wait3A_325 = arith.constant 0 : i32
      %dma_wait3A_326 = arith.constant 0 : i32
      %dma_wait3A_327 = tpu.memref_slice %arg4[%dma_wait3A_324, %dma_wait3A_325, %dma_wait3A_326] : memref<8x8x1000000xf32, #tpu.memory_space<hbm>> -> memref<8x8x128xf32, #tpu.memory_space<hbm>>
      %dma_wait3A_328 = arith.constant 0 : i32
      %dma_wait3A_329 = arith.constant 0 : i32
      %dma_wait3A_330 = arith.constant 0 : i32
      %dma_wait3A_331 = tpu.memref_slice %arg9[%dma_wait3A_317, %dma_wait3A_318, %dma_wait3A_328, %dma_wait3A_329, %dma_wait3A_330] : memref<2x2x8x8x128xf32, #tpu.memory_space<vmem>> -> memref<1x1x8x8x128xf32, #tpu.memory_space<vmem>>
      %dma_wait3A_332 = tpu.memref_squeeze %dma_wait3A_331 : memref<1x1x8x8x128xf32, #tpu.memory_space<vmem>> -> memref<8x8x128xf32, #tpu.memory_space<vmem>>
      %dma_wait3A_333 = arith.constant 0 : i32
      %dma_wait3A_334 = arith.constant 0 : i32
      %dma_wait3A_335 = arith.constant 0 : i32
      %dma_wait3A_336 = tpu.memref_slice %arg4[%dma_wait3A_333, %dma_wait3A_334, %dma_wait3A_335] : memref<8x8x1000000xf32, #tpu.memory_space<hbm>> -> memref<8x8x128xf32, #tpu.memory_space<hbm>>
      tpu.wait_dma2 semaphore(%arg12 : memref<!tpu.dma_semaphore, #tpu.memory_space<semaphore_mem>>) src(%dma_wait3A_336 : memref<8x8x128xf32, #tpu.memory_space<hbm>>) dst(%dma_wait3A_332 : memref<8x8x128xf32, #tpu.memory_space<vmem>>)
      %dma_wait3A_337 = arith.constant 0 : i32
      %dma_wait3A_338 = arith.constant 0 : i32
      %dma_wait3A_339 = arith.constant 0 : i32
      %dma_wait3A_340 = arith.constant 0 : i32
      %dma_wait3A_341 = arith.constant 0 : i32
      %dma_wait3A_342 = tpu.memref_slice %arg9[%dma_wait3A_337, %dma_wait3A_338, %dma_wait3A_339, %dma_wait3A_340, %dma_wait3A_341] : memref<2x2x8x8x128xf32, #tpu.memory_space<vmem>> -> memref<1x1x8x8x128xf32, #tpu.memory_space<vmem>>
      %dma_wait3A_343 = tpu.memref_squeeze %dma_wait3A_342 : memref<1x1x8x8x128xf32, #tpu.memory_space<vmem>> -> memref<8x8x128xf32, #tpu.memory_space<vmem>>
      %dma_wait3A_344 = arith.constant 0 : i32
      %dma_wait3A_345 = arith.constant 0 : i32
      %dma_wait3A_346 = arith.constant 0 : i32
      %dma_wait3A_347 = tpu.memref_slice %arg4[%dma_wait3A_344, %dma_wait3A_345, %dma_wait3A_346] : memref<8x8x1000000xf32, #tpu.memory_space<hbm>> -> memref<8x8x128xf32, #tpu.memory_space<hbm>>
      %dma_wait3A_348 = arith.constant 0 : i32
      %dma_wait3A_349 = arith.constant 0 : i32
      %dma_wait3A_350 = arith.constant 0 : i32
      %dma_wait3A_351 = tpu.memref_slice %arg9[%dma_wait3A_337, %dma_wait3A_338, %dma_wait3A_348, %dma_wait3A_349, %dma_wait3A_350] : memref<2x2x8x8x128xf32, #tpu.memory_space<vmem>> -> memref<1x1x8x8x128xf32, #tpu.memory_space<vmem>>
      %dma_wait3A_352 = tpu.memref_squeeze %dma_wait3A_351 : memref<1x1x8x8x128xf32, #tpu.memory_space<vmem>> -> memref<8x8x128xf32, #tpu.memory_space<vmem>>
      %dma_wait3A_353 = arith.constant 0 : i32
      %dma_wait3A_354 = arith.constant 0 : i32
      %dma_wait3A_355 = arith.constant 0 : i32
      %dma_wait3A_356 = tpu.memref_slice %arg4[%dma_wait3A_353, %dma_wait3A_354, %dma_wait3A_355] : memref<8x8x1000000xf32, #tpu.memory_space<hbm>> -> memref<8x8x128xf32, #tpu.memory_space<hbm>>
      tpu.wait_dma2 semaphore(%arg12 : memref<!tpu.dma_semaphore, #tpu.memory_space<semaphore_mem>>) src(%dma_wait3A_356 : memref<8x8x128xf32, #tpu.memory_space<hbm>>) dst(%dma_wait3A_352 : memref<8x8x128xf32, #tpu.memory_space<vmem>>)
      %dma_wait3A_357 = arith.constant 0 : i32
      %dma_wait3A_358 = arith.constant 0 : i32
      %dma_wait3A_359 = arith.constant 0 : i32
      %dma_wait3A_360 = arith.constant 0 : i32
      %dma_wait3A_361 = arith.constant 0 : i32
      %dma_wait3A_362 = tpu.memref_slice %arg9[%dma_wait3A_357, %dma_wait3A_358, %dma_wait3A_359, %dma_wait3A_360, %dma_wait3A_361] : memref<2x2x8x8x128xf32, #tpu.memory_space<vmem>> -> memref<1x1x8x8x128xf32, #tpu.memory_space<vmem>>
      %dma_wait3A_363 = tpu.memref_squeeze %dma_wait3A_362 : memref<1x1x8x8x128xf32, #tpu.memory_space<vmem>> -> memref<8x8x128xf32, #tpu.memory_space<vmem>>
      %dma_wait3A_364 = arith.constant 0 : i32
      %dma_wait3A_365 = arith.constant 0 : i32
      %dma_wait3A_366 = arith.constant 0 : i32
      %dma_wait3A_367 = tpu.memref_slice %arg4[%dma_wait3A_364, %dma_wait3A_365, %dma_wait3A_366] : memref<8x8x1000000xf32, #tpu.memory_space<hbm>> -> memref<8x8x128xf32, #tpu.memory_space<hbm>>
      %dma_wait3A_368 = arith.constant 0 : i32
      %dma_wait3A_369 = arith.constant 0 : i32
      %dma_wait3A_370 = arith.constant 0 : i32
      %dma_wait3A_371 = tpu.memref_slice %arg9[%dma_wait3A_357, %dma_wait3A_358, %dma_wait3A_368, %dma_wait3A_369, %dma_wait3A_370] : memref<2x2x8x8x128xf32, #tpu.memory_space<vmem>> -> memref<1x1x8x8x128xf32, #tpu.memory_space<vmem>>
      %dma_wait3A_372 = tpu.memref_squeeze %dma_wait3A_371 : memref<1x1x8x8x128xf32, #tpu.memory_space<vmem>> -> memref<8x8x128xf32, #tpu.memory_space<vmem>>
      %dma_wait3A_373 = arith.constant 0 : i32
      %dma_wait3A_374 = arith.constant 0 : i32
      %dma_wait3A_375 = arith.constant 0 : i32
      %dma_wait3A_376 = tpu.memref_slice %arg4[%dma_wait3A_373, %dma_wait3A_374, %dma_wait3A_375] : memref<8x8x1000000xf32, #tpu.memory_space<hbm>> -> memref<8x8x128xf32, #tpu.memory_space<hbm>>
      tpu.wait_dma2 semaphore(%arg12 : memref<!tpu.dma_semaphore, #tpu.memory_space<semaphore_mem>>) src(%dma_wait3A_376 : memref<8x8x128xf32, #tpu.memory_space<hbm>>) dst(%dma_wait3A_372 : memref<8x8x128xf32, #tpu.memory_space<vmem>>)
      %slice3A_377 = vector.extract_strided_slice %get3A_284 {offsets = [0], sizes = [1], strides = [1]} : vector<16xi32> to vector<1xi32>
      %squeeze3A_378 = vector.extract %slice3A_377[0] : i32 from vector<1xi32>
      %and3A_379 = arith.constant 127 : i32
      %and3A_380 = arith.andi %squeeze3A_378, %and3A_379 : i32
      %broadcast_in_dim3A_381 = vector.broadcast %and3A_380 : i32 to vector<16xi32>
      %slice3A_382 = vector.extract_strided_slice %get3A_287 {offsets = [0], sizes = [1], strides = [1]} : vector<16xi32> to vector<1xi32>
      %squeeze3A_383 = vector.extract %slice3A_382[0] : i32 from vector<1xi32>
      %and3A_384 = arith.constant 127 : i32
      %and3A_385 = arith.andi %squeeze3A_383, %and3A_384 : i32
      %broadcast_in_dim3A_386 = vector.broadcast %and3A_385 : i32 to vector<16xi32>
      %broadcast_in_dim3A_387 = arith.constant 0 : i32
      %broadcast_in_dim3A_388 = vector.broadcast %broadcast_in_dim3A_387 : i32 to vector<16xi32>
      %broadcast_in_dim3A_389 = arith.constant 0 : i32
      %broadcast_in_dim3A_390 = vector.broadcast %broadcast_in_dim3A_389 : i32 to vector<16xi32>
      %broadcast_in_dim3A_391 = arith.constant 0.000000e+00 : f32
      %broadcast_in_dim3A_392 = vector.broadcast %broadcast_in_dim3A_391 : f32 to vector<16xf32>
      %gather3A = tpu.vector_load_idx %arg9[%broadcast_in_dim3A_388, %broadcast_in_dim3A_390, %add3A_7, %and3A_2, %broadcast_in_dim3A_381] : memref<2x2x8x8x128xf32, #tpu.memory_space<vmem>>[vector<16xi32>, vector<16xi32>, vector<16xi32>, vector<16xi32>, vector<16xi32>], vector<16xf32>,
      %gather3A_393 = tpu.vector_load_idx %arg10[%broadcast_in_dim3A_388, %broadcast_in_dim3A_390, %add3A_7, %and3A_2, %broadcast_in_dim3A_386] : memref<2x2x8x8x128xf32, #tpu.memory_space<vmem>>[vector<16xi32>, vector<16xi32>, vector<16xi32>, vector<16xi32>, vector<16xi32>], vector<16xf32>,
      %mul3A_394 = arith.mulf %gather3A, %gather3A_393 : vector<16xf32>
      %add3A_395 = arith.addf %broadcast_in_dim3A_392, %mul3A_394 : vector<16xf32>
      %gather3A_396 = tpu.vector_load_idx %arg9[%broadcast_in_dim3A_388, %broadcast_in_dim3A_390, %add3A_13, %and3A_2, %broadcast_in_dim3A_381] : memref<2x2x8x8x128xf32, #tpu.memory_space<vmem>>[vector<16xi32>, vector<16xi32>, vector<16xi32>, vector<16xi32>, vector<16xi32>], vector<16xf32>,
      %gather3A_397 = tpu.vector_load_idx %arg10[%broadcast_in_dim3A_388, %broadcast_in_dim3A_390, %add3A_13, %and3A_2, %broadcast_in_dim3A_386] : memref<2x2x8x8x128xf32, #tpu.memory_space<vmem>>[vector<16xi32>, vector<16xi32>, vector<16xi32>, vector<16xi32>, vector<16xi32>], vector<16xf32>,
      %mul3A_398 = arith.mulf %gather3A_396, %gather3A_397 : vector<16xf32>
      %add3A_399 = arith.addf %add3A_395, %mul3A_398 : vector<16xf32>
      %gather3A_400 = tpu.vector_load_idx %arg9[%broadcast_in_dim3A_388, %broadcast_in_dim3A_390, %add3A_19, %and3A_2, %broadcast_in_dim3A_381] : memref<2x2x8x8x128xf32, #tpu.memory_space<vmem>>[vector<16xi32>, vector<16xi32>, vector<16xi32>, vector<16xi32>, vector<16xi32>], vector<16xf32>,
      %gather3A_401 = tpu.vector_load_idx %arg10[%broadcast_in_dim3A_388, %broadcast_in_dim3A_390, %add3A_19, %and3A_2, %broadcast_in_dim3A_386] : memref<2x2x8x8x128xf32, #tpu.memory_space<vmem>>[vector<16xi32>, vector<16xi32>, vector<16xi32>, vector<16xi32>, vector<16xi32>], vector<16xf32>,
      %mul3A_402 = arith.mulf %gather3A_400, %gather3A_401 : vector<16xf32>
      %add3A_403 = arith.addf %add3A_399, %mul3A_402 : vector<16xf32>
      %gather3A_404 = tpu.vector_load_idx %arg9[%broadcast_in_dim3A_388, %broadcast_in_dim3A_390, %add3A_25, %and3A_2, %broadcast_in_dim3A_381] : memref<2x2x8x8x128xf32, #tpu.memory_space<vmem>>[vector<16xi32>, vector<16xi32>, vector<16xi32>, vector<16xi32>, vector<16xi32>], vector<16xf32>,
      %gather3A_405 = tpu.vector_load_idx %arg10[%broadcast_in_dim3A_388, %broadcast_in_dim3A_390, %add3A_25, %and3A_2, %broadcast_in_dim3A_386] : memref<2x2x8x8x128xf32, #tpu.memory_space<vmem>>[vector<16xi32>, vector<16xi32>, vector<16xi32>, vector<16xi32>, vector<16xi32>], vector<16xf32>,
      %mul3A_406 = arith.mulf %gather3A_404, %gather3A_405 : vector<16xf32>
      %add3A_407 = arith.addf %add3A_403, %mul3A_406 : vector<16xf32>
      %reduce_sum3A = arith.constant true
      %reduce_sum3A_408 = vector.broadcast %reduce_sum3A : i1 to vector<16xi1>
      %reduce_sum3A_409 = tpu.scan <sum>, %add3A_407 masked %reduce_sum3A_408 : vector<16xf32>, vector<16xi1> -> vector<16xf32>
      %reduce_sum3A_410 = vector.extract %reduce_sum3A_409[15] : f32 from vector<16xf32>
      %broadcast_in_dim3A_411 = vector.broadcast %reduce_sum3A_410 : f32 to vector<16xf32>
      %select_n3A = arith.select %eq3A_27, %broadcast_in_dim3A_411, %broadcast_in_dim3A_297 : vector<16xi1>, vector<16xf32>
      %slice3A_412 = vector.extract_strided_slice %get3A_284 {offsets = [1], sizes = [1], strides = [1]} : vector<16xi32> to vector<1xi32>
      %squeeze3A_413 = vector.extract %slice3A_412[0] : i32 from vector<1xi32>
      %and3A_414 = arith.constant 127 : i32
      %and3A_415 = arith.andi %squeeze3A_413, %and3A_414 : i32
      %broadcast_in_dim3A_416 = vector.broadcast %and3A_415 : i32 to vector<16xi32>
      %slice3A_417 = vector.extract_strided_slice %get3A_287 {offsets = [1], sizes = [1], strides = [1]} : vector<16xi32> to vector<1xi32>
      %squeeze3A_418 = vector.extract %slice3A_417[0] : i32 from vector<1xi32>
      %and3A_419 = arith.constant 127 : i32
      %and3A_420 = arith.andi %squeeze3A_418, %and3A_419 : i32
      %broadcast_in_dim3A_421 = vector.broadcast %and3A_420 : i32 to vector<16xi32>
      %broadcast_in_dim3A_422 = arith.constant 0 : i32
      %broadcast_in_dim3A_423 = vector.broadcast %broadcast_in_dim3A_422 : i32 to vector<16xi32>
      %broadcast_in_dim3A_424 = arith.constant 1 : i32
      %broadcast_in_dim3A_425 = vector.broadcast %broadcast_in_dim3A_424 : i32 to vector<16xi32>
      %broadcast_in_dim3A_426 = arith.constant 0.000000e+00 : f32
      %broadcast_in_dim3A_427 = vector.broadcast %broadcast_in_dim3A_426 : f32 to vector<16xf32>
      %gather3A_428 = tpu.vector_load_idx %arg9[%broadcast_in_dim3A_423, %broadcast_in_dim3A_425, %add3A_7, %and3A_2, %broadcast_in_dim3A_416] : memref<2x2x8x8x128xf32, #tpu.memory_space<vmem>>[vector<16xi32>, vector<16xi32>, vector<16xi32>, vector<16xi32>, vector<16xi32>], vector<16xf32>,
      %gather3A_429 = tpu.vector_load_idx %arg10[%broadcast_in_dim3A_423, %broadcast_in_dim3A_425, %add3A_7, %and3A_2, %broadcast_in_dim3A_421] : memref<2x2x8x8x128xf32, #tpu.memory_space<vmem>>[vector<16xi32>, vector<16xi32>, vector<16xi32>, vector<16xi32>, vector<16xi32>], vector<16xf32>,
      %mul3A_430 = arith.mulf %gather3A_428, %gather3A_429 : vector<16xf32>
      %add3A_431 = arith.addf %broadcast_in_dim3A_427, %mul3A_430 : vector<16xf32>
      %gather3A_432 = tpu.vector_load_idx %arg9[%broadcast_in_dim3A_423, %broadcast_in_dim3A_425, %add3A_13, %and3A_2, %broadcast_in_dim3A_416] : memref<2x2x8x8x128xf32, #tpu.memory_space<vmem>>[vector<16xi32>, vector<16xi32>, vector<16xi32>, vector<16xi32>, vector<16xi32>], vector<16xf32>,
      %gather3A_433 = tpu.vector_load_idx %arg10[%broadcast_in_dim3A_423, %broadcast_in_dim3A_425, %add3A_13, %and3A_2, %broadcast_in_dim3A_421] : memref<2x2x8x8x128xf32, #tpu.memory_space<vmem>>[vector<16xi32>, vector<16xi32>, vector<16xi32>, vector<16xi32>, vector<16xi32>], vector<16xf32>,
      %mul3A_434 = arith.mulf %gather3A_432, %gather3A_433 : vector<16xf32>
      %add3A_435 = arith.addf %add3A_431, %mul3A_434 : vector<16xf32>
      %gather3A_436 = tpu.vector_load_idx %arg9[%broadcast_in_dim3A_423, %broadcast_in_dim3A_425, %add3A_19, %and3A_2, %broadcast_in_dim3A_416] : memref<2x2x8x8x128xf32, #tpu.memory_space<vmem>>[vector<16xi32>, vector<16xi32>, vector<16xi32>, vector<16xi32>, vector<16xi32>], vector<16xf32>,
      %gather3A_437 = tpu.vector_load_idx %arg10[%broadcast_in_dim3A_423, %broadcast_in_dim3A_425, %add3A_19, %and3A_2, %broadcast_in_dim3A_421] : memref<2x2x8x8x128xf32, #tpu.memory_space<vmem>>[vector<16xi32>, vector<16xi32>, vector<16xi32>, vector<16xi32>, vector<16xi32>], vector<16xf32>,
      %mul3A_438 = arith.mulf %gather3A_436, %gather3A_437 : vector<16xf32>
      %add3A_439 = arith.addf %add3A_435, %mul3A_438 : vector<16xf32>
      %gather3A_440 = tpu.vector_load_idx %arg9[%broadcast_in_dim3A_423, %broadcast_in_dim3A_425, %add3A_25, %and3A_2, %broadcast_in_dim3A_416] : memref<2x2x8x8x128xf32, #tpu.memory_space<vmem>>[vector<16xi32>, vector<16xi32>, vector<16xi32>, vector<16xi32>, vector<16xi32>], vector<16xf32>,
      %gather3A_441 = tpu.vector_load_idx %arg10[%broadcast_in_dim3A_423, %broadcast_in_dim3A_425, %add3A_25, %and3A_2, %broadcast_in_dim3A_421] : memref<2x2x8x8x128xf32, #tpu.memory_space<vmem>>[vector<16xi32>, vector<16xi32>, vector<16xi32>, vector<16xi32>, vector<16xi32>], vector<16xf32>,
      %mul3A_442 = arith.mulf %gather3A_440, %gather3A_441 : vector<16xf32>
      %add3A_443 = arith.addf %add3A_439, %mul3A_442 : vector<16xf32>
      %reduce_sum3A_444 = arith.constant true
      %reduce_sum3A_445 = vector.broadcast %reduce_sum3A_444 : i1 to vector<16xi1>
      %reduce_sum3A_446 = tpu.scan <sum>, %add3A_443 masked %reduce_sum3A_445 : vector<16xf32>, vector<16xi1> -> vector<16xf32>
      %reduce_sum3A_447 = vector.extract %reduce_sum3A_446[15] : f32 from vector<16xf32>
      %broadcast_in_dim3A_448 = vector.broadcast %reduce_sum3A_447 : f32 to vector<16xf32>
      %select_n3A_449 = arith.select %eq3A_30, %broadcast_in_dim3A_448, %select_n3A : vector<16xi1>, vector<16xf32>
      %slice3A_450 = vector.extract_strided_slice %get3A_284 {offsets = [4], sizes = [1], strides = [1]} : vector<16xi32> to vector<1xi32>
      %squeeze3A_451 = vector.extract %slice3A_450[0] : i32 from vector<1xi32>
      %slice3A_452 = vector.extract_strided_slice %get3A_287 {offsets = [4], sizes = [1], strides = [1]} : vector<16xi32> to vector<1xi32>
      %squeeze3A_453 = vector.extract %slice3A_452[0] : i32 from vector<1xi32>
      %shift_right_logical3A_454 = arith.constant 7 : i32
      %shift_right_logical3A_455 = arith.shrui %squeeze3A_451, %shift_right_logical3A_454 : i32
      %shift_left3A_456 = arith.constant 7 : i32
      %shift_left3A_457 = arith.shli %shift_right_logical3A_455, %shift_left3A_456 : i32
      %multiple_of3A_458 = tpu.assume_multiple %shift_left3A_457, 128 : i32
      %shift_right_logical3A_459 = arith.constant 7 : i32
      %shift_right_logical3A_460 = arith.shrui %squeeze3A_453, %shift_right_logical3A_459 : i32
      %shift_left3A_461 = arith.constant 7 : i32
      %shift_left3A_462 = arith.shli %shift_right_logical3A_460, %shift_left3A_461 : i32
      %multiple_of3A_463 = tpu.assume_multiple %shift_left3A_462, 128 : i32
      %dma_start3A_464 = arith.constant 0 : i32
      %dma_start3A_465 = arith.constant 0 : i32
      %dma_start3A_466 = arith.constant 0 : i32
      %dma_start3A_467 = arith.constant 0 : i32
      %dma_start3A_468 = arith.constant 0 : i32
      %dma_start3A_469 = tpu.memref_slice %arg9[%dma_start3A_464, %dma_start3A_465, %dma_start3A_466, %dma_start3A_467, %dma_start3A_468] : memref<2x2x8x8x128xf32, #tpu.memory_space<vmem>> -> memref<1x1x8x8x128xf32, #tpu.memory_space<vmem>>
      %dma_start3A_470 = tpu.memref_squeeze %dma_start3A_469 : memref<1x1x8x8x128xf32, #tpu.memory_space<vmem>> -> memref<8x8x128xf32, #tpu.memory_space<vmem>>
      %dma_start3A_471 = arith.constant 0 : i32
      %dma_start3A_472 = arith.constant 0 : i32
      %dma_start3A_473 = tpu.memref_slice %arg4[%dma_start3A_471, %dma_start3A_472, %multiple_of3A_458] : memref<8x8x1000000xf32, #tpu.memory_space<hbm>> -> memref<8x8x128xf32, #tpu.memory_space<hbm>>
      %dma_start3A_474 = arith.constant 0 : i32
      %dma_start3A_475 = arith.constant 0 : i32
      %dma_start3A_476 = arith.constant 0 : i32
      %dma_start3A_477 = tpu.memref_slice %arg9[%dma_start3A_464, %dma_start3A_465, %dma_start3A_474, %dma_start3A_475, %dma_start3A_476] : memref<2x2x8x8x128xf32, #tpu.memory_space<vmem>> -> memref<1x1x8x8x128xf32, #tpu.memory_space<vmem>>
      %dma_start3A_478 = tpu.memref_squeeze %dma_start3A_477 : memref<1x1x8x8x128xf32, #tpu.memory_space<vmem>> -> memref<8x8x128xf32, #tpu.memory_space<vmem>>
      %dma_start3A_479 = arith.constant 0 : i32
      %dma_start3A_480 = arith.constant 0 : i32
      %dma_start3A_481 = tpu.memref_slice %arg4[%dma_start3A_479, %dma_start3A_480, %multiple_of3A_458] : memref<8x8x1000000xf32, #tpu.memory_space<hbm>> -> memref<8x8x128xf32, #tpu.memory_space<hbm>>
      tpu.enqueue_dma source(%dma_start3A_481 : memref<8x8x128xf32, #tpu.memory_space<hbm>>) target(%dma_start3A_478 : memref<8x8x128xf32, #tpu.memory_space<vmem>>) target_semaphore(%arg12 : memref<!tpu.dma_semaphore, #tpu.memory_space<semaphore_mem>>)
      %dma_start3A_482 = arith.constant 0 : i32
      %dma_start3A_483 = arith.constant 0 : i32
      %dma_start3A_484 = arith.constant 0 : i32
      %dma_start3A_485 = arith.constant 0 : i32
      %dma_start3A_486 = arith.constant 0 : i32
      %dma_start3A_487 = tpu.memref_slice %arg10[%dma_start3A_482, %dma_start3A_483, %dma_start3A_484, %dma_start3A_485, %dma_start3A_486] : memref<2x2x8x8x128xf32, #tpu.memory_space<vmem>> -> memref<1x1x8x8x128xf32, #tpu.memory_space<vmem>>
      %dma_start3A_488 = tpu.memref_squeeze %dma_start3A_487 : memref<1x1x8x8x128xf32, #tpu.memory_space<vmem>> -> memref<8x8x128xf32, #tpu.memory_space<vmem>>
      %dma_start3A_489 = arith.constant 0 : i32
      %dma_start3A_490 = arith.constant 0 : i32
      %dma_start3A_491 = tpu.memref_slice %arg5[%dma_start3A_489, %dma_start3A_490, %multiple_of3A_463] : memref<8x8x1000000xf32, #tpu.memory_space<hbm>> -> memref<8x8x128xf32, #tpu.memory_space<hbm>>
      %dma_start3A_492 = arith.constant 0 : i32
      %dma_start3A_493 = arith.constant 0 : i32
      %dma_start3A_494 = arith.constant 0 : i32
      %dma_start3A_495 = tpu.memref_slice %arg10[%dma_start3A_482, %dma_start3A_483, %dma_start3A_492, %dma_start3A_493, %dma_start3A_494] : memref<2x2x8x8x128xf32, #tpu.memory_space<vmem>> -> memref<1x1x8x8x128xf32, #tpu.memory_space<vmem>>
      %dma_start3A_496 = tpu.memref_squeeze %dma_start3A_495 : memref<1x1x8x8x128xf32, #tpu.memory_space<vmem>> -> memref<8x8x128xf32, #tpu.memory_space<vmem>>
      %dma_start3A_497 = arith.constant 0 : i32
      %dma_start3A_498 = arith.constant 0 : i32
      %dma_start3A_499 = tpu.memref_slice %arg5[%dma_start3A_497, %dma_start3A_498, %multiple_of3A_463] : memref<8x8x1000000xf32, #tpu.memory_space<hbm>> -> memref<8x8x128xf32, #tpu.memory_space<hbm>>
      tpu.enqueue_dma source(%dma_start3A_499 : memref<8x8x128xf32, #tpu.memory_space<hbm>>) target(%dma_start3A_496 : memref<8x8x128xf32, #tpu.memory_space<vmem>>) target_semaphore(%arg12 : memref<!tpu.dma_semaphore, #tpu.memory_space<semaphore_mem>>)
      %slice3A_500 = vector.extract_strided_slice %get3A_284 {offsets = [5], sizes = [1], strides = [1]} : vector<16xi32> to vector<1xi32>
      %squeeze3A_501 = vector.extract %slice3A_500[0] : i32 from vector<1xi32>
      %slice3A_502 = vector.extract_strided_slice %get3A_287 {offsets = [5], sizes = [1], strides = [1]} : vector<16xi32> to vector<1xi32>
      %squeeze3A_503 = vector.extract %slice3A_502[0] : i32 from vector<1xi32>
      %shift_right_logical3A_504 = arith.constant 7 : i32
      %shift_right_logical3A_505 = arith.shrui %squeeze3A_501, %shift_right_logical3A_504 : i32
      %shift_left3A_506 = arith.constant 7 : i32
      %shift_left3A_507 = arith.shli %shift_right_logical3A_505, %shift_left3A_506 : i32
      %multiple_of3A_508 = tpu.assume_multiple %shift_left3A_507, 128 : i32
      %shift_right_logical3A_509 = arith.constant 7 : i32
      %shift_right_logical3A_510 = arith.shrui %squeeze3A_503, %shift_right_logical3A_509 : i32
      %shift_left3A_511 = arith.constant 7 : i32
      %shift_left3A_512 = arith.shli %shift_right_logical3A_510, %shift_left3A_511 : i32
      %multiple_of3A_513 = tpu.assume_multiple %shift_left3A_512, 128 : i32
      %dma_start3A_514 = arith.constant 0 : i32
      %dma_start3A_515 = arith.constant 1 : i32
      %dma_start3A_516 = arith.constant 0 : i32
      %dma_start3A_517 = arith.constant 0 : i32
      %dma_start3A_518 = arith.constant 0 : i32
      %dma_start3A_519 = tpu.memref_slice %arg9[%dma_start3A_514, %dma_start3A_515, %dma_start3A_516, %dma_start3A_517, %dma_start3A_518] : memref<2x2x8x8x128xf32, #tpu.memory_space<vmem>> -> memref<1x1x8x8x128xf32, #tpu.memory_space<vmem>>
      %dma_start3A_520 = tpu.memref_squeeze %dma_start3A_519 : memref<1x1x8x8x128xf32, #tpu.memory_space<vmem>> -> memref<8x8x128xf32, #tpu.memory_space<vmem>>
      %dma_start3A_521 = arith.constant 0 : i32
      %dma_start3A_522 = arith.constant 0 : i32
      %dma_start3A_523 = tpu.memref_slice %arg4[%dma_start3A_521, %dma_start3A_522, %multiple_of3A_508] : memref<8x8x1000000xf32, #tpu.memory_space<hbm>> -> memref<8x8x128xf32, #tpu.memory_space<hbm>>
      %dma_start3A_524 = arith.constant 0 : i32
      %dma_start3A_525 = arith.constant 0 : i32
      %dma_start3A_526 = arith.constant 0 : i32
      %dma_start3A_527 = tpu.memref_slice %arg9[%dma_start3A_514, %dma_start3A_515, %dma_start3A_524, %dma_start3A_525, %dma_start3A_526] : memref<2x2x8x8x128xf32, #tpu.memory_space<vmem>> -> memref<1x1x8x8x128xf32, #tpu.memory_space<vmem>>
      %dma_start3A_528 = tpu.memref_squeeze %dma_start3A_527 : memref<1x1x8x8x128xf32, #tpu.memory_space<vmem>> -> memref<8x8x128xf32, #tpu.memory_space<vmem>>
      %dma_start3A_529 = arith.constant 0 : i32
      %dma_start3A_530 = arith.constant 0 : i32
      %dma_start3A_531 = tpu.memref_slice %arg4[%dma_start3A_529, %dma_start3A_530, %multiple_of3A_508] : memref<8x8x1000000xf32, #tpu.memory_space<hbm>> -> memref<8x8x128xf32, #tpu.memory_space<hbm>>
      tpu.enqueue_dma source(%dma_start3A_531 : memref<8x8x128xf32, #tpu.memory_space<hbm>>) target(%dma_start3A_528 : memref<8x8x128xf32, #tpu.memory_space<vmem>>) target_semaphore(%arg12 : memref<!tpu.dma_semaphore, #tpu.memory_space<semaphore_mem>>)
      %dma_start3A_532 = arith.constant 0 : i32
      %dma_start3A_533 = arith.constant 1 : i32
      %dma_start3A_534 = arith.constant 0 : i32
      %dma_start3A_535 = arith.constant 0 : i32
      %dma_start3A_536 = arith.constant 0 : i32
      %dma_start3A_537 = tpu.memref_slice %arg10[%dma_start3A_532, %dma_start3A_533, %dma_start3A_534, %dma_start3A_535, %dma_start3A_536] : memref<2x2x8x8x128xf32, #tpu.memory_space<vmem>> -> memref<1x1x8x8x128xf32, #tpu.memory_space<vmem>>
      %dma_start3A_538 = tpu.memref_squeeze %dma_start3A_537 : memref<1x1x8x8x128xf32, #tpu.memory_space<vmem>> -> memref<8x8x128xf32, #tpu.memory_space<vmem>>
      %dma_start3A_539 = arith.constant 0 : i32
      %dma_start3A_540 = arith.constant 0 : i32
      %dma_start3A_541 = tpu.memref_slice %arg5[%dma_start3A_539, %dma_start3A_540, %multiple_of3A_513] : memref<8x8x1000000xf32, #tpu.memory_space<hbm>> -> memref<8x8x128xf32, #tpu.memory_space<hbm>>
      %dma_start3A_542 = arith.constant 0 : i32
      %dma_start3A_543 = arith.constant 0 : i32
      %dma_start3A_544 = arith.constant 0 : i32
      %dma_start3A_545 = tpu.memref_slice %arg10[%dma_start3A_532, %dma_start3A_533, %dma_start3A_542, %dma_start3A_543, %dma_start3A_544] : memref<2x2x8x8x128xf32, #tpu.memory_space<vmem>> -> memref<1x1x8x8x128xf32, #tpu.memory_space<vmem>>
      %dma_start3A_546 = tpu.memref_squeeze %dma_start3A_545 : memref<1x1x8x8x128xf32, #tpu.memory_space<vmem>> -> memref<8x8x128xf32, #tpu.memory_space<vmem>>
      %dma_start3A_547 = arith.constant 0 : i32
      %dma_start3A_548 = arith.constant 0 : i32
      %dma_start3A_549 = tpu.memref_slice %arg5[%dma_start3A_547, %dma_start3A_548, %multiple_of3A_513] : memref<8x8x1000000xf32, #tpu.memory_space<hbm>> -> memref<8x8x128xf32, #tpu.memory_space<hbm>>
      tpu.enqueue_dma source(%dma_start3A_549 : memref<8x8x128xf32, #tpu.memory_space<hbm>>) target(%dma_start3A_546 : memref<8x8x128xf32, #tpu.memory_space<vmem>>) target_semaphore(%arg12 : memref<!tpu.dma_semaphore, #tpu.memory_space<semaphore_mem>>)
      %dma_wait3A_550 = arith.constant 0 : i32
      %dma_wait3A_551 = arith.constant 0 : i32
      %dma_wait3A_552 = arith.constant 0 : i32
      %dma_wait3A_553 = arith.constant 0 : i32
      %dma_wait3A_554 = arith.constant 0 : i32
      %dma_wait3A_555 = tpu.memref_slice %arg9[%dma_wait3A_550, %dma_wait3A_551, %dma_wait3A_552, %dma_wait3A_553, %dma_wait3A_554] : memref<2x2x8x8x128xf32, #tpu.memory_space<vmem>> -> memref<1x1x8x8x128xf32, #tpu.memory_space<vmem>>
      %dma_wait3A_556 = tpu.memref_squeeze %dma_wait3A_555 : memref<1x1x8x8x128xf32, #tpu.memory_space<vmem>> -> memref<8x8x128xf32, #tpu.memory_space<vmem>>
      %dma_wait3A_557 = arith.constant 0 : i32
      %dma_wait3A_558 = arith.constant 0 : i32
      %dma_wait3A_559 = arith.constant 0 : i32
      %dma_wait3A_560 = tpu.memref_slice %arg4[%dma_wait3A_557, %dma_wait3A_558, %dma_wait3A_559] : memref<8x8x1000000xf32, #tpu.memory_space<hbm>> -> memref<8x8x128xf32, #tpu.memory_space<hbm>>
      %dma_wait3A_561 = arith.constant 0 : i32
      %dma_wait3A_562 = arith.constant 0 : i32
      %dma_wait3A_563 = arith.constant 0 : i32
      %dma_wait3A_564 = tpu.memref_slice %arg9[%dma_wait3A_550, %dma_wait3A_551, %dma_wait3A_561, %dma_wait3A_562, %dma_wait3A_563] : memref<2x2x8x8x128xf32, #tpu.memory_space<vmem>> -> memref<1x1x8x8x128xf32, #tpu.memory_space<vmem>>
      %dma_wait3A_565 = tpu.memref_squeeze %dma_wait3A_564 : memref<1x1x8x8x128xf32, #tpu.memory_space<vmem>> -> memref<8x8x128xf32, #tpu.memory_space<vmem>>
      %dma_wait3A_566 = arith.constant 0 : i32
      %dma_wait3A_567 = arith.constant 0 : i32
      %dma_wait3A_568 = arith.constant 0 : i32
      %dma_wait3A_569 = tpu.memref_slice %arg4[%dma_wait3A_566, %dma_wait3A_567, %dma_wait3A_568] : memref<8x8x1000000xf32, #tpu.memory_space<hbm>> -> memref<8x8x128xf32, #tpu.memory_space<hbm>>
      tpu.wait_dma2 semaphore(%arg12 : memref<!tpu.dma_semaphore, #tpu.memory_space<semaphore_mem>>) src(%dma_wait3A_569 : memref<8x8x128xf32, #tpu.memory_space<hbm>>) dst(%dma_wait3A_565 : memref<8x8x128xf32, #tpu.memory_space<vmem>>)
      %dma_wait3A_570 = arith.constant 0 : i32
      %dma_wait3A_571 = arith.constant 0 : i32
      %dma_wait3A_572 = arith.constant 0 : i32
      %dma_wait3A_573 = arith.constant 0 : i32
      %dma_wait3A_574 = arith.constant 0 : i32
      %dma_wait3A_575 = tpu.memref_slice %arg9[%dma_wait3A_570, %dma_wait3A_571, %dma_wait3A_572, %dma_wait3A_573, %dma_wait3A_574] : memref<2x2x8x8x128xf32, #tpu.memory_space<vmem>> -> memref<1x1x8x8x128xf32, #tpu.memory_space<vmem>>
      %dma_wait3A_576 = tpu.memref_squeeze %dma_wait3A_575 : memref<1x1x8x8x128xf32, #tpu.memory_space<vmem>> -> memref<8x8x128xf32, #tpu.memory_space<vmem>>
      %dma_wait3A_577 = arith.constant 0 : i32
      %dma_wait3A_578 = arith.constant 0 : i32
      %dma_wait3A_579 = arith.constant 0 : i32
      %dma_wait3A_580 = tpu.memref_slice %arg4[%dma_wait3A_577, %dma_wait3A_578, %dma_wait3A_579] : memref<8x8x1000000xf32, #tpu.memory_space<hbm>> -> memref<8x8x128xf32, #tpu.memory_space<hbm>>
      %dma_wait3A_581 = arith.constant 0 : i32
      %dma_wait3A_582 = arith.constant 0 : i32
      %dma_wait3A_583 = arith.constant 0 : i32
      %dma_wait3A_584 = tpu.memref_slice %arg9[%dma_wait3A_570, %dma_wait3A_571, %dma_wait3A_581, %dma_wait3A_582, %dma_wait3A_583] : memref<2x2x8x8x128xf32, #tpu.memory_space<vmem>> -> memref<1x1x8x8x128xf32, #tpu.memory_space<vmem>>
      %dma_wait3A_585 = tpu.memref_squeeze %dma_wait3A_584 : memref<1x1x8x8x128xf32, #tpu.memory_space<vmem>> -> memref<8x8x128xf32, #tpu.memory_space<vmem>>
      %dma_wait3A_586 = arith.constant 0 : i32
      %dma_wait3A_587 = arith.constant 0 : i32
      %dma_wait3A_588 = arith.constant 0 : i32
      %dma_wait3A_589 = tpu.memref_slice %arg4[%dma_wait3A_586, %dma_wait3A_587, %dma_wait3A_588] : memref<8x8x1000000xf32, #tpu.memory_space<hbm>> -> memref<8x8x128xf32, #tpu.memory_space<hbm>>
      tpu.wait_dma2 semaphore(%arg12 : memref<!tpu.dma_semaphore, #tpu.memory_space<semaphore_mem>>) src(%dma_wait3A_589 : memref<8x8x128xf32, #tpu.memory_space<hbm>>) dst(%dma_wait3A_585 : memref<8x8x128xf32, #tpu.memory_space<vmem>>)
      %dma_wait3A_590 = arith.constant 0 : i32
      %dma_wait3A_591 = arith.constant 0 : i32
      %dma_wait3A_592 = arith.constant 0 : i32
      %dma_wait3A_593 = arith.constant 0 : i32
      %dma_wait3A_594 = arith.constant 0 : i32
      %dma_wait3A_595 = tpu.memref_slice %arg9[%dma_wait3A_590, %dma_wait3A_591, %dma_wait3A_592, %dma_wait3A_593, %dma_wait3A_594] : memref<2x2x8x8x128xf32, #tpu.memory_space<vmem>> -> memref<1x1x8x8x128xf32, #tpu.memory_space<vmem>>
      %dma_wait3A_596 = tpu.memref_squeeze %dma_wait3A_595 : memref<1x1x8x8x128xf32, #tpu.memory_space<vmem>> -> memref<8x8x128xf32, #tpu.memory_space<vmem>>
      %dma_wait3A_597 = arith.constant 0 : i32
      %dma_wait3A_598 = arith.constant 0 : i32
      %dma_wait3A_599 = arith.constant 0 : i32
      %dma_wait3A_600 = tpu.memref_slice %arg4[%dma_wait3A_597, %dma_wait3A_598, %dma_wait3A_599] : memref<8x8x1000000xf32, #tpu.memory_space<hbm>> -> memref<8x8x128xf32, #tpu.memory_space<hbm>>
      %dma_wait3A_601 = arith.constant 0 : i32
      %dma_wait3A_602 = arith.constant 0 : i32
      %dma_wait3A_603 = arith.constant 0 : i32
      %dma_wait3A_604 = tpu.memref_slice %arg9[%dma_wait3A_590, %dma_wait3A_591, %dma_wait3A_601, %dma_wait3A_602, %dma_wait3A_603] : memref<2x2x8x8x128xf32, #tpu.memory_space<vmem>> -> memref<1x1x8x8x128xf32, #tpu.memory_space<vmem>>
      %dma_wait3A_605 = tpu.memref_squeeze %dma_wait3A_604 : memref<1x1x8x8x128xf32, #tpu.memory_space<vmem>> -> memref<8x8x128xf32, #tpu.memory_space<vmem>>
      %dma_wait3A_606 = arith.constant 0 : i32
      %dma_wait3A_607 = arith.constant 0 : i32
      %dma_wait3A_608 = arith.constant 0 : i32
      %dma_wait3A_609 = tpu.memref_slice %arg4[%dma_wait3A_606, %dma_wait3A_607, %dma_wait3A_608] : memref<8x8x1000000xf32, #tpu.memory_space<hbm>> -> memref<8x8x128xf32, #tpu.memory_space<hbm>>
      tpu.wait_dma2 semaphore(%arg12 : memref<!tpu.dma_semaphore, #tpu.memory_space<semaphore_mem>>) src(%dma_wait3A_609 : memref<8x8x128xf32, #tpu.memory_space<hbm>>) dst(%dma_wait3A_605 : memref<8x8x128xf32, #tpu.memory_space<vmem>>)
      %dma_wait3A_610 = arith.constant 0 : i32
      %dma_wait3A_611 = arith.constant 0 : i32
      %dma_wait3A_612 = arith.constant 0 : i32
      %dma_wait3A_613 = arith.constant 0 : i32
      %dma_wait3A_614 = arith.constant 0 : i32
      %dma_wait3A_615 = tpu.memref_slice %arg9[%dma_wait3A_610, %dma_wait3A_611, %dma_wait3A_612, %dma_wait3A_613, %dma_wait3A_614] : memref<2x2x8x8x128xf32, #tpu.memory_space<vmem>> -> memref<1x1x8x8x128xf32, #tpu.memory_space<vmem>>
      %dma_wait3A_616 = tpu.memref_squeeze %dma_wait3A_615 : memref<1x1x8x8x128xf32, #tpu.memory_space<vmem>> -> memref<8x8x128xf32, #tpu.memory_space<vmem>>
      %dma_wait3A_617 = arith.constant 0 : i32
      %dma_wait3A_618 = arith.constant 0 : i32
      %dma_wait3A_619 = arith.constant 0 : i32
      %dma_wait3A_620 = tpu.memref_slice %arg4[%dma_wait3A_617, %dma_wait3A_618, %dma_wait3A_619] : memref<8x8x1000000xf32, #tpu.memory_space<hbm>> -> memref<8x8x128xf32, #tpu.memory_space<hbm>>
      %dma_wait3A_621 = arith.constant 0 : i32
      %dma_wait3A_622 = arith.constant 0 : i32
      %dma_wait3A_623 = arith.constant 0 : i32
      %dma_wait3A_624 = tpu.memref_slice %arg9[%dma_wait3A_610, %dma_wait3A_611, %dma_wait3A_621, %dma_wait3A_622, %dma_wait3A_623] : memref<2x2x8x8x128xf32, #tpu.memory_space<vmem>> -> memref<1x1x8x8x128xf32, #tpu.memory_space<vmem>>
      %dma_wait3A_625 = tpu.memref_squeeze %dma_wait3A_624 : memref<1x1x8x8x128xf32, #tpu.memory_space<vmem>> -> memref<8x8x128xf32, #tpu.memory_space<vmem>>
      %dma_wait3A_626 = arith.constant 0 : i32
      %dma_wait3A_627 = arith.constant 0 : i32
      %dma_wait3A_628 = arith.constant 0 : i32
      %dma_wait3A_629 = tpu.memref_slice %arg4[%dma_wait3A_626, %dma_wait3A_627, %dma_wait3A_628] : memref<8x8x1000000xf32, #tpu.memory_space<hbm>> -> memref<8x8x128xf32, #tpu.memory_space<hbm>>
      tpu.wait_dma2 semaphore(%arg12 : memref<!tpu.dma_semaphore, #tpu.memory_space<semaphore_mem>>) src(%dma_wait3A_629 : memref<8x8x128xf32, #tpu.memory_space<hbm>>) dst(%dma_wait3A_625 : memref<8x8x128xf32, #tpu.memory_space<vmem>>)
      %slice3A_630 = vector.extract_strided_slice %get3A_284 {offsets = [2], sizes = [1], strides = [1]} : vector<16xi32> to vector<1xi32>
      %squeeze3A_631 = vector.extract %slice3A_630[0] : i32 from vector<1xi32>
      %and3A_632 = arith.constant 127 : i32
      %and3A_633 = arith.andi %squeeze3A_631, %and3A_632 : i32
      %broadcast_in_dim3A_634 = vector.broadcast %and3A_633 : i32 to vector<16xi32>
      %slice3A_635 = vector.extract_strided_slice %get3A_287 {offsets = [2], sizes = [1], strides = [1]} : vector<16xi32> to vector<1xi32>
      %squeeze3A_636 = vector.extract %slice3A_635[0] : i32 from vector<1xi32>
      %and3A_637 = arith.constant 127 : i32
      %and3A_638 = arith.andi %squeeze3A_636, %and3A_637 : i32
      %broadcast_in_dim3A_639 = vector.broadcast %and3A_638 : i32 to vector<16xi32>
      %broadcast_in_dim3A_640 = arith.constant 1 : i32
      %broadcast_in_dim3A_641 = vector.broadcast %broadcast_in_dim3A_640 : i32 to vector<16xi32>
      %broadcast_in_dim3A_642 = arith.constant 0 : i32
      %broadcast_in_dim3A_643 = vector.broadcast %broadcast_in_dim3A_642 : i32 to vector<16xi32>
      %broadcast_in_dim3A_644 = arith.constant 0.000000e+00 : f32
      %broadcast_in_dim3A_645 = vector.broadcast %broadcast_in_dim3A_644 : f32 to vector<16xf32>
      %gather3A_646 = tpu.vector_load_idx %arg9[%broadcast_in_dim3A_641, %broadcast_in_dim3A_643, %add3A_7, %and3A_2, %broadcast_in_dim3A_634] : memref<2x2x8x8x128xf32, #tpu.memory_space<vmem>>[vector<16xi32>, vector<16xi32>, vector<16xi32>, vector<16xi32>, vector<16xi32>], vector<16xf32>,
      %gather3A_647 = tpu.vector_load_idx %arg10[%broadcast_in_dim3A_641, %broadcast_in_dim3A_643, %add3A_7, %and3A_2, %broadcast_in_dim3A_639] : memref<2x2x8x8x128xf32, #tpu.memory_space<vmem>>[vector<16xi32>, vector<16xi32>, vector<16xi32>, vector<16xi32>, vector<16xi32>], vector<16xf32>,
      %mul3A_648 = arith.mulf %gather3A_646, %gather3A_647 : vector<16xf32>
      %add3A_649 = arith.addf %broadcast_in_dim3A_645, %mul3A_648 : vector<16xf32>
      %gather3A_650 = tpu.vector_load_idx %arg9[%broadcast_in_dim3A_641, %broadcast_in_dim3A_643, %add3A_13, %and3A_2, %broadcast_in_dim3A_634] : memref<2x2x8x8x128xf32, #tpu.memory_space<vmem>>[vector<16xi32>, vector<16xi32>, vector<16xi32>, vector<16xi32>, vector<16xi32>], vector<16xf32>,
      %gather3A_651 = tpu.vector_load_idx %arg10[%broadcast_in_dim3A_641, %broadcast_in_dim3A_643, %add3A_13, %and3A_2, %broadcast_in_dim3A_639] : memref<2x2x8x8x128xf32, #tpu.memory_space<vmem>>[vector<16xi32>, vector<16xi32>, vector<16xi32>, vector<16xi32>, vector<16xi32>], vector<16xf32>,
      %mul3A_652 = arith.mulf %gather3A_650, %gather3A_651 : vector<16xf32>
      %add3A_653 = arith.addf %add3A_649, %mul3A_652 : vector<16xf32>
      %gather3A_654 = tpu.vector_load_idx %arg9[%broadcast_in_dim3A_641, %broadcast_in_dim3A_643, %add3A_19, %and3A_2, %broadcast_in_dim3A_634] : memref<2x2x8x8x128xf32, #tpu.memory_space<vmem>>[vector<16xi32>, vector<16xi32>, vector<16xi32>, vector<16xi32>, vector<16xi32>], vector<16xf32>,
      %gather3A_655 = tpu.vector_load_idx %arg10[%broadcast_in_dim3A_641, %broadcast_in_dim3A_643, %add3A_19, %and3A_2, %broadcast_in_dim3A_639] : memref<2x2x8x8x128xf32, #tpu.memory_space<vmem>>[vector<16xi32>, vector<16xi32>, vector<16xi32>, vector<16xi32>, vector<16xi32>], vector<16xf32>,
      %mul3A_656 = arith.mulf %gather3A_654, %gather3A_655 : vector<16xf32>
      %add3A_657 = arith.addf %add3A_653, %mul3A_656 : vector<16xf32>
      %gather3A_658 = tpu.vector_load_idx %arg9[%broadcast_in_dim3A_641, %broadcast_in_dim3A_643, %add3A_25, %and3A_2, %broadcast_in_dim3A_634] : memref<2x2x8x8x128xf32, #tpu.memory_space<vmem>>[vector<16xi32>, vector<16xi32>, vector<16xi32>, vector<16xi32>, vector<16xi32>], vector<16xf32>,
      %gather3A_659 = tpu.vector_load_idx %arg10[%broadcast_in_dim3A_641, %broadcast_in_dim3A_643, %add3A_25, %and3A_2, %broadcast_in_dim3A_639] : memref<2x2x8x8x128xf32, #tpu.memory_space<vmem>>[vector<16xi32>, vector<16xi32>, vector<16xi32>, vector<16xi32>, vector<16xi32>], vector<16xf32>,
      %mul3A_660 = arith.mulf %gather3A_658, %gather3A_659 : vector<16xf32>
      %add3A_661 = arith.addf %add3A_657, %mul3A_660 : vector<16xf32>
      %reduce_sum3A_662 = arith.constant true
      %reduce_sum3A_663 = vector.broadcast %reduce_sum3A_662 : i1 to vector<16xi1>
      %reduce_sum3A_664 = tpu.scan <sum>, %add3A_661 masked %reduce_sum3A_663 : vector<16xf32>, vector<16xi1> -> vector<16xf32>
      %reduce_sum3A_665 = vector.extract %reduce_sum3A_664[15] : f32 from vector<16xf32>
      %broadcast_in_dim3A_666 = vector.broadcast %reduce_sum3A_665 : f32 to vector<16xf32>
      %select_n3A_667 = arith.select %eq3A_33, %broadcast_in_dim3A_666, %select_n3A_449 : vector<16xi1>, vector<16xf32>
      %slice3A_668 = vector.extract_strided_slice %get3A_284 {offsets = [3], sizes = [1], strides = [1]} : vector<16xi32> to vector<1xi32>
      %squeeze3A_669 = vector.extract %slice3A_668[0] : i32 from vector<1xi32>
      %and3A_670 = arith.constant 127 : i32
      %and3A_671 = arith.andi %squeeze3A_669, %and3A_670 : i32
      %broadcast_in_dim3A_672 = vector.broadcast %and3A_671 : i32 to vector<16xi32>
      %slice3A_673 = vector.extract_strided_slice %get3A_287 {offsets = [3], sizes = [1], strides = [1]} : vector<16xi32> to vector<1xi32>
      %squeeze3A_674 = vector.extract %slice3A_673[0] : i32 from vector<1xi32>
      %and3A_675 = arith.constant 127 : i32
      %and3A_676 = arith.andi %squeeze3A_674, %and3A_675 : i32
      %broadcast_in_dim3A_677 = vector.broadcast %and3A_676 : i32 to vector<16xi32>
      %broadcast_in_dim3A_678 = arith.constant 1 : i32
      %broadcast_in_dim3A_679 = vector.broadcast %broadcast_in_dim3A_678 : i32 to vector<16xi32>
      %broadcast_in_dim3A_680 = arith.constant 1 : i32
      %broadcast_in_dim3A_681 = vector.broadcast %broadcast_in_dim3A_680 : i32 to vector<16xi32>
      %broadcast_in_dim3A_682 = arith.constant 0.000000e+00 : f32
      %broadcast_in_dim3A_683 = vector.broadcast %broadcast_in_dim3A_682 : f32 to vector<16xf32>
      %gather3A_684 = tpu.vector_load_idx %arg9[%broadcast_in_dim3A_679, %broadcast_in_dim3A_681, %add3A_7, %and3A_2, %broadcast_in_dim3A_672] : memref<2x2x8x8x128xf32, #tpu.memory_space<vmem>>[vector<16xi32>, vector<16xi32>, vector<16xi32>, vector<16xi32>, vector<16xi32>], vector<16xf32>,
      %gather3A_685 = tpu.vector_load_idx %arg10[%broadcast_in_dim3A_679, %broadcast_in_dim3A_681, %add3A_7, %and3A_2, %broadcast_in_dim3A_677] : memref<2x2x8x8x128xf32, #tpu.memory_space<vmem>>[vector<16xi32>, vector<16xi32>, vector<16xi32>, vector<16xi32>, vector<16xi32>], vector<16xf32>,
      %mul3A_686 = arith.mulf %gather3A_684, %gather3A_685 : vector<16xf32>
      %add3A_687 = arith.addf %broadcast_in_dim3A_683, %mul3A_686 : vector<16xf32>
      %gather3A_688 = tpu.vector_load_idx %arg9[%broadcast_in_dim3A_679, %broadcast_in_dim3A_681, %add3A_13, %and3A_2, %broadcast_in_dim3A_672] : memref<2x2x8x8x128xf32, #tpu.memory_space<vmem>>[vector<16xi32>, vector<16xi32>, vector<16xi32>, vector<16xi32>, vector<16xi32>], vector<16xf32>,
      %gather3A_689 = tpu.vector_load_idx %arg10[%broadcast_in_dim3A_679, %broadcast_in_dim3A_681, %add3A_13, %and3A_2, %broadcast_in_dim3A_677] : memref<2x2x8x8x128xf32, #tpu.memory_space<vmem>>[vector<16xi32>, vector<16xi32>, vector<16xi32>, vector<16xi32>, vector<16xi32>], vector<16xf32>,
      %mul3A_690 = arith.mulf %gather3A_688, %gather3A_689 : vector<16xf32>
      %add3A_691 = arith.addf %add3A_687, %mul3A_690 : vector<16xf32>
      %gather3A_692 = tpu.vector_load_idx %arg9[%broadcast_in_dim3A_679, %broadcast_in_dim3A_681, %add3A_19, %and3A_2, %broadcast_in_dim3A_672] : memref<2x2x8x8x128xf32, #tpu.memory_space<vmem>>[vector<16xi32>, vector<16xi32>, vector<16xi32>, vector<16xi32>, vector<16xi32>], vector<16xf32>,
      %gather3A_693 = tpu.vector_load_idx %arg10[%broadcast_in_dim3A_679, %broadcast_in_dim3A_681, %add3A_19, %and3A_2, %broadcast_in_dim3A_677] : memref<2x2x8x8x128xf32, #tpu.memory_space<vmem>>[vector<16xi32>, vector<16xi32>, vector<16xi32>, vector<16xi32>, vector<16xi32>], vector<16xf32>,
      %mul3A_694 = arith.mulf %gather3A_692, %gather3A_693 : vector<16xf32>
      %add3A_695 = arith.addf %add3A_691, %mul3A_694 : vector<16xf32>
      %gather3A_696 = tpu.vector_load_idx %arg9[%broadcast_in_dim3A_679, %broadcast_in_dim3A_681, %add3A_25, %and3A_2, %broadcast_in_dim3A_672] : memref<2x2x8x8x128xf32, #tpu.memory_space<vmem>>[vector<16xi32>, vector<16xi32>, vector<16xi32>, vector<16xi32>, vector<16xi32>], vector<16xf32>,
      %gather3A_697 = tpu.vector_load_idx %arg10[%broadcast_in_dim3A_679, %broadcast_in_dim3A_681, %add3A_25, %and3A_2, %broadcast_in_dim3A_677] : memref<2x2x8x8x128xf32, #tpu.memory_space<vmem>>[vector<16xi32>, vector<16xi32>, vector<16xi32>, vector<16xi32>, vector<16xi32>], vector<16xf32>,
      %mul3A_698 = arith.mulf %gather3A_696, %gather3A_697 : vector<16xf32>
      %add3A_699 = arith.addf %add3A_695, %mul3A_698 : vector<16xf32>
      %reduce_sum3A_700 = arith.constant true
      %reduce_sum3A_701 = vector.broadcast %reduce_sum3A_700 : i1 to vector<16xi1>
      %reduce_sum3A_702 = tpu.scan <sum>, %add3A_699 masked %reduce_sum3A_701 : vector<16xf32>, vector<16xi1> -> vector<16xf32>
      %reduce_sum3A_703 = vector.extract %reduce_sum3A_702[15] : f32 from vector<16xf32>
      %broadcast_in_dim3A_704 = vector.broadcast %reduce_sum3A_703 : f32 to vector<16xf32>
      %select_n3A_705 = arith.select %eq3A_36, %broadcast_in_dim3A_704, %select_n3A_667 : vector<16xi1>, vector<16xf32>
      %slice3A_706 = vector.extract_strided_slice %get3A_284 {offsets = [6], sizes = [1], strides = [1]} : vector<16xi32> to vector<1xi32>
      %squeeze3A_707 = vector.extract %slice3A_706[0] : i32 from vector<1xi32>
      %slice3A_708 = vector.extract_strided_slice %get3A_287 {offsets = [6], sizes = [1], strides = [1]} : vector<16xi32> to vector<1xi32>
      %squeeze3A_709 = vector.extract %slice3A_708[0] : i32 from vector<1xi32>
      %shift_right_logical3A_710 = arith.constant 7 : i32
      %shift_right_logical3A_711 = arith.shrui %squeeze3A_707, %shift_right_logical3A_710 : i32
      %shift_left3A_712 = arith.constant 7 : i32
      %shift_left3A_713 = arith.shli %shift_right_logical3A_711, %shift_left3A_712 : i32
      %multiple_of3A_714 = tpu.assume_multiple %shift_left3A_713, 128 : i32
      %shift_right_logical3A_715 = arith.constant 7 : i32
      %shift_right_logical3A_716 = arith.shrui %squeeze3A_709, %shift_right_logical3A_715 : i32
      %shift_left3A_717 = arith.constant 7 : i32
      %shift_left3A_718 = arith.shli %shift_right_logical3A_716, %shift_left3A_717 : i32
      %multiple_of3A_719 = tpu.assume_multiple %shift_left3A_718, 128 : i32
      %dma_start3A_720 = arith.constant 1 : i32
      %dma_start3A_721 = arith.constant 0 : i32
      %dma_start3A_722 = arith.constant 0 : i32
      %dma_start3A_723 = arith.constant 0 : i32
      %dma_start3A_724 = arith.constant 0 : i32
      %dma_start3A_725 = tpu.memref_slice %arg9[%dma_start3A_720, %dma_start3A_721, %dma_start3A_722, %dma_start3A_723, %dma_start3A_724] : memref<2x2x8x8x128xf32, #tpu.memory_space<vmem>> -> memref<1x1x8x8x128xf32, #tpu.memory_space<vmem>>
      %dma_start3A_726 = tpu.memref_squeeze %dma_start3A_725 : memref<1x1x8x8x128xf32, #tpu.memory_space<vmem>> -> memref<8x8x128xf32, #tpu.memory_space<vmem>>
      %dma_start3A_727 = arith.constant 0 : i32
      %dma_start3A_728 = arith.constant 0 : i32
      %dma_start3A_729 = tpu.memref_slice %arg4[%dma_start3A_727, %dma_start3A_728, %multiple_of3A_714] : memref<8x8x1000000xf32, #tpu.memory_space<hbm>> -> memref<8x8x128xf32, #tpu.memory_space<hbm>>
      %dma_start3A_730 = arith.constant 0 : i32
      %dma_start3A_731 = arith.constant 0 : i32
      %dma_start3A_732 = arith.constant 0 : i32
      %dma_start3A_733 = tpu.memref_slice %arg9[%dma_start3A_720, %dma_start3A_721, %dma_start3A_730, %dma_start3A_731, %dma_start3A_732] : memref<2x2x8x8x128xf32, #tpu.memory_space<vmem>> -> memref<1x1x8x8x128xf32, #tpu.memory_space<vmem>>
      %dma_start3A_734 = tpu.memref_squeeze %dma_start3A_733 : memref<1x1x8x8x128xf32, #tpu.memory_space<vmem>> -> memref<8x8x128xf32, #tpu.memory_space<vmem>>
      %dma_start3A_735 = arith.constant 0 : i32
      %dma_start3A_736 = arith.constant 0 : i32
      %dma_start3A_737 = tpu.memref_slice %arg4[%dma_start3A_735, %dma_start3A_736, %multiple_of3A_714] : memref<8x8x1000000xf32, #tpu.memory_space<hbm>> -> memref<8x8x128xf32, #tpu.memory_space<hbm>>
      tpu.enqueue_dma source(%dma_start3A_737 : memref<8x8x128xf32, #tpu.memory_space<hbm>>) target(%dma_start3A_734 : memref<8x8x128xf32, #tpu.memory_space<vmem>>) target_semaphore(%arg12 : memref<!tpu.dma_semaphore, #tpu.memory_space<semaphore_mem>>)
      %dma_start3A_738 = arith.constant 1 : i32
      %dma_start3A_739 = arith.constant 0 : i32
      %dma_start3A_740 = arith.constant 0 : i32
      %dma_start3A_741 = arith.constant 0 : i32
      %dma_start3A_742 = arith.constant 0 : i32
      %dma_start3A_743 = tpu.memref_slice %arg10[%dma_start3A_738, %dma_start3A_739, %dma_start3A_740, %dma_start3A_741, %dma_start3A_742] : memref<2x2x8x8x128xf32, #tpu.memory_space<vmem>> -> memref<1x1x8x8x128xf32, #tpu.memory_space<vmem>>
      %dma_start3A_744 = tpu.memref_squeeze %dma_start3A_743 : memref<1x1x8x8x128xf32, #tpu.memory_space<vmem>> -> memref<8x8x128xf32, #tpu.memory_space<vmem>>
      %dma_start3A_745 = arith.constant 0 : i32
      %dma_start3A_746 = arith.constant 0 : i32
      %dma_start3A_747 = tpu.memref_slice %arg5[%dma_start3A_745, %dma_start3A_746, %multiple_of3A_719] : memref<8x8x1000000xf32, #tpu.memory_space<hbm>> -> memref<8x8x128xf32, #tpu.memory_space<hbm>>
      %dma_start3A_748 = arith.constant 0 : i32
      %dma_start3A_749 = arith.constant 0 : i32
      %dma_start3A_750 = arith.constant 0 : i32
      %dma_start3A_751 = tpu.memref_slice %arg10[%dma_start3A_738, %dma_start3A_739, %dma_start3A_748, %dma_start3A_749, %dma_start3A_750] : memref<2x2x8x8x128xf32, #tpu.memory_space<vmem>> -> memref<1x1x8x8x128xf32, #tpu.memory_space<vmem>>
      %dma_start3A_752 = tpu.memref_squeeze %dma_start3A_751 : memref<1x1x8x8x128xf32, #tpu.memory_space<vmem>> -> memref<8x8x128xf32, #tpu.memory_space<vmem>>
      %dma_start3A_753 = arith.constant 0 : i32
      %dma_start3A_754 = arith.constant 0 : i32
      %dma_start3A_755 = tpu.memref_slice %arg5[%dma_start3A_753, %dma_start3A_754, %multiple_of3A_719] : memref<8x8x1000000xf32, #tpu.memory_space<hbm>> -> memref<8x8x128xf32, #tpu.memory_space<hbm>>
      tpu.enqueue_dma source(%dma_start3A_755 : memref<8x8x128xf32, #tpu.memory_space<hbm>>) target(%dma_start3A_752 : memref<8x8x128xf32, #tpu.memory_space<vmem>>) target_semaphore(%arg12 : memref<!tpu.dma_semaphore, #tpu.memory_space<semaphore_mem>>)
      %slice3A_756 = vector.extract_strided_slice %get3A_284 {offsets = [7], sizes = [1], strides = [1]} : vector<16xi32> to vector<1xi32>
      %squeeze3A_757 = vector.extract %slice3A_756[0] : i32 from vector<1xi32>
      %slice3A_758 = vector.extract_strided_slice %get3A_287 {offsets = [7], sizes = [1], strides = [1]} : vector<16xi32> to vector<1xi32>
      %squeeze3A_759 = vector.extract %slice3A_758[0] : i32 from vector<1xi32>
      %shift_right_logical3A_760 = arith.constant 7 : i32
      %shift_right_logical3A_761 = arith.shrui %squeeze3A_757, %shift_right_logical3A_760 : i32
      %shift_left3A_762 = arith.constant 7 : i32
      %shift_left3A_763 = arith.shli %shift_right_logical3A_761, %shift_left3A_762 : i32
      %multiple_of3A_764 = tpu.assume_multiple %shift_left3A_763, 128 : i32
      %shift_right_logical3A_765 = arith.constant 7 : i32
      %shift_right_logical3A_766 = arith.shrui %squeeze3A_759, %shift_right_logical3A_765 : i32
      %shift_left3A_767 = arith.constant 7 : i32
      %shift_left3A_768 = arith.shli %shift_right_logical3A_766, %shift_left3A_767 : i32
      %multiple_of3A_769 = tpu.assume_multiple %shift_left3A_768, 128 : i32
      %dma_start3A_770 = arith.constant 1 : i32
      %dma_start3A_771 = arith.constant 1 : i32
      %dma_start3A_772 = arith.constant 0 : i32
      %dma_start3A_773 = arith.constant 0 : i32
      %dma_start3A_774 = arith.constant 0 : i32
      %dma_start3A_775 = tpu.memref_slice %arg9[%dma_start3A_770, %dma_start3A_771, %dma_start3A_772, %dma_start3A_773, %dma_start3A_774] : memref<2x2x8x8x128xf32, #tpu.memory_space<vmem>> -> memref<1x1x8x8x128xf32, #tpu.memory_space<vmem>>
      %dma_start3A_776 = tpu.memref_squeeze %dma_start3A_775 : memref<1x1x8x8x128xf32, #tpu.memory_space<vmem>> -> memref<8x8x128xf32, #tpu.memory_space<vmem>>
      %dma_start3A_777 = arith.constant 0 : i32
      %dma_start3A_778 = arith.constant 0 : i32
      %dma_start3A_779 = tpu.memref_slice %arg4[%dma_start3A_777, %dma_start3A_778, %multiple_of3A_764] : memref<8x8x1000000xf32, #tpu.memory_space<hbm>> -> memref<8x8x128xf32, #tpu.memory_space<hbm>>
      %dma_start3A_780 = arith.constant 0 : i32
      %dma_start3A_781 = arith.constant 0 : i32
      %dma_start3A_782 = arith.constant 0 : i32
      %dma_start3A_783 = tpu.memref_slice %arg9[%dma_start3A_770, %dma_start3A_771, %dma_start3A_780, %dma_start3A_781, %dma_start3A_782] : memref<2x2x8x8x128xf32, #tpu.memory_space<vmem>> -> memref<1x1x8x8x128xf32, #tpu.memory_space<vmem>>
      %dma_start3A_784 = tpu.memref_squeeze %dma_start3A_783 : memref<1x1x8x8x128xf32, #tpu.memory_space<vmem>> -> memref<8x8x128xf32, #tpu.memory_space<vmem>>
      %dma_start3A_785 = arith.constant 0 : i32
      %dma_start3A_786 = arith.constant 0 : i32
      %dma_start3A_787 = tpu.memref_slice %arg4[%dma_start3A_785, %dma_start3A_786, %multiple_of3A_764] : memref<8x8x1000000xf32, #tpu.memory_space<hbm>> -> memref<8x8x128xf32, #tpu.memory_space<hbm>>
      tpu.enqueue_dma source(%dma_start3A_787 : memref<8x8x128xf32, #tpu.memory_space<hbm>>) target(%dma_start3A_784 : memref<8x8x128xf32, #tpu.memory_space<vmem>>) target_semaphore(%arg12 : memref<!tpu.dma_semaphore, #tpu.memory_space<semaphore_mem>>)
      %dma_start3A_788 = arith.constant 1 : i32
      %dma_start3A_789 = arith.constant 1 : i32
      %dma_start3A_790 = arith.constant 0 : i32
      %dma_start3A_791 = arith.constant 0 : i32
      %dma_start3A_792 = arith.constant 0 : i32
      %dma_start3A_793 = tpu.memref_slice %arg10[%dma_start3A_788, %dma_start3A_789, %dma_start3A_790, %dma_start3A_791, %dma_start3A_792] : memref<2x2x8x8x128xf32, #tpu.memory_space<vmem>> -> memref<1x1x8x8x128xf32, #tpu.memory_space<vmem>>
      %dma_start3A_794 = tpu.memref_squeeze %dma_start3A_793 : memref<1x1x8x8x128xf32, #tpu.memory_space<vmem>> -> memref<8x8x128xf32, #tpu.memory_space<vmem>>
      %dma_start3A_795 = arith.constant 0 : i32
      %dma_start3A_796 = arith.constant 0 : i32
      %dma_start3A_797 = tpu.memref_slice %arg5[%dma_start3A_795, %dma_start3A_796, %multiple_of3A_769] : memref<8x8x1000000xf32, #tpu.memory_space<hbm>> -> memref<8x8x128xf32, #tpu.memory_space<hbm>>
      %dma_start3A_798 = arith.constant 0 : i32
      %dma_start3A_799 = arith.constant 0 : i32
      %dma_start3A_800 = arith.constant 0 : i32
      %dma_start3A_801 = tpu.memref_slice %arg10[%dma_start3A_788, %dma_start3A_789, %dma_start3A_798, %dma_start3A_799, %dma_start3A_800] : memref<2x2x8x8x128xf32, #tpu.memory_space<vmem>> -> memref<1x1x8x8x128xf32, #tpu.memory_space<vmem>>
      %dma_start3A_802 = tpu.memref_squeeze %dma_start3A_801 : memref<1x1x8x8x128xf32, #tpu.memory_space<vmem>> -> memref<8x8x128xf32, #tpu.memory_space<vmem>>
      %dma_start3A_803 = arith.constant 0 : i32
      %dma_start3A_804 = arith.constant 0 : i32
      %dma_start3A_805 = tpu.memref_slice %arg5[%dma_start3A_803, %dma_start3A_804, %multiple_of3A_769] : memref<8x8x1000000xf32, #tpu.memory_space<hbm>> -> memref<8x8x128xf32, #tpu.memory_space<hbm>>
      tpu.enqueue_dma source(%dma_start3A_805 : memref<8x8x128xf32, #tpu.memory_space<hbm>>) target(%dma_start3A_802 : memref<8x8x128xf32, #tpu.memory_space<vmem>>) target_semaphore(%arg12 : memref<!tpu.dma_semaphore, #tpu.memory_space<semaphore_mem>>)
      %dma_wait3A_806 = arith.constant 0 : i32
      %dma_wait3A_807 = arith.constant 0 : i32
      %dma_wait3A_808 = arith.constant 0 : i32
      %dma_wait3A_809 = arith.constant 0 : i32
      %dma_wait3A_810 = arith.constant 0 : i32
      %dma_wait3A_811 = tpu.memref_slice %arg9[%dma_wait3A_806, %dma_wait3A_807, %dma_wait3A_808, %dma_wait3A_809, %dma_wait3A_810] : memref<2x2x8x8x128xf32, #tpu.memory_space<vmem>> -> memref<1x1x8x8x128xf32, #tpu.memory_space<vmem>>
      %dma_wait3A_812 = tpu.memref_squeeze %dma_wait3A_811 : memref<1x1x8x8x128xf32, #tpu.memory_space<vmem>> -> memref<8x8x128xf32, #tpu.memory_space<vmem>>
      %dma_wait3A_813 = arith.constant 0 : i32
      %dma_wait3A_814 = arith.constant 0 : i32
      %dma_wait3A_815 = arith.constant 0 : i32
      %dma_wait3A_816 = tpu.memref_slice %arg4[%dma_wait3A_813, %dma_wait3A_814, %dma_wait3A_815] : memref<8x8x1000000xf32, #tpu.memory_space<hbm>> -> memref<8x8x128xf32, #tpu.memory_space<hbm>>
      %dma_wait3A_817 = arith.constant 0 : i32
      %dma_wait3A_818 = arith.constant 0 : i32
      %dma_wait3A_819 = arith.constant 0 : i32
      %dma_wait3A_820 = tpu.memref_slice %arg9[%dma_wait3A_806, %dma_wait3A_807, %dma_wait3A_817, %dma_wait3A_818, %dma_wait3A_819] : memref<2x2x8x8x128xf32, #tpu.memory_space<vmem>> -> memref<1x1x8x8x128xf32, #tpu.memory_space<vmem>>
      %dma_wait3A_821 = tpu.memref_squeeze %dma_wait3A_820 : memref<1x1x8x8x128xf32, #tpu.memory_space<vmem>> -> memref<8x8x128xf32, #tpu.memory_space<vmem>>
      %dma_wait3A_822 = arith.constant 0 : i32
      %dma_wait3A_823 = arith.constant 0 : i32
      %dma_wait3A_824 = arith.constant 0 : i32
      %dma_wait3A_825 = tpu.memref_slice %arg4[%dma_wait3A_822, %dma_wait3A_823, %dma_wait3A_824] : memref<8x8x1000000xf32, #tpu.memory_space<hbm>> -> memref<8x8x128xf32, #tpu.memory_space<hbm>>
      tpu.wait_dma2 semaphore(%arg12 : memref<!tpu.dma_semaphore, #tpu.memory_space<semaphore_mem>>) src(%dma_wait3A_825 : memref<8x8x128xf32, #tpu.memory_space<hbm>>) dst(%dma_wait3A_821 : memref<8x8x128xf32, #tpu.memory_space<vmem>>)
      %dma_wait3A_826 = arith.constant 0 : i32
      %dma_wait3A_827 = arith.constant 0 : i32
      %dma_wait3A_828 = arith.constant 0 : i32
      %dma_wait3A_829 = arith.constant 0 : i32
      %dma_wait3A_830 = arith.constant 0 : i32
      %dma_wait3A_831 = tpu.memref_slice %arg9[%dma_wait3A_826, %dma_wait3A_827, %dma_wait3A_828, %dma_wait3A_829, %dma_wait3A_830] : memref<2x2x8x8x128xf32, #tpu.memory_space<vmem>> -> memref<1x1x8x8x128xf32, #tpu.memory_space<vmem>>
      %dma_wait3A_832 = tpu.memref_squeeze %dma_wait3A_831 : memref<1x1x8x8x128xf32, #tpu.memory_space<vmem>> -> memref<8x8x128xf32, #tpu.memory_space<vmem>>
      %dma_wait3A_833 = arith.constant 0 : i32
      %dma_wait3A_834 = arith.constant 0 : i32
      %dma_wait3A_835 = arith.constant 0 : i32
      %dma_wait3A_836 = tpu.memref_slice %arg4[%dma_wait3A_833, %dma_wait3A_834, %dma_wait3A_835] : memref<8x8x1000000xf32, #tpu.memory_space<hbm>> -> memref<8x8x128xf32, #tpu.memory_space<hbm>>
      %dma_wait3A_837 = arith.constant 0 : i32
      %dma_wait3A_838 = arith.constant 0 : i32
      %dma_wait3A_839 = arith.constant 0 : i32
      %dma_wait3A_840 = tpu.memref_slice %arg9[%dma_wait3A_826, %dma_wait3A_827, %dma_wait3A_837, %dma_wait3A_838, %dma_wait3A_839] : memref<2x2x8x8x128xf32, #tpu.memory_space<vmem>> -> memref<1x1x8x8x128xf32, #tpu.memory_space<vmem>>
      %dma_wait3A_841 = tpu.memref_squeeze %dma_wait3A_840 : memref<1x1x8x8x128xf32, #tpu.memory_space<vmem>> -> memref<8x8x128xf32, #tpu.memory_space<vmem>>
      %dma_wait3A_842 = arith.constant 0 : i32
      %dma_wait3A_843 = arith.constant 0 : i32
      %dma_wait3A_844 = arith.constant 0 : i32
      %dma_wait3A_845 = tpu.memref_slice %arg4[%dma_wait3A_842, %dma_wait3A_843, %dma_wait3A_844] : memref<8x8x1000000xf32, #tpu.memory_space<hbm>> -> memref<8x8x128xf32, #tpu.memory_space<hbm>>
      tpu.wait_dma2 semaphore(%arg12 : memref<!tpu.dma_semaphore, #tpu.memory_space<semaphore_mem>>) src(%dma_wait3A_845 : memref<8x8x128xf32, #tpu.memory_space<hbm>>) dst(%dma_wait3A_841 : memref<8x8x128xf32, #tpu.memory_space<vmem>>)
      %dma_wait3A_846 = arith.constant 0 : i32
      %dma_wait3A_847 = arith.constant 0 : i32
      %dma_wait3A_848 = arith.constant 0 : i32
      %dma_wait3A_849 = arith.constant 0 : i32
      %dma_wait3A_850 = arith.constant 0 : i32
      %dma_wait3A_851 = tpu.memref_slice %arg9[%dma_wait3A_846, %dma_wait3A_847, %dma_wait3A_848, %dma_wait3A_849, %dma_wait3A_850] : memref<2x2x8x8x128xf32, #tpu.memory_space<vmem>> -> memref<1x1x8x8x128xf32, #tpu.memory_space<vmem>>
      %dma_wait3A_852 = tpu.memref_squeeze %dma_wait3A_851 : memref<1x1x8x8x128xf32, #tpu.memory_space<vmem>> -> memref<8x8x128xf32, #tpu.memory_space<vmem>>
      %dma_wait3A_853 = arith.constant 0 : i32
      %dma_wait3A_854 = arith.constant 0 : i32
      %dma_wait3A_855 = arith.constant 0 : i32
      %dma_wait3A_856 = tpu.memref_slice %arg4[%dma_wait3A_853, %dma_wait3A_854, %dma_wait3A_855] : memref<8x8x1000000xf32, #tpu.memory_space<hbm>> -> memref<8x8x128xf32, #tpu.memory_space<hbm>>
      %dma_wait3A_857 = arith.constant 0 : i32
      %dma_wait3A_858 = arith.constant 0 : i32
      %dma_wait3A_859 = arith.constant 0 : i32
      %dma_wait3A_860 = tpu.memref_slice %arg9[%dma_wait3A_846, %dma_wait3A_847, %dma_wait3A_857, %dma_wait3A_858, %dma_wait3A_859] : memref<2x2x8x8x128xf32, #tpu.memory_space<vmem>> -> memref<1x1x8x8x128xf32, #tpu.memory_space<vmem>>
      %dma_wait3A_861 = tpu.memref_squeeze %dma_wait3A_860 : memref<1x1x8x8x128xf32, #tpu.memory_space<vmem>> -> memref<8x8x128xf32, #tpu.memory_space<vmem>>
      %dma_wait3A_862 = arith.constant 0 : i32
      %dma_wait3A_863 = arith.constant 0 : i32
      %dma_wait3A_864 = arith.constant 0 : i32
      %dma_wait3A_865 = tpu.memref_slice %arg4[%dma_wait3A_862, %dma_wait3A_863, %dma_wait3A_864] : memref<8x8x1000000xf32, #tpu.memory_space<hbm>> -> memref<8x8x128xf32, #tpu.memory_space<hbm>>
      tpu.wait_dma2 semaphore(%arg12 : memref<!tpu.dma_semaphore, #tpu.memory_space<semaphore_mem>>) src(%dma_wait3A_865 : memref<8x8x128xf32, #tpu.memory_space<hbm>>) dst(%dma_wait3A_861 : memref<8x8x128xf32, #tpu.memory_space<vmem>>)
      %dma_wait3A_866 = arith.constant 0 : i32
      %dma_wait3A_867 = arith.constant 0 : i32
      %dma_wait3A_868 = arith.constant 0 : i32
      %dma_wait3A_869 = arith.constant 0 : i32
      %dma_wait3A_870 = arith.constant 0 : i32
      %dma_wait3A_871 = tpu.memref_slice %arg9[%dma_wait3A_866, %dma_wait3A_867, %dma_wait3A_868, %dma_wait3A_869, %dma_wait3A_870] : memref<2x2x8x8x128xf32, #tpu.memory_space<vmem>> -> memref<1x1x8x8x128xf32, #tpu.memory_space<vmem>>
      %dma_wait3A_872 = tpu.memref_squeeze %dma_wait3A_871 : memref<1x1x8x8x128xf32, #tpu.memory_space<vmem>> -> memref<8x8x128xf32, #tpu.memory_space<vmem>>
      %dma_wait3A_873 = arith.constant 0 : i32
      %dma_wait3A_874 = arith.constant 0 : i32
      %dma_wait3A_875 = arith.constant 0 : i32
      %dma_wait3A_876 = tpu.memref_slice %arg4[%dma_wait3A_873, %dma_wait3A_874, %dma_wait3A_875] : memref<8x8x1000000xf32, #tpu.memory_space<hbm>> -> memref<8x8x128xf32, #tpu.memory_space<hbm>>
      %dma_wait3A_877 = arith.constant 0 : i32
      %dma_wait3A_878 = arith.constant 0 : i32
      %dma_wait3A_879 = arith.constant 0 : i32
      %dma_wait3A_880 = tpu.memref_slice %arg9[%dma_wait3A_866, %dma_wait3A_867, %dma_wait3A_877, %dma_wait3A_878, %dma_wait3A_879] : memref<2x2x8x8x128xf32, #tpu.memory_space<vmem>> -> memref<1x1x8x8x128xf32, #tpu.memory_space<vmem>>
      %dma_wait3A_881 = tpu.memref_squeeze %dma_wait3A_880 : memref<1x1x8x8x128xf32, #tpu.memory_space<vmem>> -> memref<8x8x128xf32, #tpu.memory_space<vmem>>
      %dma_wait3A_882 = arith.constant 0 : i32
      %dma_wait3A_883 = arith.constant 0 : i32
      %dma_wait3A_884 = arith.constant 0 : i32
      %dma_wait3A_885 = tpu.memref_slice %arg4[%dma_wait3A_882, %dma_wait3A_883, %dma_wait3A_884] : memref<8x8x1000000xf32, #tpu.memory_space<hbm>> -> memref<8x8x128xf32, #tpu.memory_space<hbm>>
      tpu.wait_dma2 semaphore(%arg12 : memref<!tpu.dma_semaphore, #tpu.memory_space<semaphore_mem>>) src(%dma_wait3A_885 : memref<8x8x128xf32, #tpu.memory_space<hbm>>) dst(%dma_wait3A_881 : memref<8x8x128xf32, #tpu.memory_space<vmem>>)
      %slice3A_886 = vector.extract_strided_slice %get3A_284 {offsets = [4], sizes = [1], strides = [1]} : vector<16xi32> to vector<1xi32>
      %squeeze3A_887 = vector.extract %slice3A_886[0] : i32 from vector<1xi32>
      %and3A_888 = arith.constant 127 : i32
      %and3A_889 = arith.andi %squeeze3A_887, %and3A_888 : i32
      %broadcast_in_dim3A_890 = vector.broadcast %and3A_889 : i32 to vector<16xi32>
      %slice3A_891 = vector.extract_strided_slice %get3A_287 {offsets = [4], sizes = [1], strides = [1]} : vector<16xi32> to vector<1xi32>
      %squeeze3A_892 = vector.extract %slice3A_891[0] : i32 from vector<1xi32>
      %and3A_893 = arith.constant 127 : i32
      %and3A_894 = arith.andi %squeeze3A_892, %and3A_893 : i32
      %broadcast_in_dim3A_895 = vector.broadcast %and3A_894 : i32 to vector<16xi32>
      %broadcast_in_dim3A_896 = arith.constant 0 : i32
      %broadcast_in_dim3A_897 = vector.broadcast %broadcast_in_dim3A_896 : i32 to vector<16xi32>
      %broadcast_in_dim3A_898 = arith.constant 0 : i32
      %broadcast_in_dim3A_899 = vector.broadcast %broadcast_in_dim3A_898 : i32 to vector<16xi32>
      %broadcast_in_dim3A_900 = arith.constant 0.000000e+00 : f32
      %broadcast_in_dim3A_901 = vector.broadcast %broadcast_in_dim3A_900 : f32 to vector<16xf32>
      %gather3A_902 = tpu.vector_load_idx %arg9[%broadcast_in_dim3A_897, %broadcast_in_dim3A_899, %add3A_7, %and3A_2, %broadcast_in_dim3A_890] : memref<2x2x8x8x128xf32, #tpu.memory_space<vmem>>[vector<16xi32>, vector<16xi32>, vector<16xi32>, vector<16xi32>, vector<16xi32>], vector<16xf32>,
      %gather3A_903 = tpu.vector_load_idx %arg10[%broadcast_in_dim3A_897, %broadcast_in_dim3A_899, %add3A_7, %and3A_2, %broadcast_in_dim3A_895] : memref<2x2x8x8x128xf32, #tpu.memory_space<vmem>>[vector<16xi32>, vector<16xi32>, vector<16xi32>, vector<16xi32>, vector<16xi32>], vector<16xf32>,
      %mul3A_904 = arith.mulf %gather3A_902, %gather3A_903 : vector<16xf32>
      %add3A_905 = arith.addf %broadcast_in_dim3A_901, %mul3A_904 : vector<16xf32>
      %gather3A_906 = tpu.vector_load_idx %arg9[%broadcast_in_dim3A_897, %broadcast_in_dim3A_899, %add3A_13, %and3A_2, %broadcast_in_dim3A_890] : memref<2x2x8x8x128xf32, #tpu.memory_space<vmem>>[vector<16xi32>, vector<16xi32>, vector<16xi32>, vector<16xi32>, vector<16xi32>], vector<16xf32>,
      %gather3A_907 = tpu.vector_load_idx %arg10[%broadcast_in_dim3A_897, %broadcast_in_dim3A_899, %add3A_13, %and3A_2, %broadcast_in_dim3A_895] : memref<2x2x8x8x128xf32, #tpu.memory_space<vmem>>[vector<16xi32>, vector<16xi32>, vector<16xi32>, vector<16xi32>, vector<16xi32>], vector<16xf32>,
      %mul3A_908 = arith.mulf %gather3A_906, %gather3A_907 : vector<16xf32>
      %add3A_909 = arith.addf %add3A_905, %mul3A_908 : vector<16xf32>
      %gather3A_910 = tpu.vector_load_idx %arg9[%broadcast_in_dim3A_897, %broadcast_in_dim3A_899, %add3A_19, %and3A_2, %broadcast_in_dim3A_890] : memref<2x2x8x8x128xf32, #tpu.memory_space<vmem>>[vector<16xi32>, vector<16xi32>, vector<16xi32>, vector<16xi32>, vector<16xi32>], vector<16xf32>,
      %gather3A_911 = tpu.vector_load_idx %arg10[%broadcast_in_dim3A_897, %broadcast_in_dim3A_899, %add3A_19, %and3A_2, %broadcast_in_dim3A_895] : memref<2x2x8x8x128xf32, #tpu.memory_space<vmem>>[vector<16xi32>, vector<16xi32>, vector<16xi32>, vector<16xi32>, vector<16xi32>], vector<16xf32>,
      %mul3A_912 = arith.mulf %gather3A_910, %gather3A_911 : vector<16xf32>
      %add3A_913 = arith.addf %add3A_909, %mul3A_912 : vector<16xf32>
      %gather3A_914 = tpu.vector_load_idx %arg9[%broadcast_in_dim3A_897, %broadcast_in_dim3A_899, %add3A_25, %and3A_2, %broadcast_in_dim3A_890] : memref<2x2x8x8x128xf32, #tpu.memory_space<vmem>>[vector<16xi32>, vector<16xi32>, vector<16xi32>, vector<16xi32>, vector<16xi32>], vector<16xf32>,
      %gather3A_915 = tpu.vector_load_idx %arg10[%broadcast_in_dim3A_897, %broadcast_in_dim3A_899, %add3A_25, %and3A_2, %broadcast_in_dim3A_895] : memref<2x2x8x8x128xf32, #tpu.memory_space<vmem>>[vector<16xi32>, vector<16xi32>, vector<16xi32>, vector<16xi32>, vector<16xi32>], vector<16xf32>,
      %mul3A_916 = arith.mulf %gather3A_914, %gather3A_915 : vector<16xf32>
      %add3A_917 = arith.addf %add3A_913, %mul3A_916 : vector<16xf32>
      %reduce_sum3A_918 = arith.constant true
      %reduce_sum3A_919 = vector.broadcast %reduce_sum3A_918 : i1 to vector<16xi1>
      %reduce_sum3A_920 = tpu.scan <sum>, %add3A_917 masked %reduce_sum3A_919 : vector<16xf32>, vector<16xi1> -> vector<16xf32>
      %reduce_sum3A_921 = vector.extract %reduce_sum3A_920[15] : f32 from vector<16xf32>
      %broadcast_in_dim3A_922 = vector.broadcast %reduce_sum3A_921 : f32 to vector<16xf32>
      %select_n3A_923 = arith.select %eq3A_39, %broadcast_in_dim3A_922, %select_n3A_705 : vector<16xi1>, vector<16xf32>
      %slice3A_924 = vector.extract_strided_slice %get3A_284 {offsets = [5], sizes = [1], strides = [1]} : vector<16xi32> to vector<1xi32>
      %squeeze3A_925 = vector.extract %slice3A_924[0] : i32 from vector<1xi32>
      %and3A_926 = arith.constant 127 : i32
      %and3A_927 = arith.andi %squeeze3A_925, %and3A_926 : i32
      %broadcast_in_dim3A_928 = vector.broadcast %and3A_927 : i32 to vector<16xi32>
      %slice3A_929 = vector.extract_strided_slice %get3A_287 {offsets = [5], sizes = [1], strides = [1]} : vector<16xi32> to vector<1xi32>
      %squeeze3A_930 = vector.extract %slice3A_929[0] : i32 from vector<1xi32>
      %and3A_931 = arith.constant 127 : i32
      %and3A_932 = arith.andi %squeeze3A_930, %and3A_931 : i32
      %broadcast_in_dim3A_933 = vector.broadcast %and3A_932 : i32 to vector<16xi32>
      %broadcast_in_dim3A_934 = arith.constant 0 : i32
      %broadcast_in_dim3A_935 = vector.broadcast %broadcast_in_dim3A_934 : i32 to vector<16xi32>
      %broadcast_in_dim3A_936 = arith.constant 1 : i32
      %broadcast_in_dim3A_937 = vector.broadcast %broadcast_in_dim3A_936 : i32 to vector<16xi32>
      %broadcast_in_dim3A_938 = arith.constant 0.000000e+00 : f32
      %broadcast_in_dim3A_939 = vector.broadcast %broadcast_in_dim3A_938 : f32 to vector<16xf32>
      %gather3A_940 = tpu.vector_load_idx %arg9[%broadcast_in_dim3A_935, %broadcast_in_dim3A_937, %add3A_7, %and3A_2, %broadcast_in_dim3A_928] : memref<2x2x8x8x128xf32, #tpu.memory_space<vmem>>[vector<16xi32>, vector<16xi32>, vector<16xi32>, vector<16xi32>, vector<16xi32>], vector<16xf32>,
      %gather3A_941 = tpu.vector_load_idx %arg10[%broadcast_in_dim3A_935, %broadcast_in_dim3A_937, %add3A_7, %and3A_2, %broadcast_in_dim3A_933] : memref<2x2x8x8x128xf32, #tpu.memory_space<vmem>>[vector<16xi32>, vector<16xi32>, vector<16xi32>, vector<16xi32>, vector<16xi32>], vector<16xf32>,
      %mul3A_942 = arith.mulf %gather3A_940, %gather3A_941 : vector<16xf32>
      %add3A_943 = arith.addf %broadcast_in_dim3A_939, %mul3A_942 : vector<16xf32>
      %gather3A_944 = tpu.vector_load_idx %arg9[%broadcast_in_dim3A_935, %broadcast_in_dim3A_937, %add3A_13, %and3A_2, %broadcast_in_dim3A_928] : memref<2x2x8x8x128xf32, #tpu.memory_space<vmem>>[vector<16xi32>, vector<16xi32>, vector<16xi32>, vector<16xi32>, vector<16xi32>], vector<16xf32>,
      %gather3A_945 = tpu.vector_load_idx %arg10[%broadcast_in_dim3A_935, %broadcast_in_dim3A_937, %add3A_13, %and3A_2, %broadcast_in_dim3A_933] : memref<2x2x8x8x128xf32, #tpu.memory_space<vmem>>[vector<16xi32>, vector<16xi32>, vector<16xi32>, vector<16xi32>, vector<16xi32>], vector<16xf32>,
      %mul3A_946 = arith.mulf %gather3A_944, %gather3A_945 : vector<16xf32>
      %add3A_947 = arith.addf %add3A_943, %mul3A_946 : vector<16xf32>
      %gather3A_948 = tpu.vector_load_idx %arg9[%broadcast_in_dim3A_935, %broadcast_in_dim3A_937, %add3A_19, %and3A_2, %broadcast_in_dim3A_928] : memref<2x2x8x8x128xf32, #tpu.memory_space<vmem>>[vector<16xi32>, vector<16xi32>, vector<16xi32>, vector<16xi32>, vector<16xi32>], vector<16xf32>,
      %gather3A_949 = tpu.vector_load_idx %arg10[%broadcast_in_dim3A_935, %broadcast_in_dim3A_937, %add3A_19, %and3A_2, %broadcast_in_dim3A_933] : memref<2x2x8x8x128xf32, #tpu.memory_space<vmem>>[vector<16xi32>, vector<16xi32>, vector<16xi32>, vector<16xi32>, vector<16xi32>], vector<16xf32>,
      %mul3A_950 = arith.mulf %gather3A_948, %gather3A_949 : vector<16xf32>
      %add3A_951 = arith.addf %add3A_947, %mul3A_950 : vector<16xf32>
      %gather3A_952 = tpu.vector_load_idx %arg9[%broadcast_in_dim3A_935, %broadcast_in_dim3A_937, %add3A_25, %and3A_2, %broadcast_in_dim3A_928] : memref<2x2x8x8x128xf32, #tpu.memory_space<vmem>>[vector<16xi32>, vector<16xi32>, vector<16xi32>, vector<16xi32>, vector<16xi32>], vector<16xf32>,
      %gather3A_953 = tpu.vector_load_idx %arg10[%broadcast_in_dim3A_935, %broadcast_in_dim3A_937, %add3A_25, %and3A_2, %broadcast_in_dim3A_933] : memref<2x2x8x8x128xf32, #tpu.memory_space<vmem>>[vector<16xi32>, vector<16xi32>, vector<16xi32>, vector<16xi32>, vector<16xi32>], vector<16xf32>,
      %mul3A_954 = arith.mulf %gather3A_952, %gather3A_953 : vector<16xf32>
      %add3A_955 = arith.addf %add3A_951, %mul3A_954 : vector<16xf32>
      %reduce_sum3A_956 = arith.constant true
      %reduce_sum3A_957 = vector.broadcast %reduce_sum3A_956 : i1 to vector<16xi1>
      %reduce_sum3A_958 = tpu.scan <sum>, %add3A_955 masked %reduce_sum3A_957 : vector<16xf32>, vector<16xi1> -> vector<16xf32>
      %reduce_sum3A_959 = vector.extract %reduce_sum3A_958[15] : f32 from vector<16xf32>
      %broadcast_in_dim3A_960 = vector.broadcast %reduce_sum3A_959 : f32 to vector<16xf32>
      %select_n3A_961 = arith.select %eq3A_42, %broadcast_in_dim3A_960, %select_n3A_923 : vector<16xi1>, vector<16xf32>
      %slice3A_962 = vector.extract_strided_slice %get3A_284 {offsets = [8], sizes = [1], strides = [1]} : vector<16xi32> to vector<1xi32>
      %squeeze3A_963 = vector.extract %slice3A_962[0] : i32 from vector<1xi32>
      %slice3A_964 = vector.extract_strided_slice %get3A_287 {offsets = [8], sizes = [1], strides = [1]} : vector<16xi32> to vector<1xi32>
      %squeeze3A_965 = vector.extract %slice3A_964[0] : i32 from vector<1xi32>
      %shift_right_logical3A_966 = arith.constant 7 : i32
      %shift_right_logical3A_967 = arith.shrui %squeeze3A_963, %shift_right_logical3A_966 : i32
      %shift_left3A_968 = arith.constant 7 : i32
      %shift_left3A_969 = arith.shli %shift_right_logical3A_967, %shift_left3A_968 : i32
      %multiple_of3A_970 = tpu.assume_multiple %shift_left3A_969, 128 : i32
      %shift_right_logical3A_971 = arith.constant 7 : i32
      %shift_right_logical3A_972 = arith.shrui %squeeze3A_965, %shift_right_logical3A_971 : i32
      %shift_left3A_973 = arith.constant 7 : i32
      %shift_left3A_974 = arith.shli %shift_right_logical3A_972, %shift_left3A_973 : i32
      %multiple_of3A_975 = tpu.assume_multiple %shift_left3A_974, 128 : i32
      %dma_start3A_976 = arith.constant 0 : i32
      %dma_start3A_977 = arith.constant 0 : i32
      %dma_start3A_978 = arith.constant 0 : i32
      %dma_start3A_979 = arith.constant 0 : i32
      %dma_start3A_980 = arith.constant 0 : i32
      %dma_start3A_981 = tpu.memref_slice %arg9[%dma_start3A_976, %dma_start3A_977, %dma_start3A_978, %dma_start3A_979, %dma_start3A_980] : memref<2x2x8x8x128xf32, #tpu.memory_space<vmem>> -> memref<1x1x8x8x128xf32, #tpu.memory_space<vmem>>
      %dma_start3A_982 = tpu.memref_squeeze %dma_start3A_981 : memref<1x1x8x8x128xf32, #tpu.memory_space<vmem>> -> memref<8x8x128xf32, #tpu.memory_space<vmem>>
      %dma_start3A_983 = arith.constant 0 : i32
      %dma_start3A_984 = arith.constant 0 : i32
      %dma_start3A_985 = tpu.memref_slice %arg4[%dma_start3A_983, %dma_start3A_984, %multiple_of3A_970] : memref<8x8x1000000xf32, #tpu.memory_space<hbm>> -> memref<8x8x128xf32, #tpu.memory_space<hbm>>
      %dma_start3A_986 = arith.constant 0 : i32
      %dma_start3A_987 = arith.constant 0 : i32
      %dma_start3A_988 = arith.constant 0 : i32
      %dma_start3A_989 = tpu.memref_slice %arg9[%dma_start3A_976, %dma_start3A_977, %dma_start3A_986, %dma_start3A_987, %dma_start3A_988] : memref<2x2x8x8x128xf32, #tpu.memory_space<vmem>> -> memref<1x1x8x8x128xf32, #tpu.memory_space<vmem>>
      %dma_start3A_990 = tpu.memref_squeeze %dma_start3A_989 : memref<1x1x8x8x128xf32, #tpu.memory_space<vmem>> -> memref<8x8x128xf32, #tpu.memory_space<vmem>>
      %dma_start3A_991 = arith.constant 0 : i32
      %dma_start3A_992 = arith.constant 0 : i32
      %dma_start3A_993 = tpu.memref_slice %arg4[%dma_start3A_991, %dma_start3A_992, %multiple_of3A_970] : memref<8x8x1000000xf32, #tpu.memory_space<hbm>> -> memref<8x8x128xf32, #tpu.memory_space<hbm>>
      tpu.enqueue_dma source(%dma_start3A_993 : memref<8x8x128xf32, #tpu.memory_space<hbm>>) target(%dma_start3A_990 : memref<8x8x128xf32, #tpu.memory_space<vmem>>) target_semaphore(%arg12 : memref<!tpu.dma_semaphore, #tpu.memory_space<semaphore_mem>>)
      %dma_start3A_994 = arith.constant 0 : i32
      %dma_start3A_995 = arith.constant 0 : i32
      %dma_start3A_996 = arith.constant 0 : i32
      %dma_start3A_997 = arith.constant 0 : i32
      %dma_start3A_998 = arith.constant 0 : i32
      %dma_start3A_999 = tpu.memref_slice %arg10[%dma_start3A_994, %dma_start3A_995, %dma_start3A_996, %dma_start3A_997, %dma_start3A_998] : memref<2x2x8x8x128xf32, #tpu.memory_space<vmem>> -> memref<1x1x8x8x128xf32, #tpu.memory_space<vmem>>
      %dma_start3A_1000 = tpu.memref_squeeze %dma_start3A_999 : memref<1x1x8x8x128xf32, #tpu.memory_space<vmem>> -> memref<8x8x128xf32, #tpu.memory_space<vmem>>
      %dma_start3A_1001 = arith.constant 0 : i32
      %dma_start3A_1002 = arith.constant 0 : i32
      %dma_start3A_1003 = tpu.memref_slice %arg5[%dma_start3A_1001, %dma_start3A_1002, %multiple_of3A_975] : memref<8x8x1000000xf32, #tpu.memory_space<hbm>> -> memref<8x8x128xf32, #tpu.memory_space<hbm>>
      %dma_start3A_1004 = arith.constant 0 : i32
      %dma_start3A_1005 = arith.constant 0 : i32
      %dma_start3A_1006 = arith.constant 0 : i32
      %dma_start3A_1007 = tpu.memref_slice %arg10[%dma_start3A_994, %dma_start3A_995, %dma_start3A_1004, %dma_start3A_1005, %dma_start3A_1006] : memref<2x2x8x8x128xf32, #tpu.memory_space<vmem>> -> memref<1x1x8x8x128xf32, #tpu.memory_space<vmem>>
      %dma_start3A_1008 = tpu.memref_squeeze %dma_start3A_1007 : memref<1x1x8x8x128xf32, #tpu.memory_space<vmem>> -> memref<8x8x128xf32, #tpu.memory_space<vmem>>
      %dma_start3A_1009 = arith.constant 0 : i32
      %dma_start3A_1010 = arith.constant 0 : i32
      %dma_start3A_1011 = tpu.memref_slice %arg5[%dma_start3A_1009, %dma_start3A_1010, %multiple_of3A_975] : memref<8x8x1000000xf32, #tpu.memory_space<hbm>> -> memref<8x8x128xf32, #tpu.memory_space<hbm>>
      tpu.enqueue_dma source(%dma_start3A_1011 : memref<8x8x128xf32, #tpu.memory_space<hbm>>) target(%dma_start3A_1008 : memref<8x8x128xf32, #tpu.memory_space<vmem>>) target_semaphore(%arg12 : memref<!tpu.dma_semaphore, #tpu.memory_space<semaphore_mem>>)
      %slice3A_1012 = vector.extract_strided_slice %get3A_284 {offsets = [9], sizes = [1], strides = [1]} : vector<16xi32> to vector<1xi32>
      %squeeze3A_1013 = vector.extract %slice3A_1012[0] : i32 from vector<1xi32>
      %slice3A_1014 = vector.extract_strided_slice %get3A_287 {offsets = [9], sizes = [1], strides = [1]} : vector<16xi32> to vector<1xi32>
      %squeeze3A_1015 = vector.extract %slice3A_1014[0] : i32 from vector<1xi32>
      %shift_right_logical3A_1016 = arith.constant 7 : i32
      %shift_right_logical3A_1017 = arith.shrui %squeeze3A_1013, %shift_right_logical3A_1016 : i32
      %shift_left3A_1018 = arith.constant 7 : i32
      %shift_left3A_1019 = arith.shli %shift_right_logical3A_1017, %shift_left3A_1018 : i32
      %multiple_of3A_1020 = tpu.assume_multiple %shift_left3A_1019, 128 : i32
      %shift_right_logical3A_1021 = arith.constant 7 : i32
      %shift_right_logical3A_1022 = arith.shrui %squeeze3A_1015, %shift_right_logical3A_1021 : i32
      %shift_left3A_1023 = arith.constant 7 : i32
      %shift_left3A_1024 = arith.shli %shift_right_logical3A_1022, %shift_left3A_1023 : i32
      %multiple_of3A_1025 = tpu.assume_multiple %shift_left3A_1024, 128 : i32
      %dma_start3A_1026 = arith.constant 0 : i32
      %dma_start3A_1027 = arith.constant 1 : i32
      %dma_start3A_1028 = arith.constant 0 : i32
      %dma_start3A_1029 = arith.constant 0 : i32
      %dma_start3A_1030 = arith.constant 0 : i32
      %dma_start3A_1031 = tpu.memref_slice %arg9[%dma_start3A_1026, %dma_start3A_1027, %dma_start3A_1028, %dma_start3A_1029, %dma_start3A_1030] : memref<2x2x8x8x128xf32, #tpu.memory_space<vmem>> -> memref<1x1x8x8x128xf32, #tpu.memory_space<vmem>>
      %dma_start3A_1032 = tpu.memref_squeeze %dma_start3A_1031 : memref<1x1x8x8x128xf32, #tpu.memory_space<vmem>> -> memref<8x8x128xf32, #tpu.memory_space<vmem>>
      %dma_start3A_1033 = arith.constant 0 : i32
      %dma_start3A_1034 = arith.constant 0 : i32
      %dma_start3A_1035 = tpu.memref_slice %arg4[%dma_start3A_1033, %dma_start3A_1034, %multiple_of3A_1020] : memref<8x8x1000000xf32, #tpu.memory_space<hbm>> -> memref<8x8x128xf32, #tpu.memory_space<hbm>>
      %dma_start3A_1036 = arith.constant 0 : i32
      %dma_start3A_1037 = arith.constant 0 : i32
      %dma_start3A_1038 = arith.constant 0 : i32
      %dma_start3A_1039 = tpu.memref_slice %arg9[%dma_start3A_1026, %dma_start3A_1027, %dma_start3A_1036, %dma_start3A_1037, %dma_start3A_1038] : memref<2x2x8x8x128xf32, #tpu.memory_space<vmem>> -> memref<1x1x8x8x128xf32, #tpu.memory_space<vmem>>
      %dma_start3A_1040 = tpu.memref_squeeze %dma_start3A_1039 : memref<1x1x8x8x128xf32, #tpu.memory_space<vmem>> -> memref<8x8x128xf32, #tpu.memory_space<vmem>>
      %dma_start3A_1041 = arith.constant 0 : i32
      %dma_start3A_1042 = arith.constant 0 : i32
      %dma_start3A_1043 = tpu.memref_slice %arg4[%dma_start3A_1041, %dma_start3A_1042, %multiple_of3A_1020] : memref<8x8x1000000xf32, #tpu.memory_space<hbm>> -> memref<8x8x128xf32, #tpu.memory_space<hbm>>
      tpu.enqueue_dma source(%dma_start3A_1043 : memref<8x8x128xf32, #tpu.memory_space<hbm>>) target(%dma_start3A_1040 : memref<8x8x128xf32, #tpu.memory_space<vmem>>) target_semaphore(%arg12 : memref<!tpu.dma_semaphore, #tpu.memory_space<semaphore_mem>>)
      %dma_start3A_1044 = arith.constant 0 : i32
      %dma_start3A_1045 = arith.constant 1 : i32
      %dma_start3A_1046 = arith.constant 0 : i32
      %dma_start3A_1047 = arith.constant 0 : i32
      %dma_start3A_1048 = arith.constant 0 : i32
      %dma_start3A_1049 = tpu.memref_slice %arg10[%dma_start3A_1044, %dma_start3A_1045, %dma_start3A_1046, %dma_start3A_1047, %dma_start3A_1048] : memref<2x2x8x8x128xf32, #tpu.memory_space<vmem>> -> memref<1x1x8x8x128xf32, #tpu.memory_space<vmem>>
      %dma_start3A_1050 = tpu.memref_squeeze %dma_start3A_1049 : memref<1x1x8x8x128xf32, #tpu.memory_space<vmem>> -> memref<8x8x128xf32, #tpu.memory_space<vmem>>
      %dma_start3A_1051 = arith.constant 0 : i32
      %dma_start3A_1052 = arith.constant 0 : i32
      %dma_start3A_1053 = tpu.memref_slice %arg5[%dma_start3A_1051, %dma_start3A_1052, %multiple_of3A_1025] : memref<8x8x1000000xf32, #tpu.memory_space<hbm>> -> memref<8x8x128xf32, #tpu.memory_space<hbm>>
      %dma_start3A_1054 = arith.constant 0 : i32
      %dma_start3A_1055 = arith.constant 0 : i32
      %dma_start3A_1056 = arith.constant 0 : i32
      %dma_start3A_1057 = tpu.memref_slice %arg10[%dma_start3A_1044, %dma_start3A_1045, %dma_start3A_1054, %dma_start3A_1055, %dma_start3A_1056] : memref<2x2x8x8x128xf32, #tpu.memory_space<vmem>> -> memref<1x1x8x8x128xf32, #tpu.memory_space<vmem>>
      %dma_start3A_1058 = tpu.memref_squeeze %dma_start3A_1057 : memref<1x1x8x8x128xf32, #tpu.memory_space<vmem>> -> memref<8x8x128xf32, #tpu.memory_space<vmem>>
      %dma_start3A_1059 = arith.constant 0 : i32
      %dma_start3A_1060 = arith.constant 0 : i32
      %dma_start3A_1061 = tpu.memref_slice %arg5[%dma_start3A_1059, %dma_start3A_1060, %multiple_of3A_1025] : memref<8x8x1000000xf32, #tpu.memory_space<hbm>> -> memref<8x8x128xf32, #tpu.memory_space<hbm>>
      tpu.enqueue_dma source(%dma_start3A_1061 : memref<8x8x128xf32, #tpu.memory_space<hbm>>) target(%dma_start3A_1058 : memref<8x8x128xf32, #tpu.memory_space<vmem>>) target_semaphore(%arg12 : memref<!tpu.dma_semaphore, #tpu.memory_space<semaphore_mem>>)
      %dma_wait3A_1062 = arith.constant 0 : i32
      %dma_wait3A_1063 = arith.constant 0 : i32
      %dma_wait3A_1064 = arith.constant 0 : i32
      %dma_wait3A_1065 = arith.constant 0 : i32
      %dma_wait3A_1066 = arith.constant 0 : i32
      %dma_wait3A_1067 = tpu.memref_slice %arg9[%dma_wait3A_1062, %dma_wait3A_1063, %dma_wait3A_1064, %dma_wait3A_1065, %dma_wait3A_1066] : memref<2x2x8x8x128xf32, #tpu.memory_space<vmem>> -> memref<1x1x8x8x128xf32, #tpu.memory_space<vmem>>
      %dma_wait3A_1068 = tpu.memref_squeeze %dma_wait3A_1067 : memref<1x1x8x8x128xf32, #tpu.memory_space<vmem>> -> memref<8x8x128xf32, #tpu.memory_space<vmem>>
      %dma_wait3A_1069 = arith.constant 0 : i32
      %dma_wait3A_1070 = arith.constant 0 : i32
      %dma_wait3A_1071 = arith.constant 0 : i32
      %dma_wait3A_1072 = tpu.memref_slice %arg4[%dma_wait3A_1069, %dma_wait3A_1070, %dma_wait3A_1071] : memref<8x8x1000000xf32, #tpu.memory_space<hbm>> -> memref<8x8x128xf32, #tpu.memory_space<hbm>>
      %dma_wait3A_1073 = arith.constant 0 : i32
      %dma_wait3A_1074 = arith.constant 0 : i32
      %dma_wait3A_1075 = arith.constant 0 : i32
      %dma_wait3A_1076 = tpu.memref_slice %arg9[%dma_wait3A_1062, %dma_wait3A_1063, %dma_wait3A_1073, %dma_wait3A_1074, %dma_wait3A_1075] : memref<2x2x8x8x128xf32, #tpu.memory_space<vmem>> -> memref<1x1x8x8x128xf32, #tpu.memory_space<vmem>>
      %dma_wait3A_1077 = tpu.memref_squeeze %dma_wait3A_1076 : memref<1x1x8x8x128xf32, #tpu.memory_space<vmem>> -> memref<8x8x128xf32, #tpu.memory_space<vmem>>
      %dma_wait3A_1078 = arith.constant 0 : i32
      %dma_wait3A_1079 = arith.constant 0 : i32
      %dma_wait3A_1080 = arith.constant 0 : i32
      %dma_wait3A_1081 = tpu.memref_slice %arg4[%dma_wait3A_1078, %dma_wait3A_1079, %dma_wait3A_1080] : memref<8x8x1000000xf32, #tpu.memory_space<hbm>> -> memref<8x8x128xf32, #tpu.memory_space<hbm>>
      tpu.wait_dma2 semaphore(%arg12 : memref<!tpu.dma_semaphore, #tpu.memory_space<semaphore_mem>>) src(%dma_wait3A_1081 : memref<8x8x128xf32, #tpu.memory_space<hbm>>) dst(%dma_wait3A_1077 : memref<8x8x128xf32, #tpu.memory_space<vmem>>)
      %dma_wait3A_1082 = arith.constant 0 : i32
      %dma_wait3A_1083 = arith.constant 0 : i32
      %dma_wait3A_1084 = arith.constant 0 : i32
      %dma_wait3A_1085 = arith.constant 0 : i32
      %dma_wait3A_1086 = arith.constant 0 : i32
      %dma_wait3A_1087 = tpu.memref_slice %arg9[%dma_wait3A_1082, %dma_wait3A_1083, %dma_wait3A_1084, %dma_wait3A_1085, %dma_wait3A_1086] : memref<2x2x8x8x128xf32, #tpu.memory_space<vmem>> -> memref<1x1x8x8x128xf32, #tpu.memory_space<vmem>>
      %dma_wait3A_1088 = tpu.memref_squeeze %dma_wait3A_1087 : memref<1x1x8x8x128xf32, #tpu.memory_space<vmem>> -> memref<8x8x128xf32, #tpu.memory_space<vmem>>
      %dma_wait3A_1089 = arith.constant 0 : i32
      %dma_wait3A_1090 = arith.constant 0 : i32
      %dma_wait3A_1091 = arith.constant 0 : i32
      %dma_wait3A_1092 = tpu.memref_slice %arg4[%dma_wait3A_1089, %dma_wait3A_1090, %dma_wait3A_1091] : memref<8x8x1000000xf32, #tpu.memory_space<hbm>> -> memref<8x8x128xf32, #tpu.memory_space<hbm>>
      %dma_wait3A_1093 = arith.constant 0 : i32
      %dma_wait3A_1094 = arith.constant 0 : i32
      %dma_wait3A_1095 = arith.constant 0 : i32
      %dma_wait3A_1096 = tpu.memref_slice %arg9[%dma_wait3A_1082, %dma_wait3A_1083, %dma_wait3A_1093, %dma_wait3A_1094, %dma_wait3A_1095] : memref<2x2x8x8x128xf32, #tpu.memory_space<vmem>> -> memref<1x1x8x8x128xf32, #tpu.memory_space<vmem>>
      %dma_wait3A_1097 = tpu.memref_squeeze %dma_wait3A_1096 : memref<1x1x8x8x128xf32, #tpu.memory_space<vmem>> -> memref<8x8x128xf32, #tpu.memory_space<vmem>>
      %dma_wait3A_1098 = arith.constant 0 : i32
      %dma_wait3A_1099 = arith.constant 0 : i32
      %dma_wait3A_1100 = arith.constant 0 : i32
      %dma_wait3A_1101 = tpu.memref_slice %arg4[%dma_wait3A_1098, %dma_wait3A_1099, %dma_wait3A_1100] : memref<8x8x1000000xf32, #tpu.memory_space<hbm>> -> memref<8x8x128xf32, #tpu.memory_space<hbm>>
      tpu.wait_dma2 semaphore(%arg12 : memref<!tpu.dma_semaphore, #tpu.memory_space<semaphore_mem>>) src(%dma_wait3A_1101 : memref<8x8x128xf32, #tpu.memory_space<hbm>>) dst(%dma_wait3A_1097 : memref<8x8x128xf32, #tpu.memory_space<vmem>>)
      %dma_wait3A_1102 = arith.constant 0 : i32
      %dma_wait3A_1103 = arith.constant 0 : i32
      %dma_wait3A_1104 = arith.constant 0 : i32
      %dma_wait3A_1105 = arith.constant 0 : i32
      %dma_wait3A_1106 = arith.constant 0 : i32
      %dma_wait3A_1107 = tpu.memref_slice %arg9[%dma_wait3A_1102, %dma_wait3A_1103, %dma_wait3A_1104, %dma_wait3A_1105, %dma_wait3A_1106] : memref<2x2x8x8x128xf32, #tpu.memory_space<vmem>> -> memref<1x1x8x8x128xf32, #tpu.memory_space<vmem>>
      %dma_wait3A_1108 = tpu.memref_squeeze %dma_wait3A_1107 : memref<1x1x8x8x128xf32, #tpu.memory_space<vmem>> -> memref<8x8x128xf32, #tpu.memory_space<vmem>>
      %dma_wait3A_1109 = arith.constant 0 : i32
      %dma_wait3A_1110 = arith.constant 0 : i32
      %dma_wait3A_1111 = arith.constant 0 : i32
      %dma_wait3A_1112 = tpu.memref_slice %arg4[%dma_wait3A_1109, %dma_wait3A_1110, %dma_wait3A_1111] : memref<8x8x1000000xf32, #tpu.memory_space<hbm>> -> memref<8x8x128xf32, #tpu.memory_space<hbm>>
      %dma_wait3A_1113 = arith.constant 0 : i32
      %dma_wait3A_1114 = arith.constant 0 : i32
      %dma_wait3A_1115 = arith.constant 0 : i32
      %dma_wait3A_1116 = tpu.memref_slice %arg9[%dma_wait3A_1102, %dma_wait3A_1103, %dma_wait3A_1113, %dma_wait3A_1114, %dma_wait3A_1115] : memref<2x2x8x8x128xf32, #tpu.memory_space<vmem>> -> memref<1x1x8x8x128xf32, #tpu.memory_space<vmem>>
      %dma_wait3A_1117 = tpu.memref_squeeze %dma_wait3A_1116 : memref<1x1x8x8x128xf32, #tpu.memory_space<vmem>> -> memref<8x8x128xf32, #tpu.memory_space<vmem>>
      %dma_wait3A_1118 = arith.constant 0 : i32
      %dma_wait3A_1119 = arith.constant 0 : i32
      %dma_wait3A_1120 = arith.constant 0 : i32
      %dma_wait3A_1121 = tpu.memref_slice %arg4[%dma_wait3A_1118, %dma_wait3A_1119, %dma_wait3A_1120] : memref<8x8x1000000xf32, #tpu.memory_space<hbm>> -> memref<8x8x128xf32, #tpu.memory_space<hbm>>
      tpu.wait_dma2 semaphore(%arg12 : memref<!tpu.dma_semaphore, #tpu.memory_space<semaphore_mem>>) src(%dma_wait3A_1121 : memref<8x8x128xf32, #tpu.memory_space<hbm>>) dst(%dma_wait3A_1117 : memref<8x8x128xf32, #tpu.memory_space<vmem>>)
      %dma_wait3A_1122 = arith.constant 0 : i32
      %dma_wait3A_1123 = arith.constant 0 : i32
      %dma_wait3A_1124 = arith.constant 0 : i32
      %dma_wait3A_1125 = arith.constant 0 : i32
      %dma_wait3A_1126 = arith.constant 0 : i32
      %dma_wait3A_1127 = tpu.memref_slice %arg9[%dma_wait3A_1122, %dma_wait3A_1123, %dma_wait3A_1124, %dma_wait3A_1125, %dma_wait3A_1126] : memref<2x2x8x8x128xf32, #tpu.memory_space<vmem>> -> memref<1x1x8x8x128xf32, #tpu.memory_space<vmem>>
      %dma_wait3A_1128 = tpu.memref_squeeze %dma_wait3A_1127 : memref<1x1x8x8x128xf32, #tpu.memory_space<vmem>> -> memref<8x8x128xf32, #tpu.memory_space<vmem>>
      %dma_wait3A_1129 = arith.constant 0 : i32
      %dma_wait3A_1130 = arith.constant 0 : i32
      %dma_wait3A_1131 = arith.constant 0 : i32
      %dma_wait3A_1132 = tpu.memref_slice %arg4[%dma_wait3A_1129, %dma_wait3A_1130, %dma_wait3A_1131] : memref<8x8x1000000xf32, #tpu.memory_space<hbm>> -> memref<8x8x128xf32, #tpu.memory_space<hbm>>
      %dma_wait3A_1133 = arith.constant 0 : i32
      %dma_wait3A_1134 = arith.constant 0 : i32
      %dma_wait3A_1135 = arith.constant 0 : i32
      %dma_wait3A_1136 = tpu.memref_slice %arg9[%dma_wait3A_1122, %dma_wait3A_1123, %dma_wait3A_1133, %dma_wait3A_1134, %dma_wait3A_1135] : memref<2x2x8x8x128xf32, #tpu.memory_space<vmem>> -> memref<1x1x8x8x128xf32, #tpu.memory_space<vmem>>
      %dma_wait3A_1137 = tpu.memref_squeeze %dma_wait3A_1136 : memref<1x1x8x8x128xf32, #tpu.memory_space<vmem>> -> memref<8x8x128xf32, #tpu.memory_space<vmem>>
      %dma_wait3A_1138 = arith.constant 0 : i32
      %dma_wait3A_1139 = arith.constant 0 : i32
      %dma_wait3A_1140 = arith.constant 0 : i32
      %dma_wait3A_1141 = tpu.memref_slice %arg4[%dma_wait3A_1138, %dma_wait3A_1139, %dma_wait3A_1140] : memref<8x8x1000000xf32, #tpu.memory_space<hbm>> -> memref<8x8x128xf32, #tpu.memory_space<hbm>>
      tpu.wait_dma2 semaphore(%arg12 : memref<!tpu.dma_semaphore, #tpu.memory_space<semaphore_mem>>) src(%dma_wait3A_1141 : memref<8x8x128xf32, #tpu.memory_space<hbm>>) dst(%dma_wait3A_1137 : memref<8x8x128xf32, #tpu.memory_space<vmem>>)
      %slice3A_1142 = vector.extract_strided_slice %get3A_284 {offsets = [6], sizes = [1], strides = [1]} : vector<16xi32> to vector<1xi32>
      %squeeze3A_1143 = vector.extract %slice3A_1142[0] : i32 from vector<1xi32>
      %and3A_1144 = arith.constant 127 : i32
      %and3A_1145 = arith.andi %squeeze3A_1143, %and3A_1144 : i32
      %broadcast_in_dim3A_1146 = vector.broadcast %and3A_1145 : i32 to vector<16xi32>
      %slice3A_1147 = vector.extract_strided_slice %get3A_287 {offsets = [6], sizes = [1], strides = [1]} : vector<16xi32> to vector<1xi32>
      %squeeze3A_1148 = vector.extract %slice3A_1147[0] : i32 from vector<1xi32>
      %and3A_1149 = arith.constant 127 : i32
      %and3A_1150 = arith.andi %squeeze3A_1148, %and3A_1149 : i32
      %broadcast_in_dim3A_1151 = vector.broadcast %and3A_1150 : i32 to vector<16xi32>
      %broadcast_in_dim3A_1152 = arith.constant 1 : i32
      %broadcast_in_dim3A_1153 = vector.broadcast %broadcast_in_dim3A_1152 : i32 to vector<16xi32>
      %broadcast_in_dim3A_1154 = arith.constant 0 : i32
      %broadcast_in_dim3A_1155 = vector.broadcast %broadcast_in_dim3A_1154 : i32 to vector<16xi32>
      %broadcast_in_dim3A_1156 = arith.constant 0.000000e+00 : f32
      %broadcast_in_dim3A_1157 = vector.broadcast %broadcast_in_dim3A_1156 : f32 to vector<16xf32>
      %gather3A_1158 = tpu.vector_load_idx %arg9[%broadcast_in_dim3A_1153, %broadcast_in_dim3A_1155, %add3A_7, %and3A_2, %broadcast_in_dim3A_1146] : memref<2x2x8x8x128xf32, #tpu.memory_space<vmem>>[vector<16xi32>, vector<16xi32>, vector<16xi32>, vector<16xi32>, vector<16xi32>], vector<16xf32>,
      %gather3A_1159 = tpu.vector_load_idx %arg10[%broadcast_in_dim3A_1153, %broadcast_in_dim3A_1155, %add3A_7, %and3A_2, %broadcast_in_dim3A_1151] : memref<2x2x8x8x128xf32, #tpu.memory_space<vmem>>[vector<16xi32>, vector<16xi32>, vector<16xi32>, vector<16xi32>, vector<16xi32>], vector<16xf32>,
      %mul3A_1160 = arith.mulf %gather3A_1158, %gather3A_1159 : vector<16xf32>
      %add3A_1161 = arith.addf %broadcast_in_dim3A_1157, %mul3A_1160 : vector<16xf32>
      %gather3A_1162 = tpu.vector_load_idx %arg9[%broadcast_in_dim3A_1153, %broadcast_in_dim3A_1155, %add3A_13, %and3A_2, %broadcast_in_dim3A_1146] : memref<2x2x8x8x128xf32, #tpu.memory_space<vmem>>[vector<16xi32>, vector<16xi32>, vector<16xi32>, vector<16xi32>, vector<16xi32>], vector<16xf32>,
      %gather3A_1163 = tpu.vector_load_idx %arg10[%broadcast_in_dim3A_1153, %broadcast_in_dim3A_1155, %add3A_13, %and3A_2, %broadcast_in_dim3A_1151] : memref<2x2x8x8x128xf32, #tpu.memory_space<vmem>>[vector<16xi32>, vector<16xi32>, vector<16xi32>, vector<16xi32>, vector<16xi32>], vector<16xf32>,
      %mul3A_1164 = arith.mulf %gather3A_1162, %gather3A_1163 : vector<16xf32>
      %add3A_1165 = arith.addf %add3A_1161, %mul3A_1164 : vector<16xf32>
      %gather3A_1166 = tpu.vector_load_idx %arg9[%broadcast_in_dim3A_1153, %broadcast_in_dim3A_1155, %add3A_19, %and3A_2, %broadcast_in_dim3A_1146] : memref<2x2x8x8x128xf32, #tpu.memory_space<vmem>>[vector<16xi32>, vector<16xi32>, vector<16xi32>, vector<16xi32>, vector<16xi32>], vector<16xf32>,
      %gather3A_1167 = tpu.vector_load_idx %arg10[%broadcast_in_dim3A_1153, %broadcast_in_dim3A_1155, %add3A_19, %and3A_2, %broadcast_in_dim3A_1151] : memref<2x2x8x8x128xf32, #tpu.memory_space<vmem>>[vector<16xi32>, vector<16xi32>, vector<16xi32>, vector<16xi32>, vector<16xi32>], vector<16xf32>,
      %mul3A_1168 = arith.mulf %gather3A_1166, %gather3A_1167 : vector<16xf32>
      %add3A_1169 = arith.addf %add3A_1165, %mul3A_1168 : vector<16xf32>
      %gather3A_1170 = tpu.vector_load_idx %arg9[%broadcast_in_dim3A_1153, %broadcast_in_dim3A_1155, %add3A_25, %and3A_2, %broadcast_in_dim3A_1146] : memref<2x2x8x8x128xf32, #tpu.memory_space<vmem>>[vector<16xi32>, vector<16xi32>, vector<16xi32>, vector<16xi32>, vector<16xi32>], vector<16xf32>,
      %gather3A_1171 = tpu.vector_load_idx %arg10[%broadcast_in_dim3A_1153, %broadcast_in_dim3A_1155, %add3A_25, %and3A_2, %broadcast_in_dim3A_1151] : memref<2x2x8x8x128xf32, #tpu.memory_space<vmem>>[vector<16xi32>, vector<16xi32>, vector<16xi32>, vector<16xi32>, vector<16xi32>], vector<16xf32>,
      %mul3A_1172 = arith.mulf %gather3A_1170, %gather3A_1171 : vector<16xf32>
      %add3A_1173 = arith.addf %add3A_1169, %mul3A_1172 : vector<16xf32>
      %reduce_sum3A_1174 = arith.constant true
      %reduce_sum3A_1175 = vector.broadcast %reduce_sum3A_1174 : i1 to vector<16xi1>
      %reduce_sum3A_1176 = tpu.scan <sum>, %add3A_1173 masked %reduce_sum3A_1175 : vector<16xf32>, vector<16xi1> -> vector<16xf32>
      %reduce_sum3A_1177 = vector.extract %reduce_sum3A_1176[15] : f32 from vector<16xf32>
      %broadcast_in_dim3A_1178 = vector.broadcast %reduce_sum3A_1177 : f32 to vector<16xf32>
      %select_n3A_1179 = arith.select %eq3A_45, %broadcast_in_dim3A_1178, %select_n3A_961 : vector<16xi1>, vector<16xf32>
      %slice3A_1180 = vector.extract_strided_slice %get3A_284 {offsets = [7], sizes = [1], strides = [1]} : vector<16xi32> to vector<1xi32>
      %squeeze3A_1181 = vector.extract %slice3A_1180[0] : i32 from vector<1xi32>
      %and3A_1182 = arith.constant 127 : i32
      %and3A_1183 = arith.andi %squeeze3A_1181, %and3A_1182 : i32
      %broadcast_in_dim3A_1184 = vector.broadcast %and3A_1183 : i32 to vector<16xi32>
      %slice3A_1185 = vector.extract_strided_slice %get3A_287 {offsets = [7], sizes = [1], strides = [1]} : vector<16xi32> to vector<1xi32>
      %squeeze3A_1186 = vector.extract %slice3A_1185[0] : i32 from vector<1xi32>
      %and3A_1187 = arith.constant 127 : i32
      %and3A_1188 = arith.andi %squeeze3A_1186, %and3A_1187 : i32
      %broadcast_in_dim3A_1189 = vector.broadcast %and3A_1188 : i32 to vector<16xi32>
      %broadcast_in_dim3A_1190 = arith.constant 1 : i32
      %broadcast_in_dim3A_1191 = vector.broadcast %broadcast_in_dim3A_1190 : i32 to vector<16xi32>
      %broadcast_in_dim3A_1192 = arith.constant 1 : i32
      %broadcast_in_dim3A_1193 = vector.broadcast %broadcast_in_dim3A_1192 : i32 to vector<16xi32>
      %broadcast_in_dim3A_1194 = arith.constant 0.000000e+00 : f32
      %broadcast_in_dim3A_1195 = vector.broadcast %broadcast_in_dim3A_1194 : f32 to vector<16xf32>
      %gather3A_1196 = tpu.vector_load_idx %arg9[%broadcast_in_dim3A_1191, %broadcast_in_dim3A_1193, %add3A_7, %and3A_2, %broadcast_in_dim3A_1184] : memref<2x2x8x8x128xf32, #tpu.memory_space<vmem>>[vector<16xi32>, vector<16xi32>, vector<16xi32>, vector<16xi32>, vector<16xi32>], vector<16xf32>,
      %gather3A_1197 = tpu.vector_load_idx %arg10[%broadcast_in_dim3A_1191, %broadcast_in_dim3A_1193, %add3A_7, %and3A_2, %broadcast_in_dim3A_1189] : memref<2x2x8x8x128xf32, #tpu.memory_space<vmem>>[vector<16xi32>, vector<16xi32>, vector<16xi32>, vector<16xi32>, vector<16xi32>], vector<16xf32>,
      %mul3A_1198 = arith.mulf %gather3A_1196, %gather3A_1197 : vector<16xf32>
      %add3A_1199 = arith.addf %broadcast_in_dim3A_1195, %mul3A_1198 : vector<16xf32>
      %gather3A_1200 = tpu.vector_load_idx %arg9[%broadcast_in_dim3A_1191, %broadcast_in_dim3A_1193, %add3A_13, %and3A_2, %broadcast_in_dim3A_1184] : memref<2x2x8x8x128xf32, #tpu.memory_space<vmem>>[vector<16xi32>, vector<16xi32>, vector<16xi32>, vector<16xi32>, vector<16xi32>], vector<16xf32>,
      %gather3A_1201 = tpu.vector_load_idx %arg10[%broadcast_in_dim3A_1191, %broadcast_in_dim3A_1193, %add3A_13, %and3A_2, %broadcast_in_dim3A_1189] : memref<2x2x8x8x128xf32, #tpu.memory_space<vmem>>[vector<16xi32>, vector<16xi32>, vector<16xi32>, vector<16xi32>, vector<16xi32>], vector<16xf32>,
      %mul3A_1202 = arith.mulf %gather3A_1200, %gather3A_1201 : vector<16xf32>
      %add3A_1203 = arith.addf %add3A_1199, %mul3A_1202 : vector<16xf32>
      %gather3A_1204 = tpu.vector_load_idx %arg9[%broadcast_in_dim3A_1191, %broadcast_in_dim3A_1193, %add3A_19, %and3A_2, %broadcast_in_dim3A_1184] : memref<2x2x8x8x128xf32, #tpu.memory_space<vmem>>[vector<16xi32>, vector<16xi32>, vector<16xi32>, vector<16xi32>, vector<16xi32>], vector<16xf32>,
      %gather3A_1205 = tpu.vector_load_idx %arg10[%broadcast_in_dim3A_1191, %broadcast_in_dim3A_1193, %add3A_19, %and3A_2, %broadcast_in_dim3A_1189] : memref<2x2x8x8x128xf32, #tpu.memory_space<vmem>>[vector<16xi32>, vector<16xi32>, vector<16xi32>, vector<16xi32>, vector<16xi32>], vector<16xf32>,
      %mul3A_1206 = arith.mulf %gather3A_1204, %gather3A_1205 : vector<16xf32>
      %add3A_1207 = arith.addf %add3A_1203, %mul3A_1206 : vector<16xf32>
      %gather3A_1208 = tpu.vector_load_idx %arg9[%broadcast_in_dim3A_1191, %broadcast_in_dim3A_1193, %add3A_25, %and3A_2, %broadcast_in_dim3A_1184] : memref<2x2x8x8x128xf32, #tpu.memory_space<vmem>>[vector<16xi32>, vector<16xi32>, vector<16xi32>, vector<16xi32>, vector<16xi32>], vector<16xf32>,
      %gather3A_1209 = tpu.vector_load_idx %arg10[%broadcast_in_dim3A_1191, %broadcast_in_dim3A_1193, %add3A_25, %and3A_2, %broadcast_in_dim3A_1189] : memref<2x2x8x8x128xf32, #tpu.memory_space<vmem>>[vector<16xi32>, vector<16xi32>, vector<16xi32>, vector<16xi32>, vector<16xi32>], vector<16xf32>,
      %mul3A_1210 = arith.mulf %gather3A_1208, %gather3A_1209 : vector<16xf32>
      %add3A_1211 = arith.addf %add3A_1207, %mul3A_1210 : vector<16xf32>
      %reduce_sum3A_1212 = arith.constant true
      %reduce_sum3A_1213 = vector.broadcast %reduce_sum3A_1212 : i1 to vector<16xi1>
      %reduce_sum3A_1214 = tpu.scan <sum>, %add3A_1211 masked %reduce_sum3A_1213 : vector<16xf32>, vector<16xi1> -> vector<16xf32>
      %reduce_sum3A_1215 = vector.extract %reduce_sum3A_1214[15] : f32 from vector<16xf32>
      %broadcast_in_dim3A_1216 = vector.broadcast %reduce_sum3A_1215 : f32 to vector<16xf32>
      %select_n3A_1217 = arith.select %eq3A_48, %broadcast_in_dim3A_1216, %select_n3A_1179 : vector<16xi1>, vector<16xf32>
      %slice3A_1218 = vector.extract_strided_slice %get3A_284 {offsets = [10], sizes = [1], strides = [1]} : vector<16xi32> to vector<1xi32>
      %squeeze3A_1219 = vector.extract %slice3A_1218[0] : i32 from vector<1xi32>
      %slice3A_1220 = vector.extract_strided_slice %get3A_287 {offsets = [10], sizes = [1], strides = [1]} : vector<16xi32> to vector<1xi32>
      %squeeze3A_1221 = vector.extract %slice3A_1220[0] : i32 from vector<1xi32>
      %shift_right_logical3A_1222 = arith.constant 7 : i32
      %shift_right_logical3A_1223 = arith.shrui %squeeze3A_1219, %shift_right_logical3A_1222 : i32
      %shift_left3A_1224 = arith.constant 7 : i32
      %shift_left3A_1225 = arith.shli %shift_right_logical3A_1223, %shift_left3A_1224 : i32
      %multiple_of3A_1226 = tpu.assume_multiple %shift_left3A_1225, 128 : i32
      %shift_right_logical3A_1227 = arith.constant 7 : i32
      %shift_right_logical3A_1228 = arith.shrui %squeeze3A_1221, %shift_right_logical3A_1227 : i32
      %shift_left3A_1229 = arith.constant 7 : i32
      %shift_left3A_1230 = arith.shli %shift_right_logical3A_1228, %shift_left3A_1229 : i32
      %multiple_of3A_1231 = tpu.assume_multiple %shift_left3A_1230, 128 : i32
      %dma_start3A_1232 = arith.constant 1 : i32
      %dma_start3A_1233 = arith.constant 0 : i32
      %dma_start3A_1234 = arith.constant 0 : i32
      %dma_start3A_1235 = arith.constant 0 : i32
      %dma_start3A_1236 = arith.constant 0 : i32
      %dma_start3A_1237 = tpu.memref_slice %arg9[%dma_start3A_1232, %dma_start3A_1233, %dma_start3A_1234, %dma_start3A_1235, %dma_start3A_1236] : memref<2x2x8x8x128xf32, #tpu.memory_space<vmem>> -> memref<1x1x8x8x128xf32, #tpu.memory_space<vmem>>
      %dma_start3A_1238 = tpu.memref_squeeze %dma_start3A_1237 : memref<1x1x8x8x128xf32, #tpu.memory_space<vmem>> -> memref<8x8x128xf32, #tpu.memory_space<vmem>>
      %dma_start3A_1239 = arith.constant 0 : i32
      %dma_start3A_1240 = arith.constant 0 : i32
      %dma_start3A_1241 = tpu.memref_slice %arg4[%dma_start3A_1239, %dma_start3A_1240, %multiple_of3A_1226] : memref<8x8x1000000xf32, #tpu.memory_space<hbm>> -> memref<8x8x128xf32, #tpu.memory_space<hbm>>
      %dma_start3A_1242 = arith.constant 0 : i32
      %dma_start3A_1243 = arith.constant 0 : i32
      %dma_start3A_1244 = arith.constant 0 : i32
      %dma_start3A_1245 = tpu.memref_slice %arg9[%dma_start3A_1232, %dma_start3A_1233, %dma_start3A_1242, %dma_start3A_1243, %dma_start3A_1244] : memref<2x2x8x8x128xf32, #tpu.memory_space<vmem>> -> memref<1x1x8x8x128xf32, #tpu.memory_space<vmem>>
      %dma_start3A_1246 = tpu.memref_squeeze %dma_start3A_1245 : memref<1x1x8x8x128xf32, #tpu.memory_space<vmem>> -> memref<8x8x128xf32, #tpu.memory_space<vmem>>
      %dma_start3A_1247 = arith.constant 0 : i32
      %dma_start3A_1248 = arith.constant 0 : i32
      %dma_start3A_1249 = tpu.memref_slice %arg4[%dma_start3A_1247, %dma_start3A_1248, %multiple_of3A_1226] : memref<8x8x1000000xf32, #tpu.memory_space<hbm>> -> memref<8x8x128xf32, #tpu.memory_space<hbm>>
      tpu.enqueue_dma source(%dma_start3A_1249 : memref<8x8x128xf32, #tpu.memory_space<hbm>>) target(%dma_start3A_1246 : memref<8x8x128xf32, #tpu.memory_space<vmem>>) target_semaphore(%arg12 : memref<!tpu.dma_semaphore, #tpu.memory_space<semaphore_mem>>)
      %dma_start3A_1250 = arith.constant 1 : i32
      %dma_start3A_1251 = arith.constant 0 : i32
      %dma_start3A_1252 = arith.constant 0 : i32
      %dma_start3A_1253 = arith.constant 0 : i32
      %dma_start3A_1254 = arith.constant 0 : i32
      %dma_start3A_1255 = tpu.memref_slice %arg10[%dma_start3A_1250, %dma_start3A_1251, %dma_start3A_1252, %dma_start3A_1253, %dma_start3A_1254] : memref<2x2x8x8x128xf32, #tpu.memory_space<vmem>> -> memref<1x1x8x8x128xf32, #tpu.memory_space<vmem>>
      %dma_start3A_1256 = tpu.memref_squeeze %dma_start3A_1255 : memref<1x1x8x8x128xf32, #tpu.memory_space<vmem>> -> memref<8x8x128xf32, #tpu.memory_space<vmem>>
      %dma_start3A_1257 = arith.constant 0 : i32
      %dma_start3A_1258 = arith.constant 0 : i32
      %dma_start3A_1259 = tpu.memref_slice %arg5[%dma_start3A_1257, %dma_start3A_1258, %multiple_of3A_1231] : memref<8x8x1000000xf32, #tpu.memory_space<hbm>> -> memref<8x8x128xf32, #tpu.memory_space<hbm>>
      %dma_start3A_1260 = arith.constant 0 : i32
      %dma_start3A_1261 = arith.constant 0 : i32
      %dma_start3A_1262 = arith.constant 0 : i32
      %dma_start3A_1263 = tpu.memref_slice %arg10[%dma_start3A_1250, %dma_start3A_1251, %dma_start3A_1260, %dma_start3A_1261, %dma_start3A_1262] : memref<2x2x8x8x128xf32, #tpu.memory_space<vmem>> -> memref<1x1x8x8x128xf32, #tpu.memory_space<vmem>>
      %dma_start3A_1264 = tpu.memref_squeeze %dma_start3A_1263 : memref<1x1x8x8x128xf32, #tpu.memory_space<vmem>> -> memref<8x8x128xf32, #tpu.memory_space<vmem>>
      %dma_start3A_1265 = arith.constant 0 : i32
      %dma_start3A_1266 = arith.constant 0 : i32
      %dma_start3A_1267 = tpu.memref_slice %arg5[%dma_start3A_1265, %dma_start3A_1266, %multiple_of3A_1231] : memref<8x8x1000000xf32, #tpu.memory_space<hbm>> -> memref<8x8x128xf32, #tpu.memory_space<hbm>>
      tpu.enqueue_dma source(%dma_start3A_1267 : memref<8x8x128xf32, #tpu.memory_space<hbm>>) target(%dma_start3A_1264 : memref<8x8x128xf32, #tpu.memory_space<vmem>>) target_semaphore(%arg12 : memref<!tpu.dma_semaphore, #tpu.memory_space<semaphore_mem>>)
      %slice3A_1268 = vector.extract_strided_slice %get3A_284 {offsets = [11], sizes = [1], strides = [1]} : vector<16xi32> to vector<1xi32>
      %squeeze3A_1269 = vector.extract %slice3A_1268[0] : i32 from vector<1xi32>
      %slice3A_1270 = vector.extract_strided_slice %get3A_287 {offsets = [11], sizes = [1], strides = [1]} : vector<16xi32> to vector<1xi32>
      %squeeze3A_1271 = vector.extract %slice3A_1270[0] : i32 from vector<1xi32>
      %shift_right_logical3A_1272 = arith.constant 7 : i32
      %shift_right_logical3A_1273 = arith.shrui %squeeze3A_1269, %shift_right_logical3A_1272 : i32
      %shift_left3A_1274 = arith.constant 7 : i32
      %shift_left3A_1275 = arith.shli %shift_right_logical3A_1273, %shift_left3A_1274 : i32
      %multiple_of3A_1276 = tpu.assume_multiple %shift_left3A_1275, 128 : i32
      %shift_right_logical3A_1277 = arith.constant 7 : i32
      %shift_right_logical3A_1278 = arith.shrui %squeeze3A_1271, %shift_right_logical3A_1277 : i32
      %shift_left3A_1279 = arith.constant 7 : i32
      %shift_left3A_1280 = arith.shli %shift_right_logical3A_1278, %shift_left3A_1279 : i32
      %multiple_of3A_1281 = tpu.assume_multiple %shift_left3A_1280, 128 : i32
      %dma_start3A_1282 = arith.constant 1 : i32
      %dma_start3A_1283 = arith.constant 1 : i32
      %dma_start3A_1284 = arith.constant 0 : i32
      %dma_start3A_1285 = arith.constant 0 : i32
      %dma_start3A_1286 = arith.constant 0 : i32
      %dma_start3A_1287 = tpu.memref_slice %arg9[%dma_start3A_1282, %dma_start3A_1283, %dma_start3A_1284, %dma_start3A_1285, %dma_start3A_1286] : memref<2x2x8x8x128xf32, #tpu.memory_space<vmem>> -> memref<1x1x8x8x128xf32, #tpu.memory_space<vmem>>
      %dma_start3A_1288 = tpu.memref_squeeze %dma_start3A_1287 : memref<1x1x8x8x128xf32, #tpu.memory_space<vmem>> -> memref<8x8x128xf32, #tpu.memory_space<vmem>>
      %dma_start3A_1289 = arith.constant 0 : i32
      %dma_start3A_1290 = arith.constant 0 : i32
      %dma_start3A_1291 = tpu.memref_slice %arg4[%dma_start3A_1289, %dma_start3A_1290, %multiple_of3A_1276] : memref<8x8x1000000xf32, #tpu.memory_space<hbm>> -> memref<8x8x128xf32, #tpu.memory_space<hbm>>
      %dma_start3A_1292 = arith.constant 0 : i32
      %dma_start3A_1293 = arith.constant 0 : i32
      %dma_start3A_1294 = arith.constant 0 : i32
      %dma_start3A_1295 = tpu.memref_slice %arg9[%dma_start3A_1282, %dma_start3A_1283, %dma_start3A_1292, %dma_start3A_1293, %dma_start3A_1294] : memref<2x2x8x8x128xf32, #tpu.memory_space<vmem>> -> memref<1x1x8x8x128xf32, #tpu.memory_space<vmem>>
      %dma_start3A_1296 = tpu.memref_squeeze %dma_start3A_1295 : memref<1x1x8x8x128xf32, #tpu.memory_space<vmem>> -> memref<8x8x128xf32, #tpu.memory_space<vmem>>
      %dma_start3A_1297 = arith.constant 0 : i32
      %dma_start3A_1298 = arith.constant 0 : i32
      %dma_start3A_1299 = tpu.memref_slice %arg4[%dma_start3A_1297, %dma_start3A_1298, %multiple_of3A_1276] : memref<8x8x1000000xf32, #tpu.memory_space<hbm>> -> memref<8x8x128xf32, #tpu.memory_space<hbm>>
      tpu.enqueue_dma source(%dma_start3A_1299 : memref<8x8x128xf32, #tpu.memory_space<hbm>>) target(%dma_start3A_1296 : memref<8x8x128xf32, #tpu.memory_space<vmem>>) target_semaphore(%arg12 : memref<!tpu.dma_semaphore, #tpu.memory_space<semaphore_mem>>)
      %dma_start3A_1300 = arith.constant 1 : i32
      %dma_start3A_1301 = arith.constant 1 : i32
      %dma_start3A_1302 = arith.constant 0 : i32
      %dma_start3A_1303 = arith.constant 0 : i32
      %dma_start3A_1304 = arith.constant 0 : i32
      %dma_start3A_1305 = tpu.memref_slice %arg10[%dma_start3A_1300, %dma_start3A_1301, %dma_start3A_1302, %dma_start3A_1303, %dma_start3A_1304] : memref<2x2x8x8x128xf32, #tpu.memory_space<vmem>> -> memref<1x1x8x8x128xf32, #tpu.memory_space<vmem>>
      %dma_start3A_1306 = tpu.memref_squeeze %dma_start3A_1305 : memref<1x1x8x8x128xf32, #tpu.memory_space<vmem>> -> memref<8x8x128xf32, #tpu.memory_space<vmem>>
      %dma_start3A_1307 = arith.constant 0 : i32
      %dma_start3A_1308 = arith.constant 0 : i32
      %dma_start3A_1309 = tpu.memref_slice %arg5[%dma_start3A_1307, %dma_start3A_1308, %multiple_of3A_1281] : memref<8x8x1000000xf32, #tpu.memory_space<hbm>> -> memref<8x8x128xf32, #tpu.memory_space<hbm>>
      %dma_start3A_1310 = arith.constant 0 : i32
      %dma_start3A_1311 = arith.constant 0 : i32
      %dma_start3A_1312 = arith.constant 0 : i32
      %dma_start3A_1313 = tpu.memref_slice %arg10[%dma_start3A_1300, %dma_start3A_1301, %dma_start3A_1310, %dma_start3A_1311, %dma_start3A_1312] : memref<2x2x8x8x128xf32, #tpu.memory_space<vmem>> -> memref<1x1x8x8x128xf32, #tpu.memory_space<vmem>>
      %dma_start3A_1314 = tpu.memref_squeeze %dma_start3A_1313 : memref<1x1x8x8x128xf32, #tpu.memory_space<vmem>> -> memref<8x8x128xf32, #tpu.memory_space<vmem>>
      %dma_start3A_1315 = arith.constant 0 : i32
      %dma_start3A_1316 = arith.constant 0 : i32
      %dma_start3A_1317 = tpu.memref_slice %arg5[%dma_start3A_1315, %dma_start3A_1316, %multiple_of3A_1281] : memref<8x8x1000000xf32, #tpu.memory_space<hbm>> -> memref<8x8x128xf32, #tpu.memory_space<hbm>>
      tpu.enqueue_dma source(%dma_start3A_1317 : memref<8x8x128xf32, #tpu.memory_space<hbm>>) target(%dma_start3A_1314 : memref<8x8x128xf32, #tpu.memory_space<vmem>>) target_semaphore(%arg12 : memref<!tpu.dma_semaphore, #tpu.memory_space<semaphore_mem>>)
      %dma_wait3A_1318 = arith.constant 0 : i32
      %dma_wait3A_1319 = arith.constant 0 : i32
      %dma_wait3A_1320 = arith.constant 0 : i32
      %dma_wait3A_1321 = arith.constant 0 : i32
      %dma_wait3A_1322 = arith.constant 0 : i32
      %dma_wait3A_1323 = tpu.memref_slice %arg9[%dma_wait3A_1318, %dma_wait3A_1319, %dma_wait3A_1320, %dma_wait3A_1321, %dma_wait3A_1322] : memref<2x2x8x8x128xf32, #tpu.memory_space<vmem>> -> memref<1x1x8x8x128xf32, #tpu.memory_space<vmem>>
      %dma_wait3A_1324 = tpu.memref_squeeze %dma_wait3A_1323 : memref<1x1x8x8x128xf32, #tpu.memory_space<vmem>> -> memref<8x8x128xf32, #tpu.memory_space<vmem>>
      %dma_wait3A_1325 = arith.constant 0 : i32
      %dma_wait3A_1326 = arith.constant 0 : i32
      %dma_wait3A_1327 = arith.constant 0 : i32
      %dma_wait3A_1328 = tpu.memref_slice %arg4[%dma_wait3A_1325, %dma_wait3A_1326, %dma_wait3A_1327] : memref<8x8x1000000xf32, #tpu.memory_space<hbm>> -> memref<8x8x128xf32, #tpu.memory_space<hbm>>
      %dma_wait3A_1329 = arith.constant 0 : i32
      %dma_wait3A_1330 = arith.constant 0 : i32
      %dma_wait3A_1331 = arith.constant 0 : i32
      %dma_wait3A_1332 = tpu.memref_slice %arg9[%dma_wait3A_1318, %dma_wait3A_1319, %dma_wait3A_1329, %dma_wait3A_1330, %dma_wait3A_1331] : memref<2x2x8x8x128xf32, #tpu.memory_space<vmem>> -> memref<1x1x8x8x128xf32, #tpu.memory_space<vmem>>
      %dma_wait3A_1333 = tpu.memref_squeeze %dma_wait3A_1332 : memref<1x1x8x8x128xf32, #tpu.memory_space<vmem>> -> memref<8x8x128xf32, #tpu.memory_space<vmem>>
      %dma_wait3A_1334 = arith.constant 0 : i32
      %dma_wait3A_1335 = arith.constant 0 : i32
      %dma_wait3A_1336 = arith.constant 0 : i32
      %dma_wait3A_1337 = tpu.memref_slice %arg4[%dma_wait3A_1334, %dma_wait3A_1335, %dma_wait3A_1336] : memref<8x8x1000000xf32, #tpu.memory_space<hbm>> -> memref<8x8x128xf32, #tpu.memory_space<hbm>>
      tpu.wait_dma2 semaphore(%arg12 : memref<!tpu.dma_semaphore, #tpu.memory_space<semaphore_mem>>) src(%dma_wait3A_1337 : memref<8x8x128xf32, #tpu.memory_space<hbm>>) dst(%dma_wait3A_1333 : memref<8x8x128xf32, #tpu.memory_space<vmem>>)
      %dma_wait3A_1338 = arith.constant 0 : i32
      %dma_wait3A_1339 = arith.constant 0 : i32
      %dma_wait3A_1340 = arith.constant 0 : i32
      %dma_wait3A_1341 = arith.constant 0 : i32
      %dma_wait3A_1342 = arith.constant 0 : i32
      %dma_wait3A_1343 = tpu.memref_slice %arg9[%dma_wait3A_1338, %dma_wait3A_1339, %dma_wait3A_1340, %dma_wait3A_1341, %dma_wait3A_1342] : memref<2x2x8x8x128xf32, #tpu.memory_space<vmem>> -> memref<1x1x8x8x128xf32, #tpu.memory_space<vmem>>
      %dma_wait3A_1344 = tpu.memref_squeeze %dma_wait3A_1343 : memref<1x1x8x8x128xf32, #tpu.memory_space<vmem>> -> memref<8x8x128xf32, #tpu.memory_space<vmem>>
      %dma_wait3A_1345 = arith.constant 0 : i32
      %dma_wait3A_1346 = arith.constant 0 : i32
      %dma_wait3A_1347 = arith.constant 0 : i32
      %dma_wait3A_1348 = tpu.memref_slice %arg4[%dma_wait3A_1345, %dma_wait3A_1346, %dma_wait3A_1347] : memref<8x8x1000000xf32, #tpu.memory_space<hbm>> -> memref<8x8x128xf32, #tpu.memory_space<hbm>>
      %dma_wait3A_1349 = arith.constant 0 : i32
      %dma_wait3A_1350 = arith.constant 0 : i32
      %dma_wait3A_1351 = arith.constant 0 : i32
      %dma_wait3A_1352 = tpu.memref_slice %arg9[%dma_wait3A_1338, %dma_wait3A_1339, %dma_wait3A_1349, %dma_wait3A_1350, %dma_wait3A_1351] : memref<2x2x8x8x128xf32, #tpu.memory_space<vmem>> -> memref<1x1x8x8x128xf32, #tpu.memory_space<vmem>>
      %dma_wait3A_1353 = tpu.memref_squeeze %dma_wait3A_1352 : memref<1x1x8x8x128xf32, #tpu.memory_space<vmem>> -> memref<8x8x128xf32, #tpu.memory_space<vmem>>
      %dma_wait3A_1354 = arith.constant 0 : i32
      %dma_wait3A_1355 = arith.constant 0 : i32
      %dma_wait3A_1356 = arith.constant 0 : i32
      %dma_wait3A_1357 = tpu.memref_slice %arg4[%dma_wait3A_1354, %dma_wait3A_1355, %dma_wait3A_1356] : memref<8x8x1000000xf32, #tpu.memory_space<hbm>> -> memref<8x8x128xf32, #tpu.memory_space<hbm>>
      tpu.wait_dma2 semaphore(%arg12 : memref<!tpu.dma_semaphore, #tpu.memory_space<semaphore_mem>>) src(%dma_wait3A_1357 : memref<8x8x128xf32, #tpu.memory_space<hbm>>) dst(%dma_wait3A_1353 : memref<8x8x128xf32, #tpu.memory_space<vmem>>)
      %dma_wait3A_1358 = arith.constant 0 : i32
      %dma_wait3A_1359 = arith.constant 0 : i32
      %dma_wait3A_1360 = arith.constant 0 : i32
      %dma_wait3A_1361 = arith.constant 0 : i32
      %dma_wait3A_1362 = arith.constant 0 : i32
      %dma_wait3A_1363 = tpu.memref_slice %arg9[%dma_wait3A_1358, %dma_wait3A_1359, %dma_wait3A_1360, %dma_wait3A_1361, %dma_wait3A_1362] : memref<2x2x8x8x128xf32, #tpu.memory_space<vmem>> -> memref<1x1x8x8x128xf32, #tpu.memory_space<vmem>>
      %dma_wait3A_1364 = tpu.memref_squeeze %dma_wait3A_1363 : memref<1x1x8x8x128xf32, #tpu.memory_space<vmem>> -> memref<8x8x128xf32, #tpu.memory_space<vmem>>
      %dma_wait3A_1365 = arith.constant 0 : i32
      %dma_wait3A_1366 = arith.constant 0 : i32
      %dma_wait3A_1367 = arith.constant 0 : i32
      %dma_wait3A_1368 = tpu.memref_slice %arg4[%dma_wait3A_1365, %dma_wait3A_1366, %dma_wait3A_1367] : memref<8x8x1000000xf32, #tpu.memory_space<hbm>> -> memref<8x8x128xf32, #tpu.memory_space<hbm>>
      %dma_wait3A_1369 = arith.constant 0 : i32
      %dma_wait3A_1370 = arith.constant 0 : i32
      %dma_wait3A_1371 = arith.constant 0 : i32
      %dma_wait3A_1372 = tpu.memref_slice %arg9[%dma_wait3A_1358, %dma_wait3A_1359, %dma_wait3A_1369, %dma_wait3A_1370, %dma_wait3A_1371] : memref<2x2x8x8x128xf32, #tpu.memory_space<vmem>> -> memref<1x1x8x8x128xf32, #tpu.memory_space<vmem>>
      %dma_wait3A_1373 = tpu.memref_squeeze %dma_wait3A_1372 : memref<1x1x8x8x128xf32, #tpu.memory_space<vmem>> -> memref<8x8x128xf32, #tpu.memory_space<vmem>>
      %dma_wait3A_1374 = arith.constant 0 : i32
      %dma_wait3A_1375 = arith.constant 0 : i32
      %dma_wait3A_1376 = arith.constant 0 : i32
      %dma_wait3A_1377 = tpu.memref_slice %arg4[%dma_wait3A_1374, %dma_wait3A_1375, %dma_wait3A_1376] : memref<8x8x1000000xf32, #tpu.memory_space<hbm>> -> memref<8x8x128xf32, #tpu.memory_space<hbm>>
      tpu.wait_dma2 semaphore(%arg12 : memref<!tpu.dma_semaphore, #tpu.memory_space<semaphore_mem>>) src(%dma_wait3A_1377 : memref<8x8x128xf32, #tpu.memory_space<hbm>>) dst(%dma_wait3A_1373 : memref<8x8x128xf32, #tpu.memory_space<vmem>>)
      %dma_wait3A_1378 = arith.constant 0 : i32
      %dma_wait3A_1379 = arith.constant 0 : i32
      %dma_wait3A_1380 = arith.constant 0 : i32
      %dma_wait3A_1381 = arith.constant 0 : i32
      %dma_wait3A_1382 = arith.constant 0 : i32
      %dma_wait3A_1383 = tpu.memref_slice %arg9[%dma_wait3A_1378, %dma_wait3A_1379, %dma_wait3A_1380, %dma_wait3A_1381, %dma_wait3A_1382] : memref<2x2x8x8x128xf32, #tpu.memory_space<vmem>> -> memref<1x1x8x8x128xf32, #tpu.memory_space<vmem>>
      %dma_wait3A_1384 = tpu.memref_squeeze %dma_wait3A_1383 : memref<1x1x8x8x128xf32, #tpu.memory_space<vmem>> -> memref<8x8x128xf32, #tpu.memory_space<vmem>>
      %dma_wait3A_1385 = arith.constant 0 : i32
      %dma_wait3A_1386 = arith.constant 0 : i32
      %dma_wait3A_1387 = arith.constant 0 : i32
      %dma_wait3A_1388 = tpu.memref_slice %arg4[%dma_wait3A_1385, %dma_wait3A_1386, %dma_wait3A_1387] : memref<8x8x1000000xf32, #tpu.memory_space<hbm>> -> memref<8x8x128xf32, #tpu.memory_space<hbm>>
      %dma_wait3A_1389 = arith.constant 0 : i32
      %dma_wait3A_1390 = arith.constant 0 : i32
      %dma_wait3A_1391 = arith.constant 0 : i32
      %dma_wait3A_1392 = tpu.memref_slice %arg9[%dma_wait3A_1378, %dma_wait3A_1379, %dma_wait3A_1389, %dma_wait3A_1390, %dma_wait3A_1391] : memref<2x2x8x8x128xf32, #tpu.memory_space<vmem>> -> memref<1x1x8x8x128xf32, #tpu.memory_space<vmem>>
      %dma_wait3A_1393 = tpu.memref_squeeze %dma_wait3A_1392 : memref<1x1x8x8x128xf32, #tpu.memory_space<vmem>> -> memref<8x8x128xf32, #tpu.memory_space<vmem>>
      %dma_wait3A_1394 = arith.constant 0 : i32
      %dma_wait3A_1395 = arith.constant 0 : i32
      %dma_wait3A_1396 = arith.constant 0 : i32
      %dma_wait3A_1397 = tpu.memref_slice %arg4[%dma_wait3A_1394, %dma_wait3A_1395, %dma_wait3A_1396] : memref<8x8x1000000xf32, #tpu.memory_space<hbm>> -> memref<8x8x128xf32, #tpu.memory_space<hbm>>
      tpu.wait_dma2 semaphore(%arg12 : memref<!tpu.dma_semaphore, #tpu.memory_space<semaphore_mem>>) src(%dma_wait3A_1397 : memref<8x8x128xf32, #tpu.memory_space<hbm>>) dst(%dma_wait3A_1393 : memref<8x8x128xf32, #tpu.memory_space<vmem>>)
      %slice3A_1398 = vector.extract_strided_slice %get3A_284 {offsets = [8], sizes = [1], strides = [1]} : vector<16xi32> to vector<1xi32>
      %squeeze3A_1399 = vector.extract %slice3A_1398[0] : i32 from vector<1xi32>
      %and3A_1400 = arith.constant 127 : i32
      %and3A_1401 = arith.andi %squeeze3A_1399, %and3A_1400 : i32
      %broadcast_in_dim3A_1402 = vector.broadcast %and3A_1401 : i32 to vector<16xi32>
      %slice3A_1403 = vector.extract_strided_slice %get3A_287 {offsets = [8], sizes = [1], strides = [1]} : vector<16xi32> to vector<1xi32>
      %squeeze3A_1404 = vector.extract %slice3A_1403[0] : i32 from vector<1xi32>
      %and3A_1405 = arith.constant 127 : i32
      %and3A_1406 = arith.andi %squeeze3A_1404, %and3A_1405 : i32
      %broadcast_in_dim3A_1407 = vector.broadcast %and3A_1406 : i32 to vector<16xi32>
      %broadcast_in_dim3A_1408 = arith.constant 0 : i32
      %broadcast_in_dim3A_1409 = vector.broadcast %broadcast_in_dim3A_1408 : i32 to vector<16xi32>
      %broadcast_in_dim3A_1410 = arith.constant 0 : i32
      %broadcast_in_dim3A_1411 = vector.broadcast %broadcast_in_dim3A_1410 : i32 to vector<16xi32>
      %broadcast_in_dim3A_1412 = arith.constant 0.000000e+00 : f32
      %broadcast_in_dim3A_1413 = vector.broadcast %broadcast_in_dim3A_1412 : f32 to vector<16xf32>
      %gather3A_1414 = tpu.vector_load_idx %arg9[%broadcast_in_dim3A_1409, %broadcast_in_dim3A_1411, %add3A_7, %and3A_2, %broadcast_in_dim3A_1402] : memref<2x2x8x8x128xf32, #tpu.memory_space<vmem>>[vector<16xi32>, vector<16xi32>, vector<16xi32>, vector<16xi32>, vector<16xi32>], vector<16xf32>,
      %gather3A_1415 = tpu.vector_load_idx %arg10[%broadcast_in_dim3A_1409, %broadcast_in_dim3A_1411, %add3A_7, %and3A_2, %broadcast_in_dim3A_1407] : memref<2x2x8x8x128xf32, #tpu.memory_space<vmem>>[vector<16xi32>, vector<16xi32>, vector<16xi32>, vector<16xi32>, vector<16xi32>], vector<16xf32>,
      %mul3A_1416 = arith.mulf %gather3A_1414, %gather3A_1415 : vector<16xf32>
      %add3A_1417 = arith.addf %broadcast_in_dim3A_1413, %mul3A_1416 : vector<16xf32>
      %gather3A_1418 = tpu.vector_load_idx %arg9[%broadcast_in_dim3A_1409, %broadcast_in_dim3A_1411, %add3A_13, %and3A_2, %broadcast_in_dim3A_1402] : memref<2x2x8x8x128xf32, #tpu.memory_space<vmem>>[vector<16xi32>, vector<16xi32>, vector<16xi32>, vector<16xi32>, vector<16xi32>], vector<16xf32>,
      %gather3A_1419 = tpu.vector_load_idx %arg10[%broadcast_in_dim3A_1409, %broadcast_in_dim3A_1411, %add3A_13, %and3A_2, %broadcast_in_dim3A_1407] : memref<2x2x8x8x128xf32, #tpu.memory_space<vmem>>[vector<16xi32>, vector<16xi32>, vector<16xi32>, vector<16xi32>, vector<16xi32>], vector<16xf32>,
      %mul3A_1420 = arith.mulf %gather3A_1418, %gather3A_1419 : vector<16xf32>
      %add3A_1421 = arith.addf %add3A_1417, %mul3A_1420 : vector<16xf32>
      %gather3A_1422 = tpu.vector_load_idx %arg9[%broadcast_in_dim3A_1409, %broadcast_in_dim3A_1411, %add3A_19, %and3A_2, %broadcast_in_dim3A_1402] : memref<2x2x8x8x128xf32, #tpu.memory_space<vmem>>[vector<16xi32>, vector<16xi32>, vector<16xi32>, vector<16xi32>, vector<16xi32>], vector<16xf32>,
      %gather3A_1423 = tpu.vector_load_idx %arg10[%broadcast_in_dim3A_1409, %broadcast_in_dim3A_1411, %add3A_19, %and3A_2, %broadcast_in_dim3A_1407] : memref<2x2x8x8x128xf32, #tpu.memory_space<vmem>>[vector<16xi32>, vector<16xi32>, vector<16xi32>, vector<16xi32>, vector<16xi32>], vector<16xf32>,
      %mul3A_1424 = arith.mulf %gather3A_1422, %gather3A_1423 : vector<16xf32>
      %add3A_1425 = arith.addf %add3A_1421, %mul3A_1424 : vector<16xf32>
      %gather3A_1426 = tpu.vector_load_idx %arg9[%broadcast_in_dim3A_1409, %broadcast_in_dim3A_1411, %add3A_25, %and3A_2, %broadcast_in_dim3A_1402] : memref<2x2x8x8x128xf32, #tpu.memory_space<vmem>>[vector<16xi32>, vector<16xi32>, vector<16xi32>, vector<16xi32>, vector<16xi32>], vector<16xf32>,
      %gather3A_1427 = tpu.vector_load_idx %arg10[%broadcast_in_dim3A_1409, %broadcast_in_dim3A_1411, %add3A_25, %and3A_2, %broadcast_in_dim3A_1407] : memref<2x2x8x8x128xf32, #tpu.memory_space<vmem>>[vector<16xi32>, vector<16xi32>, vector<16xi32>, vector<16xi32>, vector<16xi32>], vector<16xf32>,
      %mul3A_1428 = arith.mulf %gather3A_1426, %gather3A_1427 : vector<16xf32>
      %add3A_1429 = arith.addf %add3A_1425, %mul3A_1428 : vector<16xf32>
      %reduce_sum3A_1430 = arith.constant true
      %reduce_sum3A_1431 = vector.broadcast %reduce_sum3A_1430 : i1 to vector<16xi1>
      %reduce_sum3A_1432 = tpu.scan <sum>, %add3A_1429 masked %reduce_sum3A_1431 : vector<16xf32>, vector<16xi1> -> vector<16xf32>
      %reduce_sum3A_1433 = vector.extract %reduce_sum3A_1432[15] : f32 from vector<16xf32>
      %broadcast_in_dim3A_1434 = vector.broadcast %reduce_sum3A_1433 : f32 to vector<16xf32>
      %select_n3A_1435 = arith.select %eq3A_51, %broadcast_in_dim3A_1434, %select_n3A_1217 : vector<16xi1>, vector<16xf32>
      %slice3A_1436 = vector.extract_strided_slice %get3A_284 {offsets = [9], sizes = [1], strides = [1]} : vector<16xi32> to vector<1xi32>
      %squeeze3A_1437 = vector.extract %slice3A_1436[0] : i32 from vector<1xi32>
      %and3A_1438 = arith.constant 127 : i32
      %and3A_1439 = arith.andi %squeeze3A_1437, %and3A_1438 : i32
      %broadcast_in_dim3A_1440 = vector.broadcast %and3A_1439 : i32 to vector<16xi32>
      %slice3A_1441 = vector.extract_strided_slice %get3A_287 {offsets = [9], sizes = [1], strides = [1]} : vector<16xi32> to vector<1xi32>
      %squeeze3A_1442 = vector.extract %slice3A_1441[0] : i32 from vector<1xi32>
      %and3A_1443 = arith.constant 127 : i32
      %and3A_1444 = arith.andi %squeeze3A_1442, %and3A_1443 : i32
      %broadcast_in_dim3A_1445 = vector.broadcast %and3A_1444 : i32 to vector<16xi32>
      %broadcast_in_dim3A_1446 = arith.constant 0 : i32
      %broadcast_in_dim3A_1447 = vector.broadcast %broadcast_in_dim3A_1446 : i32 to vector<16xi32>
      %broadcast_in_dim3A_1448 = arith.constant 1 : i32
      %broadcast_in_dim3A_1449 = vector.broadcast %broadcast_in_dim3A_1448 : i32 to vector<16xi32>
      %broadcast_in_dim3A_1450 = arith.constant 0.000000e+00 : f32
      %broadcast_in_dim3A_1451 = vector.broadcast %broadcast_in_dim3A_1450 : f32 to vector<16xf32>
      %gather3A_1452 = tpu.vector_load_idx %arg9[%broadcast_in_dim3A_1447, %broadcast_in_dim3A_1449, %add3A_7, %and3A_2, %broadcast_in_dim3A_1440] : memref<2x2x8x8x128xf32, #tpu.memory_space<vmem>>[vector<16xi32>, vector<16xi32>, vector<16xi32>, vector<16xi32>, vector<16xi32>], vector<16xf32>,
      %gather3A_1453 = tpu.vector_load_idx %arg10[%broadcast_in_dim3A_1447, %broadcast_in_dim3A_1449, %add3A_7, %and3A_2, %broadcast_in_dim3A_1445] : memref<2x2x8x8x128xf32, #tpu.memory_space<vmem>>[vector<16xi32>, vector<16xi32>, vector<16xi32>, vector<16xi32>, vector<16xi32>], vector<16xf32>,
      %mul3A_1454 = arith.mulf %gather3A_1452, %gather3A_1453 : vector<16xf32>
      %add3A_1455 = arith.addf %broadcast_in_dim3A_1451, %mul3A_1454 : vector<16xf32>
      %gather3A_1456 = tpu.vector_load_idx %arg9[%broadcast_in_dim3A_1447, %broadcast_in_dim3A_1449, %add3A_13, %and3A_2, %broadcast_in_dim3A_1440] : memref<2x2x8x8x128xf32, #tpu.memory_space<vmem>>[vector<16xi32>, vector<16xi32>, vector<16xi32>, vector<16xi32>, vector<16xi32>], vector<16xf32>,
      %gather3A_1457 = tpu.vector_load_idx %arg10[%broadcast_in_dim3A_1447, %broadcast_in_dim3A_1449, %add3A_13, %and3A_2, %broadcast_in_dim3A_1445] : memref<2x2x8x8x128xf32, #tpu.memory_space<vmem>>[vector<16xi32>, vector<16xi32>, vector<16xi32>, vector<16xi32>, vector<16xi32>], vector<16xf32>,
      %mul3A_1458 = arith.mulf %gather3A_1456, %gather3A_1457 : vector<16xf32>
      %add3A_1459 = arith.addf %add3A_1455, %mul3A_1458 : vector<16xf32>
      %gather3A_1460 = tpu.vector_load_idx %arg9[%broadcast_in_dim3A_1447, %broadcast_in_dim3A_1449, %add3A_19, %and3A_2, %broadcast_in_dim3A_1440] : memref<2x2x8x8x128xf32, #tpu.memory_space<vmem>>[vector<16xi32>, vector<16xi32>, vector<16xi32>, vector<16xi32>, vector<16xi32>], vector<16xf32>,
      %gather3A_1461 = tpu.vector_load_idx %arg10[%broadcast_in_dim3A_1447, %broadcast_in_dim3A_1449, %add3A_19, %and3A_2, %broadcast_in_dim3A_1445] : memref<2x2x8x8x128xf32, #tpu.memory_space<vmem>>[vector<16xi32>, vector<16xi32>, vector<16xi32>, vector<16xi32>, vector<16xi32>], vector<16xf32>,
      %mul3A_1462 = arith.mulf %gather3A_1460, %gather3A_1461 : vector<16xf32>
      %add3A_1463 = arith.addf %add3A_1459, %mul3A_1462 : vector<16xf32>
      %gather3A_1464 = tpu.vector_load_idx %arg9[%broadcast_in_dim3A_1447, %broadcast_in_dim3A_1449, %add3A_25, %and3A_2, %broadcast_in_dim3A_1440] : memref<2x2x8x8x128xf32, #tpu.memory_space<vmem>>[vector<16xi32>, vector<16xi32>, vector<16xi32>, vector<16xi32>, vector<16xi32>], vector<16xf32>,
      %gather3A_1465 = tpu.vector_load_idx %arg10[%broadcast_in_dim3A_1447, %broadcast_in_dim3A_1449, %add3A_25, %and3A_2, %broadcast_in_dim3A_1445] : memref<2x2x8x8x128xf32, #tpu.memory_space<vmem>>[vector<16xi32>, vector<16xi32>, vector<16xi32>, vector<16xi32>, vector<16xi32>], vector<16xf32>,
      %mul3A_1466 = arith.mulf %gather3A_1464, %gather3A_1465 : vector<16xf32>
      %add3A_1467 = arith.addf %add3A_1463, %mul3A_1466 : vector<16xf32>
      %reduce_sum3A_1468 = arith.constant true
      %reduce_sum3A_1469 = vector.broadcast %reduce_sum3A_1468 : i1 to vector<16xi1>
      %reduce_sum3A_1470 = tpu.scan <sum>, %add3A_1467 masked %reduce_sum3A_1469 : vector<16xf32>, vector<16xi1> -> vector<16xf32>
      %reduce_sum3A_1471 = vector.extract %reduce_sum3A_1470[15] : f32 from vector<16xf32>
      %broadcast_in_dim3A_1472 = vector.broadcast %reduce_sum3A_1471 : f32 to vector<16xf32>
      %select_n3A_1473 = arith.select %eq3A_54, %broadcast_in_dim3A_1472, %select_n3A_1435 : vector<16xi1>, vector<16xf32>
      %slice3A_1474 = vector.extract_strided_slice %get3A_284 {offsets = [12], sizes = [1], strides = [1]} : vector<16xi32> to vector<1xi32>
      %squeeze3A_1475 = vector.extract %slice3A_1474[0] : i32 from vector<1xi32>
      %slice3A_1476 = vector.extract_strided_slice %get3A_287 {offsets = [12], sizes = [1], strides = [1]} : vector<16xi32> to vector<1xi32>
      %squeeze3A_1477 = vector.extract %slice3A_1476[0] : i32 from vector<1xi32>
      %shift_right_logical3A_1478 = arith.constant 7 : i32
      %shift_right_logical3A_1479 = arith.shrui %squeeze3A_1475, %shift_right_logical3A_1478 : i32
      %shift_left3A_1480 = arith.constant 7 : i32
      %shift_left3A_1481 = arith.shli %shift_right_logical3A_1479, %shift_left3A_1480 : i32
      %multiple_of3A_1482 = tpu.assume_multiple %shift_left3A_1481, 128 : i32
      %shift_right_logical3A_1483 = arith.constant 7 : i32
      %shift_right_logical3A_1484 = arith.shrui %squeeze3A_1477, %shift_right_logical3A_1483 : i32
      %shift_left3A_1485 = arith.constant 7 : i32
      %shift_left3A_1486 = arith.shli %shift_right_logical3A_1484, %shift_left3A_1485 : i32
      %multiple_of3A_1487 = tpu.assume_multiple %shift_left3A_1486, 128 : i32
      %dma_start3A_1488 = arith.constant 0 : i32
      %dma_start3A_1489 = arith.constant 0 : i32
      %dma_start3A_1490 = arith.constant 0 : i32
      %dma_start3A_1491 = arith.constant 0 : i32
      %dma_start3A_1492 = arith.constant 0 : i32
      %dma_start3A_1493 = tpu.memref_slice %arg9[%dma_start3A_1488, %dma_start3A_1489, %dma_start3A_1490, %dma_start3A_1491, %dma_start3A_1492] : memref<2x2x8x8x128xf32, #tpu.memory_space<vmem>> -> memref<1x1x8x8x128xf32, #tpu.memory_space<vmem>>
      %dma_start3A_1494 = tpu.memref_squeeze %dma_start3A_1493 : memref<1x1x8x8x128xf32, #tpu.memory_space<vmem>> -> memref<8x8x128xf32, #tpu.memory_space<vmem>>
      %dma_start3A_1495 = arith.constant 0 : i32
      %dma_start3A_1496 = arith.constant 0 : i32
      %dma_start3A_1497 = tpu.memref_slice %arg4[%dma_start3A_1495, %dma_start3A_1496, %multiple_of3A_1482] : memref<8x8x1000000xf32, #tpu.memory_space<hbm>> -> memref<8x8x128xf32, #tpu.memory_space<hbm>>
      %dma_start3A_1498 = arith.constant 0 : i32
      %dma_start3A_1499 = arith.constant 0 : i32
      %dma_start3A_1500 = arith.constant 0 : i32
      %dma_start3A_1501 = tpu.memref_slice %arg9[%dma_start3A_1488, %dma_start3A_1489, %dma_start3A_1498, %dma_start3A_1499, %dma_start3A_1500] : memref<2x2x8x8x128xf32, #tpu.memory_space<vmem>> -> memref<1x1x8x8x128xf32, #tpu.memory_space<vmem>>
      %dma_start3A_1502 = tpu.memref_squeeze %dma_start3A_1501 : memref<1x1x8x8x128xf32, #tpu.memory_space<vmem>> -> memref<8x8x128xf32, #tpu.memory_space<vmem>>
      %dma_start3A_1503 = arith.constant 0 : i32
      %dma_start3A_1504 = arith.constant 0 : i32
      %dma_start3A_1505 = tpu.memref_slice %arg4[%dma_start3A_1503, %dma_start3A_1504, %multiple_of3A_1482] : memref<8x8x1000000xf32, #tpu.memory_space<hbm>> -> memref<8x8x128xf32, #tpu.memory_space<hbm>>
      tpu.enqueue_dma source(%dma_start3A_1505 : memref<8x8x128xf32, #tpu.memory_space<hbm>>) target(%dma_start3A_1502 : memref<8x8x128xf32, #tpu.memory_space<vmem>>) target_semaphore(%arg12 : memref<!tpu.dma_semaphore, #tpu.memory_space<semaphore_mem>>)
      %dma_start3A_1506 = arith.constant 0 : i32
      %dma_start3A_1507 = arith.constant 0 : i32
      %dma_start3A_1508 = arith.constant 0 : i32
      %dma_start3A_1509 = arith.constant 0 : i32
      %dma_start3A_1510 = arith.constant 0 : i32
      %dma_start3A_1511 = tpu.memref_slice %arg10[%dma_start3A_1506, %dma_start3A_1507, %dma_start3A_1508, %dma_start3A_1509, %dma_start3A_1510] : memref<2x2x8x8x128xf32, #tpu.memory_space<vmem>> -> memref<1x1x8x8x128xf32, #tpu.memory_space<vmem>>
      %dma_start3A_1512 = tpu.memref_squeeze %dma_start3A_1511 : memref<1x1x8x8x128xf32, #tpu.memory_space<vmem>> -> memref<8x8x128xf32, #tpu.memory_space<vmem>>
      %dma_start3A_1513 = arith.constant 0 : i32
      %dma_start3A_1514 = arith.constant 0 : i32
      %dma_start3A_1515 = tpu.memref_slice %arg5[%dma_start3A_1513, %dma_start3A_1514, %multiple_of3A_1487] : memref<8x8x1000000xf32, #tpu.memory_space<hbm>> -> memref<8x8x128xf32, #tpu.memory_space<hbm>>
      %dma_start3A_1516 = arith.constant 0 : i32
      %dma_start3A_1517 = arith.constant 0 : i32
      %dma_start3A_1518 = arith.constant 0 : i32
      %dma_start3A_1519 = tpu.memref_slice %arg10[%dma_start3A_1506, %dma_start3A_1507, %dma_start3A_1516, %dma_start3A_1517, %dma_start3A_1518] : memref<2x2x8x8x128xf32, #tpu.memory_space<vmem>> -> memref<1x1x8x8x128xf32, #tpu.memory_space<vmem>>
      %dma_start3A_1520 = tpu.memref_squeeze %dma_start3A_1519 : memref<1x1x8x8x128xf32, #tpu.memory_space<vmem>> -> memref<8x8x128xf32, #tpu.memory_space<vmem>>
      %dma_start3A_1521 = arith.constant 0 : i32
      %dma_start3A_1522 = arith.constant 0 : i32
      %dma_start3A_1523 = tpu.memref_slice %arg5[%dma_start3A_1521, %dma_start3A_1522, %multiple_of3A_1487] : memref<8x8x1000000xf32, #tpu.memory_space<hbm>> -> memref<8x8x128xf32, #tpu.memory_space<hbm>>
      tpu.enqueue_dma source(%dma_start3A_1523 : memref<8x8x128xf32, #tpu.memory_space<hbm>>) target(%dma_start3A_1520 : memref<8x8x128xf32, #tpu.memory_space<vmem>>) target_semaphore(%arg12 : memref<!tpu.dma_semaphore, #tpu.memory_space<semaphore_mem>>)
      %slice3A_1524 = vector.extract_strided_slice %get3A_284 {offsets = [13], sizes = [1], strides = [1]} : vector<16xi32> to vector<1xi32>
      %squeeze3A_1525 = vector.extract %slice3A_1524[0] : i32 from vector<1xi32>
      %slice3A_1526 = vector.extract_strided_slice %get3A_287 {offsets = [13], sizes = [1], strides = [1]} : vector<16xi32> to vector<1xi32>
      %squeeze3A_1527 = vector.extract %slice3A_1526[0] : i32 from vector<1xi32>
      %shift_right_logical3A_1528 = arith.constant 7 : i32
      %shift_right_logical3A_1529 = arith.shrui %squeeze3A_1525, %shift_right_logical3A_1528 : i32
      %shift_left3A_1530 = arith.constant 7 : i32
      %shift_left3A_1531 = arith.shli %shift_right_logical3A_1529, %shift_left3A_1530 : i32
      %multiple_of3A_1532 = tpu.assume_multiple %shift_left3A_1531, 128 : i32
      %shift_right_logical3A_1533 = arith.constant 7 : i32
      %shift_right_logical3A_1534 = arith.shrui %squeeze3A_1527, %shift_right_logical3A_1533 : i32
      %shift_left3A_1535 = arith.constant 7 : i32
      %shift_left3A_1536 = arith.shli %shift_right_logical3A_1534, %shift_left3A_1535 : i32
      %multiple_of3A_1537 = tpu.assume_multiple %shift_left3A_1536, 128 : i32
      %dma_start3A_1538 = arith.constant 0 : i32
      %dma_start3A_1539 = arith.constant 1 : i32
      %dma_start3A_1540 = arith.constant 0 : i32
      %dma_start3A_1541 = arith.constant 0 : i32
      %dma_start3A_1542 = arith.constant 0 : i32
      %dma_start3A_1543 = tpu.memref_slice %arg9[%dma_start3A_1538, %dma_start3A_1539, %dma_start3A_1540, %dma_start3A_1541, %dma_start3A_1542] : memref<2x2x8x8x128xf32, #tpu.memory_space<vmem>> -> memref<1x1x8x8x128xf32, #tpu.memory_space<vmem>>
      %dma_start3A_1544 = tpu.memref_squeeze %dma_start3A_1543 : memref<1x1x8x8x128xf32, #tpu.memory_space<vmem>> -> memref<8x8x128xf32, #tpu.memory_space<vmem>>
      %dma_start3A_1545 = arith.constant 0 : i32
      %dma_start3A_1546 = arith.constant 0 : i32
      %dma_start3A_1547 = tpu.memref_slice %arg4[%dma_start3A_1545, %dma_start3A_1546, %multiple_of3A_1532] : memref<8x8x1000000xf32, #tpu.memory_space<hbm>> -> memref<8x8x128xf32, #tpu.memory_space<hbm>>
      %dma_start3A_1548 = arith.constant 0 : i32
      %dma_start3A_1549 = arith.constant 0 : i32
      %dma_start3A_1550 = arith.constant 0 : i32
      %dma_start3A_1551 = tpu.memref_slice %arg9[%dma_start3A_1538, %dma_start3A_1539, %dma_start3A_1548, %dma_start3A_1549, %dma_start3A_1550] : memref<2x2x8x8x128xf32, #tpu.memory_space<vmem>> -> memref<1x1x8x8x128xf32, #tpu.memory_space<vmem>>
      %dma_start3A_1552 = tpu.memref_squeeze %dma_start3A_1551 : memref<1x1x8x8x128xf32, #tpu.memory_space<vmem>> -> memref<8x8x128xf32, #tpu.memory_space<vmem>>
      %dma_start3A_1553 = arith.constant 0 : i32
      %dma_start3A_1554 = arith.constant 0 : i32
      %dma_start3A_1555 = tpu.memref_slice %arg4[%dma_start3A_1553, %dma_start3A_1554, %multiple_of3A_1532] : memref<8x8x1000000xf32, #tpu.memory_space<hbm>> -> memref<8x8x128xf32, #tpu.memory_space<hbm>>
      tpu.enqueue_dma source(%dma_start3A_1555 : memref<8x8x128xf32, #tpu.memory_space<hbm>>) target(%dma_start3A_1552 : memref<8x8x128xf32, #tpu.memory_space<vmem>>) target_semaphore(%arg12 : memref<!tpu.dma_semaphore, #tpu.memory_space<semaphore_mem>>)
      %dma_start3A_1556 = arith.constant 0 : i32
      %dma_start3A_1557 = arith.constant 1 : i32
      %dma_start3A_1558 = arith.constant 0 : i32
      %dma_start3A_1559 = arith.constant 0 : i32
      %dma_start3A_1560 = arith.constant 0 : i32
      %dma_start3A_1561 = tpu.memref_slice %arg10[%dma_start3A_1556, %dma_start3A_1557, %dma_start3A_1558, %dma_start3A_1559, %dma_start3A_1560] : memref<2x2x8x8x128xf32, #tpu.memory_space<vmem>> -> memref<1x1x8x8x128xf32, #tpu.memory_space<vmem>>
      %dma_start3A_1562 = tpu.memref_squeeze %dma_start3A_1561 : memref<1x1x8x8x128xf32, #tpu.memory_space<vmem>> -> memref<8x8x128xf32, #tpu.memory_space<vmem>>
      %dma_start3A_1563 = arith.constant 0 : i32
      %dma_start3A_1564 = arith.constant 0 : i32
      %dma_start3A_1565 = tpu.memref_slice %arg5[%dma_start3A_1563, %dma_start3A_1564, %multiple_of3A_1537] : memref<8x8x1000000xf32, #tpu.memory_space<hbm>> -> memref<8x8x128xf32, #tpu.memory_space<hbm>>
      %dma_start3A_1566 = arith.constant 0 : i32
      %dma_start3A_1567 = arith.constant 0 : i32
      %dma_start3A_1568 = arith.constant 0 : i32
      %dma_start3A_1569 = tpu.memref_slice %arg10[%dma_start3A_1556, %dma_start3A_1557, %dma_start3A_1566, %dma_start3A_1567, %dma_start3A_1568] : memref<2x2x8x8x128xf32, #tpu.memory_space<vmem>> -> memref<1x1x8x8x128xf32, #tpu.memory_space<vmem>>
      %dma_start3A_1570 = tpu.memref_squeeze %dma_start3A_1569 : memref<1x1x8x8x128xf32, #tpu.memory_space<vmem>> -> memref<8x8x128xf32, #tpu.memory_space<vmem>>
      %dma_start3A_1571 = arith.constant 0 : i32
      %dma_start3A_1572 = arith.constant 0 : i32
      %dma_start3A_1573 = tpu.memref_slice %arg5[%dma_start3A_1571, %dma_start3A_1572, %multiple_of3A_1537] : memref<8x8x1000000xf32, #tpu.memory_space<hbm>> -> memref<8x8x128xf32, #tpu.memory_space<hbm>>
      tpu.enqueue_dma source(%dma_start3A_1573 : memref<8x8x128xf32, #tpu.memory_space<hbm>>) target(%dma_start3A_1570 : memref<8x8x128xf32, #tpu.memory_space<vmem>>) target_semaphore(%arg12 : memref<!tpu.dma_semaphore, #tpu.memory_space<semaphore_mem>>)
      %dma_wait3A_1574 = arith.constant 0 : i32
      %dma_wait3A_1575 = arith.constant 0 : i32
      %dma_wait3A_1576 = arith.constant 0 : i32
      %dma_wait3A_1577 = arith.constant 0 : i32
      %dma_wait3A_1578 = arith.constant 0 : i32
      %dma_wait3A_1579 = tpu.memref_slice %arg9[%dma_wait3A_1574, %dma_wait3A_1575, %dma_wait3A_1576, %dma_wait3A_1577, %dma_wait3A_1578] : memref<2x2x8x8x128xf32, #tpu.memory_space<vmem>> -> memref<1x1x8x8x128xf32, #tpu.memory_space<vmem>>
      %dma_wait3A_1580 = tpu.memref_squeeze %dma_wait3A_1579 : memref<1x1x8x8x128xf32, #tpu.memory_space<vmem>> -> memref<8x8x128xf32, #tpu.memory_space<vmem>>
      %dma_wait3A_1581 = arith.constant 0 : i32
      %dma_wait3A_1582 = arith.constant 0 : i32
      %dma_wait3A_1583 = arith.constant 0 : i32
      %dma_wait3A_1584 = tpu.memref_slice %arg4[%dma_wait3A_1581, %dma_wait3A_1582, %dma_wait3A_1583] : memref<8x8x1000000xf32, #tpu.memory_space<hbm>> -> memref<8x8x128xf32, #tpu.memory_space<hbm>>
      %dma_wait3A_1585 = arith.constant 0 : i32
      %dma_wait3A_1586 = arith.constant 0 : i32
      %dma_wait3A_1587 = arith.constant 0 : i32
      %dma_wait3A_1588 = tpu.memref_slice %arg9[%dma_wait3A_1574, %dma_wait3A_1575, %dma_wait3A_1585, %dma_wait3A_1586, %dma_wait3A_1587] : memref<2x2x8x8x128xf32, #tpu.memory_space<vmem>> -> memref<1x1x8x8x128xf32, #tpu.memory_space<vmem>>
      %dma_wait3A_1589 = tpu.memref_squeeze %dma_wait3A_1588 : memref<1x1x8x8x128xf32, #tpu.memory_space<vmem>> -> memref<8x8x128xf32, #tpu.memory_space<vmem>>
      %dma_wait3A_1590 = arith.constant 0 : i32
      %dma_wait3A_1591 = arith.constant 0 : i32
      %dma_wait3A_1592 = arith.constant 0 : i32
      %dma_wait3A_1593 = tpu.memref_slice %arg4[%dma_wait3A_1590, %dma_wait3A_1591, %dma_wait3A_1592] : memref<8x8x1000000xf32, #tpu.memory_space<hbm>> -> memref<8x8x128xf32, #tpu.memory_space<hbm>>
      tpu.wait_dma2 semaphore(%arg12 : memref<!tpu.dma_semaphore, #tpu.memory_space<semaphore_mem>>) src(%dma_wait3A_1593 : memref<8x8x128xf32, #tpu.memory_space<hbm>>) dst(%dma_wait3A_1589 : memref<8x8x128xf32, #tpu.memory_space<vmem>>)
      %dma_wait3A_1594 = arith.constant 0 : i32
      %dma_wait3A_1595 = arith.constant 0 : i32
      %dma_wait3A_1596 = arith.constant 0 : i32
      %dma_wait3A_1597 = arith.constant 0 : i32
      %dma_wait3A_1598 = arith.constant 0 : i32
      %dma_wait3A_1599 = tpu.memref_slice %arg9[%dma_wait3A_1594, %dma_wait3A_1595, %dma_wait3A_1596, %dma_wait3A_1597, %dma_wait3A_1598] : memref<2x2x8x8x128xf32, #tpu.memory_space<vmem>> -> memref<1x1x8x8x128xf32, #tpu.memory_space<vmem>>
      %dma_wait3A_1600 = tpu.memref_squeeze %dma_wait3A_1599 : memref<1x1x8x8x128xf32, #tpu.memory_space<vmem>> -> memref<8x8x128xf32, #tpu.memory_space<vmem>>
      %dma_wait3A_1601 = arith.constant 0 : i32
      %dma_wait3A_1602 = arith.constant 0 : i32
      %dma_wait3A_1603 = arith.constant 0 : i32
      %dma_wait3A_1604 = tpu.memref_slice %arg4[%dma_wait3A_1601, %dma_wait3A_1602, %dma_wait3A_1603] : memref<8x8x1000000xf32, #tpu.memory_space<hbm>> -> memref<8x8x128xf32, #tpu.memory_space<hbm>>
      %dma_wait3A_1605 = arith.constant 0 : i32
      %dma_wait3A_1606 = arith.constant 0 : i32
      %dma_wait3A_1607 = arith.constant 0 : i32
      %dma_wait3A_1608 = tpu.memref_slice %arg9[%dma_wait3A_1594, %dma_wait3A_1595, %dma_wait3A_1605, %dma_wait3A_1606, %dma_wait3A_1607] : memref<2x2x8x8x128xf32, #tpu.memory_space<vmem>> -> memref<1x1x8x8x128xf32, #tpu.memory_space<vmem>>
      %dma_wait3A_1609 = tpu.memref_squeeze %dma_wait3A_1608 : memref<1x1x8x8x128xf32, #tpu.memory_space<vmem>> -> memref<8x8x128xf32, #tpu.memory_space<vmem>>
      %dma_wait3A_1610 = arith.constant 0 : i32
      %dma_wait3A_1611 = arith.constant 0 : i32
      %dma_wait3A_1612 = arith.constant 0 : i32
      %dma_wait3A_1613 = tpu.memref_slice %arg4[%dma_wait3A_1610, %dma_wait3A_1611, %dma_wait3A_1612] : memref<8x8x1000000xf32, #tpu.memory_space<hbm>> -> memref<8x8x128xf32, #tpu.memory_space<hbm>>
      tpu.wait_dma2 semaphore(%arg12 : memref<!tpu.dma_semaphore, #tpu.memory_space<semaphore_mem>>) src(%dma_wait3A_1613 : memref<8x8x128xf32, #tpu.memory_space<hbm>>) dst(%dma_wait3A_1609 : memref<8x8x128xf32, #tpu.memory_space<vmem>>)
      %dma_wait3A_1614 = arith.constant 0 : i32
      %dma_wait3A_1615 = arith.constant 0 : i32
      %dma_wait3A_1616 = arith.constant 0 : i32
      %dma_wait3A_1617 = arith.constant 0 : i32
      %dma_wait3A_1618 = arith.constant 0 : i32
      %dma_wait3A_1619 = tpu.memref_slice %arg9[%dma_wait3A_1614, %dma_wait3A_1615, %dma_wait3A_1616, %dma_wait3A_1617, %dma_wait3A_1618] : memref<2x2x8x8x128xf32, #tpu.memory_space<vmem>> -> memref<1x1x8x8x128xf32, #tpu.memory_space<vmem>>
      %dma_wait3A_1620 = tpu.memref_squeeze %dma_wait3A_1619 : memref<1x1x8x8x128xf32, #tpu.memory_space<vmem>> -> memref<8x8x128xf32, #tpu.memory_space<vmem>>
      %dma_wait3A_1621 = arith.constant 0 : i32
      %dma_wait3A_1622 = arith.constant 0 : i32
      %dma_wait3A_1623 = arith.constant 0 : i32
      %dma_wait3A_1624 = tpu.memref_slice %arg4[%dma_wait3A_1621, %dma_wait3A_1622, %dma_wait3A_1623] : memref<8x8x1000000xf32, #tpu.memory_space<hbm>> -> memref<8x8x128xf32, #tpu.memory_space<hbm>>
      %dma_wait3A_1625 = arith.constant 0 : i32
      %dma_wait3A_1626 = arith.constant 0 : i32
      %dma_wait3A_1627 = arith.constant 0 : i32
      %dma_wait3A_1628 = tpu.memref_slice %arg9[%dma_wait3A_1614, %dma_wait3A_1615, %dma_wait3A_1625, %dma_wait3A_1626, %dma_wait3A_1627] : memref<2x2x8x8x128xf32, #tpu.memory_space<vmem>> -> memref<1x1x8x8x128xf32, #tpu.memory_space<vmem>>
      %dma_wait3A_1629 = tpu.memref_squeeze %dma_wait3A_1628 : memref<1x1x8x8x128xf32, #tpu.memory_space<vmem>> -> memref<8x8x128xf32, #tpu.memory_space<vmem>>
      %dma_wait3A_1630 = arith.constant 0 : i32
      %dma_wait3A_1631 = arith.constant 0 : i32
      %dma_wait3A_1632 = arith.constant 0 : i32
      %dma_wait3A_1633 = tpu.memref_slice %arg4[%dma_wait3A_1630, %dma_wait3A_1631, %dma_wait3A_1632] : memref<8x8x1000000xf32, #tpu.memory_space<hbm>> -> memref<8x8x128xf32, #tpu.memory_space<hbm>>
      tpu.wait_dma2 semaphore(%arg12 : memref<!tpu.dma_semaphore, #tpu.memory_space<semaphore_mem>>) src(%dma_wait3A_1633 : memref<8x8x128xf32, #tpu.memory_space<hbm>>) dst(%dma_wait3A_1629 : memref<8x8x128xf32, #tpu.memory_space<vmem>>)
      %dma_wait3A_1634 = arith.constant 0 : i32
      %dma_wait3A_1635 = arith.constant 0 : i32
      %dma_wait3A_1636 = arith.constant 0 : i32
      %dma_wait3A_1637 = arith.constant 0 : i32
      %dma_wait3A_1638 = arith.constant 0 : i32
      %dma_wait3A_1639 = tpu.memref_slice %arg9[%dma_wait3A_1634, %dma_wait3A_1635, %dma_wait3A_1636, %dma_wait3A_1637, %dma_wait3A_1638] : memref<2x2x8x8x128xf32, #tpu.memory_space<vmem>> -> memref<1x1x8x8x128xf32, #tpu.memory_space<vmem>>
      %dma_wait3A_1640 = tpu.memref_squeeze %dma_wait3A_1639 : memref<1x1x8x8x128xf32, #tpu.memory_space<vmem>> -> memref<8x8x128xf32, #tpu.memory_space<vmem>>
      %dma_wait3A_1641 = arith.constant 0 : i32
      %dma_wait3A_1642 = arith.constant 0 : i32
      %dma_wait3A_1643 = arith.constant 0 : i32
      %dma_wait3A_1644 = tpu.memref_slice %arg4[%dma_wait3A_1641, %dma_wait3A_1642, %dma_wait3A_1643] : memref<8x8x1000000xf32, #tpu.memory_space<hbm>> -> memref<8x8x128xf32, #tpu.memory_space<hbm>>
      %dma_wait3A_1645 = arith.constant 0 : i32
      %dma_wait3A_1646 = arith.constant 0 : i32
      %dma_wait3A_1647 = arith.constant 0 : i32
      %dma_wait3A_1648 = tpu.memref_slice %arg9[%dma_wait3A_1634, %dma_wait3A_1635, %dma_wait3A_1645, %dma_wait3A_1646, %dma_wait3A_1647] : memref<2x2x8x8x128xf32, #tpu.memory_space<vmem>> -> memref<1x1x8x8x128xf32, #tpu.memory_space<vmem>>
      %dma_wait3A_1649 = tpu.memref_squeeze %dma_wait3A_1648 : memref<1x1x8x8x128xf32, #tpu.memory_space<vmem>> -> memref<8x8x128xf32, #tpu.memory_space<vmem>>
      %dma_wait3A_1650 = arith.constant 0 : i32
      %dma_wait3A_1651 = arith.constant 0 : i32
      %dma_wait3A_1652 = arith.constant 0 : i32
      %dma_wait3A_1653 = tpu.memref_slice %arg4[%dma_wait3A_1650, %dma_wait3A_1651, %dma_wait3A_1652] : memref<8x8x1000000xf32, #tpu.memory_space<hbm>> -> memref<8x8x128xf32, #tpu.memory_space<hbm>>
      tpu.wait_dma2 semaphore(%arg12 : memref<!tpu.dma_semaphore, #tpu.memory_space<semaphore_mem>>) src(%dma_wait3A_1653 : memref<8x8x128xf32, #tpu.memory_space<hbm>>) dst(%dma_wait3A_1649 : memref<8x8x128xf32, #tpu.memory_space<vmem>>)
      %slice3A_1654 = vector.extract_strided_slice %get3A_284 {offsets = [10], sizes = [1], strides = [1]} : vector<16xi32> to vector<1xi32>
      %squeeze3A_1655 = vector.extract %slice3A_1654[0] : i32 from vector<1xi32>
      %and3A_1656 = arith.constant 127 : i32
      %and3A_1657 = arith.andi %squeeze3A_1655, %and3A_1656 : i32
      %broadcast_in_dim3A_1658 = vector.broadcast %and3A_1657 : i32 to vector<16xi32>
      %slice3A_1659 = vector.extract_strided_slice %get3A_287 {offsets = [10], sizes = [1], strides = [1]} : vector<16xi32> to vector<1xi32>
      %squeeze3A_1660 = vector.extract %slice3A_1659[0] : i32 from vector<1xi32>
      %and3A_1661 = arith.constant 127 : i32
      %and3A_1662 = arith.andi %squeeze3A_1660, %and3A_1661 : i32
      %broadcast_in_dim3A_1663 = vector.broadcast %and3A_1662 : i32 to vector<16xi32>
      %broadcast_in_dim3A_1664 = arith.constant 1 : i32
      %broadcast_in_dim3A_1665 = vector.broadcast %broadcast_in_dim3A_1664 : i32 to vector<16xi32>
      %broadcast_in_dim3A_1666 = arith.constant 0 : i32
      %broadcast_in_dim3A_1667 = vector.broadcast %broadcast_in_dim3A_1666 : i32 to vector<16xi32>
      %broadcast_in_dim3A_1668 = arith.constant 0.000000e+00 : f32
      %broadcast_in_dim3A_1669 = vector.broadcast %broadcast_in_dim3A_1668 : f32 to vector<16xf32>
      %gather3A_1670 = tpu.vector_load_idx %arg9[%broadcast_in_dim3A_1665, %broadcast_in_dim3A_1667, %add3A_7, %and3A_2, %broadcast_in_dim3A_1658] : memref<2x2x8x8x128xf32, #tpu.memory_space<vmem>>[vector<16xi32>, vector<16xi32>, vector<16xi32>, vector<16xi32>, vector<16xi32>], vector<16xf32>,
      %gather3A_1671 = tpu.vector_load_idx %arg10[%broadcast_in_dim3A_1665, %broadcast_in_dim3A_1667, %add3A_7, %and3A_2, %broadcast_in_dim3A_1663] : memref<2x2x8x8x128xf32, #tpu.memory_space<vmem>>[vector<16xi32>, vector<16xi32>, vector<16xi32>, vector<16xi32>, vector<16xi32>], vector<16xf32>,
      %mul3A_1672 = arith.mulf %gather3A_1670, %gather3A_1671 : vector<16xf32>
      %add3A_1673 = arith.addf %broadcast_in_dim3A_1669, %mul3A_1672 : vector<16xf32>
      %gather3A_1674 = tpu.vector_load_idx %arg9[%broadcast_in_dim3A_1665, %broadcast_in_dim3A_1667, %add3A_13, %and3A_2, %broadcast_in_dim3A_1658] : memref<2x2x8x8x128xf32, #tpu.memory_space<vmem>>[vector<16xi32>, vector<16xi32>, vector<16xi32>, vector<16xi32>, vector<16xi32>], vector<16xf32>,
      %gather3A_1675 = tpu.vector_load_idx %arg10[%broadcast_in_dim3A_1665, %broadcast_in_dim3A_1667, %add3A_13, %and3A_2, %broadcast_in_dim3A_1663] : memref<2x2x8x8x128xf32, #tpu.memory_space<vmem>>[vector<16xi32>, vector<16xi32>, vector<16xi32>, vector<16xi32>, vector<16xi32>], vector<16xf32>,
      %mul3A_1676 = arith.mulf %gather3A_1674, %gather3A_1675 : vector<16xf32>
      %add3A_1677 = arith.addf %add3A_1673, %mul3A_1676 : vector<16xf32>
      %gather3A_1678 = tpu.vector_load_idx %arg9[%broadcast_in_dim3A_1665, %broadcast_in_dim3A_1667, %add3A_19, %and3A_2, %broadcast_in_dim3A_1658] : memref<2x2x8x8x128xf32, #tpu.memory_space<vmem>>[vector<16xi32>, vector<16xi32>, vector<16xi32>, vector<16xi32>, vector<16xi32>], vector<16xf32>,
      %gather3A_1679 = tpu.vector_load_idx %arg10[%broadcast_in_dim3A_1665, %broadcast_in_dim3A_1667, %add3A_19, %and3A_2, %broadcast_in_dim3A_1663] : memref<2x2x8x8x128xf32, #tpu.memory_space<vmem>>[vector<16xi32>, vector<16xi32>, vector<16xi32>, vector<16xi32>, vector<16xi32>], vector<16xf32>,
      %mul3A_1680 = arith.mulf %gather3A_1678, %gather3A_1679 : vector<16xf32>
      %add3A_1681 = arith.addf %add3A_1677, %mul3A_1680 : vector<16xf32>
      %gather3A_1682 = tpu.vector_load_idx %arg9[%broadcast_in_dim3A_1665, %broadcast_in_dim3A_1667, %add3A_25, %and3A_2, %broadcast_in_dim3A_1658] : memref<2x2x8x8x128xf32, #tpu.memory_space<vmem>>[vector<16xi32>, vector<16xi32>, vector<16xi32>, vector<16xi32>, vector<16xi32>], vector<16xf32>,
      %gather3A_1683 = tpu.vector_load_idx %arg10[%broadcast_in_dim3A_1665, %broadcast_in_dim3A_1667, %add3A_25, %and3A_2, %broadcast_in_dim3A_1663] : memref<2x2x8x8x128xf32, #tpu.memory_space<vmem>>[vector<16xi32>, vector<16xi32>, vector<16xi32>, vector<16xi32>, vector<16xi32>], vector<16xf32>,
      %mul3A_1684 = arith.mulf %gather3A_1682, %gather3A_1683 : vector<16xf32>
      %add3A_1685 = arith.addf %add3A_1681, %mul3A_1684 : vector<16xf32>
      %reduce_sum3A_1686 = arith.constant true
      %reduce_sum3A_1687 = vector.broadcast %reduce_sum3A_1686 : i1 to vector<16xi1>
      %reduce_sum3A_1688 = tpu.scan <sum>, %add3A_1685 masked %reduce_sum3A_1687 : vector<16xf32>, vector<16xi1> -> vector<16xf32>
      %reduce_sum3A_1689 = vector.extract %reduce_sum3A_1688[15] : f32 from vector<16xf32>
      %broadcast_in_dim3A_1690 = vector.broadcast %reduce_sum3A_1689 : f32 to vector<16xf32>
      %select_n3A_1691 = arith.select %eq3A_57, %broadcast_in_dim3A_1690, %select_n3A_1473 : vector<16xi1>, vector<16xf32>
      %slice3A_1692 = vector.extract_strided_slice %get3A_284 {offsets = [11], sizes = [1], strides = [1]} : vector<16xi32> to vector<1xi32>
      %squeeze3A_1693 = vector.extract %slice3A_1692[0] : i32 from vector<1xi32>
      %and3A_1694 = arith.constant 127 : i32
      %and3A_1695 = arith.andi %squeeze3A_1693, %and3A_1694 : i32
      %broadcast_in_dim3A_1696 = vector.broadcast %and3A_1695 : i32 to vector<16xi32>
      %slice3A_1697 = vector.extract_strided_slice %get3A_287 {offsets = [11], sizes = [1], strides = [1]} : vector<16xi32> to vector<1xi32>
      %squeeze3A_1698 = vector.extract %slice3A_1697[0] : i32 from vector<1xi32>
      %and3A_1699 = arith.constant 127 : i32
      %and3A_1700 = arith.andi %squeeze3A_1698, %and3A_1699 : i32
      %broadcast_in_dim3A_1701 = vector.broadcast %and3A_1700 : i32 to vector<16xi32>
      %broadcast_in_dim3A_1702 = arith.constant 1 : i32
      %broadcast_in_dim3A_1703 = vector.broadcast %broadcast_in_dim3A_1702 : i32 to vector<16xi32>
      %broadcast_in_dim3A_1704 = arith.constant 1 : i32
      %broadcast_in_dim3A_1705 = vector.broadcast %broadcast_in_dim3A_1704 : i32 to vector<16xi32>
      %broadcast_in_dim3A_1706 = arith.constant 0.000000e+00 : f32
      %broadcast_in_dim3A_1707 = vector.broadcast %broadcast_in_dim3A_1706 : f32 to vector<16xf32>
      %gather3A_1708 = tpu.vector_load_idx %arg9[%broadcast_in_dim3A_1703, %broadcast_in_dim3A_1705, %add3A_7, %and3A_2, %broadcast_in_dim3A_1696] : memref<2x2x8x8x128xf32, #tpu.memory_space<vmem>>[vector<16xi32>, vector<16xi32>, vector<16xi32>, vector<16xi32>, vector<16xi32>], vector<16xf32>,
      %gather3A_1709 = tpu.vector_load_idx %arg10[%broadcast_in_dim3A_1703, %broadcast_in_dim3A_1705, %add3A_7, %and3A_2, %broadcast_in_dim3A_1701] : memref<2x2x8x8x128xf32, #tpu.memory_space<vmem>>[vector<16xi32>, vector<16xi32>, vector<16xi32>, vector<16xi32>, vector<16xi32>], vector<16xf32>,
      %mul3A_1710 = arith.mulf %gather3A_1708, %gather3A_1709 : vector<16xf32>
      %add3A_1711 = arith.addf %broadcast_in_dim3A_1707, %mul3A_1710 : vector<16xf32>
      %gather3A_1712 = tpu.vector_load_idx %arg9[%broadcast_in_dim3A_1703, %broadcast_in_dim3A_1705, %add3A_13, %and3A_2, %broadcast_in_dim3A_1696] : memref<2x2x8x8x128xf32, #tpu.memory_space<vmem>>[vector<16xi32>, vector<16xi32>, vector<16xi32>, vector<16xi32>, vector<16xi32>], vector<16xf32>,
      %gather3A_1713 = tpu.vector_load_idx %arg10[%broadcast_in_dim3A_1703, %broadcast_in_dim3A_1705, %add3A_13, %and3A_2, %broadcast_in_dim3A_1701] : memref<2x2x8x8x128xf32, #tpu.memory_space<vmem>>[vector<16xi32>, vector<16xi32>, vector<16xi32>, vector<16xi32>, vector<16xi32>], vector<16xf32>,
      %mul3A_1714 = arith.mulf %gather3A_1712, %gather3A_1713 : vector<16xf32>
      %add3A_1715 = arith.addf %add3A_1711, %mul3A_1714 : vector<16xf32>
      %gather3A_1716 = tpu.vector_load_idx %arg9[%broadcast_in_dim3A_1703, %broadcast_in_dim3A_1705, %add3A_19, %and3A_2, %broadcast_in_dim3A_1696] : memref<2x2x8x8x128xf32, #tpu.memory_space<vmem>>[vector<16xi32>, vector<16xi32>, vector<16xi32>, vector<16xi32>, vector<16xi32>], vector<16xf32>,
      %gather3A_1717 = tpu.vector_load_idx %arg10[%broadcast_in_dim3A_1703, %broadcast_in_dim3A_1705, %add3A_19, %and3A_2, %broadcast_in_dim3A_1701] : memref<2x2x8x8x128xf32, #tpu.memory_space<vmem>>[vector<16xi32>, vector<16xi32>, vector<16xi32>, vector<16xi32>, vector<16xi32>], vector<16xf32>,
      %mul3A_1718 = arith.mulf %gather3A_1716, %gather3A_1717 : vector<16xf32>
      %add3A_1719 = arith.addf %add3A_1715, %mul3A_1718 : vector<16xf32>
      %gather3A_1720 = tpu.vector_load_idx %arg9[%broadcast_in_dim3A_1703, %broadcast_in_dim3A_1705, %add3A_25, %and3A_2, %broadcast_in_dim3A_1696] : memref<2x2x8x8x128xf32, #tpu.memory_space<vmem>>[vector<16xi32>, vector<16xi32>, vector<16xi32>, vector<16xi32>, vector<16xi32>], vector<16xf32>,
      %gather3A_1721 = tpu.vector_load_idx %arg10[%broadcast_in_dim3A_1703, %broadcast_in_dim3A_1705, %add3A_25, %and3A_2, %broadcast_in_dim3A_1701] : memref<2x2x8x8x128xf32, #tpu.memory_space<vmem>>[vector<16xi32>, vector<16xi32>, vector<16xi32>, vector<16xi32>, vector<16xi32>], vector<16xf32>,
      %mul3A_1722 = arith.mulf %gather3A_1720, %gather3A_1721 : vector<16xf32>
      %add3A_1723 = arith.addf %add3A_1719, %mul3A_1722 : vector<16xf32>
      %reduce_sum3A_1724 = arith.constant true
      %reduce_sum3A_1725 = vector.broadcast %reduce_sum3A_1724 : i1 to vector<16xi1>
      %reduce_sum3A_1726 = tpu.scan <sum>, %add3A_1723 masked %reduce_sum3A_1725 : vector<16xf32>, vector<16xi1> -> vector<16xf32>
      %reduce_sum3A_1727 = vector.extract %reduce_sum3A_1726[15] : f32 from vector<16xf32>
      %broadcast_in_dim3A_1728 = vector.broadcast %reduce_sum3A_1727 : f32 to vector<16xf32>
      %select_n3A_1729 = arith.select %eq3A_60, %broadcast_in_dim3A_1728, %select_n3A_1691 : vector<16xi1>, vector<16xf32>
      %slice3A_1730 = vector.extract_strided_slice %get3A_284 {offsets = [14], sizes = [1], strides = [1]} : vector<16xi32> to vector<1xi32>
      %squeeze3A_1731 = vector.extract %slice3A_1730[0] : i32 from vector<1xi32>
      %slice3A_1732 = vector.extract_strided_slice %get3A_287 {offsets = [14], sizes = [1], strides = [1]} : vector<16xi32> to vector<1xi32>
      %squeeze3A_1733 = vector.extract %slice3A_1732[0] : i32 from vector<1xi32>
      %shift_right_logical3A_1734 = arith.constant 7 : i32
      %shift_right_logical3A_1735 = arith.shrui %squeeze3A_1731, %shift_right_logical3A_1734 : i32
      %shift_left3A_1736 = arith.constant 7 : i32
      %shift_left3A_1737 = arith.shli %shift_right_logical3A_1735, %shift_left3A_1736 : i32
      %multiple_of3A_1738 = tpu.assume_multiple %shift_left3A_1737, 128 : i32
      %shift_right_logical3A_1739 = arith.constant 7 : i32
      %shift_right_logical3A_1740 = arith.shrui %squeeze3A_1733, %shift_right_logical3A_1739 : i32
      %shift_left3A_1741 = arith.constant 7 : i32
      %shift_left3A_1742 = arith.shli %shift_right_logical3A_1740, %shift_left3A_1741 : i32
      %multiple_of3A_1743 = tpu.assume_multiple %shift_left3A_1742, 128 : i32
      %dma_start3A_1744 = arith.constant 1 : i32
      %dma_start3A_1745 = arith.constant 0 : i32
      %dma_start3A_1746 = arith.constant 0 : i32
      %dma_start3A_1747 = arith.constant 0 : i32
      %dma_start3A_1748 = arith.constant 0 : i32
      %dma_start3A_1749 = tpu.memref_slice %arg9[%dma_start3A_1744, %dma_start3A_1745, %dma_start3A_1746, %dma_start3A_1747, %dma_start3A_1748] : memref<2x2x8x8x128xf32, #tpu.memory_space<vmem>> -> memref<1x1x8x8x128xf32, #tpu.memory_space<vmem>>
      %dma_start3A_1750 = tpu.memref_squeeze %dma_start3A_1749 : memref<1x1x8x8x128xf32, #tpu.memory_space<vmem>> -> memref<8x8x128xf32, #tpu.memory_space<vmem>>
      %dma_start3A_1751 = arith.constant 0 : i32
      %dma_start3A_1752 = arith.constant 0 : i32
      %dma_start3A_1753 = tpu.memref_slice %arg4[%dma_start3A_1751, %dma_start3A_1752, %multiple_of3A_1738] : memref<8x8x1000000xf32, #tpu.memory_space<hbm>> -> memref<8x8x128xf32, #tpu.memory_space<hbm>>
      %dma_start3A_1754 = arith.constant 0 : i32
      %dma_start3A_1755 = arith.constant 0 : i32
      %dma_start3A_1756 = arith.constant 0 : i32
      %dma_start3A_1757 = tpu.memref_slice %arg9[%dma_start3A_1744, %dma_start3A_1745, %dma_start3A_1754, %dma_start3A_1755, %dma_start3A_1756] : memref<2x2x8x8x128xf32, #tpu.memory_space<vmem>> -> memref<1x1x8x8x128xf32, #tpu.memory_space<vmem>>
      %dma_start3A_1758 = tpu.memref_squeeze %dma_start3A_1757 : memref<1x1x8x8x128xf32, #tpu.memory_space<vmem>> -> memref<8x8x128xf32, #tpu.memory_space<vmem>>
      %dma_start3A_1759 = arith.constant 0 : i32
      %dma_start3A_1760 = arith.constant 0 : i32
      %dma_start3A_1761 = tpu.memref_slice %arg4[%dma_start3A_1759, %dma_start3A_1760, %multiple_of3A_1738] : memref<8x8x1000000xf32, #tpu.memory_space<hbm>> -> memref<8x8x128xf32, #tpu.memory_space<hbm>>
      tpu.enqueue_dma source(%dma_start3A_1761 : memref<8x8x128xf32, #tpu.memory_space<hbm>>) target(%dma_start3A_1758 : memref<8x8x128xf32, #tpu.memory_space<vmem>>) target_semaphore(%arg12 : memref<!tpu.dma_semaphore, #tpu.memory_space<semaphore_mem>>)
      %dma_start3A_1762 = arith.constant 1 : i32
      %dma_start3A_1763 = arith.constant 0 : i32
      %dma_start3A_1764 = arith.constant 0 : i32
      %dma_start3A_1765 = arith.constant 0 : i32
      %dma_start3A_1766 = arith.constant 0 : i32
      %dma_start3A_1767 = tpu.memref_slice %arg10[%dma_start3A_1762, %dma_start3A_1763, %dma_start3A_1764, %dma_start3A_1765, %dma_start3A_1766] : memref<2x2x8x8x128xf32, #tpu.memory_space<vmem>> -> memref<1x1x8x8x128xf32, #tpu.memory_space<vmem>>
      %dma_start3A_1768 = tpu.memref_squeeze %dma_start3A_1767 : memref<1x1x8x8x128xf32, #tpu.memory_space<vmem>> -> memref<8x8x128xf32, #tpu.memory_space<vmem>>
      %dma_start3A_1769 = arith.constant 0 : i32
      %dma_start3A_1770 = arith.constant 0 : i32
      %dma_start3A_1771 = tpu.memref_slice %arg5[%dma_start3A_1769, %dma_start3A_1770, %multiple_of3A_1743] : memref<8x8x1000000xf32, #tpu.memory_space<hbm>> -> memref<8x8x128xf32, #tpu.memory_space<hbm>>
      %dma_start3A_1772 = arith.constant 0 : i32
      %dma_start3A_1773 = arith.constant 0 : i32
      %dma_start3A_1774 = arith.constant 0 : i32
      %dma_start3A_1775 = tpu.memref_slice %arg10[%dma_start3A_1762, %dma_start3A_1763, %dma_start3A_1772, %dma_start3A_1773, %dma_start3A_1774] : memref<2x2x8x8x128xf32, #tpu.memory_space<vmem>> -> memref<1x1x8x8x128xf32, #tpu.memory_space<vmem>>
      %dma_start3A_1776 = tpu.memref_squeeze %dma_start3A_1775 : memref<1x1x8x8x128xf32, #tpu.memory_space<vmem>> -> memref<8x8x128xf32, #tpu.memory_space<vmem>>
      %dma_start3A_1777 = arith.constant 0 : i32
      %dma_start3A_1778 = arith.constant 0 : i32
      %dma_start3A_1779 = tpu.memref_slice %arg5[%dma_start3A_1777, %dma_start3A_1778, %multiple_of3A_1743] : memref<8x8x1000000xf32, #tpu.memory_space<hbm>> -> memref<8x8x128xf32, #tpu.memory_space<hbm>>
      tpu.enqueue_dma source(%dma_start3A_1779 : memref<8x8x128xf32, #tpu.memory_space<hbm>>) target(%dma_start3A_1776 : memref<8x8x128xf32, #tpu.memory_space<vmem>>) target_semaphore(%arg12 : memref<!tpu.dma_semaphore, #tpu.memory_space<semaphore_mem>>)
      %slice3A_1780 = vector.extract_strided_slice %get3A_284 {offsets = [15], sizes = [1], strides = [1]} : vector<16xi32> to vector<1xi32>
      %squeeze3A_1781 = vector.extract %slice3A_1780[0] : i32 from vector<1xi32>
      %slice3A_1782 = vector.extract_strided_slice %get3A_287 {offsets = [15], sizes = [1], strides = [1]} : vector<16xi32> to vector<1xi32>
      %squeeze3A_1783 = vector.extract %slice3A_1782[0] : i32 from vector<1xi32>
      %shift_right_logical3A_1784 = arith.constant 7 : i32
      %shift_right_logical3A_1785 = arith.shrui %squeeze3A_1781, %shift_right_logical3A_1784 : i32
      %shift_left3A_1786 = arith.constant 7 : i32
      %shift_left3A_1787 = arith.shli %shift_right_logical3A_1785, %shift_left3A_1786 : i32
      %multiple_of3A_1788 = tpu.assume_multiple %shift_left3A_1787, 128 : i32
      %shift_right_logical3A_1789 = arith.constant 7 : i32
      %shift_right_logical3A_1790 = arith.shrui %squeeze3A_1783, %shift_right_logical3A_1789 : i32
      %shift_left3A_1791 = arith.constant 7 : i32
      %shift_left3A_1792 = arith.shli %shift_right_logical3A_1790, %shift_left3A_1791 : i32
      %multiple_of3A_1793 = tpu.assume_multiple %shift_left3A_1792, 128 : i32
      %dma_start3A_1794 = arith.constant 1 : i32
      %dma_start3A_1795 = arith.constant 1 : i32
      %dma_start3A_1796 = arith.constant 0 : i32
      %dma_start3A_1797 = arith.constant 0 : i32
      %dma_start3A_1798 = arith.constant 0 : i32
      %dma_start3A_1799 = tpu.memref_slice %arg9[%dma_start3A_1794, %dma_start3A_1795, %dma_start3A_1796, %dma_start3A_1797, %dma_start3A_1798] : memref<2x2x8x8x128xf32, #tpu.memory_space<vmem>> -> memref<1x1x8x8x128xf32, #tpu.memory_space<vmem>>
      %dma_start3A_1800 = tpu.memref_squeeze %dma_start3A_1799 : memref<1x1x8x8x128xf32, #tpu.memory_space<vmem>> -> memref<8x8x128xf32, #tpu.memory_space<vmem>>
      %dma_start3A_1801 = arith.constant 0 : i32
      %dma_start3A_1802 = arith.constant 0 : i32
      %dma_start3A_1803 = tpu.memref_slice %arg4[%dma_start3A_1801, %dma_start3A_1802, %multiple_of3A_1788] : memref<8x8x1000000xf32, #tpu.memory_space<hbm>> -> memref<8x8x128xf32, #tpu.memory_space<hbm>>
      %dma_start3A_1804 = arith.constant 0 : i32
      %dma_start3A_1805 = arith.constant 0 : i32
      %dma_start3A_1806 = arith.constant 0 : i32
      %dma_start3A_1807 = tpu.memref_slice %arg9[%dma_start3A_1794, %dma_start3A_1795, %dma_start3A_1804, %dma_start3A_1805, %dma_start3A_1806] : memref<2x2x8x8x128xf32, #tpu.memory_space<vmem>> -> memref<1x1x8x8x128xf32, #tpu.memory_space<vmem>>
      %dma_start3A_1808 = tpu.memref_squeeze %dma_start3A_1807 : memref<1x1x8x8x128xf32, #tpu.memory_space<vmem>> -> memref<8x8x128xf32, #tpu.memory_space<vmem>>
      %dma_start3A_1809 = arith.constant 0 : i32
      %dma_start3A_1810 = arith.constant 0 : i32
      %dma_start3A_1811 = tpu.memref_slice %arg4[%dma_start3A_1809, %dma_start3A_1810, %multiple_of3A_1788] : memref<8x8x1000000xf32, #tpu.memory_space<hbm>> -> memref<8x8x128xf32, #tpu.memory_space<hbm>>
      tpu.enqueue_dma source(%dma_start3A_1811 : memref<8x8x128xf32, #tpu.memory_space<hbm>>) target(%dma_start3A_1808 : memref<8x8x128xf32, #tpu.memory_space<vmem>>) target_semaphore(%arg12 : memref<!tpu.dma_semaphore, #tpu.memory_space<semaphore_mem>>)
      %dma_start3A_1812 = arith.constant 1 : i32
      %dma_start3A_1813 = arith.constant 1 : i32
      %dma_start3A_1814 = arith.constant 0 : i32
      %dma_start3A_1815 = arith.constant 0 : i32
      %dma_start3A_1816 = arith.constant 0 : i32
      %dma_start3A_1817 = tpu.memref_slice %arg10[%dma_start3A_1812, %dma_start3A_1813, %dma_start3A_1814, %dma_start3A_1815, %dma_start3A_1816] : memref<2x2x8x8x128xf32, #tpu.memory_space<vmem>> -> memref<1x1x8x8x128xf32, #tpu.memory_space<vmem>>
      %dma_start3A_1818 = tpu.memref_squeeze %dma_start3A_1817 : memref<1x1x8x8x128xf32, #tpu.memory_space<vmem>> -> memref<8x8x128xf32, #tpu.memory_space<vmem>>
      %dma_start3A_1819 = arith.constant 0 : i32
      %dma_start3A_1820 = arith.constant 0 : i32
      %dma_start3A_1821 = tpu.memref_slice %arg5[%dma_start3A_1819, %dma_start3A_1820, %multiple_of3A_1793] : memref<8x8x1000000xf32, #tpu.memory_space<hbm>> -> memref<8x8x128xf32, #tpu.memory_space<hbm>>
      %dma_start3A_1822 = arith.constant 0 : i32
      %dma_start3A_1823 = arith.constant 0 : i32
      %dma_start3A_1824 = arith.constant 0 : i32
      %dma_start3A_1825 = tpu.memref_slice %arg10[%dma_start3A_1812, %dma_start3A_1813, %dma_start3A_1822, %dma_start3A_1823, %dma_start3A_1824] : memref<2x2x8x8x128xf32, #tpu.memory_space<vmem>> -> memref<1x1x8x8x128xf32, #tpu.memory_space<vmem>>
      %dma_start3A_1826 = tpu.memref_squeeze %dma_start3A_1825 : memref<1x1x8x8x128xf32, #tpu.memory_space<vmem>> -> memref<8x8x128xf32, #tpu.memory_space<vmem>>
      %dma_start3A_1827 = arith.constant 0 : i32
      %dma_start3A_1828 = arith.constant 0 : i32
      %dma_start3A_1829 = tpu.memref_slice %arg5[%dma_start3A_1827, %dma_start3A_1828, %multiple_of3A_1793] : memref<8x8x1000000xf32, #tpu.memory_space<hbm>> -> memref<8x8x128xf32, #tpu.memory_space<hbm>>
      tpu.enqueue_dma source(%dma_start3A_1829 : memref<8x8x128xf32, #tpu.memory_space<hbm>>) target(%dma_start3A_1826 : memref<8x8x128xf32, #tpu.memory_space<vmem>>) target_semaphore(%arg12 : memref<!tpu.dma_semaphore, #tpu.memory_space<semaphore_mem>>)
      %dma_wait3A_1830 = arith.constant 0 : i32
      %dma_wait3A_1831 = arith.constant 0 : i32
      %dma_wait3A_1832 = arith.constant 0 : i32
      %dma_wait3A_1833 = arith.constant 0 : i32
      %dma_wait3A_1834 = arith.constant 0 : i32
      %dma_wait3A_1835 = tpu.memref_slice %arg9[%dma_wait3A_1830, %dma_wait3A_1831, %dma_wait3A_1832, %dma_wait3A_1833, %dma_wait3A_1834] : memref<2x2x8x8x128xf32, #tpu.memory_space<vmem>> -> memref<1x1x8x8x128xf32, #tpu.memory_space<vmem>>
      %dma_wait3A_1836 = tpu.memref_squeeze %dma_wait3A_1835 : memref<1x1x8x8x128xf32, #tpu.memory_space<vmem>> -> memref<8x8x128xf32, #tpu.memory_space<vmem>>
      %dma_wait3A_1837 = arith.constant 0 : i32
      %dma_wait3A_1838 = arith.constant 0 : i32
      %dma_wait3A_1839 = arith.constant 0 : i32
      %dma_wait3A_1840 = tpu.memref_slice %arg4[%dma_wait3A_1837, %dma_wait3A_1838, %dma_wait3A_1839] : memref<8x8x1000000xf32, #tpu.memory_space<hbm>> -> memref<8x8x128xf32, #tpu.memory_space<hbm>>
      %dma_wait3A_1841 = arith.constant 0 : i32
      %dma_wait3A_1842 = arith.constant 0 : i32
      %dma_wait3A_1843 = arith.constant 0 : i32
      %dma_wait3A_1844 = tpu.memref_slice %arg9[%dma_wait3A_1830, %dma_wait3A_1831, %dma_wait3A_1841, %dma_wait3A_1842, %dma_wait3A_1843] : memref<2x2x8x8x128xf32, #tpu.memory_space<vmem>> -> memref<1x1x8x8x128xf32, #tpu.memory_space<vmem>>
      %dma_wait3A_1845 = tpu.memref_squeeze %dma_wait3A_1844 : memref<1x1x8x8x128xf32, #tpu.memory_space<vmem>> -> memref<8x8x128xf32, #tpu.memory_space<vmem>>
      %dma_wait3A_1846 = arith.constant 0 : i32
      %dma_wait3A_1847 = arith.constant 0 : i32
      %dma_wait3A_1848 = arith.constant 0 : i32
      %dma_wait3A_1849 = tpu.memref_slice %arg4[%dma_wait3A_1846, %dma_wait3A_1847, %dma_wait3A_1848] : memref<8x8x1000000xf32, #tpu.memory_space<hbm>> -> memref<8x8x128xf32, #tpu.memory_space<hbm>>
      tpu.wait_dma2 semaphore(%arg12 : memref<!tpu.dma_semaphore, #tpu.memory_space<semaphore_mem>>) src(%dma_wait3A_1849 : memref<8x8x128xf32, #tpu.memory_space<hbm>>) dst(%dma_wait3A_1845 : memref<8x8x128xf32, #tpu.memory_space<vmem>>)
      %dma_wait3A_1850 = arith.constant 0 : i32
      %dma_wait3A_1851 = arith.constant 0 : i32
      %dma_wait3A_1852 = arith.constant 0 : i32
      %dma_wait3A_1853 = arith.constant 0 : i32
      %dma_wait3A_1854 = arith.constant 0 : i32
      %dma_wait3A_1855 = tpu.memref_slice %arg9[%dma_wait3A_1850, %dma_wait3A_1851, %dma_wait3A_1852, %dma_wait3A_1853, %dma_wait3A_1854] : memref<2x2x8x8x128xf32, #tpu.memory_space<vmem>> -> memref<1x1x8x8x128xf32, #tpu.memory_space<vmem>>
      %dma_wait3A_1856 = tpu.memref_squeeze %dma_wait3A_1855 : memref<1x1x8x8x128xf32, #tpu.memory_space<vmem>> -> memref<8x8x128xf32, #tpu.memory_space<vmem>>
      %dma_wait3A_1857 = arith.constant 0 : i32
      %dma_wait3A_1858 = arith.constant 0 : i32
      %dma_wait3A_1859 = arith.constant 0 : i32
      %dma_wait3A_1860 = tpu.memref_slice %arg4[%dma_wait3A_1857, %dma_wait3A_1858, %dma_wait3A_1859] : memref<8x8x1000000xf32, #tpu.memory_space<hbm>> -> memref<8x8x128xf32, #tpu.memory_space<hbm>>
      %dma_wait3A_1861 = arith.constant 0 : i32
      %dma_wait3A_1862 = arith.constant 0 : i32
      %dma_wait3A_1863 = arith.constant 0 : i32
      %dma_wait3A_1864 = tpu.memref_slice %arg9[%dma_wait3A_1850, %dma_wait3A_1851, %dma_wait3A_1861, %dma_wait3A_1862, %dma_wait3A_1863] : memref<2x2x8x8x128xf32, #tpu.memory_space<vmem>> -> memref<1x1x8x8x128xf32, #tpu.memory_space<vmem>>
      %dma_wait3A_1865 = tpu.memref_squeeze %dma_wait3A_1864 : memref<1x1x8x8x128xf32, #tpu.memory_space<vmem>> -> memref<8x8x128xf32, #tpu.memory_space<vmem>>
      %dma_wait3A_1866 = arith.constant 0 : i32
      %dma_wait3A_1867 = arith.constant 0 : i32
      %dma_wait3A_1868 = arith.constant 0 : i32
      %dma_wait3A_1869 = tpu.memref_slice %arg4[%dma_wait3A_1866, %dma_wait3A_1867, %dma_wait3A_1868] : memref<8x8x1000000xf32, #tpu.memory_space<hbm>> -> memref<8x8x128xf32, #tpu.memory_space<hbm>>
      tpu.wait_dma2 semaphore(%arg12 : memref<!tpu.dma_semaphore, #tpu.memory_space<semaphore_mem>>) src(%dma_wait3A_1869 : memref<8x8x128xf32, #tpu.memory_space<hbm>>) dst(%dma_wait3A_1865 : memref<8x8x128xf32, #tpu.memory_space<vmem>>)
      %dma_wait3A_1870 = arith.constant 0 : i32
      %dma_wait3A_1871 = arith.constant 0 : i32
      %dma_wait3A_1872 = arith.constant 0 : i32
      %dma_wait3A_1873 = arith.constant 0 : i32
      %dma_wait3A_1874 = arith.constant 0 : i32
      %dma_wait3A_1875 = tpu.memref_slice %arg9[%dma_wait3A_1870, %dma_wait3A_1871, %dma_wait3A_1872, %dma_wait3A_1873, %dma_wait3A_1874] : memref<2x2x8x8x128xf32, #tpu.memory_space<vmem>> -> memref<1x1x8x8x128xf32, #tpu.memory_space<vmem>>
      %dma_wait3A_1876 = tpu.memref_squeeze %dma_wait3A_1875 : memref<1x1x8x8x128xf32, #tpu.memory_space<vmem>> -> memref<8x8x128xf32, #tpu.memory_space<vmem>>
      %dma_wait3A_1877 = arith.constant 0 : i32
      %dma_wait3A_1878 = arith.constant 0 : i32
      %dma_wait3A_1879 = arith.constant 0 : i32
      %dma_wait3A_1880 = tpu.memref_slice %arg4[%dma_wait3A_1877, %dma_wait3A_1878, %dma_wait3A_1879] : memref<8x8x1000000xf32, #tpu.memory_space<hbm>> -> memref<8x8x128xf32, #tpu.memory_space<hbm>>
      %dma_wait3A_1881 = arith.constant 0 : i32
      %dma_wait3A_1882 = arith.constant 0 : i32
      %dma_wait3A_1883 = arith.constant 0 : i32
      %dma_wait3A_1884 = tpu.memref_slice %arg9[%dma_wait3A_1870, %dma_wait3A_1871, %dma_wait3A_1881, %dma_wait3A_1882, %dma_wait3A_1883] : memref<2x2x8x8x128xf32, #tpu.memory_space<vmem>> -> memref<1x1x8x8x128xf32, #tpu.memory_space<vmem>>
      %dma_wait3A_1885 = tpu.memref_squeeze %dma_wait3A_1884 : memref<1x1x8x8x128xf32, #tpu.memory_space<vmem>> -> memref<8x8x128xf32, #tpu.memory_space<vmem>>
      %dma_wait3A_1886 = arith.constant 0 : i32
      %dma_wait3A_1887 = arith.constant 0 : i32
      %dma_wait3A_1888 = arith.constant 0 : i32
      %dma_wait3A_1889 = tpu.memref_slice %arg4[%dma_wait3A_1886, %dma_wait3A_1887, %dma_wait3A_1888] : memref<8x8x1000000xf32, #tpu.memory_space<hbm>> -> memref<8x8x128xf32, #tpu.memory_space<hbm>>
      tpu.wait_dma2 semaphore(%arg12 : memref<!tpu.dma_semaphore, #tpu.memory_space<semaphore_mem>>) src(%dma_wait3A_1889 : memref<8x8x128xf32, #tpu.memory_space<hbm>>) dst(%dma_wait3A_1885 : memref<8x8x128xf32, #tpu.memory_space<vmem>>)
      %dma_wait3A_1890 = arith.constant 0 : i32
      %dma_wait3A_1891 = arith.constant 0 : i32
      %dma_wait3A_1892 = arith.constant 0 : i32
      %dma_wait3A_1893 = arith.constant 0 : i32
      %dma_wait3A_1894 = arith.constant 0 : i32
      %dma_wait3A_1895 = tpu.memref_slice %arg9[%dma_wait3A_1890, %dma_wait3A_1891, %dma_wait3A_1892, %dma_wait3A_1893, %dma_wait3A_1894] : memref<2x2x8x8x128xf32, #tpu.memory_space<vmem>> -> memref<1x1x8x8x128xf32, #tpu.memory_space<vmem>>
      %dma_wait3A_1896 = tpu.memref_squeeze %dma_wait3A_1895 : memref<1x1x8x8x128xf32, #tpu.memory_space<vmem>> -> memref<8x8x128xf32, #tpu.memory_space<vmem>>
      %dma_wait3A_1897 = arith.constant 0 : i32
      %dma_wait3A_1898 = arith.constant 0 : i32
      %dma_wait3A_1899 = arith.constant 0 : i32
      %dma_wait3A_1900 = tpu.memref_slice %arg4[%dma_wait3A_1897, %dma_wait3A_1898, %dma_wait3A_1899] : memref<8x8x1000000xf32, #tpu.memory_space<hbm>> -> memref<8x8x128xf32, #tpu.memory_space<hbm>>
      %dma_wait3A_1901 = arith.constant 0 : i32
      %dma_wait3A_1902 = arith.constant 0 : i32
      %dma_wait3A_1903 = arith.constant 0 : i32
      %dma_wait3A_1904 = tpu.memref_slice %arg9[%dma_wait3A_1890, %dma_wait3A_1891, %dma_wait3A_1901, %dma_wait3A_1902, %dma_wait3A_1903] : memref<2x2x8x8x128xf32, #tpu.memory_space<vmem>> -> memref<1x1x8x8x128xf32, #tpu.memory_space<vmem>>
      %dma_wait3A_1905 = tpu.memref_squeeze %dma_wait3A_1904 : memref<1x1x8x8x128xf32, #tpu.memory_space<vmem>> -> memref<8x8x128xf32, #tpu.memory_space<vmem>>
      %dma_wait3A_1906 = arith.constant 0 : i32
      %dma_wait3A_1907 = arith.constant 0 : i32
      %dma_wait3A_1908 = arith.constant 0 : i32
      %dma_wait3A_1909 = tpu.memref_slice %arg4[%dma_wait3A_1906, %dma_wait3A_1907, %dma_wait3A_1908] : memref<8x8x1000000xf32, #tpu.memory_space<hbm>> -> memref<8x8x128xf32, #tpu.memory_space<hbm>>
      tpu.wait_dma2 semaphore(%arg12 : memref<!tpu.dma_semaphore, #tpu.memory_space<semaphore_mem>>) src(%dma_wait3A_1909 : memref<8x8x128xf32, #tpu.memory_space<hbm>>) dst(%dma_wait3A_1905 : memref<8x8x128xf32, #tpu.memory_space<vmem>>)
      %slice3A_1910 = vector.extract_strided_slice %get3A_284 {offsets = [12], sizes = [1], strides = [1]} : vector<16xi32> to vector<1xi32>
      %squeeze3A_1911 = vector.extract %slice3A_1910[0] : i32 from vector<1xi32>
      %and3A_1912 = arith.constant 127 : i32
      %and3A_1913 = arith.andi %squeeze3A_1911, %and3A_1912 : i32
      %broadcast_in_dim3A_1914 = vector.broadcast %and3A_1913 : i32 to vector<16xi32>
      %slice3A_1915 = vector.extract_strided_slice %get3A_287 {offsets = [12], sizes = [1], strides = [1]} : vector<16xi32> to vector<1xi32>
      %squeeze3A_1916 = vector.extract %slice3A_1915[0] : i32 from vector<1xi32>
      %and3A_1917 = arith.constant 127 : i32
      %and3A_1918 = arith.andi %squeeze3A_1916, %and3A_1917 : i32
      %broadcast_in_dim3A_1919 = vector.broadcast %and3A_1918 : i32 to vector<16xi32>
      %broadcast_in_dim3A_1920 = arith.constant 0 : i32
      %broadcast_in_dim3A_1921 = vector.broadcast %broadcast_in_dim3A_1920 : i32 to vector<16xi32>
      %broadcast_in_dim3A_1922 = arith.constant 0 : i32
      %broadcast_in_dim3A_1923 = vector.broadcast %broadcast_in_dim3A_1922 : i32 to vector<16xi32>
      %broadcast_in_dim3A_1924 = arith.constant 0.000000e+00 : f32
      %broadcast_in_dim3A_1925 = vector.broadcast %broadcast_in_dim3A_1924 : f32 to vector<16xf32>
      %gather3A_1926 = tpu.vector_load_idx %arg9[%broadcast_in_dim3A_1921, %broadcast_in_dim3A_1923, %add3A_7, %and3A_2, %broadcast_in_dim3A_1914] : memref<2x2x8x8x128xf32, #tpu.memory_space<vmem>>[vector<16xi32>, vector<16xi32>, vector<16xi32>, vector<16xi32>, vector<16xi32>], vector<16xf32>,
      %gather3A_1927 = tpu.vector_load_idx %arg10[%broadcast_in_dim3A_1921, %broadcast_in_dim3A_1923, %add3A_7, %and3A_2, %broadcast_in_dim3A_1919] : memref<2x2x8x8x128xf32, #tpu.memory_space<vmem>>[vector<16xi32>, vector<16xi32>, vector<16xi32>, vector<16xi32>, vector<16xi32>], vector<16xf32>,
      %mul3A_1928 = arith.mulf %gather3A_1926, %gather3A_1927 : vector<16xf32>
      %add3A_1929 = arith.addf %broadcast_in_dim3A_1925, %mul3A_1928 : vector<16xf32>
      %gather3A_1930 = tpu.vector_load_idx %arg9[%broadcast_in_dim3A_1921, %broadcast_in_dim3A_1923, %add3A_13, %and3A_2, %broadcast_in_dim3A_1914] : memref<2x2x8x8x128xf32, #tpu.memory_space<vmem>>[vector<16xi32>, vector<16xi32>, vector<16xi32>, vector<16xi32>, vector<16xi32>], vector<16xf32>,
      %gather3A_1931 = tpu.vector_load_idx %arg10[%broadcast_in_dim3A_1921, %broadcast_in_dim3A_1923, %add3A_13, %and3A_2, %broadcast_in_dim3A_1919] : memref<2x2x8x8x128xf32, #tpu.memory_space<vmem>>[vector<16xi32>, vector<16xi32>, vector<16xi32>, vector<16xi32>, vector<16xi32>], vector<16xf32>,
      %mul3A_1932 = arith.mulf %gather3A_1930, %gather3A_1931 : vector<16xf32>
      %add3A_1933 = arith.addf %add3A_1929, %mul3A_1932 : vector<16xf32>
      %gather3A_1934 = tpu.vector_load_idx %arg9[%broadcast_in_dim3A_1921, %broadcast_in_dim3A_1923, %add3A_19, %and3A_2, %broadcast_in_dim3A_1914] : memref<2x2x8x8x128xf32, #tpu.memory_space<vmem>>[vector<16xi32>, vector<16xi32>, vector<16xi32>, vector<16xi32>, vector<16xi32>], vector<16xf32>,
      %gather3A_1935 = tpu.vector_load_idx %arg10[%broadcast_in_dim3A_1921, %broadcast_in_dim3A_1923, %add3A_19, %and3A_2, %broadcast_in_dim3A_1919] : memref<2x2x8x8x128xf32, #tpu.memory_space<vmem>>[vector<16xi32>, vector<16xi32>, vector<16xi32>, vector<16xi32>, vector<16xi32>], vector<16xf32>,
      %mul3A_1936 = arith.mulf %gather3A_1934, %gather3A_1935 : vector<16xf32>
      %add3A_1937 = arith.addf %add3A_1933, %mul3A_1936 : vector<16xf32>
      %gather3A_1938 = tpu.vector_load_idx %arg9[%broadcast_in_dim3A_1921, %broadcast_in_dim3A_1923, %add3A_25, %and3A_2, %broadcast_in_dim3A_1914] : memref<2x2x8x8x128xf32, #tpu.memory_space<vmem>>[vector<16xi32>, vector<16xi32>, vector<16xi32>, vector<16xi32>, vector<16xi32>], vector<16xf32>,
      %gather3A_1939 = tpu.vector_load_idx %arg10[%broadcast_in_dim3A_1921, %broadcast_in_dim3A_1923, %add3A_25, %and3A_2, %broadcast_in_dim3A_1919] : memref<2x2x8x8x128xf32, #tpu.memory_space<vmem>>[vector<16xi32>, vector<16xi32>, vector<16xi32>, vector<16xi32>, vector<16xi32>], vector<16xf32>,
      %mul3A_1940 = arith.mulf %gather3A_1938, %gather3A_1939 : vector<16xf32>
      %add3A_1941 = arith.addf %add3A_1937, %mul3A_1940 : vector<16xf32>
      %reduce_sum3A_1942 = arith.constant true
      %reduce_sum3A_1943 = vector.broadcast %reduce_sum3A_1942 : i1 to vector<16xi1>
      %reduce_sum3A_1944 = tpu.scan <sum>, %add3A_1941 masked %reduce_sum3A_1943 : vector<16xf32>, vector<16xi1> -> vector<16xf32>
      %reduce_sum3A_1945 = vector.extract %reduce_sum3A_1944[15] : f32 from vector<16xf32>
      %broadcast_in_dim3A_1946 = vector.broadcast %reduce_sum3A_1945 : f32 to vector<16xf32>
      %select_n3A_1947 = arith.select %eq3A_63, %broadcast_in_dim3A_1946, %select_n3A_1729 : vector<16xi1>, vector<16xf32>
      %slice3A_1948 = vector.extract_strided_slice %get3A_284 {offsets = [13], sizes = [1], strides = [1]} : vector<16xi32> to vector<1xi32>
      %squeeze3A_1949 = vector.extract %slice3A_1948[0] : i32 from vector<1xi32>
      %and3A_1950 = arith.constant 127 : i32
      %and3A_1951 = arith.andi %squeeze3A_1949, %and3A_1950 : i32
      %broadcast_in_dim3A_1952 = vector.broadcast %and3A_1951 : i32 to vector<16xi32>
      %slice3A_1953 = vector.extract_strided_slice %get3A_287 {offsets = [13], sizes = [1], strides = [1]} : vector<16xi32> to vector<1xi32>
      %squeeze3A_1954 = vector.extract %slice3A_1953[0] : i32 from vector<1xi32>
      %and3A_1955 = arith.constant 127 : i32
      %and3A_1956 = arith.andi %squeeze3A_1954, %and3A_1955 : i32
      %broadcast_in_dim3A_1957 = vector.broadcast %and3A_1956 : i32 to vector<16xi32>
      %broadcast_in_dim3A_1958 = arith.constant 0 : i32
      %broadcast_in_dim3A_1959 = vector.broadcast %broadcast_in_dim3A_1958 : i32 to vector<16xi32>
      %broadcast_in_dim3A_1960 = arith.constant 1 : i32
      %broadcast_in_dim3A_1961 = vector.broadcast %broadcast_in_dim3A_1960 : i32 to vector<16xi32>
      %broadcast_in_dim3A_1962 = arith.constant 0.000000e+00 : f32
      %broadcast_in_dim3A_1963 = vector.broadcast %broadcast_in_dim3A_1962 : f32 to vector<16xf32>
      %gather3A_1964 = tpu.vector_load_idx %arg9[%broadcast_in_dim3A_1959, %broadcast_in_dim3A_1961, %add3A_7, %and3A_2, %broadcast_in_dim3A_1952] : memref<2x2x8x8x128xf32, #tpu.memory_space<vmem>>[vector<16xi32>, vector<16xi32>, vector<16xi32>, vector<16xi32>, vector<16xi32>], vector<16xf32>,
      %gather3A_1965 = tpu.vector_load_idx %arg10[%broadcast_in_dim3A_1959, %broadcast_in_dim3A_1961, %add3A_7, %and3A_2, %broadcast_in_dim3A_1957] : memref<2x2x8x8x128xf32, #tpu.memory_space<vmem>>[vector<16xi32>, vector<16xi32>, vector<16xi32>, vector<16xi32>, vector<16xi32>], vector<16xf32>,
      %mul3A_1966 = arith.mulf %gather3A_1964, %gather3A_1965 : vector<16xf32>
      %add3A_1967 = arith.addf %broadcast_in_dim3A_1963, %mul3A_1966 : vector<16xf32>
      %gather3A_1968 = tpu.vector_load_idx %arg9[%broadcast_in_dim3A_1959, %broadcast_in_dim3A_1961, %add3A_13, %and3A_2, %broadcast_in_dim3A_1952] : memref<2x2x8x8x128xf32, #tpu.memory_space<vmem>>[vector<16xi32>, vector<16xi32>, vector<16xi32>, vector<16xi32>, vector<16xi32>], vector<16xf32>,
      %gather3A_1969 = tpu.vector_load_idx %arg10[%broadcast_in_dim3A_1959, %broadcast_in_dim3A_1961, %add3A_13, %and3A_2, %broadcast_in_dim3A_1957] : memref<2x2x8x8x128xf32, #tpu.memory_space<vmem>>[vector<16xi32>, vector<16xi32>, vector<16xi32>, vector<16xi32>, vector<16xi32>], vector<16xf32>,
      %mul3A_1970 = arith.mulf %gather3A_1968, %gather3A_1969 : vector<16xf32>
      %add3A_1971 = arith.addf %add3A_1967, %mul3A_1970 : vector<16xf32>
      %gather3A_1972 = tpu.vector_load_idx %arg9[%broadcast_in_dim3A_1959, %broadcast_in_dim3A_1961, %add3A_19, %and3A_2, %broadcast_in_dim3A_1952] : memref<2x2x8x8x128xf32, #tpu.memory_space<vmem>>[vector<16xi32>, vector<16xi32>, vector<16xi32>, vector<16xi32>, vector<16xi32>], vector<16xf32>,
      %gather3A_1973 = tpu.vector_load_idx %arg10[%broadcast_in_dim3A_1959, %broadcast_in_dim3A_1961, %add3A_19, %and3A_2, %broadcast_in_dim3A_1957] : memref<2x2x8x8x128xf32, #tpu.memory_space<vmem>>[vector<16xi32>, vector<16xi32>, vector<16xi32>, vector<16xi32>, vector<16xi32>], vector<16xf32>,
      %mul3A_1974 = arith.mulf %gather3A_1972, %gather3A_1973 : vector<16xf32>
      %add3A_1975 = arith.addf %add3A_1971, %mul3A_1974 : vector<16xf32>
      %gather3A_1976 = tpu.vector_load_idx %arg9[%broadcast_in_dim3A_1959, %broadcast_in_dim3A_1961, %add3A_25, %and3A_2, %broadcast_in_dim3A_1952] : memref<2x2x8x8x128xf32, #tpu.memory_space<vmem>>[vector<16xi32>, vector<16xi32>, vector<16xi32>, vector<16xi32>, vector<16xi32>], vector<16xf32>,
      %gather3A_1977 = tpu.vector_load_idx %arg10[%broadcast_in_dim3A_1959, %broadcast_in_dim3A_1961, %add3A_25, %and3A_2, %broadcast_in_dim3A_1957] : memref<2x2x8x8x128xf32, #tpu.memory_space<vmem>>[vector<16xi32>, vector<16xi32>, vector<16xi32>, vector<16xi32>, vector<16xi32>], vector<16xf32>,
      %mul3A_1978 = arith.mulf %gather3A_1976, %gather3A_1977 : vector<16xf32>
      %add3A_1979 = arith.addf %add3A_1975, %mul3A_1978 : vector<16xf32>
      %reduce_sum3A_1980 = arith.constant true
      %reduce_sum3A_1981 = vector.broadcast %reduce_sum3A_1980 : i1 to vector<16xi1>
      %reduce_sum3A_1982 = tpu.scan <sum>, %add3A_1979 masked %reduce_sum3A_1981 : vector<16xf32>, vector<16xi1> -> vector<16xf32>
      %reduce_sum3A_1983 = vector.extract %reduce_sum3A_1982[15] : f32 from vector<16xf32>
      %broadcast_in_dim3A_1984 = vector.broadcast %reduce_sum3A_1983 : f32 to vector<16xf32>
      %select_n3A_1985 = arith.select %eq3A_66, %broadcast_in_dim3A_1984, %select_n3A_1947 : vector<16xi1>, vector<16xf32>
      %lt3A = arith.constant 31 : i32
      %lt3A_1986 = arith.cmpi slt, %scan3A_281, %lt3A : i32
      %convert_element_type3A = arith.extui %lt3A_1986 : i1 to i32
      %cond3A = arith.constant 0 : i32
      %cond3A_1987 = arith.cmpi ne, %convert_element_type3A, %cond3A : i32
      scf.if %cond3A_1987 {
        %slice3A_2152 = vector.extract_strided_slice %get3A_293 {offsets = [0], sizes = [1], strides = [1]} : vector<16xi32> to vector<1xi32>
        %squeeze3A_2153 = vector.extract %slice3A_2152[0] : i32 from vector<1xi32>
        %slice3A_2154 = vector.extract_strided_slice %get3A_296 {offsets = [0], sizes = [1], strides = [1]} : vector<16xi32> to vector<1xi32>
        %squeeze3A_2155 = vector.extract %slice3A_2154[0] : i32 from vector<1xi32>
        %shift_right_logical3A_2156 = arith.constant 7 : i32
        %shift_right_logical3A_2157 = arith.shrui %squeeze3A_2153, %shift_right_logical3A_2156 : i32
        %shift_left3A_2158 = arith.constant 7 : i32
        %shift_left3A_2159 = arith.shli %shift_right_logical3A_2157, %shift_left3A_2158 : i32
        %multiple_of3A_2160 = tpu.assume_multiple %shift_left3A_2159, 128 : i32
        %shift_right_logical3A_2161 = arith.constant 7 : i32
        %shift_right_logical3A_2162 = arith.shrui %squeeze3A_2155, %shift_right_logical3A_2161 : i32
        %shift_left3A_2163 = arith.constant 7 : i32
        %shift_left3A_2164 = arith.shli %shift_right_logical3A_2162, %shift_left3A_2163 : i32
        %multiple_of3A_2165 = tpu.assume_multiple %shift_left3A_2164, 128 : i32
        %dma_start3A_2166 = arith.constant 0 : i32
        %dma_start3A_2167 = arith.constant 0 : i32
        %dma_start3A_2168 = arith.constant 0 : i32
        %dma_start3A_2169 = arith.constant 0 : i32
        %dma_start3A_2170 = arith.constant 0 : i32
        %dma_start3A_2171 = tpu.memref_slice %arg9[%dma_start3A_2166, %dma_start3A_2167, %dma_start3A_2168, %dma_start3A_2169, %dma_start3A_2170] : memref<2x2x8x8x128xf32, #tpu.memory_space<vmem>> -> memref<1x1x8x8x128xf32, #tpu.memory_space<vmem>>
        %dma_start3A_2172 = tpu.memref_squeeze %dma_start3A_2171 : memref<1x1x8x8x128xf32, #tpu.memory_space<vmem>> -> memref<8x8x128xf32, #tpu.memory_space<vmem>>
        %dma_start3A_2173 = arith.constant 0 : i32
        %dma_start3A_2174 = arith.constant 0 : i32
        %dma_start3A_2175 = tpu.memref_slice %arg4[%dma_start3A_2173, %dma_start3A_2174, %multiple_of3A_2160] : memref<8x8x1000000xf32, #tpu.memory_space<hbm>> -> memref<8x8x128xf32, #tpu.memory_space<hbm>>
        %dma_start3A_2176 = arith.constant 0 : i32
        %dma_start3A_2177 = arith.constant 0 : i32
        %dma_start3A_2178 = arith.constant 0 : i32
        %dma_start3A_2179 = tpu.memref_slice %arg9[%dma_start3A_2166, %dma_start3A_2167, %dma_start3A_2176, %dma_start3A_2177, %dma_start3A_2178] : memref<2x2x8x8x128xf32, #tpu.memory_space<vmem>> -> memref<1x1x8x8x128xf32, #tpu.memory_space<vmem>>
        %dma_start3A_2180 = tpu.memref_squeeze %dma_start3A_2179 : memref<1x1x8x8x128xf32, #tpu.memory_space<vmem>> -> memref<8x8x128xf32, #tpu.memory_space<vmem>>
        %dma_start3A_2181 = arith.constant 0 : i32
        %dma_start3A_2182 = arith.constant 0 : i32
        %dma_start3A_2183 = tpu.memref_slice %arg4[%dma_start3A_2181, %dma_start3A_2182, %multiple_of3A_2160] : memref<8x8x1000000xf32, #tpu.memory_space<hbm>> -> memref<8x8x128xf32, #tpu.memory_space<hbm>>
        tpu.enqueue_dma source(%dma_start3A_2183 : memref<8x8x128xf32, #tpu.memory_space<hbm>>) target(%dma_start3A_2180 : memref<8x8x128xf32, #tpu.memory_space<vmem>>) target_semaphore(%arg12 : memref<!tpu.dma_semaphore, #tpu.memory_space<semaphore_mem>>)
        %dma_start3A_2184 = arith.constant 0 : i32
        %dma_start3A_2185 = arith.constant 0 : i32
        %dma_start3A_2186 = arith.constant 0 : i32
        %dma_start3A_2187 = arith.constant 0 : i32
        %dma_start3A_2188 = arith.constant 0 : i32
        %dma_start3A_2189 = tpu.memref_slice %arg10[%dma_start3A_2184, %dma_start3A_2185, %dma_start3A_2186, %dma_start3A_2187, %dma_start3A_2188] : memref<2x2x8x8x128xf32, #tpu.memory_space<vmem>> -> memref<1x1x8x8x128xf32, #tpu.memory_space<vmem>>
        %dma_start3A_2190 = tpu.memref_squeeze %dma_start3A_2189 : memref<1x1x8x8x128xf32, #tpu.memory_space<vmem>> -> memref<8x8x128xf32, #tpu.memory_space<vmem>>
        %dma_start3A_2191 = arith.constant 0 : i32
        %dma_start3A_2192 = arith.constant 0 : i32
        %dma_start3A_2193 = tpu.memref_slice %arg5[%dma_start3A_2191, %dma_start3A_2192, %multiple_of3A_2165] : memref<8x8x1000000xf32, #tpu.memory_space<hbm>> -> memref<8x8x128xf32, #tpu.memory_space<hbm>>
        %dma_start3A_2194 = arith.constant 0 : i32
        %dma_start3A_2195 = arith.constant 0 : i32
        %dma_start3A_2196 = arith.constant 0 : i32
        %dma_start3A_2197 = tpu.memref_slice %arg10[%dma_start3A_2184, %dma_start3A_2185, %dma_start3A_2194, %dma_start3A_2195, %dma_start3A_2196] : memref<2x2x8x8x128xf32, #tpu.memory_space<vmem>> -> memref<1x1x8x8x128xf32, #tpu.memory_space<vmem>>
        %dma_start3A_2198 = tpu.memref_squeeze %dma_start3A_2197 : memref<1x1x8x8x128xf32, #tpu.memory_space<vmem>> -> memref<8x8x128xf32, #tpu.memory_space<vmem>>
        %dma_start3A_2199 = arith.constant 0 : i32
        %dma_start3A_2200 = arith.constant 0 : i32
        %dma_start3A_2201 = tpu.memref_slice %arg5[%dma_start3A_2199, %dma_start3A_2200, %multiple_of3A_2165] : memref<8x8x1000000xf32, #tpu.memory_space<hbm>> -> memref<8x8x128xf32, #tpu.memory_space<hbm>>
        tpu.enqueue_dma source(%dma_start3A_2201 : memref<8x8x128xf32, #tpu.memory_space<hbm>>) target(%dma_start3A_2198 : memref<8x8x128xf32, #tpu.memory_space<vmem>>) target_semaphore(%arg12 : memref<!tpu.dma_semaphore, #tpu.memory_space<semaphore_mem>>)
        %slice3A_2202 = vector.extract_strided_slice %get3A_293 {offsets = [1], sizes = [1], strides = [1]} : vector<16xi32> to vector<1xi32>
        %squeeze3A_2203 = vector.extract %slice3A_2202[0] : i32 from vector<1xi32>
        %slice3A_2204 = vector.extract_strided_slice %get3A_296 {offsets = [1], sizes = [1], strides = [1]} : vector<16xi32> to vector<1xi32>
        %squeeze3A_2205 = vector.extract %slice3A_2204[0] : i32 from vector<1xi32>
        %shift_right_logical3A_2206 = arith.constant 7 : i32
        %shift_right_logical3A_2207 = arith.shrui %squeeze3A_2203, %shift_right_logical3A_2206 : i32
        %shift_left3A_2208 = arith.constant 7 : i32
        %shift_left3A_2209 = arith.shli %shift_right_logical3A_2207, %shift_left3A_2208 : i32
        %multiple_of3A_2210 = tpu.assume_multiple %shift_left3A_2209, 128 : i32
        %shift_right_logical3A_2211 = arith.constant 7 : i32
        %shift_right_logical3A_2212 = arith.shrui %squeeze3A_2205, %shift_right_logical3A_2211 : i32
        %shift_left3A_2213 = arith.constant 7 : i32
        %shift_left3A_2214 = arith.shli %shift_right_logical3A_2212, %shift_left3A_2213 : i32
        %multiple_of3A_2215 = tpu.assume_multiple %shift_left3A_2214, 128 : i32
        %dma_start3A_2216 = arith.constant 0 : i32
        %dma_start3A_2217 = arith.constant 1 : i32
        %dma_start3A_2218 = arith.constant 0 : i32
        %dma_start3A_2219 = arith.constant 0 : i32
        %dma_start3A_2220 = arith.constant 0 : i32
        %dma_start3A_2221 = tpu.memref_slice %arg9[%dma_start3A_2216, %dma_start3A_2217, %dma_start3A_2218, %dma_start3A_2219, %dma_start3A_2220] : memref<2x2x8x8x128xf32, #tpu.memory_space<vmem>> -> memref<1x1x8x8x128xf32, #tpu.memory_space<vmem>>
        %dma_start3A_2222 = tpu.memref_squeeze %dma_start3A_2221 : memref<1x1x8x8x128xf32, #tpu.memory_space<vmem>> -> memref<8x8x128xf32, #tpu.memory_space<vmem>>
        %dma_start3A_2223 = arith.constant 0 : i32
        %dma_start3A_2224 = arith.constant 0 : i32
        %dma_start3A_2225 = tpu.memref_slice %arg4[%dma_start3A_2223, %dma_start3A_2224, %multiple_of3A_2210] : memref<8x8x1000000xf32, #tpu.memory_space<hbm>> -> memref<8x8x128xf32, #tpu.memory_space<hbm>>
        %dma_start3A_2226 = arith.constant 0 : i32
        %dma_start3A_2227 = arith.constant 0 : i32
        %dma_start3A_2228 = arith.constant 0 : i32
        %dma_start3A_2229 = tpu.memref_slice %arg9[%dma_start3A_2216, %dma_start3A_2217, %dma_start3A_2226, %dma_start3A_2227, %dma_start3A_2228] : memref<2x2x8x8x128xf32, #tpu.memory_space<vmem>> -> memref<1x1x8x8x128xf32, #tpu.memory_space<vmem>>
        %dma_start3A_2230 = tpu.memref_squeeze %dma_start3A_2229 : memref<1x1x8x8x128xf32, #tpu.memory_space<vmem>> -> memref<8x8x128xf32, #tpu.memory_space<vmem>>
        %dma_start3A_2231 = arith.constant 0 : i32
        %dma_start3A_2232 = arith.constant 0 : i32
        %dma_start3A_2233 = tpu.memref_slice %arg4[%dma_start3A_2231, %dma_start3A_2232, %multiple_of3A_2210] : memref<8x8x1000000xf32, #tpu.memory_space<hbm>> -> memref<8x8x128xf32, #tpu.memory_space<hbm>>
        tpu.enqueue_dma source(%dma_start3A_2233 : memref<8x8x128xf32, #tpu.memory_space<hbm>>) target(%dma_start3A_2230 : memref<8x8x128xf32, #tpu.memory_space<vmem>>) target_semaphore(%arg12 : memref<!tpu.dma_semaphore, #tpu.memory_space<semaphore_mem>>)
        %dma_start3A_2234 = arith.constant 0 : i32
        %dma_start3A_2235 = arith.constant 1 : i32
        %dma_start3A_2236 = arith.constant 0 : i32
        %dma_start3A_2237 = arith.constant 0 : i32
        %dma_start3A_2238 = arith.constant 0 : i32
        %dma_start3A_2239 = tpu.memref_slice %arg10[%dma_start3A_2234, %dma_start3A_2235, %dma_start3A_2236, %dma_start3A_2237, %dma_start3A_2238] : memref<2x2x8x8x128xf32, #tpu.memory_space<vmem>> -> memref<1x1x8x8x128xf32, #tpu.memory_space<vmem>>
        %dma_start3A_2240 = tpu.memref_squeeze %dma_start3A_2239 : memref<1x1x8x8x128xf32, #tpu.memory_space<vmem>> -> memref<8x8x128xf32, #tpu.memory_space<vmem>>
        %dma_start3A_2241 = arith.constant 0 : i32
        %dma_start3A_2242 = arith.constant 0 : i32
        %dma_start3A_2243 = tpu.memref_slice %arg5[%dma_start3A_2241, %dma_start3A_2242, %multiple_of3A_2215] : memref<8x8x1000000xf32, #tpu.memory_space<hbm>> -> memref<8x8x128xf32, #tpu.memory_space<hbm>>
        %dma_start3A_2244 = arith.constant 0 : i32
        %dma_start3A_2245 = arith.constant 0 : i32
        %dma_start3A_2246 = arith.constant 0 : i32
        %dma_start3A_2247 = tpu.memref_slice %arg10[%dma_start3A_2234, %dma_start3A_2235, %dma_start3A_2244, %dma_start3A_2245, %dma_start3A_2246] : memref<2x2x8x8x128xf32, #tpu.memory_space<vmem>> -> memref<1x1x8x8x128xf32, #tpu.memory_space<vmem>>
        %dma_start3A_2248 = tpu.memref_squeeze %dma_start3A_2247 : memref<1x1x8x8x128xf32, #tpu.memory_space<vmem>> -> memref<8x8x128xf32, #tpu.memory_space<vmem>>
        %dma_start3A_2249 = arith.constant 0 : i32
        %dma_start3A_2250 = arith.constant 0 : i32
        %dma_start3A_2251 = tpu.memref_slice %arg5[%dma_start3A_2249, %dma_start3A_2250, %multiple_of3A_2215] : memref<8x8x1000000xf32, #tpu.memory_space<hbm>> -> memref<8x8x128xf32, #tpu.memory_space<hbm>>
        tpu.enqueue_dma source(%dma_start3A_2251 : memref<8x8x128xf32, #tpu.memory_space<hbm>>) target(%dma_start3A_2248 : memref<8x8x128xf32, #tpu.memory_space<vmem>>) target_semaphore(%arg12 : memref<!tpu.dma_semaphore, #tpu.memory_space<semaphore_mem>>)
      } else {
      }
      %dma_wait3A_1988 = arith.constant 0 : i32
      %dma_wait3A_1989 = arith.constant 0 : i32
      %dma_wait3A_1990 = arith.constant 0 : i32
      %dma_wait3A_1991 = arith.constant 0 : i32
      %dma_wait3A_1992 = arith.constant 0 : i32
      %dma_wait3A_1993 = tpu.memref_slice %arg9[%dma_wait3A_1988, %dma_wait3A_1989, %dma_wait3A_1990, %dma_wait3A_1991, %dma_wait3A_1992] : memref<2x2x8x8x128xf32, #tpu.memory_space<vmem>> -> memref<1x1x8x8x128xf32, #tpu.memory_space<vmem>>
      %dma_wait3A_1994 = tpu.memref_squeeze %dma_wait3A_1993 : memref<1x1x8x8x128xf32, #tpu.memory_space<vmem>> -> memref<8x8x128xf32, #tpu.memory_space<vmem>>
      %dma_wait3A_1995 = arith.constant 0 : i32
      %dma_wait3A_1996 = arith.constant 0 : i32
      %dma_wait3A_1997 = arith.constant 0 : i32
      %dma_wait3A_1998 = tpu.memref_slice %arg4[%dma_wait3A_1995, %dma_wait3A_1996, %dma_wait3A_1997] : memref<8x8x1000000xf32, #tpu.memory_space<hbm>> -> memref<8x8x128xf32, #tpu.memory_space<hbm>>
      %dma_wait3A_1999 = arith.constant 0 : i32
      %dma_wait3A_2000 = arith.constant 0 : i32
      %dma_wait3A_2001 = arith.constant 0 : i32
      %dma_wait3A_2002 = tpu.memref_slice %arg9[%dma_wait3A_1988, %dma_wait3A_1989, %dma_wait3A_1999, %dma_wait3A_2000, %dma_wait3A_2001] : memref<2x2x8x8x128xf32, #tpu.memory_space<vmem>> -> memref<1x1x8x8x128xf32, #tpu.memory_space<vmem>>
      %dma_wait3A_2003 = tpu.memref_squeeze %dma_wait3A_2002 : memref<1x1x8x8x128xf32, #tpu.memory_space<vmem>> -> memref<8x8x128xf32, #tpu.memory_space<vmem>>
      %dma_wait3A_2004 = arith.constant 0 : i32
      %dma_wait3A_2005 = arith.constant 0 : i32
      %dma_wait3A_2006 = arith.constant 0 : i32
      %dma_wait3A_2007 = tpu.memref_slice %arg4[%dma_wait3A_2004, %dma_wait3A_2005, %dma_wait3A_2006] : memref<8x8x1000000xf32, #tpu.memory_space<hbm>> -> memref<8x8x128xf32, #tpu.memory_space<hbm>>
      tpu.wait_dma2 semaphore(%arg12 : memref<!tpu.dma_semaphore, #tpu.memory_space<semaphore_mem>>) src(%dma_wait3A_2007 : memref<8x8x128xf32, #tpu.memory_space<hbm>>) dst(%dma_wait3A_2003 : memref<8x8x128xf32, #tpu.memory_space<vmem>>)
      %dma_wait3A_2008 = arith.constant 0 : i32
      %dma_wait3A_2009 = arith.constant 0 : i32
      %dma_wait3A_2010 = arith.constant 0 : i32
      %dma_wait3A_2011 = arith.constant 0 : i32
      %dma_wait3A_2012 = arith.constant 0 : i32
      %dma_wait3A_2013 = tpu.memref_slice %arg9[%dma_wait3A_2008, %dma_wait3A_2009, %dma_wait3A_2010, %dma_wait3A_2011, %dma_wait3A_2012] : memref<2x2x8x8x128xf32, #tpu.memory_space<vmem>> -> memref<1x1x8x8x128xf32, #tpu.memory_space<vmem>>
      %dma_wait3A_2014 = tpu.memref_squeeze %dma_wait3A_2013 : memref<1x1x8x8x128xf32, #tpu.memory_space<vmem>> -> memref<8x8x128xf32, #tpu.memory_space<vmem>>
      %dma_wait3A_2015 = arith.constant 0 : i32
      %dma_wait3A_2016 = arith.constant 0 : i32
      %dma_wait3A_2017 = arith.constant 0 : i32
      %dma_wait3A_2018 = tpu.memref_slice %arg4[%dma_wait3A_2015, %dma_wait3A_2016, %dma_wait3A_2017] : memref<8x8x1000000xf32, #tpu.memory_space<hbm>> -> memref<8x8x128xf32, #tpu.memory_space<hbm>>
      %dma_wait3A_2019 = arith.constant 0 : i32
      %dma_wait3A_2020 = arith.constant 0 : i32
      %dma_wait3A_2021 = arith.constant 0 : i32
      %dma_wait3A_2022 = tpu.memref_slice %arg9[%dma_wait3A_2008, %dma_wait3A_2009, %dma_wait3A_2019, %dma_wait3A_2020, %dma_wait3A_2021] : memref<2x2x8x8x128xf32, #tpu.memory_space<vmem>> -> memref<1x1x8x8x128xf32, #tpu.memory_space<vmem>>
      %dma_wait3A_2023 = tpu.memref_squeeze %dma_wait3A_2022 : memref<1x1x8x8x128xf32, #tpu.memory_space<vmem>> -> memref<8x8x128xf32, #tpu.memory_space<vmem>>
      %dma_wait3A_2024 = arith.constant 0 : i32
      %dma_wait3A_2025 = arith.constant 0 : i32
      %dma_wait3A_2026 = arith.constant 0 : i32
      %dma_wait3A_2027 = tpu.memref_slice %arg4[%dma_wait3A_2024, %dma_wait3A_2025, %dma_wait3A_2026] : memref<8x8x1000000xf32, #tpu.memory_space<hbm>> -> memref<8x8x128xf32, #tpu.memory_space<hbm>>
      tpu.wait_dma2 semaphore(%arg12 : memref<!tpu.dma_semaphore, #tpu.memory_space<semaphore_mem>>) src(%dma_wait3A_2027 : memref<8x8x128xf32, #tpu.memory_space<hbm>>) dst(%dma_wait3A_2023 : memref<8x8x128xf32, #tpu.memory_space<vmem>>)
      %dma_wait3A_2028 = arith.constant 0 : i32
      %dma_wait3A_2029 = arith.constant 0 : i32
      %dma_wait3A_2030 = arith.constant 0 : i32
      %dma_wait3A_2031 = arith.constant 0 : i32
      %dma_wait3A_2032 = arith.constant 0 : i32
      %dma_wait3A_2033 = tpu.memref_slice %arg9[%dma_wait3A_2028, %dma_wait3A_2029, %dma_wait3A_2030, %dma_wait3A_2031, %dma_wait3A_2032] : memref<2x2x8x8x128xf32, #tpu.memory_space<vmem>> -> memref<1x1x8x8x128xf32, #tpu.memory_space<vmem>>
      %dma_wait3A_2034 = tpu.memref_squeeze %dma_wait3A_2033 : memref<1x1x8x8x128xf32, #tpu.memory_space<vmem>> -> memref<8x8x128xf32, #tpu.memory_space<vmem>>
      %dma_wait3A_2035 = arith.constant 0 : i32
      %dma_wait3A_2036 = arith.constant 0 : i32
      %dma_wait3A_2037 = arith.constant 0 : i32
      %dma_wait3A_2038 = tpu.memref_slice %arg4[%dma_wait3A_2035, %dma_wait3A_2036, %dma_wait3A_2037] : memref<8x8x1000000xf32, #tpu.memory_space<hbm>> -> memref<8x8x128xf32, #tpu.memory_space<hbm>>
      %dma_wait3A_2039 = arith.constant 0 : i32
      %dma_wait3A_2040 = arith.constant 0 : i32
      %dma_wait3A_2041 = arith.constant 0 : i32
      %dma_wait3A_2042 = tpu.memref_slice %arg9[%dma_wait3A_2028, %dma_wait3A_2029, %dma_wait3A_2039, %dma_wait3A_2040, %dma_wait3A_2041] : memref<2x2x8x8x128xf32, #tpu.memory_space<vmem>> -> memref<1x1x8x8x128xf32, #tpu.memory_space<vmem>>
      %dma_wait3A_2043 = tpu.memref_squeeze %dma_wait3A_2042 : memref<1x1x8x8x128xf32, #tpu.memory_space<vmem>> -> memref<8x8x128xf32, #tpu.memory_space<vmem>>
      %dma_wait3A_2044 = arith.constant 0 : i32
      %dma_wait3A_2045 = arith.constant 0 : i32
      %dma_wait3A_2046 = arith.constant 0 : i32
      %dma_wait3A_2047 = tpu.memref_slice %arg4[%dma_wait3A_2044, %dma_wait3A_2045, %dma_wait3A_2046] : memref<8x8x1000000xf32, #tpu.memory_space<hbm>> -> memref<8x8x128xf32, #tpu.memory_space<hbm>>
      tpu.wait_dma2 semaphore(%arg12 : memref<!tpu.dma_semaphore, #tpu.memory_space<semaphore_mem>>) src(%dma_wait3A_2047 : memref<8x8x128xf32, #tpu.memory_space<hbm>>) dst(%dma_wait3A_2043 : memref<8x8x128xf32, #tpu.memory_space<vmem>>)
      %dma_wait3A_2048 = arith.constant 0 : i32
      %dma_wait3A_2049 = arith.constant 0 : i32
      %dma_wait3A_2050 = arith.constant 0 : i32
      %dma_wait3A_2051 = arith.constant 0 : i32
      %dma_wait3A_2052 = arith.constant 0 : i32
      %dma_wait3A_2053 = tpu.memref_slice %arg9[%dma_wait3A_2048, %dma_wait3A_2049, %dma_wait3A_2050, %dma_wait3A_2051, %dma_wait3A_2052] : memref<2x2x8x8x128xf32, #tpu.memory_space<vmem>> -> memref<1x1x8x8x128xf32, #tpu.memory_space<vmem>>
      %dma_wait3A_2054 = tpu.memref_squeeze %dma_wait3A_2053 : memref<1x1x8x8x128xf32, #tpu.memory_space<vmem>> -> memref<8x8x128xf32, #tpu.memory_space<vmem>>
      %dma_wait3A_2055 = arith.constant 0 : i32
      %dma_wait3A_2056 = arith.constant 0 : i32
      %dma_wait3A_2057 = arith.constant 0 : i32
      %dma_wait3A_2058 = tpu.memref_slice %arg4[%dma_wait3A_2055, %dma_wait3A_2056, %dma_wait3A_2057] : memref<8x8x1000000xf32, #tpu.memory_space<hbm>> -> memref<8x8x128xf32, #tpu.memory_space<hbm>>
      %dma_wait3A_2059 = arith.constant 0 : i32
      %dma_wait3A_2060 = arith.constant 0 : i32
      %dma_wait3A_2061 = arith.constant 0 : i32
      %dma_wait3A_2062 = tpu.memref_slice %arg9[%dma_wait3A_2048, %dma_wait3A_2049, %dma_wait3A_2059, %dma_wait3A_2060, %dma_wait3A_2061] : memref<2x2x8x8x128xf32, #tpu.memory_space<vmem>> -> memref<1x1x8x8x128xf32, #tpu.memory_space<vmem>>
      %dma_wait3A_2063 = tpu.memref_squeeze %dma_wait3A_2062 : memref<1x1x8x8x128xf32, #tpu.memory_space<vmem>> -> memref<8x8x128xf32, #tpu.memory_space<vmem>>
      %dma_wait3A_2064 = arith.constant 0 : i32
      %dma_wait3A_2065 = arith.constant 0 : i32
      %dma_wait3A_2066 = arith.constant 0 : i32
      %dma_wait3A_2067 = tpu.memref_slice %arg4[%dma_wait3A_2064, %dma_wait3A_2065, %dma_wait3A_2066] : memref<8x8x1000000xf32, #tpu.memory_space<hbm>> -> memref<8x8x128xf32, #tpu.memory_space<hbm>>
      tpu.wait_dma2 semaphore(%arg12 : memref<!tpu.dma_semaphore, #tpu.memory_space<semaphore_mem>>) src(%dma_wait3A_2067 : memref<8x8x128xf32, #tpu.memory_space<hbm>>) dst(%dma_wait3A_2063 : memref<8x8x128xf32, #tpu.memory_space<vmem>>)
      %slice3A_2068 = vector.extract_strided_slice %get3A_284 {offsets = [14], sizes = [1], strides = [1]} : vector<16xi32> to vector<1xi32>
      %squeeze3A_2069 = vector.extract %slice3A_2068[0] : i32 from vector<1xi32>
      %and3A_2070 = arith.constant 127 : i32
      %and3A_2071 = arith.andi %squeeze3A_2069, %and3A_2070 : i32
      %broadcast_in_dim3A_2072 = vector.broadcast %and3A_2071 : i32 to vector<16xi32>
      %slice3A_2073 = vector.extract_strided_slice %get3A_287 {offsets = [14], sizes = [1], strides = [1]} : vector<16xi32> to vector<1xi32>
      %squeeze3A_2074 = vector.extract %slice3A_2073[0] : i32 from vector<1xi32>
      %and3A_2075 = arith.constant 127 : i32
      %and3A_2076 = arith.andi %squeeze3A_2074, %and3A_2075 : i32
      %broadcast_in_dim3A_2077 = vector.broadcast %and3A_2076 : i32 to vector<16xi32>
      %broadcast_in_dim3A_2078 = arith.constant 1 : i32
      %broadcast_in_dim3A_2079 = vector.broadcast %broadcast_in_dim3A_2078 : i32 to vector<16xi32>
      %broadcast_in_dim3A_2080 = arith.constant 0 : i32
      %broadcast_in_dim3A_2081 = vector.broadcast %broadcast_in_dim3A_2080 : i32 to vector<16xi32>
      %broadcast_in_dim3A_2082 = arith.constant 0.000000e+00 : f32
      %broadcast_in_dim3A_2083 = vector.broadcast %broadcast_in_dim3A_2082 : f32 to vector<16xf32>
      %gather3A_2084 = tpu.vector_load_idx %arg9[%broadcast_in_dim3A_2079, %broadcast_in_dim3A_2081, %add3A_7, %and3A_2, %broadcast_in_dim3A_2072] : memref<2x2x8x8x128xf32, #tpu.memory_space<vmem>>[vector<16xi32>, vector<16xi32>, vector<16xi32>, vector<16xi32>, vector<16xi32>], vector<16xf32>,
      %gather3A_2085 = tpu.vector_load_idx %arg10[%broadcast_in_dim3A_2079, %broadcast_in_dim3A_2081, %add3A_7, %and3A_2, %broadcast_in_dim3A_2077] : memref<2x2x8x8x128xf32, #tpu.memory_space<vmem>>[vector<16xi32>, vector<16xi32>, vector<16xi32>, vector<16xi32>, vector<16xi32>], vector<16xf32>,
      %mul3A_2086 = arith.mulf %gather3A_2084, %gather3A_2085 : vector<16xf32>
      %add3A_2087 = arith.addf %broadcast_in_dim3A_2083, %mul3A_2086 : vector<16xf32>
      %gather3A_2088 = tpu.vector_load_idx %arg9[%broadcast_in_dim3A_2079, %broadcast_in_dim3A_2081, %add3A_13, %and3A_2, %broadcast_in_dim3A_2072] : memref<2x2x8x8x128xf32, #tpu.memory_space<vmem>>[vector<16xi32>, vector<16xi32>, vector<16xi32>, vector<16xi32>, vector<16xi32>], vector<16xf32>,
      %gather3A_2089 = tpu.vector_load_idx %arg10[%broadcast_in_dim3A_2079, %broadcast_in_dim3A_2081, %add3A_13, %and3A_2, %broadcast_in_dim3A_2077] : memref<2x2x8x8x128xf32, #tpu.memory_space<vmem>>[vector<16xi32>, vector<16xi32>, vector<16xi32>, vector<16xi32>, vector<16xi32>], vector<16xf32>,
      %mul3A_2090 = arith.mulf %gather3A_2088, %gather3A_2089 : vector<16xf32>
      %add3A_2091 = arith.addf %add3A_2087, %mul3A_2090 : vector<16xf32>
      %gather3A_2092 = tpu.vector_load_idx %arg9[%broadcast_in_dim3A_2079, %broadcast_in_dim3A_2081, %add3A_19, %and3A_2, %broadcast_in_dim3A_2072] : memref<2x2x8x8x128xf32, #tpu.memory_space<vmem>>[vector<16xi32>, vector<16xi32>, vector<16xi32>, vector<16xi32>, vector<16xi32>], vector<16xf32>,
      %gather3A_2093 = tpu.vector_load_idx %arg10[%broadcast_in_dim3A_2079, %broadcast_in_dim3A_2081, %add3A_19, %and3A_2, %broadcast_in_dim3A_2077] : memref<2x2x8x8x128xf32, #tpu.memory_space<vmem>>[vector<16xi32>, vector<16xi32>, vector<16xi32>, vector<16xi32>, vector<16xi32>], vector<16xf32>,
      %mul3A_2094 = arith.mulf %gather3A_2092, %gather3A_2093 : vector<16xf32>
      %add3A_2095 = arith.addf %add3A_2091, %mul3A_2094 : vector<16xf32>
      %gather3A_2096 = tpu.vector_load_idx %arg9[%broadcast_in_dim3A_2079, %broadcast_in_dim3A_2081, %add3A_25, %and3A_2, %broadcast_in_dim3A_2072] : memref<2x2x8x8x128xf32, #tpu.memory_space<vmem>>[vector<16xi32>, vector<16xi32>, vector<16xi32>, vector<16xi32>, vector<16xi32>], vector<16xf32>,
      %gather3A_2097 = tpu.vector_load_idx %arg10[%broadcast_in_dim3A_2079, %broadcast_in_dim3A_2081, %add3A_25, %and3A_2, %broadcast_in_dim3A_2077] : memref<2x2x8x8x128xf32, #tpu.memory_space<vmem>>[vector<16xi32>, vector<16xi32>, vector<16xi32>, vector<16xi32>, vector<16xi32>], vector<16xf32>,
      %mul3A_2098 = arith.mulf %gather3A_2096, %gather3A_2097 : vector<16xf32>
      %add3A_2099 = arith.addf %add3A_2095, %mul3A_2098 : vector<16xf32>
      %reduce_sum3A_2100 = arith.constant true
      %reduce_sum3A_2101 = vector.broadcast %reduce_sum3A_2100 : i1 to vector<16xi1>
      %reduce_sum3A_2102 = tpu.scan <sum>, %add3A_2099 masked %reduce_sum3A_2101 : vector<16xf32>, vector<16xi1> -> vector<16xf32>
      %reduce_sum3A_2103 = vector.extract %reduce_sum3A_2102[15] : f32 from vector<16xf32>
      %broadcast_in_dim3A_2104 = vector.broadcast %reduce_sum3A_2103 : f32 to vector<16xf32>
      %select_n3A_2105 = arith.select %eq3A_69, %broadcast_in_dim3A_2104, %select_n3A_1985 : vector<16xi1>, vector<16xf32>
      %slice3A_2106 = vector.extract_strided_slice %get3A_284 {offsets = [15], sizes = [1], strides = [1]} : vector<16xi32> to vector<1xi32>
      %squeeze3A_2107 = vector.extract %slice3A_2106[0] : i32 from vector<1xi32>
      %and3A_2108 = arith.constant 127 : i32
      %and3A_2109 = arith.andi %squeeze3A_2107, %and3A_2108 : i32
      %broadcast_in_dim3A_2110 = vector.broadcast %and3A_2109 : i32 to vector<16xi32>
      %slice3A_2111 = vector.extract_strided_slice %get3A_287 {offsets = [15], sizes = [1], strides = [1]} : vector<16xi32> to vector<1xi32>
      %squeeze3A_2112 = vector.extract %slice3A_2111[0] : i32 from vector<1xi32>
      %and3A_2113 = arith.constant 127 : i32
      %and3A_2114 = arith.andi %squeeze3A_2112, %and3A_2113 : i32
      %broadcast_in_dim3A_2115 = vector.broadcast %and3A_2114 : i32 to vector<16xi32>
      %broadcast_in_dim3A_2116 = arith.constant 1 : i32
      %broadcast_in_dim3A_2117 = vector.broadcast %broadcast_in_dim3A_2116 : i32 to vector<16xi32>
      %broadcast_in_dim3A_2118 = arith.constant 1 : i32
      %broadcast_in_dim3A_2119 = vector.broadcast %broadcast_in_dim3A_2118 : i32 to vector<16xi32>
      %broadcast_in_dim3A_2120 = arith.constant 0.000000e+00 : f32
      %broadcast_in_dim3A_2121 = vector.broadcast %broadcast_in_dim3A_2120 : f32 to vector<16xf32>
      %gather3A_2122 = tpu.vector_load_idx %arg9[%broadcast_in_dim3A_2117, %broadcast_in_dim3A_2119, %add3A_7, %and3A_2, %broadcast_in_dim3A_2110] : memref<2x2x8x8x128xf32, #tpu.memory_space<vmem>>[vector<16xi32>, vector<16xi32>, vector<16xi32>, vector<16xi32>, vector<16xi32>], vector<16xf32>,
      %gather3A_2123 = tpu.vector_load_idx %arg10[%broadcast_in_dim3A_2117, %broadcast_in_dim3A_2119, %add3A_7, %and3A_2, %broadcast_in_dim3A_2115] : memref<2x2x8x8x128xf32, #tpu.memory_space<vmem>>[vector<16xi32>, vector<16xi32>, vector<16xi32>, vector<16xi32>, vector<16xi32>], vector<16xf32>,
      %mul3A_2124 = arith.mulf %gather3A_2122, %gather3A_2123 : vector<16xf32>
      %add3A_2125 = arith.addf %broadcast_in_dim3A_2121, %mul3A_2124 : vector<16xf32>
      %gather3A_2126 = tpu.vector_load_idx %arg9[%broadcast_in_dim3A_2117, %broadcast_in_dim3A_2119, %add3A_13, %and3A_2, %broadcast_in_dim3A_2110] : memref<2x2x8x8x128xf32, #tpu.memory_space<vmem>>[vector<16xi32>, vector<16xi32>, vector<16xi32>, vector<16xi32>, vector<16xi32>], vector<16xf32>,
      %gather3A_2127 = tpu.vector_load_idx %arg10[%broadcast_in_dim3A_2117, %broadcast_in_dim3A_2119, %add3A_13, %and3A_2, %broadcast_in_dim3A_2115] : memref<2x2x8x8x128xf32, #tpu.memory_space<vmem>>[vector<16xi32>, vector<16xi32>, vector<16xi32>, vector<16xi32>, vector<16xi32>], vector<16xf32>,
      %mul3A_2128 = arith.mulf %gather3A_2126, %gather3A_2127 : vector<16xf32>
      %add3A_2129 = arith.addf %add3A_2125, %mul3A_2128 : vector<16xf32>
      %gather3A_2130 = tpu.vector_load_idx %arg9[%broadcast_in_dim3A_2117, %broadcast_in_dim3A_2119, %add3A_19, %and3A_2, %broadcast_in_dim3A_2110] : memref<2x2x8x8x128xf32, #tpu.memory_space<vmem>>[vector<16xi32>, vector<16xi32>, vector<16xi32>, vector<16xi32>, vector<16xi32>], vector<16xf32>,
      %gather3A_2131 = tpu.vector_load_idx %arg10[%broadcast_in_dim3A_2117, %broadcast_in_dim3A_2119, %add3A_19, %and3A_2, %broadcast_in_dim3A_2115] : memref<2x2x8x8x128xf32, #tpu.memory_space<vmem>>[vector<16xi32>, vector<16xi32>, vector<16xi32>, vector<16xi32>, vector<16xi32>], vector<16xf32>,
      %mul3A_2132 = arith.mulf %gather3A_2130, %gather3A_2131 : vector<16xf32>
      %add3A_2133 = arith.addf %add3A_2129, %mul3A_2132 : vector<16xf32>
      %gather3A_2134 = tpu.vector_load_idx %arg9[%broadcast_in_dim3A_2117, %broadcast_in_dim3A_2119, %add3A_25, %and3A_2, %broadcast_in_dim3A_2110] : memref<2x2x8x8x128xf32, #tpu.memory_space<vmem>>[vector<16xi32>, vector<16xi32>, vector<16xi32>, vector<16xi32>, vector<16xi32>], vector<16xf32>,
      %gather3A_2135 = tpu.vector_load_idx %arg10[%broadcast_in_dim3A_2117, %broadcast_in_dim3A_2119, %add3A_25, %and3A_2, %broadcast_in_dim3A_2115] : memref<2x2x8x8x128xf32, #tpu.memory_space<vmem>>[vector<16xi32>, vector<16xi32>, vector<16xi32>, vector<16xi32>, vector<16xi32>], vector<16xf32>,
      %mul3A_2136 = arith.mulf %gather3A_2134, %gather3A_2135 : vector<16xf32>
      %add3A_2137 = arith.addf %add3A_2133, %mul3A_2136 : vector<16xf32>
      %reduce_sum3A_2138 = arith.constant true
      %reduce_sum3A_2139 = vector.broadcast %reduce_sum3A_2138 : i1 to vector<16xi1>
      %reduce_sum3A_2140 = tpu.scan <sum>, %add3A_2137 masked %reduce_sum3A_2139 : vector<16xf32>, vector<16xi1> -> vector<16xf32>
      %reduce_sum3A_2141 = vector.extract %reduce_sum3A_2140[15] : f32 from vector<16xf32>
      %broadcast_in_dim3A_2142 = vector.broadcast %reduce_sum3A_2141 : f32 to vector<16xf32>
      %select_n3A_2143 = arith.select %eq3A_72, %broadcast_in_dim3A_2142, %select_n3A_2105 : vector<16xi1>, vector<16xf32>
      %lt3A_2144 = arith.constant 31 : i32
      %lt3A_2145 = arith.cmpi slt, %scan3A_281, %lt3A_2144 : i32
      %convert_element_type3A_2146 = arith.extui %lt3A_2145 : i1 to i32
      %cond3A_2147 = arith.constant 0 : i32
      %cond3A_2148 = arith.cmpi ne, %convert_element_type3A_2146, %cond3A_2147 : i32
      scf.if %cond3A_2148 {
        %slice3A_2152 = vector.extract_strided_slice %get3A_293 {offsets = [2], sizes = [1], strides = [1]} : vector<16xi32> to vector<1xi32>
        %squeeze3A_2153 = vector.extract %slice3A_2152[0] : i32 from vector<1xi32>
        %slice3A_2154 = vector.extract_strided_slice %get3A_296 {offsets = [2], sizes = [1], strides = [1]} : vector<16xi32> to vector<1xi32>
        %squeeze3A_2155 = vector.extract %slice3A_2154[0] : i32 from vector<1xi32>
        %shift_right_logical3A_2156 = arith.constant 7 : i32
        %shift_right_logical3A_2157 = arith.shrui %squeeze3A_2153, %shift_right_logical3A_2156 : i32
        %shift_left3A_2158 = arith.constant 7 : i32
        %shift_left3A_2159 = arith.shli %shift_right_logical3A_2157, %shift_left3A_2158 : i32
        %multiple_of3A_2160 = tpu.assume_multiple %shift_left3A_2159, 128 : i32
        %shift_right_logical3A_2161 = arith.constant 7 : i32
        %shift_right_logical3A_2162 = arith.shrui %squeeze3A_2155, %shift_right_logical3A_2161 : i32
        %shift_left3A_2163 = arith.constant 7 : i32
        %shift_left3A_2164 = arith.shli %shift_right_logical3A_2162, %shift_left3A_2163 : i32
        %multiple_of3A_2165 = tpu.assume_multiple %shift_left3A_2164, 128 : i32
        %dma_start3A_2166 = arith.constant 1 : i32
        %dma_start3A_2167 = arith.constant 0 : i32
        %dma_start3A_2168 = arith.constant 0 : i32
        %dma_start3A_2169 = arith.constant 0 : i32
        %dma_start3A_2170 = arith.constant 0 : i32
        %dma_start3A_2171 = tpu.memref_slice %arg9[%dma_start3A_2166, %dma_start3A_2167, %dma_start3A_2168, %dma_start3A_2169, %dma_start3A_2170] : memref<2x2x8x8x128xf32, #tpu.memory_space<vmem>> -> memref<1x1x8x8x128xf32, #tpu.memory_space<vmem>>
        %dma_start3A_2172 = tpu.memref_squeeze %dma_start3A_2171 : memref<1x1x8x8x128xf32, #tpu.memory_space<vmem>> -> memref<8x8x128xf32, #tpu.memory_space<vmem>>
        %dma_start3A_2173 = arith.constant 0 : i32
        %dma_start3A_2174 = arith.constant 0 : i32
        %dma_start3A_2175 = tpu.memref_slice %arg4[%dma_start3A_2173, %dma_start3A_2174, %multiple_of3A_2160] : memref<8x8x1000000xf32, #tpu.memory_space<hbm>> -> memref<8x8x128xf32, #tpu.memory_space<hbm>>
        %dma_start3A_2176 = arith.constant 0 : i32
        %dma_start3A_2177 = arith.constant 0 : i32
        %dma_start3A_2178 = arith.constant 0 : i32
        %dma_start3A_2179 = tpu.memref_slice %arg9[%dma_start3A_2166, %dma_start3A_2167, %dma_start3A_2176, %dma_start3A_2177, %dma_start3A_2178] : memref<2x2x8x8x128xf32, #tpu.memory_space<vmem>> -> memref<1x1x8x8x128xf32, #tpu.memory_space<vmem>>
        %dma_start3A_2180 = tpu.memref_squeeze %dma_start3A_2179 : memref<1x1x8x8x128xf32, #tpu.memory_space<vmem>> -> memref<8x8x128xf32, #tpu.memory_space<vmem>>
        %dma_start3A_2181 = arith.constant 0 : i32
        %dma_start3A_2182 = arith.constant 0 : i32
        %dma_start3A_2183 = tpu.memref_slice %arg4[%dma_start3A_2181, %dma_start3A_2182, %multiple_of3A_2160] : memref<8x8x1000000xf32, #tpu.memory_space<hbm>> -> memref<8x8x128xf32, #tpu.memory_space<hbm>>
        tpu.enqueue_dma source(%dma_start3A_2183 : memref<8x8x128xf32, #tpu.memory_space<hbm>>) target(%dma_start3A_2180 : memref<8x8x128xf32, #tpu.memory_space<vmem>>) target_semaphore(%arg12 : memref<!tpu.dma_semaphore, #tpu.memory_space<semaphore_mem>>)
        %dma_start3A_2184 = arith.constant 1 : i32
        %dma_start3A_2185 = arith.constant 0 : i32
        %dma_start3A_2186 = arith.constant 0 : i32
        %dma_start3A_2187 = arith.constant 0 : i32
        %dma_start3A_2188 = arith.constant 0 : i32
        %dma_start3A_2189 = tpu.memref_slice %arg10[%dma_start3A_2184, %dma_start3A_2185, %dma_start3A_2186, %dma_start3A_2187, %dma_start3A_2188] : memref<2x2x8x8x128xf32, #tpu.memory_space<vmem>> -> memref<1x1x8x8x128xf32, #tpu.memory_space<vmem>>
        %dma_start3A_2190 = tpu.memref_squeeze %dma_start3A_2189 : memref<1x1x8x8x128xf32, #tpu.memory_space<vmem>> -> memref<8x8x128xf32, #tpu.memory_space<vmem>>
        %dma_start3A_2191 = arith.constant 0 : i32
        %dma_start3A_2192 = arith.constant 0 : i32
        %dma_start3A_2193 = tpu.memref_slice %arg5[%dma_start3A_2191, %dma_start3A_2192, %multiple_of3A_2165] : memref<8x8x1000000xf32, #tpu.memory_space<hbm>> -> memref<8x8x128xf32, #tpu.memory_space<hbm>>
        %dma_start3A_2194 = arith.constant 0 : i32
        %dma_start3A_2195 = arith.constant 0 : i32
        %dma_start3A_2196 = arith.constant 0 : i32
        %dma_start3A_2197 = tpu.memref_slice %arg10[%dma_start3A_2184, %dma_start3A_2185, %dma_start3A_2194, %dma_start3A_2195, %dma_start3A_2196] : memref<2x2x8x8x128xf32, #tpu.memory_space<vmem>> -> memref<1x1x8x8x128xf32, #tpu.memory_space<vmem>>
        %dma_start3A_2198 = tpu.memref_squeeze %dma_start3A_2197 : memref<1x1x8x8x128xf32, #tpu.memory_space<vmem>> -> memref<8x8x128xf32, #tpu.memory_space<vmem>>
        %dma_start3A_2199 = arith.constant 0 : i32
        %dma_start3A_2200 = arith.constant 0 : i32
        %dma_start3A_2201 = tpu.memref_slice %arg5[%dma_start3A_2199, %dma_start3A_2200, %multiple_of3A_2165] : memref<8x8x1000000xf32, #tpu.memory_space<hbm>> -> memref<8x8x128xf32, #tpu.memory_space<hbm>>
        tpu.enqueue_dma source(%dma_start3A_2201 : memref<8x8x128xf32, #tpu.memory_space<hbm>>) target(%dma_start3A_2198 : memref<8x8x128xf32, #tpu.memory_space<vmem>>) target_semaphore(%arg12 : memref<!tpu.dma_semaphore, #tpu.memory_space<semaphore_mem>>)
        %slice3A_2202 = vector.extract_strided_slice %get3A_293 {offsets = [3], sizes = [1], strides = [1]} : vector<16xi32> to vector<1xi32>
        %squeeze3A_2203 = vector.extract %slice3A_2202[0] : i32 from vector<1xi32>
        %slice3A_2204 = vector.extract_strided_slice %get3A_296 {offsets = [3], sizes = [1], strides = [1]} : vector<16xi32> to vector<1xi32>
        %squeeze3A_2205 = vector.extract %slice3A_2204[0] : i32 from vector<1xi32>
        %shift_right_logical3A_2206 = arith.constant 7 : i32
        %shift_right_logical3A_2207 = arith.shrui %squeeze3A_2203, %shift_right_logical3A_2206 : i32
        %shift_left3A_2208 = arith.constant 7 : i32
        %shift_left3A_2209 = arith.shli %shift_right_logical3A_2207, %shift_left3A_2208 : i32
        %multiple_of3A_2210 = tpu.assume_multiple %shift_left3A_2209, 128 : i32
        %shift_right_logical3A_2211 = arith.constant 7 : i32
        %shift_right_logical3A_2212 = arith.shrui %squeeze3A_2205, %shift_right_logical3A_2211 : i32
        %shift_left3A_2213 = arith.constant 7 : i32
        %shift_left3A_2214 = arith.shli %shift_right_logical3A_2212, %shift_left3A_2213 : i32
        %multiple_of3A_2215 = tpu.assume_multiple %shift_left3A_2214, 128 : i32
        %dma_start3A_2216 = arith.constant 1 : i32
        %dma_start3A_2217 = arith.constant 1 : i32
        %dma_start3A_2218 = arith.constant 0 : i32
        %dma_start3A_2219 = arith.constant 0 : i32
        %dma_start3A_2220 = arith.constant 0 : i32
        %dma_start3A_2221 = tpu.memref_slice %arg9[%dma_start3A_2216, %dma_start3A_2217, %dma_start3A_2218, %dma_start3A_2219, %dma_start3A_2220] : memref<2x2x8x8x128xf32, #tpu.memory_space<vmem>> -> memref<1x1x8x8x128xf32, #tpu.memory_space<vmem>>
        %dma_start3A_2222 = tpu.memref_squeeze %dma_start3A_2221 : memref<1x1x8x8x128xf32, #tpu.memory_space<vmem>> -> memref<8x8x128xf32, #tpu.memory_space<vmem>>
        %dma_start3A_2223 = arith.constant 0 : i32
        %dma_start3A_2224 = arith.constant 0 : i32
        %dma_start3A_2225 = tpu.memref_slice %arg4[%dma_start3A_2223, %dma_start3A_2224, %multiple_of3A_2210] : memref<8x8x1000000xf32, #tpu.memory_space<hbm>> -> memref<8x8x128xf32, #tpu.memory_space<hbm>>
        %dma_start3A_2226 = arith.constant 0 : i32
        %dma_start3A_2227 = arith.constant 0 : i32
        %dma_start3A_2228 = arith.constant 0 : i32
        %dma_start3A_2229 = tpu.memref_slice %arg9[%dma_start3A_2216, %dma_start3A_2217, %dma_start3A_2226, %dma_start3A_2227, %dma_start3A_2228] : memref<2x2x8x8x128xf32, #tpu.memory_space<vmem>> -> memref<1x1x8x8x128xf32, #tpu.memory_space<vmem>>
        %dma_start3A_2230 = tpu.memref_squeeze %dma_start3A_2229 : memref<1x1x8x8x128xf32, #tpu.memory_space<vmem>> -> memref<8x8x128xf32, #tpu.memory_space<vmem>>
        %dma_start3A_2231 = arith.constant 0 : i32
        %dma_start3A_2232 = arith.constant 0 : i32
        %dma_start3A_2233 = tpu.memref_slice %arg4[%dma_start3A_2231, %dma_start3A_2232, %multiple_of3A_2210] : memref<8x8x1000000xf32, #tpu.memory_space<hbm>> -> memref<8x8x128xf32, #tpu.memory_space<hbm>>
        tpu.enqueue_dma source(%dma_start3A_2233 : memref<8x8x128xf32, #tpu.memory_space<hbm>>) target(%dma_start3A_2230 : memref<8x8x128xf32, #tpu.memory_space<vmem>>) target_semaphore(%arg12 : memref<!tpu.dma_semaphore, #tpu.memory_space<semaphore_mem>>)
        %dma_start3A_2234 = arith.constant 1 : i32
        %dma_start3A_2235 = arith.constant 1 : i32
        %dma_start3A_2236 = arith.constant 0 : i32
        %dma_start3A_2237 = arith.constant 0 : i32
        %dma_start3A_2238 = arith.constant 0 : i32
        %dma_start3A_2239 = tpu.memref_slice %arg10[%dma_start3A_2234, %dma_start3A_2235, %dma_start3A_2236, %dma_start3A_2237, %dma_start3A_2238] : memref<2x2x8x8x128xf32, #tpu.memory_space<vmem>> -> memref<1x1x8x8x128xf32, #tpu.memory_space<vmem>>
        %dma_start3A_2240 = tpu.memref_squeeze %dma_start3A_2239 : memref<1x1x8x8x128xf32, #tpu.memory_space<vmem>> -> memref<8x8x128xf32, #tpu.memory_space<vmem>>
        %dma_start3A_2241 = arith.constant 0 : i32
        %dma_start3A_2242 = arith.constant 0 : i32
        %dma_start3A_2243 = tpu.memref_slice %arg5[%dma_start3A_2241, %dma_start3A_2242, %multiple_of3A_2215] : memref<8x8x1000000xf32, #tpu.memory_space<hbm>> -> memref<8x8x128xf32, #tpu.memory_space<hbm>>
        %dma_start3A_2244 = arith.constant 0 : i32
        %dma_start3A_2245 = arith.constant 0 : i32
        %dma_start3A_2246 = arith.constant 0 : i32
        %dma_start3A_2247 = tpu.memref_slice %arg10[%dma_start3A_2234, %dma_start3A_2235, %dma_start3A_2244, %dma_start3A_2245, %dma_start3A_2246] : memref<2x2x8x8x128xf32, #tpu.memory_space<vmem>> -> memref<1x1x8x8x128xf32, #tpu.memory_space<vmem>>
        %dma_start3A_2248 = tpu.memref_squeeze %dma_start3A_2247 : memref<1x1x8x8x128xf32, #tpu.memory_space<vmem>> -> memref<8x8x128xf32, #tpu.memory_space<vmem>>
        %dma_start3A_2249 = arith.constant 0 : i32
        %dma_start3A_2250 = arith.constant 0 : i32
        %dma_start3A_2251 = tpu.memref_slice %arg5[%dma_start3A_2249, %dma_start3A_2250, %multiple_of3A_2215] : memref<8x8x1000000xf32, #tpu.memory_space<hbm>> -> memref<8x8x128xf32, #tpu.memory_space<hbm>>
        tpu.enqueue_dma source(%dma_start3A_2251 : memref<8x8x128xf32, #tpu.memory_space<hbm>>) target(%dma_start3A_2248 : memref<8x8x128xf32, #tpu.memory_space<vmem>>) target_semaphore(%arg12 : memref<!tpu.dma_semaphore, #tpu.memory_space<semaphore_mem>>)
      } else {
      }
      %mul3A_2149 = arith.constant 16 : i32
      %mul3A_2150 = arith.muli %scan3A_281, %mul3A_2149 : i32
      %swap3A = arith.index_cast %mul3A_2150 : i32 to index
      %swap3A_2151 = tpu.vector_load %arg11[%swap3A] {strides = array<i32>} : memref<512xf32, #tpu.memory_space<vmem>>, vector<16xf32>,
      tpu.vector_store %arg11[%swap3A], %select_n3A_2143 {strides = array<i32>} : memref<512xf32, #tpu.memory_space<vmem>>, vector<16xf32>,
    }
    %scan3A_278 = arith.constant 32 : i32
    %mul3A_279 = arith.constant 512 : i32
    %mul3A_280 = arith.muli %add3A, %mul3A_279 : i32
    "tpu.region"() ({
      %run_scoped3A = tpu.sem_alloc : memref<!tpu.dma_semaphore, #tpu.memory_space<semaphore_mem>>
      %dma_start3A_281 = tpu.memref_slice %arg6[%mul3A_280] : memref<16384xf32, #tpu.memory_space<hbm>> -> memref<512xf32, #tpu.memory_space<hbm>>
      %dma_start3A_282 = tpu.memref_slice %arg6[%mul3A_280] : memref<16384xf32, #tpu.memory_space<hbm>> -> memref<512xf32, #tpu.memory_space<hbm>>
      tpu.enqueue_dma source(%arg11 : memref<512xf32, #tpu.memory_space<vmem>>) target(%dma_start3A_282 : memref<512xf32, #tpu.memory_space<hbm>>) target_semaphore(%run_scoped3A : memref<!tpu.dma_semaphore, #tpu.memory_space<semaphore_mem>>)
      %dma_wait3A = tpu.memref_slice %arg6[%mul3A_280] : memref<16384xf32, #tpu.memory_space<hbm>> -> memref<512xf32, #tpu.memory_space<hbm>>
      %dma_wait3A_283 = tpu.memref_slice %arg6[%mul3A_280] : memref<16384xf32, #tpu.memory_space<hbm>> -> memref<512xf32, #tpu.memory_space<hbm>>
      tpu.wait_dma2 semaphore(%run_scoped3A : memref<!tpu.dma_semaphore, #tpu.memory_space<semaphore_mem>>) src(%arg11 : memref<512xf32, #tpu.memory_space<vmem>>) dst(%dma_wait3A_283 : memref<512xf32, #tpu.memory_space<hbm>>)
      tpu.yield
    }) : () -> ()
    return
  }
}

</mosaic_0001>

<sc_bundles>
// kernel: kernel.3.cloned.1.call-start
scs
__scs_entry_jumppad:
0x0: {  	(pc) =	sbr.rel $0x88, $3  }
0x1: {  	(tag) =	ssettag $0x0;
	lr =	simm.s32 $0x1  }
0x2: {  	[smem:$0x3F9D] =	sst lr;
	_ =	strace $0xD0000000  }
0x3: {  	_ = 	snop  }
0x4: {  	_ = 	snop  }
0x5: {  	_ = 	snop  }
0x6: {  	_ = 	snop  }
0x7: {  	_ = 	snop  }
__scs_overlays_trampoline_lowered:
0x8: {  	[smem:$0x3FAC] =	sst s0  }
0x9: {  	[smem:$0x3FAD] =	sst s1  }
0xa: {  	[smem:$0x3FAE] =	sst s2  }
0xb: {  	[smem:$0x3FAF] =	sst s3  }
0xc: {  	[smem:$0x3FB0] =	sst s4  }
0xd: {  	[smem:$0x3FB1] =	sst s5  }
0xe: {  	[smem:$0x3FB2] =	sst s6  }
0xf: {  	[smem:$0x3FB3] =	sst s7  }
0x10: {  	[smem:$0x3FB4] =	sst s8  }
0x11: {  	[smem:$0x3FB5] =	sst s9;
	s0 =	simm.s32 @!p0 $0x0  }
0x12: {  	s1 =	sld [smem:$0x3F9B];
	s0 =	simm.s32 @p0 $0x1  }
0x13: {  	[smem:$0x3FB6] =	sst s0;
	s0 =	simm.s32 @!p1 $0x0  }
0x14: {  	s2 =	sld [smem:$0x3F9A];
	s0 =	simm.s32 @p1 $0x1  }
0x15: {  	[smem:$0x3FB7] =	sst s0;
	s0 =	simm.s32 @!p2 $0x0  }
0x16: {  	s3 =	sld [smem:$0x3FDB];
	s0 =	simm.s32 @p2 $0x1  }
0x17: {  	s4 =	simm.s32 $0x1BF5;
	[smem:$0x3FB9] =	sst s0  }
0x18: {  	s0 =	sld [smem:$0x3F9C];
	_ =	swait.ge [sflag:s4], $0x0  }
0x19: {  	s7 =	sld [smem:$0x3F9D]  }
0x1a: {  	s8 =	sadd.s32 $0xFFFFE003, lr  }
0x1b: {  	s9 =	sadd.s32 $0xFFFFFEF7, lr;
	s5 =	simm.s32 $0xFFFFFFFF;
	p2 =	slt.u32 s8, $0xFFFFF086  }
0x1c: {  	p1 =	slt.u32 s9, $0xF7A;
	s5 =	simm.s32 @!p2 $0x0  }
0x1d: {  	s5 =	simm.s32 @p1 $0x1;
	p0 =	seq.s32 s7, s2  }
0x1e: {  	s7 =	smul.u32 @!p0 $0xF7A, s2;
	p2 =	seq.s32 @!p0 s5, $0x0  }
0x1f: {  	s9 =	smul.u32 $0xF7A, s1;
	s8 =	simm.s32 @!p0 $0x1BF5;
	p2 =	por !p2, p0  }
0x20: {  	[sflag:s8] =	ssyncset.s32 @!p0 $0xFFFFF086;
	s6 =	sadd.s32 @!p0 s3, s7;
	s7 =	simm.s32 @!p0 $0x108  }
0x21: {  	s3 =	sadd.s32 s3, s9;
	s6 =	sadd.s32 @!p0 $0x88, s6;
	s7 =	simm.s32 @p2 $0x1082  }
0x22: {  	[simem:s7], [sflag:s8] =	dma.local @!p0 [hbm:s6], $0xF7A  }
0x23: {  	s9 =	sor.u32 $0xD0000000, s2;
	s6 =	simm.s32 $0x108;
	_ =	swait.ge @!p0 [sflag:s8], $0x0  }
0x24: {  	s3 =	sadd.s32 $0x88, s3;
	s6 =	simm.s32 @!p1 $0x1082;
	[sflag:s4] =	ssyncset.s32 $0xFFFFF086  }
0x25: {  	[simem:s6], [sflag:s4] =	dma.local [hbm:s3], $0xF7A  }
0x26: {  	[smem:$0x3F9D] =	sst s1;
	(tag) =	ssettag s2;
	_ =	strace s9  }
0x27: {  	s1 =	sld [smem:$0x3FAD]  }
0x28: {  	s2 =	sld [smem:$0x3FAE]  }
0x29: {  	s4 =	sld [smem:$0x3FB0]  }
0x2a: {  	p0 =	seq.s32 s5, $0x0;
	s5 =	sld [smem:$0x3FB1]  }
0x2b: {  	s6 =	sld [smem:$0x3FB2]  }
0x2c: {  	s7 =	sld [smem:$0x3FB3]  }
0x2d: {  	s3 =	simm.s32 $0x108;
	s8 =	sld [smem:$0x3FB4]  }
0x2e: {  	s3 =	simm.s32 @!p0 $0x1082;
	s9 =	sld [smem:$0x3FB5]  }
0x2f: {  	lr =	sadd.s32 s0, s3;
	s0 =	sld [smem:$0x3FAC]  }
0x30: {  	s3 =	sld [smem:$0x3FAF]  }
0x31: {  	[smem:$0x3FB8] =	sst s10  }
0x32: {  	s10 =	sld [smem:$0x3FB6];
	_ =	sdelay $0x3  }
0x33: {  	p0 =	seq.s32 s10, $0x1;
	s10 =	sld [smem:$0x3FB8];
	_ =	sdelay $0x3  }
0x34: {  	[smem:$0x3FB8] =	sst s10  }
0x35: {  	s10 =	sld [smem:$0x3FB7];
	_ =	sdelay $0x3  }
0x36: {  	p1 =	seq.s32 s10, $0x1;
	s10 =	sld [smem:$0x3FB8];
	_ =	sdelay $0x3  }
0x37: {  	[smem:$0x3FB8] =	sst s10  }
0x38: {  	s10 =	sld [smem:$0x3FB9]  }
0x39: {  	_ = 	snop;
	(pc) =	sbr.ind lr, $3  }
0x3a: {  	_ = 	snop  }
0x3b: {  	_ = 	snop  }
0x3c: {  	p2 =	seq.s32 s10, $0x1;
	s10 =	sld [smem:$0x3FB8]  }
0x3d: {  	_ =	shalt  }
0x3e: {  	_ =	shalt  }
0x3f: {  	_ =	shalt  }
0x40: {  	_ =	shalt  }
0x41: {  	_ =	shalt  }
0x42: {  	_ =	shalt  }
0x43: {  	_ =	shalt  }
0x44: {  	_ =	shalt  }
0x45: {  	_ =	shalt  }
0x46: {  	_ =	shalt  }
0x47: {  	_ =	shalt  }
0x48: {  	_ =	shalt  }
0x49: {  	_ =	shalt  }
0x4a: {  	_ =	shalt  }
0x4b: {  	_ =	shalt  }
0x4c: {  	_ =	shalt  }
0x4d: {  	_ =	shalt  }
0x4e: {  	_ =	shalt  }
0x4f: {  	_ =	shalt  }
0x50: {  	_ =	shalt  }
0x51: {  	_ =	shalt  }
0x52: {  	_ =	shalt  }
0x53: {  	_ =	shalt  }
0x54: {  	_ =	shalt  }
0x55: {  	_ =	shalt  }
0x56: {  	_ =	shalt  }
0x57: {  	_ =	shalt  }
0x58: {  	_ =	shalt  }
0x59: {  	_ =	shalt  }
0x5a: {  	_ =	shalt  }
0x5b: {  	_ =	shalt  }
0x5c: {  	_ =	shalt  }
0x5d: {  	_ =	shalt  }
0x5e: {  	_ =	shalt  }
0x5f: {  	_ =	shalt  }
0x60: {  	_ =	shalt  }
0x61: {  	_ =	shalt  }
0x62: {  	_ =	shalt  }
0x63: {  	_ =	shalt  }
0x64: {  	_ =	shalt  }
0x65: {  	_ =	shalt  }
0x66: {  	_ =	shalt  }
0x67: {  	_ =	shalt  }
0x68: {  	_ =	shalt  }
0x69: {  	_ =	shalt  }
0x6a: {  	_ =	shalt  }
0x6b: {  	_ =	shalt  }
0x6c: {  	_ =	shalt  }
0x6d: {  	_ =	shalt  }
0x6e: {  	_ =	shalt  }
0x6f: {  	_ =	shalt  }
0x70: {  	_ =	shalt  }
0x71: {  	_ =	shalt  }
0x72: {  	_ =	shalt  }
0x73: {  	_ =	shalt  }
0x74: {  	_ =	shalt  }
0x75: {  	_ =	shalt  }
0x76: {  	_ =	shalt  }
0x77: {  	_ =	shalt  }
0x78: {  	_ =	shalt  }
0x79: {  	_ =	shalt  }
0x7a: {  	_ =	shalt  }
0x7b: {  	_ =	shalt  }
0x7c: {  	_ =	shalt  }
0x7d: {  	_ =	shalt  }
0x7e: {  	_ =	shalt  }
0x7f: {  	_ =	shalt  }
0x80: {  	_ =	shalt  }
0x81: {  	_ =	shalt  }
0x82: {  	_ =	shalt  }
0x83: {  	_ =	shalt  }
0x84: {  	_ =	shalt  }
0x85: {  	_ =	shalt  }
0x86: {  	_ =	shalt  }
0x87: {  	_ =	shalt  }
.Lfunc_end0:
.L_simem_size_0:
called_computation_lowered:
.L_overlay_start_0:
0x88: {  	s2 =	sld [smem:$0x3FD9]  }
0x89: {  	s3 =	sld [smem:$0x3FFE];
	_ =	sdelay $0x1  }
0x8a: {  	s1 =	srdreg.scid  }
0x8b: {  	s0 =	sand.u32 $0x1, s1  }
0x8c: {  	s17 =	sshll.u32 s0, $0xA;
	s2 =	sadd.s32 s3, s2  }
0x8d: {  	s2 =	sadd.s32 s2, s17  }
0x8e: {  	[smem:$0x3FC4] =	sst s2  }
0x8f: {  	_ = 	snop  }
0x90: {  	s2 =	sld [smem:$0x3FC7]  }
0x91: {  	s18 =	sld [smem:$0x3FC6]  }
0x92: {  	s4 =	sld [smem:$0x3FD0];
	(tm) =	ssettm $0x1  }
0x93: {  	s5 =	sld [smem:$0x3FFB];
	_ =	sdelay $0x3  }
0x94: {  	_ =	strace s5  }
0x95: {  	s5 =	sld [smem:$0x3FFC];
	_ =	sdelay $0x3  }
0x96: {  	_ =	strace s5  }
0x97: {  	s5 =	sld [smem:$0x3FFD];
	_ =	sdelay $0x3  }
0x98: {  	_ =	strace s5  }
0x99: {  	_ =	strace $0x8FFFFFFF  }
0x9a: {  	s19 =	sld [smem:$0x3FDB];
	_ =	sdelay $0x1  }
0x9b: {  	s6 =	simm.s32 $_scs_section_size  }
0x9c: {  	s7 =	simm.s32 $_size__tile_overlayer_lowered;
	s8 =	simm.s32 $_tile_overlayer_lowered  }
0x9d: {  	s22 =	simm.s32 $0x1BFF;
	s21 =	sshll.u32 s8, $0x1;
	s5 =	sadd.s32 s6, s19  }
0x9e: {  	s9 =	simm.s32 $0x0;
	s20 =	sshll.u32 s7, $0x1;
	s7 =	sadd.s32 s21, s5  }
0x9f: {  	[timem:s9], [sflag:s22] =	dma.local [hbm:s7], s20  }
0xa0: {  	_ =	swait.ge [sflag:s22], s20  }
0xa1: {  	s6 =	ssub.s32 $0x0, s20;
	[sflag:s22] =	ssyncset.done $0x0  }
0xa2: {  	[sflag:s22] =	ssyncadd.s32 s6;
	_ =	sdelay $0x1  }
0xa3: {  	s23 =	simm.s32 $0x1B8B  }
0xa4: {  	_ =	swait.ge [sflag:s23], $0x1  }
0xa5: {  	[sflag:s23] =	ssyncset.done $0x0  }
0xa6: {  	s25 =	simm.s32 $0x1B8E;
	s24 =	sld [smem:$0x3FFE];
	[sflag:s23] =	ssyncadd.s32 $0xFFFFFFFF  }
0xa7: {  	s26 =	simm.s32 $execute0_lowered;
	[smem:$0x3FD2] =	sst s25  }
0xa8: {  	s7 =	sshll.u32 s26, $0x1;
	_ =	strace $0x80000046;
	[dreg:$0x1] =	wrdreg $0xFFFFFFFF  }
0xa9: {  	s28 =	simm.s32 $_size_execute0_lowered;
	s5 =	sadd.s32 s5, s7;
	[dreg:$0x0] =	wrdreg $0x0  }
0xaa: {  	s7 =	sshll.u32 s28, $0x1;
	[dreg:$0x2] =	wrdreg s5  }
0xab: {  	[dreg:$0x3] =	wrdreg s7  }
0xac: {  	[dreg:$0x4] =	wrdreg $0xC0  }
0xad: {  	_ =	task [dreg:s9], $0x5FFFF  }
0xae: {  	[dreg:$0x1] =	wrdreg $0xFFFFFFFF  }
0xaf: {  	[dreg:$0x0] =	wrdreg $0x60  }
0xb0: {  	[dreg:$0x2] =	wrdreg s24  }
0xb1: {  	[dreg:$0x3] =	wrdreg s2  }
0xb2: {  	[dreg:$0x4] =	wrdreg s18  }
0xb3: {  	[dreg:$0x5] =	wrdreg s4  }
0xb4: {  	[dreg:$0x6] =	wrdreg $0x9  }
0xb5: {  	_ =	task.clear_ibuf [dreg:s9], $0x7FFFF;
	_ =	strace $0x90000046  }
0xb6: {  	s29 =	simm.s32 $0x9;
	_ =	strace $0x80000048  }
0xb7: {  	_ =	swait.ge [sflag:s29], $0x1  }
0xb8: {  	[sflag:s29] =	ssyncadd.s32 $0xFFFFFFFF  }
0xb9: {  	_ =	strace $0x90000048  }
0xba: {  	_ =	sfence  }
0xbb: {  	s30 =	sld [smem:$0x0];
	_ =	sdelay $0x2  }
0xbc: {  	s31 =	sshll.u32 s1, $0xD;
	s1 =	sshrl.u32 s1, $0x2  }
0xbd: {  	s3 =	sand.u32 $0x4000, s31;
	s1 =	sadd.s32 s1, s30  }
0xbe: {  	s0 =	sor.u32 s3, s0;
	s1 =	sshll.u32 s1, $0x11  }
0xbf: {  	s0 =	sor.u32 s1, s0  }
0xc0: {  	s0 =	sadd.s32 $0x8F2B, s0  }
0xc1: {  	[sflag:s0] =	ssyncadd.remote.s32 $0x1  }
0xc2: {  	_ =	sfence.sel $0xFFFF  }
0xc3: {  	[dreg:$0x0] =	wrdreg $0xFFFFFFFF;
	(pc) =	sbr.abs _section_cstart, $3  }
0xc4: {  	[dreg:$0x1] =	wrdreg $0xFFFFFFFF  }
0xc5: {  	_ =	task.clear_ibuf [dreg:s9], $0x2FFFF;
	_ =	strace $0x9FFFFFFF  }
0xc6: {  	(tm) =	ssettm $0x7FFFFFFF  }
0xc7: {  	_ =	shalt  }
tec
execute0_lowered:
.L_overlay_start_1:
0x0: {  	(tag) =	ssettag $0x1  }
0x1: {  	s0 =	rddreg [dreg:$0x0]  }
0x2: {  	s1 =	rddreg [dreg:$0x1]  }
0x3: {  	s2 =	rddreg [dreg:$0x2]  }
0x4: {  	s3 =	rddreg [dreg:$0x3]  }
0x5: {  	s5 =	srdreg.scid;
	s6 =	stileid.u32  }
0x6: {  	v0 =	vlaneseq.u32;
	s4 =	simm.s32 $0x0;
	vm0 =	vmmov $0x1;
	s9 =	simm.s32 $0x2;
	s10 =	simm.s32 $0x400  }
0x7: {  	vm1 =	vmmov $0x3;
	vm2 =	vmmov $0x7;
	s11 =	simm.s32 $0x7A1400;
	s12 =	simm.s32 $0x2000;
	s13 =	simm.s32 $0xA000;
	vm3 =	vmmov $0xf  }
0x8: {  	vm4 =	vmmov $0x1f;
	vm5 =	vmmov $0x3f;
	s14 =	simm.s32 $0x4000;
	s15 =	simm.s32 $0xC000;
	s16 =	simm.s32 $0x6000;
	vm6 =	vmmov $0x7f  }
0x9: {  	vm7 =	vmmov $0xff;
	vm8 =	vmmov $0x1ff;
	s17 =	simm.s32 $0xE000;
	s18 =	simm.s32 $0x8000;
	s19 =	simm.s32 $0x10000;
	vm9 =	vmmov $0x3ff  }
0xa: {  	vm10 =	vmmov $0x7ff;
	vm11 =	vmmov $0xfff;
	s20 =	simm.s32 $0x1;
	v0 =	vmul.u32 $0x80, v0;
	s5 =	sand.u32 $0x1, s5;
	s6 =	sshll.u32 s6, $0x1  }
0xb: {  	vm12 =	vmmov $0x1fff;
	vm13 =	vcmask $0x3B38;
	vm14 =	vmmov $0x7fff;
	[smem:$0x7FF] =	sst s4;
	s6 =	sor.u32 s5, s6;
	s5 =	ssub.s32 $0x2, s5  }
.Ltmp0:
0xc: {  	v1 =	vor.u32 $0x800, v0;
	v2 =	vor.u32 $0x1000, v0;
	v3 =	vor.u32 $0x1800, v0;
	s7 =	sshll.u32 s6, $0x9;
	s6 =	sshll.u32 s6, $0x6;
	(pc) =	sbr.rel .LBB2_1-.Ltmp0, $4  }
0xd: {  	_ =	strace $0x80000047;
	v4 =	vor.u32 $0x2000, v0;
	v5 =	vor.u32 $0x2800, v0;
	v6 =	vor.u32 $0x3000, v0;
	s0 =	sadd.s32 s7, s0;
	s31 =	sadd.s32 s3, s6  }
0xe: {  	s8 =	sshrl.u32 s5, $0x1;
	v7 =	vor.u32 $0x3800, v0;
	v8 =	vor.u32 $0x4000, v0;
	v9 =	vor.u32 $0x4800, v0;
	s7 =	sadd.s32 $0x400, s0;
	[dreg:$0x7] =	wrdreg s31  }
0xf: {  	v10 =	vor.u32 $0x5000, v0;
	v11 =	vor.u32 $0x5800, v0;
	v12 =	vor.u32 $0x6000, v0;
	s5 =	ssub.s32 s5, s8;
	s0 =	sadd.s32 $0x4400, s0;
	[dreg:$0x5] =	wrdreg s7  }
0x10: {  	s22 =	simm.s32 $0x0;
	v13 =	vor.u32 $0x6800, v0;
	v14 =	vor.u32 $0x7000, v0;
	v15 =	vor.u32 $0x7800, v0;
	s8 =	smax.u32 s5, $0x1;
	[dreg:$0x6] =	wrdreg s0  }
.LBB2_3:
0x11: {  	[tilespmem:$0x121F0] =	vst v18  }
.LBB2_5:
0x12: {  	s22 =	sadd.s32 $0x1, s22  }
0x13: {  	p0 =	sne.s32 s22, s8  }
.Ltmp1:
0x14: {  	s0 =	rddreg [dreg:$0x7];
	s3 =	simm.s32 $0x12000;
	(pc) =	sbr.rel @!p0 .LBB2_6-.Ltmp1, $4  }
0x15: {  	[hbm4b:s0+s4] =	stream.linear.scatter [tilespmem:s3], [sflag:$0x2], $0x200, $0x38;
	[tilespmem:$0x12200] =	vst v63  }
0x16: {  	_ =	swait.ge [sflag:s9], $0x200  }
0x17: {  	[sflag:s9] =	ssyncset.done $0x0  }
0x18: {  	[sflag:s9] =	ssyncadd.s32 $0xFFFFFE00  }
.LBB2_1:
0x19: {  	s0 =	rddreg [dreg:$0x5]  }
0x1a: {  	[tilespmem:s4], [sflag:$0x2] =	stream.linear.gather [hbm4b:s0+s4], $0x1000, $0x38;
	[tilespmem:$0x12200] =	vst v63  }
0x1b: {  	_ =	swait.ge [sflag:s9], $0x1000  }
0x1c: {  	[sflag:s9] =	ssyncset.done $0x0  }
0x1d: {  	s23 =	simm.s32 $0x1000;
	s3 =	rddreg [dreg:$0x6];
	[sflag:s9] =	ssyncadd.s32 $0xFFFFF000  }
0x1e: {  	[tilespmem:s23], [sflag:$0x2] =	stream.linear.gather [hbm4b:s3+s4], $0x1000, $0x38;
	[tilespmem:$0x12200] =	vst v63  }
0x1f: {  	_ =	swait.ge [sflag:s9], $0x1000  }
0x20: {  	[sflag:s9] =	ssyncset.done $0x0  }
0x21: {  	[sflag:s9] =	ssyncadd.s32 $0xFFFFF000  }
0x22: {  	v16 =	vld [tilespmem:$0x0]  }
0x23: {  	v17 =	vld [tilespmem:$0x1000];
	_ =	sdelay $0x3  }
0x24: {  	(v2sf) =	vpush v16, $0x0  }
0x25: {  	(v2sf) =	vpush v17, $0x0;
	_ =	sdelay $0x1  }
0x26: {  	(v2sf) =	vpush v16, $0x1;
	_ =	sdelay $0x4  }
0x27: {  	(v2sf) =	vpush v17, $0x1  }
0x28: {  	(v2sf) =	vpush v16, $0x2;
	_ =	sdelay $0x5  }
0x29: {  	s5 =	spop (v2sf);
	(v2sf) =	vpush v17, $0x2  }
0x2a: {  	s6 =	spop (v2sf);
	(v2sf) =	vpush v16, $0x3  }
0x2b: {  	s0 =	sand.u32 $0xFFFFF80, s5  }
0x2c: {  	s0 =	sadd.s32 s1, s0;
	s7 =	spop (v2sf)  }
0x2d: {  	(v2sf) =	vpush v17, $0x3;
	[tilespmem:s12], [sflag:$0x1] =	stream.strided.gather [hbm4b:s0+s10], $0x2000, s11, s10, $0x38;
	[tilespmem:$0x12200] =	vst v63  }
0x2e: {  	s0 =	sand.u32 $0xFFFFF80, s6  }
0x2f: {  	s0 =	sadd.s32 s2, s0  }
0x30: {  	[tilespmem:s13], [sflag:$0x1] =	stream.strided.gather [hbm4b:s0+s10], $0x2000, s11, s10, $0x38;
	[tilespmem:$0x12200] =	vst v63  }
0x31: {  	s3 =	spop (v2sf);
	s0 =	sand.u32 $0xFFFFF80, s7  }
0x32: {  	s21 =	sand.u32 $0xFFFFF80, s3;
	s24 =	spop (v2sf);
	s0 =	sadd.s32 s1, s0  }
0x33: {  	[tilespmem:s14], [sflag:$0x1] =	stream.strided.gather [hbm4b:s0+s10], $0x2000, s11, s10, $0x38;
	[tilespmem:$0x12200] =	vst v63  }
0x34: {  	s25 =	sand.u32 $0xFFFFF80, s24;
	s0 =	sadd.s32 s2, s21  }
0x35: {  	[tilespmem:s15], [sflag:$0x1] =	stream.strided.gather [hbm4b:s0+s10], $0x2000, s11, s10, $0x38;
	[tilespmem:$0x12200] =	vst v63  }
0x36: {  	s0 =	sadd.s32 s1, s25  }
0x37: {  	[tilespmem:s16], [sflag:$0x1] =	stream.strided.gather [hbm4b:s0+s10], $0x2000, s11, s10, $0x38;
	[tilespmem:$0x12200] =	vst v63  }
0x38: {  	s26 =	spop (v2sf)  }
0x39: {  	s28 =	sand.u32 $0xFFFFF80, s26;
	s29 =	spop (v2sf)  }
0x3a: {  	s0 =	sadd.s32 s2, s28;
	s30 =	sand.u32 $0xFFFFF80, s29  }
0x3b: {  	[tilespmem:s17], [sflag:$0x1] =	stream.strided.gather [hbm4b:s0+s10], $0x2000, s11, s10, $0x38;
	[tilespmem:$0x12200] =	vst v63  }
0x3c: {  	s31 =	spop (v2sf);
	s0 =	sadd.s32 s1, s30  }
0x3d: {  	[tilespmem:s18], [sflag:$0x1] =	stream.strided.gather [hbm4b:s0+s10], $0x2000, s11, s10, $0x38;
	[tilespmem:$0x12200] =	vst v63  }
0x3e: {  	s24 =	simm.s32 $0xFFFFFFE0;
	s0 =	sand.u32 $0xFFFFF80, s31  }
0x3f: {  	s25 =	simm.s32 $0x0;
	s26 =	simm.s32 $0x12000;
	s0 =	sadd.s32 s2, s0  }
0x40: {  	[tilespmem:s19], [sflag:$0x1] =	stream.strided.gather [hbm4b:s0+s10], $0x2000, s11, s10, $0x38;
	[tilespmem:$0x12200] =	vst v63  }
.LBB2_2:
0x41: {  	s0 =	sadd.s32 $0x21, s24  }
0x42: {  	v23 =	vld [tilespmem:s25+$0x0];
	s0 =	smin.u32 s0, $0x1F  }
0x43: {  	v20 =	vld [tilespmem:s23+$0x0];
	s0 =	sshll.u32 s0, $0x7  }
0x44: {  	v16 =	vld [tilespmem:s0+$0x0]  }
0x45: {  	v17 =	vld [tilespmem:s0+$0x1000];
	_ =	swait.ge [sflag:s20], $0x2000  }
0x46: {  	[sflag:s20] =	ssyncset.done $0x0  }
0x47: {  	[sflag:s20] =	ssyncadd.s32 $0xFFFFE000  }
0x48: {  	_ =	swait.ge [sflag:s20], $0x2000  }
0x49: {  	[sflag:s20] =	ssyncset.done $0x0  }
0x4a: {  	[sflag:s20] =	ssyncadd.s32 $0xFFFFE000  }
0x4b: {  	_ =	swait.ge [sflag:s20], $0x2000  }
0x4c: {  	[sflag:s20] =	ssyncset.done $0x0  }
0x4d: {  	[sflag:s20] =	ssyncadd.s32 $0xFFFFE000  }
0x4e: {  	_ =	swait.ge [sflag:s20], $0x2000  }
0x4f: {  	(v2sf) =	vpush v23, $0x0;
	_ =	sdelay $0x3  }
0x50: {  	(v2sf) =	vpush v20, $0x0;
	_ =	sdelay $0x3  }
0x51: {  	(v2sf) =	vpush v23, $0x1  }
0x52: {  	(v2sf) =	vpush v20, $0x1;
	_ =	sdelay $0x5  }
0x53: {  	s6 =	spop (v2sf)  }
0x54: {  	s0 =	sand.u32 $0x7F, s6  }
0x55: {  	v18 =	vor.u32 s0, v0  }
0x56: {  	v21 =	vor.u32 s0, v1  }
0x57: {  	s3 =	spop (v2sf);
	v24 =	vor.u32 s0, v2  }
0x58: {  	[sflag:s20] =	ssyncset.done $0x0;
	s3 =	sand.u32 $0x7F, s3;
	v26 =	vor.u32 s0, v3  }
0x59: {  	[sflag:s20] =	ssyncadd.s32 $0xFFFFE000;
	v19 =	vor.u32 s3, v0  }
0x5a: {  	v22 =	vor.u32 s3, v1;
	v18 =	vld.idx.msk [tilespmem:v18+s12+$0x0], $0xffff  }
0x5b: {  	s7 =	spop (v2sf);
	v25 =	vor.u32 s3, v2;
	v21 =	vld.idx.msk [tilespmem:v21+s12+$0x0], $0xffff  }
0x5c: {  	v27 =	vor.u32 s3, v3;
	s0 =	sand.u32 $0x7F, s7;
	s21 =	spop (v2sf);
	v24 =	vld.idx.msk [tilespmem:v24+s12+$0x0], $0xffff  }
0x5d: {  	s3 =	sand.u32 $0x7F, s21;
	v28 =	vor.u32 s0, v4;
	v26 =	vld.idx.msk [tilespmem:v26+s12+$0x0], $0xffff  }
0x5e: {  	v29 =	vor.u32 s3, v4;
	v19 =	vld.idx.msk [tilespmem:v19+s13+$0x0], $0xffff  }
0x5f: {  	v30 =	vor.u32 s0, v5;
	v22 =	vld.idx.msk [tilespmem:v22+s13+$0x0], $0xffff  }
0x60: {  	v31 =	vor.u32 s3, v5;
	v25 =	vld.idx.msk [tilespmem:v25+s13+$0x0], $0xffff  }
0x61: {  	v32 =	vor.u32 s0, v6;
	v27 =	vld.idx.msk [tilespmem:v27+s13+$0x0], $0xffff  }
0x62: {  	v33 =	vor.u32 s3, v6;
	v28 =	vld.idx.msk [tilespmem:v28+s12+$0x0], $0xffff  }
0x63: {  	v34 =	vor.u32 s0, v7;
	v29 =	vld.idx.msk [tilespmem:v29+s13+$0x0], $0xffff  }
0x64: {  	(v2sf) =	vpush v23, $0x4;
	v35 =	vor.u32 s3, v7;
	v30 =	vld.idx.msk [tilespmem:v30+s12+$0x0], $0xffff  }
0x65: {  	(v2sf) =	vpush v20, $0x4;
	v31 =	vld.idx.msk [tilespmem:v31+s13+$0x0], $0xffff  }
0x66: {  	(v2sf) =	vpush v23, $0x5;
	v32 =	vld.idx.msk [tilespmem:v32+s12+$0x0], $0xffff  }
0x67: {  	v18 =	vmul.f32 v19, v18;
	v19 =	vld.idx.msk [tilespmem:v33+s13+$0x0], $0xffff  }
0x68: {  	(v2sf) =	vpush v20, $0x5;
	v61 =	vld.idx.msk [tilespmem:v34+s12+$0x0], $0xffff;
	v28 =	vmul.f32 v29, v28  }
0x69: {  	v62 =	vld.idx.msk [tilespmem:v35+s13+$0x0], $0xffff;
	v21 =	vmul.f32 v22, v21;
	v18 =	vadd.f32 $0.0e+00, v18  }
0x6a: {  	v30 =	vmul.f32 v31, v30;
	v28 =	vadd.f32 $0.0e+00, v28  }
0x6b: {  	v63 =	vmul.f32 v25, v24;
	v18 =	vadd.f32 v21, v18  }
0x6c: {  	v19 =	vmul.f32 v19, v32;
	v28 =	vadd.f32 v30, v28  }
0x6d: {  	v18 =	vadd.f32 v63, v18;
	v30 =	vmul.f32 v27, v26  }
0x6e: {  	v22 =	vmul.f32 v62, v61;
	v19 =	vadd.f32 v19, v28  }
0x6f: {  	v18 =	vadd.f32 v30, v18  }
0x70: {  	v19 =	vadd.f32 v22, v19  }
0x71: {  	(xrf2) =	vadd.scan.msk.f32 $0xffff, v18  }
0x72: {  	(xrf2) =	vadd.scan.msk.f32 $0xffff, v19  }
0x73: {  	s30 =	spop (v2sf)  }
0x74: {  	s28 =	sand.u32 $0xFFFFF80, s30;
	s3 =	spop (v2sf)  }
0x75: {  	s0 =	sadd.s32 s1, s28;
	s29 =	sand.u32 $0xFFFFF80, s3;
	s28 =	spop (v2sf)  }
0x76: {  	[tilespmem:s12], [sflag:$0x1] =	stream.strided.gather [hbm4b:s0+s10], $0x2000, s11, s10, $0x38;
	[tilespmem:$0x12200] =	vst v63  }
0x77: {  	s0 =	sadd.s32 s2, s29;
	s31 =	sand.u32 $0xFFFFF80, s28;
	s29 =	spop (v2sf)  }
0x78: {  	[tilespmem:s13], [sflag:$0x1] =	stream.strided.gather [hbm4b:s0+s10], $0x2000, s11, s10, $0x38;
	[tilespmem:$0x12200] =	vst v63  }
0x79: {  	s5 =	sand.u32 $0xFFFFF80, s29;
	s0 =	sadd.s32 s1, s31  }
0x7a: {  	[tilespmem:s14], [sflag:$0x1] =	stream.strided.gather [hbm4b:s0+s10], $0x2000, s11, s10, $0x38;
	[tilespmem:$0x12200] =	vst v63  }
0x7b: {  	s0 =	sadd.s32 s2, s5;
	v18, _, _ =	vpop (xrf2)  }
0x7c: {  	[tilespmem:s15], [sflag:$0x1] =	stream.strided.gather [hbm4b:s0+s10], $0x2000, s11, s10, $0x38;
	v19, _, _ =	vpop (xrf2);
	[tilespmem:$0x12200] =	vst v63  }
0x7d: {  	_ =	swait.ge [sflag:s20], $0x2000  }
0x7e: {  	[sflag:s20] =	ssyncset.done $0x0  }
0x7f: {  	[sflag:s20] =	ssyncadd.s32 $0xFFFFE000  }
0x80: {  	_ =	swait.ge [sflag:s20], $0x2000  }
0x81: {  	[sflag:s20] =	ssyncset.done $0x0  }
0x82: {  	[sflag:s20] =	ssyncadd.s32 $0xFFFFE000  }
0x83: {  	_ =	swait.ge [sflag:s20], $0x2000  }
0x84: {  	[sflag:s20] =	ssyncset.done $0x0  }
0x85: {  	[sflag:s20] =	ssyncadd.s32 $0xFFFFE000  }
0x86: {  	_ =	swait.ge [sflag:s20], $0x2000  }
0x87: {  	(v2sf) =	vpush v23, $0x2;
	_ =	sdelay $0x3  }
0x88: {  	(v2sf) =	vpush v20, $0x2;
	_ =	sdelay $0x3  }
0x89: {  	(v2sf) =	vpush v23, $0x3  }
0x8a: {  	(v2sf) =	vpush v20, $0x3;
	_ =	sdelay $0x5  }
0x8b: {  	s6 =	spop (v2sf)  }
0x8c: {  	s0 =	sand.u32 $0x7F, s6  }
0x8d: {  	v31 =	vor.u32 s0, v8  }
0x8e: {  	v33 =	vor.u32 s0, v9  }
0x8f: {  	s5 =	spop (v2sf);
	v35 =	vor.u32 s0, v10  }
0x90: {  	[sflag:s20] =	ssyncset.done $0x0;
	s5 =	sand.u32 $0x7F, s5;
	v37 =	vor.u32 s0, v11  }
0x91: {  	[sflag:s20] =	ssyncadd.s32 $0xFFFFE000;
	v32 =	vor.u32 s5, v8  }
0x92: {  	v34 =	vor.u32 s5, v9;
	v21 =	vld.idx.msk [tilespmem:v31+s12+$0x0], $0xffff  }
0x93: {  	s7 =	spop (v2sf);
	v36 =	vor.u32 s5, v10;
	v24 =	vld.idx.msk [tilespmem:v33+s12+$0x0], $0xffff  }
0x94: {  	v38 =	vor.u32 s5, v11;
	s0 =	sand.u32 $0x7F, s7;
	s21 =	spop (v2sf);
	v26 =	vld.idx.msk [tilespmem:v35+s12+$0x0], $0xffff  }
0x95: {  	s5 =	sand.u32 $0x7F, s21;
	v39 =	vor.u32 s0, v12;
	v28 =	vld.idx.msk [tilespmem:v37+s12+$0x0], $0xffff  }
0x96: {  	v40 =	vor.u32 s5, v12;
	v22 =	vld.idx.msk [tilespmem:v32+s13+$0x0], $0xffff  }
0x97: {  	v41 =	vor.u32 s0, v13;
	v25 =	vld.idx.msk [tilespmem:v34+s13+$0x0], $0xffff  }
0x98: {  	v42 =	vor.u32 s5, v13;
	v27 =	vld.idx.msk [tilespmem:v36+s13+$0x0], $0xffff  }
0x99: {  	v43 =	vor.u32 s0, v14;
	v29 =	vld.idx.msk [tilespmem:v38+s13+$0x0], $0xffff  }
0x9a: {  	v44 =	vor.u32 s5, v14;
	v30 =	vld.idx.msk [tilespmem:v39+s12+$0x0], $0xffff  }
0x9b: {  	(v2sf) =	vpush v23, $0x6;
	v37 =	vor.u32 s5, v15;
	v31 =	vld.idx.msk [tilespmem:v40+s13+$0x0], $0xffff  }
0x9c: {  	(v2sf) =	vpush v20, $0x6;
	v36 =	vor.u32 s0, v15;
	v32 =	vld.idx.msk [tilespmem:v41+s12+$0x0], $0xffff  }
0x9d: {  	v33 =	vld.idx.msk [tilespmem:v42+s13+$0x0], $0xffff  }
0x9e: {  	v34 =	vld.idx.msk [tilespmem:v43+s12+$0x0], $0xffff  }
0x9f: {  	(v2sf) =	vpush v23, $0x7;
	v45 =	vld.idx.msk [tilespmem:v44+s13+$0x0], $0xffff;
	v21 =	vmul.f32 v22, v21  }
0xa0: {  	v47 =	vld.idx.msk [tilespmem:v37+s13+$0x0], $0xffff;
	v30 =	vmul.f32 v31, v30  }
0xa1: {  	(v2sf) =	vpush v20, $0x7;
	v46 =	vld.idx.msk [tilespmem:v36+s12+$0x0], $0xffff;
	v24 =	vmul.f32 v25, v24;
	v21 =	vadd.f32 $0.0e+00, v21  }
0xa2: {  	v32 =	vmul.f32 v33, v32;
	v30 =	vadd.f32 $0.0e+00, v30  }
0xa3: {  	v48 =	vmul.f32 v27, v26;
	v21 =	vadd.f32 v24, v21  }
0xa4: {  	v22 =	vmul.f32 v45, v34;
	v49 =	vadd.f32 v32, v30  }
0xa5: {  	v50 =	vmul.f32 v29, v28;
	v21 =	vadd.f32 v48, v21  }
0xa6: {  	v25 =	vmul.f32 v47, v46;
	v22 =	vadd.f32 v22, v49  }
0xa7: {  	v21 =	vadd.f32 v50, v21  }
0xa8: {  	v22 =	vadd.f32 v25, v22  }
0xa9: {  	(xrf2) =	vadd.scan.msk.f32 $0xffff, v21  }
0xaa: {  	s21 =	spop (v2sf);
	(xrf2) =	vadd.scan.msk.f32 $0xffff, v22  }
0xab: {  	s31 =	sand.u32 $0xFFFFF80, s21;
	s5 =	spop (v2sf)  }
0xac: {  	s0 =	sadd.s32 s1, s31;
	s6 =	sand.u32 $0xFFFFF80, s5  }
0xad: {  	[tilespmem:s16], [sflag:$0x1] =	stream.strided.gather [hbm4b:s0+s10], $0x2000, s11, s10, $0x38;
	[tilespmem:$0x12200] =	vst v63  }
0xae: {  	s31 =	spop (v2sf);
	s0 =	sadd.s32 s2, s6  }
0xaf: {  	[tilespmem:s17], [sflag:$0x1] =	stream.strided.gather [hbm4b:s0+s10], $0x2000, s11, s10, $0x38;
	[tilespmem:$0x12200] =	vst v63  }
0xb0: {  	s6 =	sand.u32 $0xFFFFF80, s31;
	s0 =	spop (v2sf)  }
0xb1: {  	s6 =	sadd.s32 s1, s6;
	s7 =	sand.u32 $0xFFFFF80, s0  }
0xb2: {  	[tilespmem:s18], [sflag:$0x1] =	stream.strided.gather [hbm4b:s6+s10], $0x2000, s11, s10, $0x38;
	[tilespmem:$0x12200] =	vst v63  }
0xb3: {  	s6 =	sadd.s32 s2, s7;
	v22, _, _ =	vpop (xrf2)  }
0xb4: {  	[tilespmem:s19], [sflag:$0x1] =	stream.strided.gather [hbm4b:s6+s10], $0x2000, s11, s10, $0x38;
	v21, _, _ =	vpop (xrf2);
	[tilespmem:$0x12200] =	vst v63  }
0xb5: {  	_ =	swait.ge [sflag:s20], $0x2000  }
0xb6: {  	[sflag:s20] =	ssyncset.done $0x0  }
0xb7: {  	[sflag:s20] =	ssyncadd.s32 $0xFFFFE000  }
0xb8: {  	_ =	swait.ge [sflag:s20], $0x2000  }
0xb9: {  	[sflag:s20] =	ssyncset.done $0x0  }
0xba: {  	[sflag:s20] =	ssyncadd.s32 $0xFFFFE000  }
0xbb: {  	s30 =	sand.u32 $0x7F, s30;
	_ =	swait.ge [sflag:s20], $0x2000  }
0xbc: {  	s3 =	sand.u32 $0x7F, s3;
	v51 =	vor.u32 s30, v0;
	[sflag:s20] =	ssyncset.done $0x0  }
0xbd: {  	v52 =	vor.u32 s3, v0;
	[sflag:s20] =	ssyncadd.s32 $0xFFFFE000  }
0xbe: {  	v53 =	vor.u32 s30, v1;
	_ =	swait.ge [sflag:s20], $0x2000  }
0xbf: {  	v54 =	vor.u32 s3, v1;
	[sflag:s20] =	ssyncset.done $0x0  }
0xc0: {  	v55 =	vor.u32 s30, v2;
	[sflag:s20] =	ssyncadd.s32 $0xFFFFE000  }
0xc1: {  	v56 =	vor.u32 s3, v2;
	v24 =	vld.idx.msk [tilespmem:v51+s12+$0x0], $0xffff  }
0xc2: {  	v57 =	vor.u32 s30, v3;
	v25 =	vld.idx.msk [tilespmem:v52+s13+$0x0], $0xffff  }
0xc3: {  	v58 =	vor.u32 s3, v3;
	s7 =	sand.u32 $0x7F, s28;
	v26 =	vld.idx.msk [tilespmem:v53+s12+$0x0], $0xffff  }
0xc4: {  	s28 =	sand.u32 $0x7F, s29;
	v59 =	vor.u32 s7, v4;
	v27 =	vld.idx.msk [tilespmem:v54+s13+$0x0], $0xffff  }
0xc5: {  	v60 =	vor.u32 s28, v4;
	v28 =	vld.idx.msk [tilespmem:v55+s12+$0x0], $0xffff  }
0xc6: {  	v61 =	vor.u32 s7, v5;
	v29 =	vld.idx.msk [tilespmem:v56+s13+$0x0], $0xffff  }
0xc7: {  	v62 =	vor.u32 s28, v5;
	v30 =	vld.idx.msk [tilespmem:v57+s12+$0x0], $0xffff  }
0xc8: {  	v63 =	vor.u32 s7, v6;
	v31 =	vld.idx.msk [tilespmem:v58+s13+$0x0], $0xffff  }
0xc9: {  	v42 =	vor.u32 s28, v6;
	v32 =	vld.idx.msk [tilespmem:v59+s12+$0x0], $0xffff  }
0xca: {  	v38 =	vor.u32 s7, v7;
	v33 =	vld.idx.msk [tilespmem:v60+s13+$0x0], $0xffff  }
0xcb: {  	v39 =	vor.u32 s28, v7;
	(v2sf) =	vpush v23, $0x8;
	v34 =	vld.idx.msk [tilespmem:v61+s12+$0x0], $0xffff  }
0xcc: {  	(v2sf) =	vpush v20, $0x8;
	v35 =	vld.idx.msk [tilespmem:v62+s13+$0x0], $0xffff  }
0xcd: {  	v36 =	vld.idx.msk [tilespmem:v63+s12+$0x0], $0xffff;
	(v2sf) =	vpush v23, $0x9  }
0xce: {  	v43 =	vld.idx.msk [tilespmem:v42+s13+$0x0], $0xffff;
	v24 =	vmul.f32 v25, v24  }
0xcf: {  	v44 =	vld.idx.msk [tilespmem:v38+s12+$0x0], $0xffff;
	(v2sf) =	vpush v20, $0x9;
	v32 =	vmul.f32 v33, v32  }
0xd0: {  	v45 =	vld.idx.msk [tilespmem:v39+s13+$0x0], $0xffff;
	v26 =	vmul.f32 v27, v26;
	v24 =	vadd.f32 $0.0e+00, v24  }
0xd1: {  	v34 =	vmul.f32 v35, v34;
	v32 =	vadd.f32 $0.0e+00, v32  }
0xd2: {  	v46 =	vmul.f32 v29, v28;
	v24 =	vadd.f32 v26, v24  }
0xd3: {  	v25 =	vmul.f32 v43, v36;
	v47 =	vadd.f32 v34, v32  }
0xd4: {  	v48 =	vmul.f32 v31, v30;
	v24 =	vadd.f32 v46, v24  }
0xd5: {  	v27 =	vmul.f32 v45, v44;
	v25 =	vadd.f32 v25, v47  }
0xd6: {  	v24 =	vadd.f32 v48, v24  }
0xd7: {  	v25 =	vadd.f32 v27, v25  }
0xd8: {  	(xrf2) =	vadd.scan.msk.f32 $0xffff, v24  }
0xd9: {  	(xrf2) =	vadd.scan.msk.f32 $0xffff, v25  }
0xda: {  	s3 =	spop (v2sf)  }
0xdb: {  	s7 =	sand.u32 $0xFFFFF80, s3;
	s6 =	spop (v2sf)  }
0xdc: {  	s7 =	sadd.s32 s1, s7;
	s29 =	sand.u32 $0xFFFFF80, s6;
	s28 =	spop (v2sf)  }
0xdd: {  	[tilespmem:s12], [sflag:$0x1] =	stream.strided.gather [hbm4b:s7+s10], $0x2000, s11, s10, $0x38;
	[tilespmem:$0x12200] =	vst v63  }
0xde: {  	s7 =	sadd.s32 s2, s29;
	s30 =	sand.u32 $0xFFFFF80, s28;
	s29 =	spop (v2sf)  }
0xdf: {  	[tilespmem:s13], [sflag:$0x1] =	stream.strided.gather [hbm4b:s7+s10], $0x2000, s11, s10, $0x38;
	[tilespmem:$0x12200] =	vst v63  }
0xe0: {  	s7 =	sadd.s32 s1, s30;
	s30 =	sand.u32 $0xFFFFF80, s29  }
0xe1: {  	[tilespmem:s14], [sflag:$0x1] =	stream.strided.gather [hbm4b:s7+s10], $0x2000, s11, s10, $0x38;
	[tilespmem:$0x12200] =	vst v63  }
0xe2: {  	s7 =	sadd.s32 s2, s30;
	v24, _, _ =	vpop (xrf2)  }
0xe3: {  	[tilespmem:s15], [sflag:$0x1] =	stream.strided.gather [hbm4b:s7+s10], $0x2000, s11, s10, $0x38;
	v25, _, _ =	vpop (xrf2);
	[tilespmem:$0x12200] =	vst v63  }
0xe4: {  	_ =	swait.ge [sflag:s20], $0x2000  }
0xe5: {  	[sflag:s20] =	ssyncset.done $0x0  }
0xe6: {  	[sflag:s20] =	ssyncadd.s32 $0xFFFFE000  }
0xe7: {  	_ =	swait.ge [sflag:s20], $0x2000  }
0xe8: {  	[sflag:s20] =	ssyncset.done $0x0  }
0xe9: {  	[sflag:s20] =	ssyncadd.s32 $0xFFFFE000  }
0xea: {  	s30 =	sand.u32 $0x7F, s21;
	_ =	swait.ge [sflag:s20], $0x2000  }
0xeb: {  	s5 =	sand.u32 $0x7F, s5;
	v49 =	vor.u32 s30, v8;
	[sflag:s20] =	ssyncset.done $0x0  }
0xec: {  	v50 =	vor.u32 s5, v8;
	[sflag:s20] =	ssyncadd.s32 $0xFFFFE000  }
0xed: {  	v51 =	vor.u32 s30, v9;
	_ =	swait.ge [sflag:s20], $0x2000  }
0xee: {  	v52 =	vor.u32 s5, v9;
	[sflag:s20] =	ssyncset.done $0x0  }
0xef: {  	v53 =	vor.u32 s30, v10;
	[sflag:s20] =	ssyncadd.s32 $0xFFFFE000  }
0xf0: {  	v54 =	vor.u32 s5, v10;
	v26 =	vld.idx.msk [tilespmem:v49+s12+$0x0], $0xffff  }
0xf1: {  	v55 =	vor.u32 s30, v11;
	v27 =	vld.idx.msk [tilespmem:v50+s13+$0x0], $0xffff  }
0xf2: {  	s31 =	sand.u32 $0x7F, s31;
	v56 =	vor.u32 s5, v11;
	v28 =	vld.idx.msk [tilespmem:v51+s12+$0x0], $0xffff  }
0xf3: {  	s0 =	sand.u32 $0x7F, s0;
	v57 =	vor.u32 s31, v12;
	v29 =	vld.idx.msk [tilespmem:v52+s13+$0x0], $0xffff  }
0xf4: {  	v58 =	vor.u32 s0, v12;
	v30 =	vld.idx.msk [tilespmem:v53+s12+$0x0], $0xffff  }
0xf5: {  	v59 =	vor.u32 s31, v13;
	v31 =	vld.idx.msk [tilespmem:v54+s13+$0x0], $0xffff  }
0xf6: {  	v60 =	vor.u32 s0, v13;
	v32 =	vld.idx.msk [tilespmem:v55+s12+$0x0], $0xffff  }
0xf7: {  	v61 =	vor.u32 s31, v14;
	v33 =	vld.idx.msk [tilespmem:v56+s13+$0x0], $0xffff  }
0xf8: {  	v62 =	vor.u32 s0, v14;
	(v2sf) =	vpush v23, $0xA;
	v34 =	vld.idx.msk [tilespmem:v57+s12+$0x0], $0xffff  }
0xf9: {  	v40 =	vor.u32 s31, v15;
	(v2sf) =	vpush v20, $0xA;
	v35 =	vld.idx.msk [tilespmem:v58+s13+$0x0], $0xffff  }
0xfa: {  	v41 =	vor.u32 s0, v15;
	v36 =	vld.idx.msk [tilespmem:v59+s12+$0x0], $0xffff  }
0xfb: {  	v37 =	vld.idx.msk [tilespmem:v60+s13+$0x0], $0xffff  }
0xfc: {  	v38 =	vld.idx.msk [tilespmem:v61+s12+$0x0], $0xffff  }
0xfd: {  	v63 =	vld.idx.msk [tilespmem:v62+s13+$0x0], $0xffff;
	v26 =	vmul.f32 v27, v26  }
0xfe: {  	v42 =	vld.idx.msk [tilespmem:v40+s12+$0x0], $0xffff;
	(v2sf) =	vpush v23, $0xB;
	v34 =	vmul.f32 v35, v34  }
0xff: {  	v43 =	vld.idx.msk [tilespmem:v41+s13+$0x0], $0xffff;
	(v2sf) =	vpush v20, $0xB;
	v28 =	vmul.f32 v29, v28;
	v26 =	vadd.f32 $0.0e+00, v26  }
0x100: {  	v36 =	vmul.f32 v37, v36;
	v34 =	vadd.f32 $0.0e+00, v34  }
0x101: {  	v44 =	vmul.f32 v31, v30;
	v26 =	vadd.f32 v28, v26  }
0x102: {  	v27 =	vmul.f32 v63, v38;
	v45 =	vadd.f32 v36, v34  }
0x103: {  	v46 =	vmul.f32 v33, v32;
	v26 =	vadd.f32 v44, v26  }
0x104: {  	v29 =	vmul.f32 v43, v42;
	v27 =	vadd.f32 v27, v45  }
0x105: {  	v26 =	vadd.f32 v46, v26  }
0x106: {  	v27 =	vadd.f32 v29, v27  }
0x107: {  	s21 =	spop (v2sf);
	(xrf2) =	vadd.scan.msk.f32 $0xffff, v26  }
0x108: {  	s5 =	sand.u32 $0xFFFFF80, s21;
	s7 =	spop (v2sf);
	(xrf2) =	vadd.scan.msk.f32 $0xffff, v27  }
0x109: {  	s0 =	sadd.s32 s1, s5;
	s30 =	sand.u32 $0xFFFFF80, s7  }
0x10a: {  	[tilespmem:s16], [sflag:$0x1] =	stream.strided.gather [hbm4b:s0+s10], $0x2000, s11, s10, $0x38;
	[tilespmem:$0x12200] =	vst v63  }
0x10b: {  	s0 =	sadd.s32 s2, s30  }
0x10c: {  	[tilespmem:s17], [sflag:$0x1] =	stream.strided.gather [hbm4b:s0+s10], $0x2000, s11, s10, $0x38;
	[tilespmem:$0x12200] =	vst v63  }
0x10d: {  	s0 =	spop (v2sf)  }
0x10e: {  	s31 =	sand.u32 $0xFFFFF80, s0;
	s30 =	spop (v2sf)  }
0x10f: {  	s5 =	sadd.s32 s1, s31;
	s31 =	sand.u32 $0xFFFFF80, s30  }
0x110: {  	[tilespmem:s18], [sflag:$0x1] =	stream.strided.gather [hbm4b:s5+s10], $0x2000, s11, s10, $0x38;
	[tilespmem:$0x12200] =	vst v63  }
0x111: {  	s5 =	sadd.s32 s2, s31;
	v26, _, _ =	vpop (xrf2)  }
0x112: {  	[tilespmem:s19], [sflag:$0x1] =	stream.strided.gather [hbm4b:s5+s10], $0x2000, s11, s10, $0x38;
	v27, _, _ =	vpop (xrf2);
	[tilespmem:$0x12200] =	vst v63  }
0x113: {  	_ =	swait.ge [sflag:s20], $0x2000  }
0x114: {  	[sflag:s20] =	ssyncset.done $0x0  }
0x115: {  	[sflag:s20] =	ssyncadd.s32 $0xFFFFE000  }
0x116: {  	_ =	swait.ge [sflag:s20], $0x2000  }
0x117: {  	[sflag:s20] =	ssyncset.done $0x0  }
0x118: {  	[sflag:s20] =	ssyncadd.s32 $0xFFFFE000  }
0x119: {  	s3 =	sand.u32 $0x7F, s3;
	_ =	swait.ge [sflag:s20], $0x2000  }
0x11a: {  	s6 =	sand.u32 $0x7F, s6;
	v47 =	vor.u32 s3, v0;
	[sflag:s20] =	ssyncset.done $0x0  }
0x11b: {  	v48 =	vor.u32 s6, v0;
	[sflag:s20] =	ssyncadd.s32 $0xFFFFE000  }
0x11c: {  	v49 =	vor.u32 s3, v1;
	_ =	swait.ge [sflag:s20], $0x2000  }
0x11d: {  	v50 =	vor.u32 s6, v1;
	[sflag:s20] =	ssyncset.done $0x0  }
0x11e: {  	v51 =	vor.u32 s3, v2;
	[sflag:s20] =	ssyncadd.s32 $0xFFFFE000  }
0x11f: {  	v52 =	vor.u32 s6, v2;
	v28 =	vld.idx.msk [tilespmem:v47+s12+$0x0], $0xffff  }
0x120: {  	v53 =	vor.u32 s3, v3;
	v29 =	vld.idx.msk [tilespmem:v48+s13+$0x0], $0xffff  }
0x121: {  	s28 =	sand.u32 $0x7F, s28;
	v54 =	vor.u32 s6, v3;
	v30 =	vld.idx.msk [tilespmem:v49+s12+$0x0], $0xffff  }
0x122: {  	s29 =	sand.u32 $0x7F, s29;
	v55 =	vor.u32 s28, v4;
	v31 =	vld.idx.msk [tilespmem:v50+s13+$0x0], $0xffff  }
0x123: {  	v56 =	vor.u32 s29, v4;
	v32 =	vld.idx.msk [tilespmem:v51+s12+$0x0], $0xffff  }
0x124: {  	v57 =	vor.u32 s28, v5;
	v33 =	vld.idx.msk [tilespmem:v52+s13+$0x0], $0xffff  }
0x125: {  	v58 =	vor.u32 s29, v5;
	v34 =	vld.idx.msk [tilespmem:v53+s12+$0x0], $0xffff  }
0x126: {  	v59 =	vor.u32 s28, v6;
	v35 =	vld.idx.msk [tilespmem:v54+s13+$0x0], $0xffff  }
0x127: {  	v60 =	vor.u32 s29, v6;
	v36 =	vld.idx.msk [tilespmem:v55+s12+$0x0], $0xffff  }
0x128: {  	v42 =	vor.u32 s28, v7;
	(v2sf) =	vpush v23, $0xC;
	v37 =	vld.idx.msk [tilespmem:v56+s13+$0x0], $0xffff  }
0x129: {  	v43 =	vor.u32 s29, v7;
	(v2sf) =	vpush v20, $0xC;
	v38 =	vld.idx.msk [tilespmem:v57+s12+$0x0], $0xffff  }
0x12a: {  	v39 =	vld.idx.msk [tilespmem:v58+s13+$0x0], $0xffff  }
0x12b: {  	v40 =	vld.idx.msk [tilespmem:v59+s12+$0x0], $0xffff  }
0x12c: {  	v61 =	vld.idx.msk [tilespmem:v60+s13+$0x0], $0xffff;
	(v2sf) =	vpush v23, $0xD;
	v28 =	vmul.f32 v29, v28  }
0x12d: {  	v62 =	vld.idx.msk [tilespmem:v42+s12+$0x0], $0xffff;
	v36 =	vmul.f32 v37, v36  }
0x12e: {  	v63 =	vld.idx.msk [tilespmem:v43+s13+$0x0], $0xffff;
	(v2sf) =	vpush v20, $0xD;
	v30 =	vmul.f32 v31, v30;
	v28 =	vadd.f32 $0.0e+00, v28  }
0x12f: {  	v38 =	vmul.f32 v39, v38;
	v36 =	vadd.f32 $0.0e+00, v36  }
0x130: {  	v41 =	vmul.f32 v33, v32;
	v28 =	vadd.f32 v30, v28  }
0x131: {  	v29 =	vmul.f32 v61, v40;
	v42 =	vadd.f32 v38, v36  }
0x132: {  	v43 =	vmul.f32 v35, v34;
	v28 =	vadd.f32 v41, v28  }
0x133: {  	v31 =	vmul.f32 v63, v62;
	v29 =	vadd.f32 v29, v42  }
0x134: {  	v28 =	vadd.f32 v43, v28  }
0x135: {  	v29 =	vadd.f32 v31, v29  }
0x136: {  	(xrf2) =	vadd.scan.msk.f32 $0xffff, v28  }
0x137: {  	s5 =	spop (v2sf);
	(xrf2) =	vadd.scan.msk.f32 $0xffff, v29  }
0x138: {  	s31 =	sand.u32 $0xFFFFF80, s5;
	s6 =	spop (v2sf)  }
0x139: {  	s3 =	sadd.s32 s1, s31;
	s28 =	sand.u32 $0xFFFFF80, s6  }
0x13a: {  	[tilespmem:s12], [sflag:$0x1] =	stream.strided.gather [hbm4b:s3+s10], $0x2000, s11, s10, $0x38;
	[tilespmem:$0x12200] =	vst v63  }
0x13b: {  	s31 =	spop (v2sf);
	s3 =	sadd.s32 s2, s28  }
0x13c: {  	[tilespmem:s13], [sflag:$0x1] =	stream.strided.gather [hbm4b:s3+s10], $0x2000, s11, s10, $0x38;
	[tilespmem:$0x12200] =	vst v63  }
0x13d: {  	s29 =	sand.u32 $0xFFFFF80, s31;
	s3 =	spop (v2sf)  }
0x13e: {  	s28 =	sadd.s32 s1, s29;
	s29 =	sand.u32 $0xFFFFF80, s3  }
0x13f: {  	[tilespmem:s14], [sflag:$0x1] =	stream.strided.gather [hbm4b:s28+s10], $0x2000, s11, s10, $0x38;
	[tilespmem:$0x12200] =	vst v63  }
0x140: {  	s28 =	sadd.s32 s2, s29;
	v28, _, _ =	vpop (xrf2)  }
0x141: {  	[tilespmem:s15], [sflag:$0x1] =	stream.strided.gather [hbm4b:s28+s10], $0x2000, s11, s10, $0x38;
	v29, _, _ =	vpop (xrf2);
	[tilespmem:$0x12200] =	vst v63  }
0x142: {  	_ =	swait.ge [sflag:s20], $0x2000  }
0x143: {  	[sflag:s20] =	ssyncset.done $0x0  }
0x144: {  	[sflag:s20] =	ssyncadd.s32 $0xFFFFE000  }
0x145: {  	_ =	swait.ge [sflag:s20], $0x2000  }
0x146: {  	[sflag:s20] =	ssyncset.done $0x0  }
0x147: {  	[sflag:s20] =	ssyncadd.s32 $0xFFFFE000  }
0x148: {  	s21 =	sand.u32 $0x7F, s21;
	_ =	swait.ge [sflag:s20], $0x2000  }
0x149: {  	s7 =	sand.u32 $0x7F, s7;
	v44 =	vor.u32 s21, v8;
	[sflag:s20] =	ssyncset.done $0x0  }
0x14a: {  	v45 =	vor.u32 s7, v8;
	[sflag:s20] =	ssyncadd.s32 $0xFFFFE000  }
0x14b: {  	v46 =	vor.u32 s21, v9;
	_ =	swait.ge [sflag:s20], $0x2000  }
0x14c: {  	v47 =	vor.u32 s7, v9;
	[sflag:s20] =	ssyncset.done $0x0  }
0x14d: {  	v48 =	vor.u32 s21, v10;
	[sflag:s20] =	ssyncadd.s32 $0xFFFFE000  }
0x14e: {  	v49 =	vor.u32 s7, v10;
	v30 =	vld.idx.msk [tilespmem:v44+s12+$0x0], $0xffff  }
0x14f: {  	v50 =	vor.u32 s21, v11;
	v31 =	vld.idx.msk [tilespmem:v45+s13+$0x0], $0xffff  }
0x150: {  	s0 =	sand.u32 $0x7F, s0;
	v51 =	vor.u32 s7, v11;
	v32 =	vld.idx.msk [tilespmem:v46+s12+$0x0], $0xffff  }
0x151: {  	s21 =	sand.u32 $0x7F, s30;
	v52 =	vor.u32 s0, v12;
	v33 =	vld.idx.msk [tilespmem:v47+s13+$0x0], $0xffff  }
0x152: {  	v53 =	vor.u32 s21, v12;
	v34 =	vld.idx.msk [tilespmem:v48+s12+$0x0], $0xffff  }
0x153: {  	v54 =	vor.u32 s0, v13;
	v35 =	vld.idx.msk [tilespmem:v49+s13+$0x0], $0xffff  }
0x154: {  	v55 =	vor.u32 s21, v13;
	v36 =	vld.idx.msk [tilespmem:v50+s12+$0x0], $0xffff  }
0x155: {  	v56 =	vor.u32 s0, v14;
	v37 =	vld.idx.msk [tilespmem:v51+s13+$0x0], $0xffff  }
0x156: {  	v57 =	vor.u32 s21, v14;
	v38 =	vld.idx.msk [tilespmem:v52+s12+$0x0], $0xffff  }
0x157: {  	v39 =	vld.idx.msk [tilespmem:v53+s13+$0x0], $0xffff;
	v44 =	vor.u32 s0, v15  }
0x158: {  	(v2sf) =	vpush v23, $0xE;
	v40 =	vld.idx.msk [tilespmem:v54+s12+$0x0], $0xffff;
	v45 =	vor.u32 s21, v15  }
0x159: {  	(v2sf) =	vpush v20, $0xE;
	v41 =	vld.idx.msk [tilespmem:v55+s13+$0x0], $0xffff  }
0x15a: {  	v42 =	vld.idx.msk [tilespmem:v56+s12+$0x0], $0xffff;
	(v2sf) =	vpush v23, $0xF  }
0x15b: {  	v58 =	vld.idx.msk [tilespmem:v57+s13+$0x0], $0xffff;
	v30 =	vmul.f32 v31, v30  }
0x15c: {  	(v2sf) =	vpush v20, $0xF;
	v38 =	vmul.f32 v39, v38;
	v59 =	vld.idx.msk [tilespmem:v44+s12+$0x0], $0xffff  }
0x15d: {  	v61 =	vmul.f32 v33, v32;
	v62 =	vld.idx.msk [tilespmem:v45+s13+$0x0], $0xffff;
	v60 =	vadd.f32 $0.0e+00, v30  }
0x15e: {  	v41 =	vmul.f32 v41, v40;
	v63 =	vadd.f32 $0.0e+00, v38  }
0x15f: {  	v43 =	vmul.f32 v35, v34;
	v20 =	vadd.f32 v61, v60  }
0x160: {  	v31 =	vmul.f32 v58, v42;
	v44 =	vadd.f32 v41, v63  }
0x161: {  	v45 =	vmul.f32 v37, v36;
	v20 =	vadd.f32 v43, v20  }
0x162: {  	v46 =	vmul.f32 v62, v59;
	v30 =	vadd.f32 v31, v44  }
0x163: {  	v20 =	vadd.f32 v45, v20  }
0x164: {  	v47 =	vadd.f32 v46, v30  }
0x165: {  	(xrf2) =	vadd.scan.msk.f32 $0xffff, v20  }
0x166: {  	(xrf2) =	vadd.scan.msk.f32 $0xffff, v47  }
0x167: {  	s0 =	spop (v2sf)  }
0x168: {  	s28 =	sand.u32 $0xFFFFF80, s0;
	s30 =	spop (v2sf)  }
0x169: {  	s7 =	sadd.s32 s1, s28;
	s29 =	sand.u32 $0xFFFFF80, s30;
	s28 =	spop (v2sf)  }
0x16a: {  	[tilespmem:s16], [sflag:$0x1] =	stream.strided.gather [hbm4b:s7+s10], $0x2000, s11, s10, $0x38;
	[tilespmem:$0x12200] =	vst v63  }
0x16b: {  	s7 =	sadd.s32 s2, s29;
	s21 =	sand.u32 $0xFFFFF80, s28;
	s29 =	spop (v2sf)  }
0x16c: {  	[tilespmem:s17], [sflag:$0x1] =	stream.strided.gather [hbm4b:s7+s10], $0x2000, s11, s10, $0x38;
	[tilespmem:$0x12200] =	vst v63  }
0x16d: {  	s7 =	sadd.s32 s1, s21;
	s21 =	sand.u32 $0xFFFFF80, s29  }
0x16e: {  	[tilespmem:s18], [sflag:$0x1] =	stream.strided.gather [hbm4b:s7+s10], $0x2000, s11, s10, $0x38;
	[tilespmem:$0x12200] =	vst v63  }
0x16f: {  	s7 =	sadd.s32 s2, s21;
	v20, _, _ =	vpop (xrf2)  }
0x170: {  	[tilespmem:s19], [sflag:$0x1] =	stream.strided.gather [hbm4b:s7+s10], $0x2000, s11, s10, $0x38;
	v23, _, _ =	vpop (xrf2);
	[tilespmem:$0x12200] =	vst v63  }
0x171: {  	_ =	swait.ge [sflag:s20], $0x2000  }
0x172: {  	[sflag:s20] =	ssyncset.done $0x0  }
0x173: {  	[sflag:s20] =	ssyncadd.s32 $0xFFFFE000  }
0x174: {  	_ =	swait.ge [sflag:s20], $0x2000  }
0x175: {  	[sflag:s20] =	ssyncset.done $0x0  }
0x176: {  	[sflag:s20] =	ssyncadd.s32 $0xFFFFE000  }
0x177: {  	s5 =	sand.u32 $0x7F, s5;
	_ =	swait.ge [sflag:s20], $0x2000  }
0x178: {  	s6 =	sand.u32 $0x7F, s6;
	v48 =	vor.u32 s5, v0;
	[sflag:s20] =	ssyncset.done $0x0  }
0x179: {  	v49 =	vor.u32 s6, v0;
	[sflag:s20] =	ssyncadd.s32 $0xFFFFE000  }
0x17a: {  	v50 =	vor.u32 s5, v1;
	_ =	swait.ge [sflag:s20], $0x2000  }
0x17b: {  	v51 =	vor.u32 s6, v1;
	[sflag:s20] =	ssyncset.done $0x0  }
0x17c: {  	v52 =	vor.u32 s5, v2;
	[sflag:s20] =	ssyncadd.s32 $0xFFFFE000  }
0x17d: {  	v53 =	vor.u32 s6, v2;
	v30 =	vld.idx.msk [tilespmem:v48+s12+$0x0], $0xffff  }
0x17e: {  	v54 =	vor.u32 s5, v3;
	v31 =	vld.idx.msk [tilespmem:v49+s13+$0x0], $0xffff  }
0x17f: {  	v55 =	vor.u32 s6, v3;
	s7 =	sand.u32 $0x7F, s31;
	v32 =	vld.idx.msk [tilespmem:v50+s12+$0x0], $0xffff  }
0x180: {  	s3 =	sand.u32 $0x7F, s3;
	v56 =	vor.u32 s7, v4;
	v33 =	vld.idx.msk [tilespmem:v51+s13+$0x0], $0xffff  }
0x181: {  	v57 =	vor.u32 s3, v4;
	v34 =	vld.idx.msk [tilespmem:v52+s12+$0x0], $0xffff  }
0x182: {  	v58 =	vor.u32 s7, v5;
	v35 =	vld.idx.msk [tilespmem:v53+s13+$0x0], $0xffff  }
0x183: {  	p0 =	seq.s32 s24, $0xFFFFFFFF;
	v59 =	vor.u32 s3, v5;
	v36 =	vld.idx.msk [tilespmem:v54+s12+$0x0], $0xffff  }
0x184: {  	v60 =	vor.u32 s7, v6;
	(v2sf) =	vpush @!p0 v16, $0x0;
	v37 =	vld.idx.msk [tilespmem:v55+s13+$0x0], $0xffff  }
0x185: {  	v61 =	vor.u32 s3, v6;
	v38 =	vld.idx.msk [tilespmem:v56+s12+$0x0], $0xffff  }
0x186: {  	v62 =	vor.u32 s7, v7;
	(v2sf) =	vpush @!p0 v17, $0x0;
	v39 =	vld.idx.msk [tilespmem:v57+s13+$0x0], $0xffff  }
0x187: {  	v63 =	vor.u32 s3, v7;
	v40 =	vld.idx.msk [tilespmem:v58+s12+$0x0], $0xffff  }
0x188: {  	v41 =	vld.idx.msk [tilespmem:v59+s13+$0x0], $0xffff  }
0x189: {  	v42 =	vld.idx.msk [tilespmem:v60+s12+$0x0], $0xffff;
	(v2sf) =	vpush @!p0 v16, $0x1  }
0x18a: {  	v46 =	vld.idx.msk [tilespmem:v61+s13+$0x0], $0xffff;
	v30 =	vmul.f32 v31, v30  }
0x18b: {  	v47 =	vld.idx.msk [tilespmem:v62+s12+$0x0], $0xffff;
	v38 =	vmul.f32 v39, v38  }
0x18c: {  	v48 =	vld.idx.msk [tilespmem:v63+s13+$0x0], $0xffff;
	v32 =	vmul.f32 v33, v32;
	v30 =	vadd.f32 $0.0e+00, v30  }
0x18d: {  	v40 =	vmul.f32 v41, v40;
	v38 =	vadd.f32 $0.0e+00, v38  }
0x18e: {  	(v2sf) =	vpush @!p0 v17, $0x1;
	v49 =	vmul.f32 v35, v34;
	v30 =	vadd.f32 v32, v30  }
0x18f: {  	v31 =	vmul.f32 v46, v42;
	v50 =	vadd.f32 v40, v38  }
0x190: {  	v51 =	vmul.f32 v37, v36;
	v30 =	vadd.f32 v49, v30  }
0x191: {  	v33 =	vmul.f32 v48, v47;
	v31 =	vadd.f32 v31, v50  }
0x192: {  	v30 =	vadd.f32 v51, v30  }
0x193: {  	s3 =	spop @!p0 (v2sf);
	v31 =	vadd.f32 v33, v31  }
0x194: {  	s6 =	simm.s32 @!p0 $0x400;
	s21 =	simm.s32 @!p0 $0x2000;
	s3 =	sand.u32 @!p0 $0xFFFFF80, s3;
	(xrf2) =	vadd.scan.msk.f32 $0xffff, v30  }
0x195: {  	s7 =	simm.s32 @!p0 $0x7A1400;
	s5 =	spop @!p0 (v2sf);
	s3 =	sadd.s32 @!p0 s1, s3;
	(xrf2) =	vadd.scan.msk.f32 $0xffff, v31  }
0x196: {  	[tilespmem:s21], [sflag:$0x1] =	stream.strided.gather @!p0 [hbm4b:s3+s6], $0x2000, s7, s6, $0x38;
	[tilespmem:$0x12200] =	vst v63  }
0x197: {  	s3 =	sand.u32 @!p0 $0xFFFFF80, s5  }
0x198: {  	s5 =	spop @!p0 (v2sf);
	s21 =	simm.s32 @!p0 $0xA000;
	s3 =	sadd.s32 @!p0 s2, s3  }
0x199: {  	[tilespmem:s21], [sflag:$0x1] =	stream.strided.gather @!p0 [hbm4b:s3+s6], $0x2000, s7, s6, $0x38;
	[tilespmem:$0x12200] =	vst v63  }
0x19a: {  	s3 =	sand.u32 @!p0 $0xFFFFF80, s5  }
0x19b: {  	s5 =	simm.s32 @!p0 $0x4000;
	s3 =	sadd.s32 @!p0 s1, s3  }
0x19c: {  	[tilespmem:s5], [sflag:$0x1] =	stream.strided.gather @!p0 [hbm4b:s3+s6], $0x2000, s7, s6, $0x38;
	[tilespmem:$0x12200] =	vst v63  }
0x19d: {  	s3 =	spop @!p0 (v2sf)  }
0x19e: {  	s3 =	sand.u32 @!p0 $0xFFFFF80, s3  }
0x19f: {  	s5 =	simm.s32 @!p0 $0xC000;
	s3 =	sadd.s32 @!p0 s2, s3;
	v30, _, _ =	vpop (xrf2)  }
0x1a0: {  	[tilespmem:s5], [sflag:$0x1] =	stream.strided.gather @!p0 [hbm4b:s3+s6], $0x2000, s7, s6, $0x38;
	v31, _, _ =	vpop (xrf2);
	[tilespmem:$0x12200] =	vst v63  }
0x1a1: {  	_ =	swait.ge [sflag:s20], $0x2000  }
0x1a2: {  	[sflag:s20] =	ssyncset.done $0x0  }
0x1a3: {  	[sflag:s20] =	ssyncadd.s32 $0xFFFFE000  }
0x1a4: {  	_ =	swait.ge [sflag:s20], $0x2000  }
0x1a5: {  	[sflag:s20] =	ssyncset.done $0x0  }
0x1a6: {  	[sflag:s20] =	ssyncadd.s32 $0xFFFFE000  }
0x1a7: {  	s0 =	sand.u32 $0x7F, s0;
	_ =	swait.ge [sflag:s20], $0x2000  }
0x1a8: {  	v52 =	vor.u32 s0, v8;
	s21 =	sand.u32 $0x7F, s30;
	[sflag:s20] =	ssyncset.done $0x0  }
0x1a9: {  	v53 =	vor.u32 s21, v8;
	[sflag:s20] =	ssyncadd.s32 $0xFFFFE000  }
0x1aa: {  	v54 =	vor.u32 s0, v9;
	_ =	swait.ge [sflag:s20], $0x2000  }
0x1ab: {  	v55 =	vor.u32 s21, v9;
	[sflag:s20] =	ssyncset.done $0x0  }
0x1ac: {  	v56 =	vor.u32 s0, v10;
	[sflag:s20] =	ssyncadd.s32 $0xFFFFE000  }
0x1ad: {  	v57 =	vor.u32 s21, v10;
	v32 =	vld.idx.msk [tilespmem:v52+s12+$0x0], $0xffff  }
0x1ae: {  	v58 =	vor.u32 s0, v11;
	v33 =	vld.idx.msk [tilespmem:v53+s13+$0x0], $0xffff  }
0x1af: {  	s30 =	sand.u32 $0x7F, s28;
	v59 =	vor.u32 s21, v11;
	v34 =	vld.idx.msk [tilespmem:v54+s12+$0x0], $0xffff  }
0x1b0: {  	s31 =	sand.u32 $0x7F, s29;
	v60 =	vor.u32 s30, v12;
	v35 =	vld.idx.msk [tilespmem:v55+s13+$0x0], $0xffff  }
0x1b1: {  	v61 =	vor.u32 s31, v12;
	v36 =	vld.idx.msk [tilespmem:v56+s12+$0x0], $0xffff  }
0x1b2: {  	v62 =	vor.u32 s30, v13;
	v37 =	vld.idx.msk [tilespmem:v57+s13+$0x0], $0xffff  }
0x1b3: {  	v63 =	vor.u32 s31, v13;
	v38 =	vld.idx.msk [tilespmem:v58+s12+$0x0], $0xffff  }
0x1b4: {  	v48 =	vor.u32 s30, v14;
	v39 =	vld.idx.msk [tilespmem:v59+s13+$0x0], $0xffff  }
0x1b5: {  	v49 =	vor.u32 s31, v14;
	v40 =	vld.idx.msk [tilespmem:v60+s12+$0x0], $0xffff  }
0x1b6: {  	v46 =	vor.u32 s30, v15;
	v41 =	vld.idx.msk [tilespmem:v61+s13+$0x0], $0xffff  }
0x1b7: {  	v47 =	vor.u32 s31, v15;
	v42 =	vld.idx.msk [tilespmem:v62+s12+$0x0], $0xffff  }
0x1b8: {  	v50 =	vld.idx.msk [tilespmem:v63+s13+$0x0], $0xffff;
	v32 =	vmul.f32 v33, v32  }
0x1b9: {  	v51 =	vld.idx.msk [tilespmem:v48+s12+$0x0], $0xffff  }
0x1ba: {  	v52 =	vld.idx.msk [tilespmem:v49+s13+$0x0], $0xffff;
	v34 =	vmul.f32 v35, v34;
	v32 =	vadd.f32 $0.0e+00, v32  }
0x1bb: {  	v53 =	vld.idx.msk [tilespmem:v46+s12+$0x0], $0xffff;
	v40 =	vmul.f32 v41, v40  }
0x1bc: {  	v55 =	vld.idx.msk [tilespmem:v47+s13+$0x0], $0xffff;
	v54 =	vmul.f32 v37, v36;
	v32 =	vadd.f32 v34, v32  }
0x1bd: {  	v18 =	vbroadcast v18, $0xF;
	v33 =	vmul.f32 v50, v42;
	v56 =	vadd.f32 $0.0e+00, v40  }
0x1be: {  	v19 =	vbroadcast v19, $0xF;
	v57 =	vmul.f32 v39, v38;
	v32 =	vadd.f32 v54, v32  }
0x1bf: {  	v35 =	vmul.f32 v52, v51;
	v33 =	vadd.f32 v33, v56  }
0x1c0: {  	v18 =	vsel vm0, v18, v19;
	v22 =	vbroadcast v22, $0xF;
	v32 =	vadd.f32 v57, v32  }
0x1c1: {  	v19 =	vbroadcast v21, $0xF;
	v58 =	vmul.f32 v55, v53;
	v33 =	vadd.f32 v35, v33  }
0x1c2: {  	v18 =	vsel vm1, v18, v22;
	v60 =	vbroadcast v24, $0xF;
	(xrf2) =	vadd.scan.msk.f32 $0xffff, v32  }
0x1c3: {  	v18 =	vsel vm2, v18, v19;
	v19 =	vbroadcast v25, $0xF;
	v59 =	vadd.f32 v58, v33  }
0x1c4: {  	v61 =	vbroadcast v26, $0xF;
	v18 =	vsel vm3, v18, v60  }
0x1c5: {  	v18 =	vsel vm4, v18, v19;
	v19 =	vbroadcast v27, $0xF;
	(xrf2) =	vadd.scan.msk.f32 $0xffff, v59  }
0x1c6: {  	v62 =	vbroadcast v28, $0xF;
	v18 =	vsel vm5, v18, v61  }
0x1c7: {  	v18 =	vsel vm6, v18, v19;
	v19 =	vbroadcast v29, $0xF  }
0x1c8: {  	v20 =	vbroadcast v20, $0xF;
	v18 =	vsel vm7, v18, v62  }
0x1c9: {  	v18 =	vsel vm8, v18, v19;
	v19 =	vbroadcast v23, $0xF  }
0x1ca: {  	v18 =	vsel vm9, v18, v20  }
0x1cb: {  	p0 =	sne.s32 s24, $0xFFFFFFFF;
	v20 =	vbroadcast v30, $0xF;
	v18 =	vsel vm10, v18, v19;
	v19 =	vbroadcast v31, $0xF  }
.Ltmp2:
0x1cc: {  	v63, _, _ =	vpop (xrf2);
	(pc) =	sbr.rel @!p0 .LBB2_3-.Ltmp2, $4  }
0x1cd: {  	v18 =	vsel vm11, v18, v20;
	v20 =	vbroadcast v63, $0xF  }
0x1ce: {  	v18 =	vsel vm12, v18, v19  }
0x1cf: {  	v19, _, _ =	vpop (xrf2);
	v18 =	vsel vm13, v20, v18  }
0x1d0: {  	v18 =	vsel vm14, v18, v19  }
0x1d1: {  	(v2sf) =	vpush v16, $0x2;
	_ =	sdelay $0x1  }
0x1d2: {  	(v2sf) =	vpush v17, $0x2;
	_ =	sdelay $0x2  }
0x1d3: {  	(v2sf) =	vpush v16, $0x3;
	_ =	sdelay $0x4  }
0x1d4: {  	(v2sf) =	vpush v17, $0x3;
	_ =	sdelay $0x4  }
0x1d5: {  	s0 =	spop (v2sf)  }
0x1d6: {  	s0 =	sand.u32 $0xFFFFF80, s0  }
0x1d7: {  	s29 =	spop (v2sf);
	s0 =	sadd.s32 s1, s0  }
0x1d8: {  	[tilespmem:s16], [sflag:$0x1] =	stream.strided.gather [hbm4b:s0+s10], $0x2000, s11, s10, $0x38;
	[tilespmem:$0x12200] =	vst v63  }
0x1d9: {  	s0 =	sand.u32 $0xFFFFF80, s29  }
0x1da: {  	s30 =	spop (v2sf);
	s0 =	sadd.s32 s2, s0  }
0x1db: {  	[tilespmem:s17], [sflag:$0x1] =	stream.strided.gather [hbm4b:s0+s10], $0x2000, s11, s10, $0x38;
	[tilespmem:$0x12200] =	vst v63  }
0x1dc: {  	s24 =	sadd.s32 $0x1, s24;
	s0 =	sand.u32 $0xFFFFF80, s30  }
0x1dd: {  	p0 =	seq.s32 s24, $0x0;
	s0 =	sadd.s32 s1, s0  }
0x1de: {  	[tilespmem:s18], [sflag:$0x1] =	stream.strided.gather [hbm4b:s0+s10], $0x2000, s11, s10, $0x38;
	[tilespmem:$0x12200] =	vst v63  }
.Ltmp3:
0x1df: {  	s31 =	spop (v2sf);
	(pc) =	sbr.rel @!p0 .LBB2_2-.Ltmp3, $4  }
.Ltmp4:
0x1e0: {  	s0 =	sand.u32 $0xFFFFF80, s31;
	(pc) =	sbr.rel @p0 .LBB2_5-.Ltmp4, $4  }
0x1e1: {  	s0 =	sadd.s32 s2, s0  }
0x1e2: {  	[tilespmem:s19], [sflag:$0x1] =	stream.strided.gather [hbm4b:s0+s10], $0x2000, s11, s10, $0x38;
	[tilespmem:$0x12200] =	vst v63  }
0x1e3: {  	s25 =	sadd.s32 $0x80, s25;
	s23 =	sadd.s32 $0x80, s23;
	[tilespmem:s26+$0x0] =	vst v18;
	s26 =	sadd.s32 $0x10, s26  }
0x1e4: {  	_ = 	snop  }
.LBB2_6:
0x1e5: {  	_ =	sfence.sel $0x180000  }
0x1e6: {  	[bflag:$0x0] =	sbarrier.arrive $0xFFFF  }
0x1e7: {  	_ =	strace $0x90000047  }
0x1e8: {  	s0 =	stileid.u32;
	[bflag:$0x2] =	sbarrier.arrive $0xFFFF  }
0x1e9: {  	p0 =	sne.s32 s0, $0x0;
	s0 =	rddreg [dreg:$0x4]  }
0x1ea: {  	s0 =	sadd.s32 @!p0 $0x100000, s0  }
0x1eb: {  	[sflag:s0] =	ssyncadd.tile.s32 @!p0 $0x1;
	_ =	shalt  }
.Lfunc_end2:
_tile_overlayer_lowered:
.L_overlay_start_2:
0x1ec: {  	(tag) =	ssettag $0x2  }
0x1ed: {  	s0 =	rddreg [dreg:$0x0];
	s2 =	stileid.u32  }
0x1ee: {  	s1 =	rddreg [dreg:$0x1];
	p0 =	sne.s32 s2, $0x0  }
0x1ef: {  	s3 =	rddreg [dreg:$0x2];
	[bflag:$0x3] =	sbarrier.arrive $0xFFFF;
	s2 =	simm.s32 @!p0 $0x1C02  }
0x1f0: {  	[timem:s3], [sflag:s2] =	dma.local @!p0 [hbm:s0], s1  }
0x1f1: {  	s0 =	simm.s32 @!p0 $0x2  }
0x1f2: {  	_ =	swait.ge @!p0 [sflag:s0], s1  }
0x1f3: {  	s1 =	ssub.s32 @!p0 $0x0, s1;
	[sflag:s0] =	ssyncset.done @!p0 $0x0  }
0x1f4: {  	[sflag:s0] =	ssyncadd.s32 @!p0 s1  }
0x1f5: {  	[bflag:$0x3] =	sbarrier.arrive $0xFFFF  }
0x1f6: {  	_ =	shalt  }

</sc_bundles>
